<compile_context>
chip_gen: v7x
topology: tpu7x:2x2x1
jax: 0.10.2.dev20260603
libtpu: 0.0.44.dev20260713+nightly
codegen_flags: <defaults>
</compile_context>

<pallas_src>
import jax
import jax.numpy as jnp
from jax import lax
from jax.experimental import pallas as pl
from jax.experimental.pallas import tpu as pltpu
from jax.experimental.pallas import tpu_sc as plsc

NC = 2
NS = 16
L = 16

N_TRIPLES = 4 * 3 * 512 * 512 // 3
N_FLAT = N_TRIPLES * 3

NW = NC * NS
T_PER_W = N_TRIPLES // NW
SUB = 1024
N_SUB = T_PER_W // SUB
IDX_CHUNK = 128
N_G = SUB // IDX_CHUNK


def _tanh(t):
    e = jnp.exp(t + t)
    return 1.0 - 2.0 / (e + 1.0)


def _sc_body(x_hbm, w0_hbm, w1_hbm, w2_hbm, k0_hbm, k1_hbm, k2_hbm, out_hbm,
             x0_v, x1_v, i0_v, i1_v, g0_v, g1_v, out_v, sg0, sg1):
    wid = lax.axis_index("s") * NC + lax.axis_index("c")
    iota = lax.iota(jnp.int32, L)
    tabs = (w0_hbm, w1_hbm, w2_hbm, k0_hbm, k1_hbm, k2_hbm)
    x_v = (x0_v, x1_v)
    idx_v = (i0_v, i1_v)
    g_v = (g0_v, g1_v)
    sems = (sg0, sg1)

    def fbase(s):
        return (wid * T_PER_W + s * SUB) * 3

    def pass_a(s, h):
        pltpu.sync_copy(x_hbm.at[pl.ds(fbase(s), SUB * 3)], x_v[h])

        def body_a(j, c):
            p = j * (3 * L) + iota * 3
            f0 = plsc.load_gather(x_v[h], [p])
            f1 = plsc.load_gather(x_v[h], [p + 1])
            f2 = plsc.load_gather(x_v[h], [p + 2])
            ind = f0 * 65536.0 + f1 * 256.0 + f2
            idx_v[h][pl.ds(j * L, L)] = ind.astype(jnp.int32)
            return c

        lax.fori_loop(0, SUB // L, body_a, None)

    def fire(h):
        for g in range(N_G):
            isl = idx_v[h].at[pl.ds(g * IDX_CHUNK, IDX_CHUNK)]
            for t, tab in enumerate(tabs):
                dsl = pl.ds(t * SUB + g * IDX_CHUNK, IDX_CHUNK)
                pltpu.async_copy(tab.at[isl], g_v[h].at[dsl], sems[h])

    def drain(h):
        pltpu.make_async_copy(
            x_hbm.at[pl.ds(0, SUB * 6)], g_v[h], sems[h]).wait()

    def pass_b(s, h):
        def body_b(j, c):
            r3 = j * (3 * L) + iota * 3
            for ch in range(3):
                xc = plsc.load_gather(x_v[h], [r3 + ch])
                wc = g_v[h][pl.ds(ch * SUB + j * L, L)]
                kc = g_v[h][pl.ds((3 + ch) * SUB + j * L, L)]
                plsc.store_scatter(out_v, [r3 + ch], _tanh(xc * wc + kc))
            return c

        lax.fori_loop(0, SUB // L, body_b, None)
        pltpu.sync_copy(out_v, out_hbm.at[pl.ds(fbase(s), SUB * 3)])

    pass_a(0, 0)
    fire(0)

    def pair(j, carry):
        s1 = 2 * j + 1
        pass_a(s1, 1)
        fire(1)
        drain(0)
        pass_b(s1 - 1, 0)
        s2 = 2 * j + 2
        pass_a(s2, 0)
        fire(0)
        drain(1)
        pass_b(s1, 1)
        return carry

    lax.fori_loop(0, N_SUB // 2 - 1, pair, None)
    s_last = N_SUB - 1
    pass_a(s_last, 1)
    fire(1)
    drain(0)
    pass_b(s_last - 1, 0)
    drain(1)
    pass_b(s_last, 1)


@jax.jit
def _colormap_sc(xf, w0, w1, w2, k0, k1, k2):
    kern = pl.kernel(
        _sc_body,
        out_type=jax.ShapeDtypeStruct((N_FLAT,), jnp.float32),
        mesh=plsc.VectorSubcoreMesh(core_axis_name="c", subcore_axis_name="s"),
        scratch_types=[
            pltpu.VMEM((SUB * 3,), jnp.float32),
            pltpu.VMEM((SUB * 3,), jnp.float32),
            pltpu.VMEM((SUB,), jnp.int32),
            pltpu.VMEM((SUB,), jnp.int32),
            pltpu.VMEM((SUB * 6,), jnp.float32),
            pltpu.VMEM((SUB * 6,), jnp.float32),
            pltpu.VMEM((SUB * 3,), jnp.float32),
            pltpu.SemaphoreType.DMA,
            pltpu.SemaphoreType.DMA,
        ],
        compiler_params=pltpu.CompilerParams(
            needs_layout_passes=False, use_tc_tiling_on_sc=False),
    )
    return kern(xf, w0, w1, w2, k0, k1, k2)


def kernel(x, w, k):
    b, c, h, wd = x.shape
    out = _colormap_sc(x.reshape(-1),
                       w[:, 0], w[:, 1], w[:, 2],
                       k[:, 0], k[:, 1], k[:, 2])
    return out.reshape(-1, 3, h, wd)

# --- scband reference (transcript-rebuilt; emitter-appended) ---
"""Pipeline reference for scband-color-map-generator-24773371363470 (READ-ONLY COPY).

The authoritative reference and input builder live on the scoring server;
editing this copy changes nothing except your own understanding.
"""

import jax, jax.numpy as jnp
import numpy as np

TABLE_ROWS = 256 * 256 * 256

def setup_inputs(seed: int = 0) -> dict:
    key = jax.random.key(seed)
    k1, = jax.random.split(key, 1)
    # x holds integer-valued pixel intensities in [0, 256) stored as float32,
    # matching the torch module which computes indices from float pixel values.
    x = jax.random.randint(k1, (4, 3, 512, 512), 0, 256).astype(jnp.float32)
    w = jnp.ones((TABLE_ROWS, 3), dtype=jnp.float32)
    k_param = jnp.zeros((TABLE_ROWS, 3), dtype=jnp.float32)
    return {"x": x, "w": w, "k": k_param}

def reference(x, w, k):
    b, c, h, wd = x.shape
    xf = x.reshape(-1, 3)
    inds = (xf[:, 0] * (256 * 256) + xf[:, 1] * 256 + xf[:, 2]).astype(jnp.int32)
    gathered_w = jnp.take(w, inds, axis=0)
    gathered_k = jnp.take(k, inds, axis=0)
    out = jnp.tanh(xf * gathered_w + gathered_k)
    return out.reshape(-1, 3, h, wd)

if __name__ == "__main__":
    import jax
    _d = setup_inputs()
    print(jax.jit(kernel)(*tuple(_d.values())))

</pallas_src>

<mosaic_0001>
#map = affine_map<(d0, d1) -> (0)>
module attributes {stable_mosaic.version = 14 : i64} {
  func.func @_sc_body(%arg0: i32, %arg1: i32, %arg2: memref<3145728xf32, #tpu.memory_space<hbm>>, %arg3: memref<16777216xf32, #tpu.memory_space<hbm>>, %arg4: memref<16777216xf32, #tpu.memory_space<hbm>>, %arg5: memref<16777216xf32, #tpu.memory_space<hbm>>, %arg6: memref<16777216xf32, #tpu.memory_space<hbm>>, %arg7: memref<16777216xf32, #tpu.memory_space<hbm>>, %arg8: memref<16777216xf32, #tpu.memory_space<hbm>>, %arg9: memref<3145728xf32, #tpu.memory_space<hbm>>, %arg10: memref<3072xf32, #tpu.memory_space<vmem>>, %arg11: memref<3072xf32, #tpu.memory_space<vmem>>, %arg12: memref<1024xi32, #tpu.memory_space<vmem>>, %arg13: memref<1024xi32, #tpu.memory_space<vmem>>, %arg14: memref<6144xf32, #tpu.memory_space<vmem>>, %arg15: memref<6144xf32, #tpu.memory_space<vmem>>, %arg16: memref<3072xf32, #tpu.memory_space<vmem>>, %arg17: memref<!tpu.dma_semaphore, #tpu.memory_space<semaphore_mem>>, %arg18: memref<!tpu.dma_semaphore, #tpu.memory_space<semaphore_mem>>) attributes {dimension_semantics = [#tpu.dimension_semantics<core_parallel>, #tpu.dimension_semantics<subcore_parallel>], iteration_bounds = array<i64: 2, 16>, scalar_prefetch = 0 : i64, scratch_operands = 9 : i64, tpu.core_type = #tpu.core_type<sc_vector_subcore>, window_params = [{transform_indices = #map}, {transform_indices = #map}, {transform_indices = #map}, {transform_indices = #map}, {transform_indices = #map}, {transform_indices = #map}, {transform_indices = #map}, {transform_indices = #map}]} {
    %mul3A = arith.constant 2 : i32
    %mul3A_0 = arith.muli %arg1, %mul3A : i32
    %add3A = arith.addi %mul3A_0, %arg0 : i32
    %iota3A = tpu.iota {dimensions = array<i32: 0>} : vector<16xi32>
    %mul3A_1 = arith.constant 32768 : i32
    %mul3A_2 = arith.muli %add3A, %mul3A_1 : i32
    %add3A_3 = arith.constant 0 : i32
    %add3A_4 = arith.addi %mul3A_2, %add3A_3 : i32
    %mul3A_5 = arith.constant 3 : i32
    %mul3A_6 = arith.muli %add3A_4, %mul3A_5 : i32
    "tpu.region"() ({
      %run_scoped3A = tpu.sem_alloc : memref<!tpu.dma_semaphore, #tpu.memory_space<semaphore_mem>>
      %dma_start3A_631 = tpu.memref_slice %arg2[%mul3A_6] : memref<3145728xf32, #tpu.memory_space<hbm>> -> memref<3072xf32, #tpu.memory_space<hbm>>
      %dma_start3A_632 = tpu.memref_slice %arg2[%mul3A_6] : memref<3145728xf32, #tpu.memory_space<hbm>> -> memref<3072xf32, #tpu.memory_space<hbm>>
      tpu.enqueue_dma source(%dma_start3A_632 : memref<3072xf32, #tpu.memory_space<hbm>>) target(%arg10 : memref<3072xf32, #tpu.memory_space<vmem>>) target_semaphore(%run_scoped3A : memref<!tpu.dma_semaphore, #tpu.memory_space<semaphore_mem>>)
      %dma_wait3A_633 = tpu.memref_slice %arg2[%mul3A_6] : memref<3145728xf32, #tpu.memory_space<hbm>> -> memref<3072xf32, #tpu.memory_space<hbm>>
      %dma_wait3A_634 = tpu.memref_slice %arg2[%mul3A_6] : memref<3145728xf32, #tpu.memory_space<hbm>> -> memref<3072xf32, #tpu.memory_space<hbm>>
      tpu.wait_dma2 semaphore(%run_scoped3A : memref<!tpu.dma_semaphore, #tpu.memory_space<semaphore_mem>>) src(%dma_wait3A_634 : memref<3072xf32, #tpu.memory_space<hbm>>) dst(%arg10 : memref<3072xf32, #tpu.memory_space<vmem>>)
      tpu.yield
    }) : () -> ()
    %scan3A = arith.constant 0 : i32
    %scan3A_7 = arith.constant 64 : i32
    %scan3A_8 = arith.addi %scan3A, %scan3A_7 : i32
    %scan3A_9 = arith.constant 1 : i32
    scf.for %scan3A_631 = %scan3A to %scan3A_8 step %scan3A_9  : i32 {
      %mul3A_632 = arith.constant 48 : i32
      %mul3A_633 = arith.muli %scan3A_631, %mul3A_632 : i32
      %mul3A_634 = arith.constant 3 : i32
      %mul3A_635 = vector.broadcast %mul3A_634 : i32 to vector<16xi32>
      %mul3A_636 = arith.muli %iota3A, %mul3A_635 : vector<16xi32>
      %add3A_637 = vector.broadcast %mul3A_633 : i32 to vector<16xi32>
      %add3A_638 = arith.addi %add3A_637, %mul3A_636 : vector<16xi32>
      %gather3A = tpu.vector_load_idx %arg10[%add3A_638] : memref<3072xf32, #tpu.memory_space<vmem>>[vector<16xi32>], vector<16xf32>,
      %add3A_639 = arith.constant 1 : i32
      %add3A_640 = vector.broadcast %add3A_639 : i32 to vector<16xi32>
      %add3A_641 = arith.addi %add3A_638, %add3A_640 : vector<16xi32>
      %gather3A_642 = tpu.vector_load_idx %arg10[%add3A_641] : memref<3072xf32, #tpu.memory_space<vmem>>[vector<16xi32>], vector<16xf32>,
      %add3A_643 = arith.constant 2 : i32
      %add3A_644 = vector.broadcast %add3A_643 : i32 to vector<16xi32>
      %add3A_645 = arith.addi %add3A_638, %add3A_644 : vector<16xi32>
      %gather3A_646 = tpu.vector_load_idx %arg10[%add3A_645] : memref<3072xf32, #tpu.memory_space<vmem>>[vector<16xi32>], vector<16xf32>,
      %mul3A_647 = arith.constant 6.553600e+04 : f32
      %mul3A_648 = vector.broadcast %mul3A_647 : f32 to vector<16xf32>
      %mul3A_649 = arith.mulf %gather3A, %mul3A_648 : vector<16xf32>
      %mul3A_650 = arith.constant 2.560000e+02 : f32
      %mul3A_651 = vector.broadcast %mul3A_650 : f32 to vector<16xf32>
      %mul3A_652 = arith.mulf %gather3A_642, %mul3A_651 : vector<16xf32>
      %add3A_653 = arith.addf %mul3A_649, %mul3A_652 : vector<16xf32>
      %add3A_654 = arith.addf %add3A_653, %gather3A_646 : vector<16xf32>
      %convert_element_type3A = arith.fptosi %add3A_654 : vector<16xf32> to vector<16xi32>
      %mul3A_655 = arith.constant 16 : i32
      %mul3A_656 = arith.muli %scan3A_631, %mul3A_655 : i32
      %swap3A = arith.index_cast %mul3A_656 : i32 to index
      %swap3A_657 = tpu.vector_load %arg12[%swap3A] {strides = array<i32>} : memref<1024xi32, #tpu.memory_space<vmem>>, vector<16xi32>,
      tpu.vector_store %arg12[%swap3A], %convert_element_type3A {strides = array<i32>} : memref<1024xi32, #tpu.memory_space<vmem>>, vector<16xi32>,
    }
    %scan3A_10 = arith.constant 64 : i32
    %dma_start3A = arith.constant 0 : i32
    %dma_start3A_11 = tpu.memref_slice %arg14[%dma_start3A] : memref<6144xf32, #tpu.memory_space<vmem>> -> memref<128xf32, #tpu.memory_space<vmem>>
    %dma_start3A_12 = arith.constant 0 : i32
    %dma_start3A_13 = tpu.memref_slice %arg12[%dma_start3A_12] : memref<1024xi32, #tpu.memory_space<vmem>> -> memref<128xi32, #tpu.memory_space<vmem>>
    %dma_start3A_14 = arith.constant 0 : i32
    %dma_start3A_15 = tpu.memref_slice %arg3[%dma_start3A_14] : memref<16777216xf32, #tpu.memory_space<hbm>> -> memref<16777216xf32, #tpu.memory_space<hbm>>
    tpu.enqueue_indirect_dma source(%dma_start3A_15 : memref<16777216xf32, #tpu.memory_space<hbm>>) target(%dma_start3A_11 : memref<128xf32, #tpu.memory_space<vmem>>) offsets(%dma_start3A_13 : memref<128xi32, #tpu.memory_space<vmem>>) semaphore(%arg17 : memref<!tpu.dma_semaphore, #tpu.memory_space<semaphore_mem>>)
    %dma_start3A_16 = arith.constant 1024 : i32
    %dma_start3A_17 = tpu.memref_slice %arg14[%dma_start3A_16] : memref<6144xf32, #tpu.memory_space<vmem>> -> memref<128xf32, #tpu.memory_space<vmem>>
    %dma_start3A_18 = arith.constant 0 : i32
    %dma_start3A_19 = tpu.memref_slice %arg12[%dma_start3A_18] : memref<1024xi32, #tpu.memory_space<vmem>> -> memref<128xi32, #tpu.memory_space<vmem>>
    %dma_start3A_20 = arith.constant 0 : i32
    %dma_start3A_21 = tpu.memref_slice %arg4[%dma_start3A_20] : memref<16777216xf32, #tpu.memory_space<hbm>> -> memref<16777216xf32, #tpu.memory_space<hbm>>
    tpu.enqueue_indirect_dma source(%dma_start3A_21 : memref<16777216xf32, #tpu.memory_space<hbm>>) target(%dma_start3A_17 : memref<128xf32, #tpu.memory_space<vmem>>) offsets(%dma_start3A_19 : memref<128xi32, #tpu.memory_space<vmem>>) semaphore(%arg17 : memref<!tpu.dma_semaphore, #tpu.memory_space<semaphore_mem>>)
    %dma_start3A_22 = arith.constant 2048 : i32
    %dma_start3A_23 = tpu.memref_slice %arg14[%dma_start3A_22] : memref<6144xf32, #tpu.memory_space<vmem>> -> memref<128xf32, #tpu.memory_space<vmem>>
    %dma_start3A_24 = arith.constant 0 : i32
    %dma_start3A_25 = tpu.memref_slice %arg12[%dma_start3A_24] : memref<1024xi32, #tpu.memory_space<vmem>> -> memref<128xi32, #tpu.memory_space<vmem>>
    %dma_start3A_26 = arith.constant 0 : i32
    %dma_start3A_27 = tpu.memref_slice %arg5[%dma_start3A_26] : memref<16777216xf32, #tpu.memory_space<hbm>> -> memref<16777216xf32, #tpu.memory_space<hbm>>
    tpu.enqueue_indirect_dma source(%dma_start3A_27 : memref<16777216xf32, #tpu.memory_space<hbm>>) target(%dma_start3A_23 : memref<128xf32, #tpu.memory_space<vmem>>) offsets(%dma_start3A_25 : memref<128xi32, #tpu.memory_space<vmem>>) semaphore(%arg17 : memref<!tpu.dma_semaphore, #tpu.memory_space<semaphore_mem>>)
    %dma_start3A_28 = arith.constant 3072 : i32
    %dma_start3A_29 = tpu.memref_slice %arg14[%dma_start3A_28] : memref<6144xf32, #tpu.memory_space<vmem>> -> memref<128xf32, #tpu.memory_space<vmem>>
    %dma_start3A_30 = arith.constant 0 : i32
    %dma_start3A_31 = tpu.memref_slice %arg12[%dma_start3A_30] : memref<1024xi32, #tpu.memory_space<vmem>> -> memref<128xi32, #tpu.memory_space<vmem>>
    %dma_start3A_32 = arith.constant 0 : i32
    %dma_start3A_33 = tpu.memref_slice %arg6[%dma_start3A_32] : memref<16777216xf32, #tpu.memory_space<hbm>> -> memref<16777216xf32, #tpu.memory_space<hbm>>
    tpu.enqueue_indirect_dma source(%dma_start3A_33 : memref<16777216xf32, #tpu.memory_space<hbm>>) target(%dma_start3A_29 : memref<128xf32, #tpu.memory_space<vmem>>) offsets(%dma_start3A_31 : memref<128xi32, #tpu.memory_space<vmem>>) semaphore(%arg17 : memref<!tpu.dma_semaphore, #tpu.memory_space<semaphore_mem>>)
    %dma_start3A_34 = arith.constant 4096 : i32
    %dma_start3A_35 = tpu.memref_slice %arg14[%dma_start3A_34] : memref<6144xf32, #tpu.memory_space<vmem>> -> memref<128xf32, #tpu.memory_space<vmem>>
    %dma_start3A_36 = arith.constant 0 : i32
    %dma_start3A_37 = tpu.memref_slice %arg12[%dma_start3A_36] : memref<1024xi32, #tpu.memory_space<vmem>> -> memref<128xi32, #tpu.memory_space<vmem>>
    %dma_start3A_38 = arith.constant 0 : i32
    %dma_start3A_39 = tpu.memref_slice %arg7[%dma_start3A_38] : memref<16777216xf32, #tpu.memory_space<hbm>> -> memref<16777216xf32, #tpu.memory_space<hbm>>
    tpu.enqueue_indirect_dma source(%dma_start3A_39 : memref<16777216xf32, #tpu.memory_space<hbm>>) target(%dma_start3A_35 : memref<128xf32, #tpu.memory_space<vmem>>) offsets(%dma_start3A_37 : memref<128xi32, #tpu.memory_space<vmem>>) semaphore(%arg17 : memref<!tpu.dma_semaphore, #tpu.memory_space<semaphore_mem>>)
    %dma_start3A_40 = arith.constant 5120 : i32
    %dma_start3A_41 = tpu.memref_slice %arg14[%dma_start3A_40] : memref<6144xf32, #tpu.memory_space<vmem>> -> memref<128xf32, #tpu.memory_space<vmem>>
    %dma_start3A_42 = arith.constant 0 : i32
    %dma_start3A_43 = tpu.memref_slice %arg12[%dma_start3A_42] : memref<1024xi32, #tpu.memory_space<vmem>> -> memref<128xi32, #tpu.memory_space<vmem>>
    %dma_start3A_44 = arith.constant 0 : i32
    %dma_start3A_45 = tpu.memref_slice %arg8[%dma_start3A_44] : memref<16777216xf32, #tpu.memory_space<hbm>> -> memref<16777216xf32, #tpu.memory_space<hbm>>
    tpu.enqueue_indirect_dma source(%dma_start3A_45 : memref<16777216xf32, #tpu.memory_space<hbm>>) target(%dma_start3A_41 : memref<128xf32, #tpu.memory_space<vmem>>) offsets(%dma_start3A_43 : memref<128xi32, #tpu.memory_space<vmem>>) semaphore(%arg17 : memref<!tpu.dma_semaphore, #tpu.memory_space<semaphore_mem>>)
    %dma_start3A_46 = arith.constant 128 : i32
    %dma_start3A_47 = tpu.memref_slice %arg14[%dma_start3A_46] : memref<6144xf32, #tpu.memory_space<vmem>> -> memref<128xf32, #tpu.memory_space<vmem>>
    %dma_start3A_48 = arith.constant 128 : i32
    %dma_start3A_49 = tpu.memref_slice %arg12[%dma_start3A_48] : memref<1024xi32, #tpu.memory_space<vmem>> -> memref<128xi32, #tpu.memory_space<vmem>>
    %dma_start3A_50 = arith.constant 0 : i32
    %dma_start3A_51 = tpu.memref_slice %arg3[%dma_start3A_50] : memref<16777216xf32, #tpu.memory_space<hbm>> -> memref<16777216xf32, #tpu.memory_space<hbm>>
    tpu.enqueue_indirect_dma source(%dma_start3A_51 : memref<16777216xf32, #tpu.memory_space<hbm>>) target(%dma_start3A_47 : memref<128xf32, #tpu.memory_space<vmem>>) offsets(%dma_start3A_49 : memref<128xi32, #tpu.memory_space<vmem>>) semaphore(%arg17 : memref<!tpu.dma_semaphore, #tpu.memory_space<semaphore_mem>>)
    %dma_start3A_52 = arith.constant 1152 : i32
    %dma_start3A_53 = tpu.memref_slice %arg14[%dma_start3A_52] : memref<6144xf32, #tpu.memory_space<vmem>> -> memref<128xf32, #tpu.memory_space<vmem>>
    %dma_start3A_54 = arith.constant 128 : i32
    %dma_start3A_55 = tpu.memref_slice %arg12[%dma_start3A_54] : memref<1024xi32, #tpu.memory_space<vmem>> -> memref<128xi32, #tpu.memory_space<vmem>>
    %dma_start3A_56 = arith.constant 0 : i32
    %dma_start3A_57 = tpu.memref_slice %arg4[%dma_start3A_56] : memref<16777216xf32, #tpu.memory_space<hbm>> -> memref<16777216xf32, #tpu.memory_space<hbm>>
    tpu.enqueue_indirect_dma source(%dma_start3A_57 : memref<16777216xf32, #tpu.memory_space<hbm>>) target(%dma_start3A_53 : memref<128xf32, #tpu.memory_space<vmem>>) offsets(%dma_start3A_55 : memref<128xi32, #tpu.memory_space<vmem>>) semaphore(%arg17 : memref<!tpu.dma_semaphore, #tpu.memory_space<semaphore_mem>>)
    %dma_start3A_58 = arith.constant 2176 : i32
    %dma_start3A_59 = tpu.memref_slice %arg14[%dma_start3A_58] : memref<6144xf32, #tpu.memory_space<vmem>> -> memref<128xf32, #tpu.memory_space<vmem>>
    %dma_start3A_60 = arith.constant 128 : i32
    %dma_start3A_61 = tpu.memref_slice %arg12[%dma_start3A_60] : memref<1024xi32, #tpu.memory_space<vmem>> -> memref<128xi32, #tpu.memory_space<vmem>>
    %dma_start3A_62 = arith.constant 0 : i32
    %dma_start3A_63 = tpu.memref_slice %arg5[%dma_start3A_62] : memref<16777216xf32, #tpu.memory_space<hbm>> -> memref<16777216xf32, #tpu.memory_space<hbm>>
    tpu.enqueue_indirect_dma source(%dma_start3A_63 : memref<16777216xf32, #tpu.memory_space<hbm>>) target(%dma_start3A_59 : memref<128xf32, #tpu.memory_space<vmem>>) offsets(%dma_start3A_61 : memref<128xi32, #tpu.memory_space<vmem>>) semaphore(%arg17 : memref<!tpu.dma_semaphore, #tpu.memory_space<semaphore_mem>>)
    %dma_start3A_64 = arith.constant 3200 : i32
    %dma_start3A_65 = tpu.memref_slice %arg14[%dma_start3A_64] : memref<6144xf32, #tpu.memory_space<vmem>> -> memref<128xf32, #tpu.memory_space<vmem>>
    %dma_start3A_66 = arith.constant 128 : i32
    %dma_start3A_67 = tpu.memref_slice %arg12[%dma_start3A_66] : memref<1024xi32, #tpu.memory_space<vmem>> -> memref<128xi32, #tpu.memory_space<vmem>>
    %dma_start3A_68 = arith.constant 0 : i32
    %dma_start3A_69 = tpu.memref_slice %arg6[%dma_start3A_68] : memref<16777216xf32, #tpu.memory_space<hbm>> -> memref<16777216xf32, #tpu.memory_space<hbm>>
    tpu.enqueue_indirect_dma source(%dma_start3A_69 : memref<16777216xf32, #tpu.memory_space<hbm>>) target(%dma_start3A_65 : memref<128xf32, #tpu.memory_space<vmem>>) offsets(%dma_start3A_67 : memref<128xi32, #tpu.memory_space<vmem>>) semaphore(%arg17 : memref<!tpu.dma_semaphore, #tpu.memory_space<semaphore_mem>>)
    %dma_start3A_70 = arith.constant 4224 : i32
    %dma_start3A_71 = tpu.memref_slice %arg14[%dma_start3A_70] : memref<6144xf32, #tpu.memory_space<vmem>> -> memref<128xf32, #tpu.memory_space<vmem>>
    %dma_start3A_72 = arith.constant 128 : i32
    %dma_start3A_73 = tpu.memref_slice %arg12[%dma_start3A_72] : memref<1024xi32, #tpu.memory_space<vmem>> -> memref<128xi32, #tpu.memory_space<vmem>>
    %dma_start3A_74 = arith.constant 0 : i32
    %dma_start3A_75 = tpu.memref_slice %arg7[%dma_start3A_74] : memref<16777216xf32, #tpu.memory_space<hbm>> -> memref<16777216xf32, #tpu.memory_space<hbm>>
    tpu.enqueue_indirect_dma source(%dma_start3A_75 : memref<16777216xf32, #tpu.memory_space<hbm>>) target(%dma_start3A_71 : memref<128xf32, #tpu.memory_space<vmem>>) offsets(%dma_start3A_73 : memref<128xi32, #tpu.memory_space<vmem>>) semaphore(%arg17 : memref<!tpu.dma_semaphore, #tpu.memory_space<semaphore_mem>>)
    %dma_start3A_76 = arith.constant 5248 : i32
    %dma_start3A_77 = tpu.memref_slice %arg14[%dma_start3A_76] : memref<6144xf32, #tpu.memory_space<vmem>> -> memref<128xf32, #tpu.memory_space<vmem>>
    %dma_start3A_78 = arith.constant 128 : i32
    %dma_start3A_79 = tpu.memref_slice %arg12[%dma_start3A_78] : memref<1024xi32, #tpu.memory_space<vmem>> -> memref<128xi32, #tpu.memory_space<vmem>>
    %dma_start3A_80 = arith.constant 0 : i32
    %dma_start3A_81 = tpu.memref_slice %arg8[%dma_start3A_80] : memref<16777216xf32, #tpu.memory_space<hbm>> -> memref<16777216xf32, #tpu.memory_space<hbm>>
    tpu.enqueue_indirect_dma source(%dma_start3A_81 : memref<16777216xf32, #tpu.memory_space<hbm>>) target(%dma_start3A_77 : memref<128xf32, #tpu.memory_space<vmem>>) offsets(%dma_start3A_79 : memref<128xi32, #tpu.memory_space<vmem>>) semaphore(%arg17 : memref<!tpu.dma_semaphore, #tpu.memory_space<semaphore_mem>>)
    %dma_start3A_82 = arith.constant 256 : i32
    %dma_start3A_83 = tpu.memref_slice %arg14[%dma_start3A_82] : memref<6144xf32, #tpu.memory_space<vmem>> -> memref<128xf32, #tpu.memory_space<vmem>>
    %dma_start3A_84 = arith.constant 256 : i32
    %dma_start3A_85 = tpu.memref_slice %arg12[%dma_start3A_84] : memref<1024xi32, #tpu.memory_space<vmem>> -> memref<128xi32, #tpu.memory_space<vmem>>
    %dma_start3A_86 = arith.constant 0 : i32
    %dma_start3A_87 = tpu.memref_slice %arg3[%dma_start3A_86] : memref<16777216xf32, #tpu.memory_space<hbm>> -> memref<16777216xf32, #tpu.memory_space<hbm>>
    tpu.enqueue_indirect_dma source(%dma_start3A_87 : memref<16777216xf32, #tpu.memory_space<hbm>>) target(%dma_start3A_83 : memref<128xf32, #tpu.memory_space<vmem>>) offsets(%dma_start3A_85 : memref<128xi32, #tpu.memory_space<vmem>>) semaphore(%arg17 : memref<!tpu.dma_semaphore, #tpu.memory_space<semaphore_mem>>)
    %dma_start3A_88 = arith.constant 1280 : i32
    %dma_start3A_89 = tpu.memref_slice %arg14[%dma_start3A_88] : memref<6144xf32, #tpu.memory_space<vmem>> -> memref<128xf32, #tpu.memory_space<vmem>>
    %dma_start3A_90 = arith.constant 256 : i32
    %dma_start3A_91 = tpu.memref_slice %arg12[%dma_start3A_90] : memref<1024xi32, #tpu.memory_space<vmem>> -> memref<128xi32, #tpu.memory_space<vmem>>
    %dma_start3A_92 = arith.constant 0 : i32
    %dma_start3A_93 = tpu.memref_slice %arg4[%dma_start3A_92] : memref<16777216xf32, #tpu.memory_space<hbm>> -> memref<16777216xf32, #tpu.memory_space<hbm>>
    tpu.enqueue_indirect_dma source(%dma_start3A_93 : memref<16777216xf32, #tpu.memory_space<hbm>>) target(%dma_start3A_89 : memref<128xf32, #tpu.memory_space<vmem>>) offsets(%dma_start3A_91 : memref<128xi32, #tpu.memory_space<vmem>>) semaphore(%arg17 : memref<!tpu.dma_semaphore, #tpu.memory_space<semaphore_mem>>)
    %dma_start3A_94 = arith.constant 2304 : i32
    %dma_start3A_95 = tpu.memref_slice %arg14[%dma_start3A_94] : memref<6144xf32, #tpu.memory_space<vmem>> -> memref<128xf32, #tpu.memory_space<vmem>>
    %dma_start3A_96 = arith.constant 256 : i32
    %dma_start3A_97 = tpu.memref_slice %arg12[%dma_start3A_96] : memref<1024xi32, #tpu.memory_space<vmem>> -> memref<128xi32, #tpu.memory_space<vmem>>
    %dma_start3A_98 = arith.constant 0 : i32
    %dma_start3A_99 = tpu.memref_slice %arg5[%dma_start3A_98] : memref<16777216xf32, #tpu.memory_space<hbm>> -> memref<16777216xf32, #tpu.memory_space<hbm>>
    tpu.enqueue_indirect_dma source(%dma_start3A_99 : memref<16777216xf32, #tpu.memory_space<hbm>>) target(%dma_start3A_95 : memref<128xf32, #tpu.memory_space<vmem>>) offsets(%dma_start3A_97 : memref<128xi32, #tpu.memory_space<vmem>>) semaphore(%arg17 : memref<!tpu.dma_semaphore, #tpu.memory_space<semaphore_mem>>)
    %dma_start3A_100 = arith.constant 3328 : i32
    %dma_start3A_101 = tpu.memref_slice %arg14[%dma_start3A_100] : memref<6144xf32, #tpu.memory_space<vmem>> -> memref<128xf32, #tpu.memory_space<vmem>>
    %dma_start3A_102 = arith.constant 256 : i32
    %dma_start3A_103 = tpu.memref_slice %arg12[%dma_start3A_102] : memref<1024xi32, #tpu.memory_space<vmem>> -> memref<128xi32, #tpu.memory_space<vmem>>
    %dma_start3A_104 = arith.constant 0 : i32
    %dma_start3A_105 = tpu.memref_slice %arg6[%dma_start3A_104] : memref<16777216xf32, #tpu.memory_space<hbm>> -> memref<16777216xf32, #tpu.memory_space<hbm>>
    tpu.enqueue_indirect_dma source(%dma_start3A_105 : memref<16777216xf32, #tpu.memory_space<hbm>>) target(%dma_start3A_101 : memref<128xf32, #tpu.memory_space<vmem>>) offsets(%dma_start3A_103 : memref<128xi32, #tpu.memory_space<vmem>>) semaphore(%arg17 : memref<!tpu.dma_semaphore, #tpu.memory_space<semaphore_mem>>)
    %dma_start3A_106 = arith.constant 4352 : i32
    %dma_start3A_107 = tpu.memref_slice %arg14[%dma_start3A_106] : memref<6144xf32, #tpu.memory_space<vmem>> -> memref<128xf32, #tpu.memory_space<vmem>>
    %dma_start3A_108 = arith.constant 256 : i32
    %dma_start3A_109 = tpu.memref_slice %arg12[%dma_start3A_108] : memref<1024xi32, #tpu.memory_space<vmem>> -> memref<128xi32, #tpu.memory_space<vmem>>
    %dma_start3A_110 = arith.constant 0 : i32
    %dma_start3A_111 = tpu.memref_slice %arg7[%dma_start3A_110] : memref<16777216xf32, #tpu.memory_space<hbm>> -> memref<16777216xf32, #tpu.memory_space<hbm>>
    tpu.enqueue_indirect_dma source(%dma_start3A_111 : memref<16777216xf32, #tpu.memory_space<hbm>>) target(%dma_start3A_107 : memref<128xf32, #tpu.memory_space<vmem>>) offsets(%dma_start3A_109 : memref<128xi32, #tpu.memory_space<vmem>>) semaphore(%arg17 : memref<!tpu.dma_semaphore, #tpu.memory_space<semaphore_mem>>)
    %dma_start3A_112 = arith.constant 5376 : i32
    %dma_start3A_113 = tpu.memref_slice %arg14[%dma_start3A_112] : memref<6144xf32, #tpu.memory_space<vmem>> -> memref<128xf32, #tpu.memory_space<vmem>>
    %dma_start3A_114 = arith.constant 256 : i32
    %dma_start3A_115 = tpu.memref_slice %arg12[%dma_start3A_114] : memref<1024xi32, #tpu.memory_space<vmem>> -> memref<128xi32, #tpu.memory_space<vmem>>
    %dma_start3A_116 = arith.constant 0 : i32
    %dma_start3A_117 = tpu.memref_slice %arg8[%dma_start3A_116] : memref<16777216xf32, #tpu.memory_space<hbm>> -> memref<16777216xf32, #tpu.memory_space<hbm>>
    tpu.enqueue_indirect_dma source(%dma_start3A_117 : memref<16777216xf32, #tpu.memory_space<hbm>>) target(%dma_start3A_113 : memref<128xf32, #tpu.memory_space<vmem>>) offsets(%dma_start3A_115 : memref<128xi32, #tpu.memory_space<vmem>>) semaphore(%arg17 : memref<!tpu.dma_semaphore, #tpu.memory_space<semaphore_mem>>)
    %dma_start3A_118 = arith.constant 384 : i32
    %dma_start3A_119 = tpu.memref_slice %arg14[%dma_start3A_118] : memref<6144xf32, #tpu.memory_space<vmem>> -> memref<128xf32, #tpu.memory_space<vmem>>
    %dma_start3A_120 = arith.constant 384 : i32
    %dma_start3A_121 = tpu.memref_slice %arg12[%dma_start3A_120] : memref<1024xi32, #tpu.memory_space<vmem>> -> memref<128xi32, #tpu.memory_space<vmem>>
    %dma_start3A_122 = arith.constant 0 : i32
    %dma_start3A_123 = tpu.memref_slice %arg3[%dma_start3A_122] : memref<16777216xf32, #tpu.memory_space<hbm>> -> memref<16777216xf32, #tpu.memory_space<hbm>>
    tpu.enqueue_indirect_dma source(%dma_start3A_123 : memref<16777216xf32, #tpu.memory_space<hbm>>) target(%dma_start3A_119 : memref<128xf32, #tpu.memory_space<vmem>>) offsets(%dma_start3A_121 : memref<128xi32, #tpu.memory_space<vmem>>) semaphore(%arg17 : memref<!tpu.dma_semaphore, #tpu.memory_space<semaphore_mem>>)
    %dma_start3A_124 = arith.constant 1408 : i32
    %dma_start3A_125 = tpu.memref_slice %arg14[%dma_start3A_124] : memref<6144xf32, #tpu.memory_space<vmem>> -> memref<128xf32, #tpu.memory_space<vmem>>
    %dma_start3A_126 = arith.constant 384 : i32
    %dma_start3A_127 = tpu.memref_slice %arg12[%dma_start3A_126] : memref<1024xi32, #tpu.memory_space<vmem>> -> memref<128xi32, #tpu.memory_space<vmem>>
    %dma_start3A_128 = arith.constant 0 : i32
    %dma_start3A_129 = tpu.memref_slice %arg4[%dma_start3A_128] : memref<16777216xf32, #tpu.memory_space<hbm>> -> memref<16777216xf32, #tpu.memory_space<hbm>>
    tpu.enqueue_indirect_dma source(%dma_start3A_129 : memref<16777216xf32, #tpu.memory_space<hbm>>) target(%dma_start3A_125 : memref<128xf32, #tpu.memory_space<vmem>>) offsets(%dma_start3A_127 : memref<128xi32, #tpu.memory_space<vmem>>) semaphore(%arg17 : memref<!tpu.dma_semaphore, #tpu.memory_space<semaphore_mem>>)
    %dma_start3A_130 = arith.constant 2432 : i32
    %dma_start3A_131 = tpu.memref_slice %arg14[%dma_start3A_130] : memref<6144xf32, #tpu.memory_space<vmem>> -> memref<128xf32, #tpu.memory_space<vmem>>
    %dma_start3A_132 = arith.constant 384 : i32
    %dma_start3A_133 = tpu.memref_slice %arg12[%dma_start3A_132] : memref<1024xi32, #tpu.memory_space<vmem>> -> memref<128xi32, #tpu.memory_space<vmem>>
    %dma_start3A_134 = arith.constant 0 : i32
    %dma_start3A_135 = tpu.memref_slice %arg5[%dma_start3A_134] : memref<16777216xf32, #tpu.memory_space<hbm>> -> memref<16777216xf32, #tpu.memory_space<hbm>>
    tpu.enqueue_indirect_dma source(%dma_start3A_135 : memref<16777216xf32, #tpu.memory_space<hbm>>) target(%dma_start3A_131 : memref<128xf32, #tpu.memory_space<vmem>>) offsets(%dma_start3A_133 : memref<128xi32, #tpu.memory_space<vmem>>) semaphore(%arg17 : memref<!tpu.dma_semaphore, #tpu.memory_space<semaphore_mem>>)
    %dma_start3A_136 = arith.constant 3456 : i32
    %dma_start3A_137 = tpu.memref_slice %arg14[%dma_start3A_136] : memref<6144xf32, #tpu.memory_space<vmem>> -> memref<128xf32, #tpu.memory_space<vmem>>
    %dma_start3A_138 = arith.constant 384 : i32
    %dma_start3A_139 = tpu.memref_slice %arg12[%dma_start3A_138] : memref<1024xi32, #tpu.memory_space<vmem>> -> memref<128xi32, #tpu.memory_space<vmem>>
    %dma_start3A_140 = arith.constant 0 : i32
    %dma_start3A_141 = tpu.memref_slice %arg6[%dma_start3A_140] : memref<16777216xf32, #tpu.memory_space<hbm>> -> memref<16777216xf32, #tpu.memory_space<hbm>>
    tpu.enqueue_indirect_dma source(%dma_start3A_141 : memref<16777216xf32, #tpu.memory_space<hbm>>) target(%dma_start3A_137 : memref<128xf32, #tpu.memory_space<vmem>>) offsets(%dma_start3A_139 : memref<128xi32, #tpu.memory_space<vmem>>) semaphore(%arg17 : memref<!tpu.dma_semaphore, #tpu.memory_space<semaphore_mem>>)
    %dma_start3A_142 = arith.constant 4480 : i32
    %dma_start3A_143 = tpu.memref_slice %arg14[%dma_start3A_142] : memref<6144xf32, #tpu.memory_space<vmem>> -> memref<128xf32, #tpu.memory_space<vmem>>
    %dma_start3A_144 = arith.constant 384 : i32
    %dma_start3A_145 = tpu.memref_slice %arg12[%dma_start3A_144] : memref<1024xi32, #tpu.memory_space<vmem>> -> memref<128xi32, #tpu.memory_space<vmem>>
    %dma_start3A_146 = arith.constant 0 : i32
    %dma_start3A_147 = tpu.memref_slice %arg7[%dma_start3A_146] : memref<16777216xf32, #tpu.memory_space<hbm>> -> memref<16777216xf32, #tpu.memory_space<hbm>>
    tpu.enqueue_indirect_dma source(%dma_start3A_147 : memref<16777216xf32, #tpu.memory_space<hbm>>) target(%dma_start3A_143 : memref<128xf32, #tpu.memory_space<vmem>>) offsets(%dma_start3A_145 : memref<128xi32, #tpu.memory_space<vmem>>) semaphore(%arg17 : memref<!tpu.dma_semaphore, #tpu.memory_space<semaphore_mem>>)
    %dma_start3A_148 = arith.constant 5504 : i32
    %dma_start3A_149 = tpu.memref_slice %arg14[%dma_start3A_148] : memref<6144xf32, #tpu.memory_space<vmem>> -> memref<128xf32, #tpu.memory_space<vmem>>
    %dma_start3A_150 = arith.constant 384 : i32
    %dma_start3A_151 = tpu.memref_slice %arg12[%dma_start3A_150] : memref<1024xi32, #tpu.memory_space<vmem>> -> memref<128xi32, #tpu.memory_space<vmem>>
    %dma_start3A_152 = arith.constant 0 : i32
    %dma_start3A_153 = tpu.memref_slice %arg8[%dma_start3A_152] : memref<16777216xf32, #tpu.memory_space<hbm>> -> memref<16777216xf32, #tpu.memory_space<hbm>>
    tpu.enqueue_indirect_dma source(%dma_start3A_153 : memref<16777216xf32, #tpu.memory_space<hbm>>) target(%dma_start3A_149 : memref<128xf32, #tpu.memory_space<vmem>>) offsets(%dma_start3A_151 : memref<128xi32, #tpu.memory_space<vmem>>) semaphore(%arg17 : memref<!tpu.dma_semaphore, #tpu.memory_space<semaphore_mem>>)
    %dma_start3A_154 = arith.constant 512 : i32
    %dma_start3A_155 = tpu.memref_slice %arg14[%dma_start3A_154] : memref<6144xf32, #tpu.memory_space<vmem>> -> memref<128xf32, #tpu.memory_space<vmem>>
    %dma_start3A_156 = arith.constant 512 : i32
    %dma_start3A_157 = tpu.memref_slice %arg12[%dma_start3A_156] : memref<1024xi32, #tpu.memory_space<vmem>> -> memref<128xi32, #tpu.memory_space<vmem>>
    %dma_start3A_158 = arith.constant 0 : i32
    %dma_start3A_159 = tpu.memref_slice %arg3[%dma_start3A_158] : memref<16777216xf32, #tpu.memory_space<hbm>> -> memref<16777216xf32, #tpu.memory_space<hbm>>
    tpu.enqueue_indirect_dma source(%dma_start3A_159 : memref<16777216xf32, #tpu.memory_space<hbm>>) target(%dma_start3A_155 : memref<128xf32, #tpu.memory_space<vmem>>) offsets(%dma_start3A_157 : memref<128xi32, #tpu.memory_space<vmem>>) semaphore(%arg17 : memref<!tpu.dma_semaphore, #tpu.memory_space<semaphore_mem>>)
    %dma_start3A_160 = arith.constant 1536 : i32
    %dma_start3A_161 = tpu.memref_slice %arg14[%dma_start3A_160] : memref<6144xf32, #tpu.memory_space<vmem>> -> memref<128xf32, #tpu.memory_space<vmem>>
    %dma_start3A_162 = arith.constant 512 : i32
    %dma_start3A_163 = tpu.memref_slice %arg12[%dma_start3A_162] : memref<1024xi32, #tpu.memory_space<vmem>> -> memref<128xi32, #tpu.memory_space<vmem>>
    %dma_start3A_164 = arith.constant 0 : i32
    %dma_start3A_165 = tpu.memref_slice %arg4[%dma_start3A_164] : memref<16777216xf32, #tpu.memory_space<hbm>> -> memref<16777216xf32, #tpu.memory_space<hbm>>
    tpu.enqueue_indirect_dma source(%dma_start3A_165 : memref<16777216xf32, #tpu.memory_space<hbm>>) target(%dma_start3A_161 : memref<128xf32, #tpu.memory_space<vmem>>) offsets(%dma_start3A_163 : memref<128xi32, #tpu.memory_space<vmem>>) semaphore(%arg17 : memref<!tpu.dma_semaphore, #tpu.memory_space<semaphore_mem>>)
    %dma_start3A_166 = arith.constant 2560 : i32
    %dma_start3A_167 = tpu.memref_slice %arg14[%dma_start3A_166] : memref<6144xf32, #tpu.memory_space<vmem>> -> memref<128xf32, #tpu.memory_space<vmem>>
    %dma_start3A_168 = arith.constant 512 : i32
    %dma_start3A_169 = tpu.memref_slice %arg12[%dma_start3A_168] : memref<1024xi32, #tpu.memory_space<vmem>> -> memref<128xi32, #tpu.memory_space<vmem>>
    %dma_start3A_170 = arith.constant 0 : i32
    %dma_start3A_171 = tpu.memref_slice %arg5[%dma_start3A_170] : memref<16777216xf32, #tpu.memory_space<hbm>> -> memref<16777216xf32, #tpu.memory_space<hbm>>
    tpu.enqueue_indirect_dma source(%dma_start3A_171 : memref<16777216xf32, #tpu.memory_space<hbm>>) target(%dma_start3A_167 : memref<128xf32, #tpu.memory_space<vmem>>) offsets(%dma_start3A_169 : memref<128xi32, #tpu.memory_space<vmem>>) semaphore(%arg17 : memref<!tpu.dma_semaphore, #tpu.memory_space<semaphore_mem>>)
    %dma_start3A_172 = arith.constant 3584 : i32
    %dma_start3A_173 = tpu.memref_slice %arg14[%dma_start3A_172] : memref<6144xf32, #tpu.memory_space<vmem>> -> memref<128xf32, #tpu.memory_space<vmem>>
    %dma_start3A_174 = arith.constant 512 : i32
    %dma_start3A_175 = tpu.memref_slice %arg12[%dma_start3A_174] : memref<1024xi32, #tpu.memory_space<vmem>> -> memref<128xi32, #tpu.memory_space<vmem>>
    %dma_start3A_176 = arith.constant 0 : i32
    %dma_start3A_177 = tpu.memref_slice %arg6[%dma_start3A_176] : memref<16777216xf32, #tpu.memory_space<hbm>> -> memref<16777216xf32, #tpu.memory_space<hbm>>
    tpu.enqueue_indirect_dma source(%dma_start3A_177 : memref<16777216xf32, #tpu.memory_space<hbm>>) target(%dma_start3A_173 : memref<128xf32, #tpu.memory_space<vmem>>) offsets(%dma_start3A_175 : memref<128xi32, #tpu.memory_space<vmem>>) semaphore(%arg17 : memref<!tpu.dma_semaphore, #tpu.memory_space<semaphore_mem>>)
    %dma_start3A_178 = arith.constant 4608 : i32
    %dma_start3A_179 = tpu.memref_slice %arg14[%dma_start3A_178] : memref<6144xf32, #tpu.memory_space<vmem>> -> memref<128xf32, #tpu.memory_space<vmem>>
    %dma_start3A_180 = arith.constant 512 : i32
    %dma_start3A_181 = tpu.memref_slice %arg12[%dma_start3A_180] : memref<1024xi32, #tpu.memory_space<vmem>> -> memref<128xi32, #tpu.memory_space<vmem>>
    %dma_start3A_182 = arith.constant 0 : i32
    %dma_start3A_183 = tpu.memref_slice %arg7[%dma_start3A_182] : memref<16777216xf32, #tpu.memory_space<hbm>> -> memref<16777216xf32, #tpu.memory_space<hbm>>
    tpu.enqueue_indirect_dma source(%dma_start3A_183 : memref<16777216xf32, #tpu.memory_space<hbm>>) target(%dma_start3A_179 : memref<128xf32, #tpu.memory_space<vmem>>) offsets(%dma_start3A_181 : memref<128xi32, #tpu.memory_space<vmem>>) semaphore(%arg17 : memref<!tpu.dma_semaphore, #tpu.memory_space<semaphore_mem>>)
    %dma_start3A_184 = arith.constant 5632 : i32
    %dma_start3A_185 = tpu.memref_slice %arg14[%dma_start3A_184] : memref<6144xf32, #tpu.memory_space<vmem>> -> memref<128xf32, #tpu.memory_space<vmem>>
    %dma_start3A_186 = arith.constant 512 : i32
    %dma_start3A_187 = tpu.memref_slice %arg12[%dma_start3A_186] : memref<1024xi32, #tpu.memory_space<vmem>> -> memref<128xi32, #tpu.memory_space<vmem>>
    %dma_start3A_188 = arith.constant 0 : i32
    %dma_start3A_189 = tpu.memref_slice %arg8[%dma_start3A_188] : memref<16777216xf32, #tpu.memory_space<hbm>> -> memref<16777216xf32, #tpu.memory_space<hbm>>
    tpu.enqueue_indirect_dma source(%dma_start3A_189 : memref<16777216xf32, #tpu.memory_space<hbm>>) target(%dma_start3A_185 : memref<128xf32, #tpu.memory_space<vmem>>) offsets(%dma_start3A_187 : memref<128xi32, #tpu.memory_space<vmem>>) semaphore(%arg17 : memref<!tpu.dma_semaphore, #tpu.memory_space<semaphore_mem>>)
    %dma_start3A_190 = arith.constant 640 : i32
    %dma_start3A_191 = tpu.memref_slice %arg14[%dma_start3A_190] : memref<6144xf32, #tpu.memory_space<vmem>> -> memref<128xf32, #tpu.memory_space<vmem>>
    %dma_start3A_192 = arith.constant 640 : i32
    %dma_start3A_193 = tpu.memref_slice %arg12[%dma_start3A_192] : memref<1024xi32, #tpu.memory_space<vmem>> -> memref<128xi32, #tpu.memory_space<vmem>>
    %dma_start3A_194 = arith.constant 0 : i32
    %dma_start3A_195 = tpu.memref_slice %arg3[%dma_start3A_194] : memref<16777216xf32, #tpu.memory_space<hbm>> -> memref<16777216xf32, #tpu.memory_space<hbm>>
    tpu.enqueue_indirect_dma source(%dma_start3A_195 : memref<16777216xf32, #tpu.memory_space<hbm>>) target(%dma_start3A_191 : memref<128xf32, #tpu.memory_space<vmem>>) offsets(%dma_start3A_193 : memref<128xi32, #tpu.memory_space<vmem>>) semaphore(%arg17 : memref<!tpu.dma_semaphore, #tpu.memory_space<semaphore_mem>>)
    %dma_start3A_196 = arith.constant 1664 : i32
    %dma_start3A_197 = tpu.memref_slice %arg14[%dma_start3A_196] : memref<6144xf32, #tpu.memory_space<vmem>> -> memref<128xf32, #tpu.memory_space<vmem>>
    %dma_start3A_198 = arith.constant 640 : i32
    %dma_start3A_199 = tpu.memref_slice %arg12[%dma_start3A_198] : memref<1024xi32, #tpu.memory_space<vmem>> -> memref<128xi32, #tpu.memory_space<vmem>>
    %dma_start3A_200 = arith.constant 0 : i32
    %dma_start3A_201 = tpu.memref_slice %arg4[%dma_start3A_200] : memref<16777216xf32, #tpu.memory_space<hbm>> -> memref<16777216xf32, #tpu.memory_space<hbm>>
    tpu.enqueue_indirect_dma source(%dma_start3A_201 : memref<16777216xf32, #tpu.memory_space<hbm>>) target(%dma_start3A_197 : memref<128xf32, #tpu.memory_space<vmem>>) offsets(%dma_start3A_199 : memref<128xi32, #tpu.memory_space<vmem>>) semaphore(%arg17 : memref<!tpu.dma_semaphore, #tpu.memory_space<semaphore_mem>>)
    %dma_start3A_202 = arith.constant 2688 : i32
    %dma_start3A_203 = tpu.memref_slice %arg14[%dma_start3A_202] : memref<6144xf32, #tpu.memory_space<vmem>> -> memref<128xf32, #tpu.memory_space<vmem>>
    %dma_start3A_204 = arith.constant 640 : i32
    %dma_start3A_205 = tpu.memref_slice %arg12[%dma_start3A_204] : memref<1024xi32, #tpu.memory_space<vmem>> -> memref<128xi32, #tpu.memory_space<vmem>>
    %dma_start3A_206 = arith.constant 0 : i32
    %dma_start3A_207 = tpu.memref_slice %arg5[%dma_start3A_206] : memref<16777216xf32, #tpu.memory_space<hbm>> -> memref<16777216xf32, #tpu.memory_space<hbm>>
    tpu.enqueue_indirect_dma source(%dma_start3A_207 : memref<16777216xf32, #tpu.memory_space<hbm>>) target(%dma_start3A_203 : memref<128xf32, #tpu.memory_space<vmem>>) offsets(%dma_start3A_205 : memref<128xi32, #tpu.memory_space<vmem>>) semaphore(%arg17 : memref<!tpu.dma_semaphore, #tpu.memory_space<semaphore_mem>>)
    %dma_start3A_208 = arith.constant 3712 : i32
    %dma_start3A_209 = tpu.memref_slice %arg14[%dma_start3A_208] : memref<6144xf32, #tpu.memory_space<vmem>> -> memref<128xf32, #tpu.memory_space<vmem>>
    %dma_start3A_210 = arith.constant 640 : i32
    %dma_start3A_211 = tpu.memref_slice %arg12[%dma_start3A_210] : memref<1024xi32, #tpu.memory_space<vmem>> -> memref<128xi32, #tpu.memory_space<vmem>>
    %dma_start3A_212 = arith.constant 0 : i32
    %dma_start3A_213 = tpu.memref_slice %arg6[%dma_start3A_212] : memref<16777216xf32, #tpu.memory_space<hbm>> -> memref<16777216xf32, #tpu.memory_space<hbm>>
    tpu.enqueue_indirect_dma source(%dma_start3A_213 : memref<16777216xf32, #tpu.memory_space<hbm>>) target(%dma_start3A_209 : memref<128xf32, #tpu.memory_space<vmem>>) offsets(%dma_start3A_211 : memref<128xi32, #tpu.memory_space<vmem>>) semaphore(%arg17 : memref<!tpu.dma_semaphore, #tpu.memory_space<semaphore_mem>>)
    %dma_start3A_214 = arith.constant 4736 : i32
    %dma_start3A_215 = tpu.memref_slice %arg14[%dma_start3A_214] : memref<6144xf32, #tpu.memory_space<vmem>> -> memref<128xf32, #tpu.memory_space<vmem>>
    %dma_start3A_216 = arith.constant 640 : i32
    %dma_start3A_217 = tpu.memref_slice %arg12[%dma_start3A_216] : memref<1024xi32, #tpu.memory_space<vmem>> -> memref<128xi32, #tpu.memory_space<vmem>>
    %dma_start3A_218 = arith.constant 0 : i32
    %dma_start3A_219 = tpu.memref_slice %arg7[%dma_start3A_218] : memref<16777216xf32, #tpu.memory_space<hbm>> -> memref<16777216xf32, #tpu.memory_space<hbm>>
    tpu.enqueue_indirect_dma source(%dma_start3A_219 : memref<16777216xf32, #tpu.memory_space<hbm>>) target(%dma_start3A_215 : memref<128xf32, #tpu.memory_space<vmem>>) offsets(%dma_start3A_217 : memref<128xi32, #tpu.memory_space<vmem>>) semaphore(%arg17 : memref<!tpu.dma_semaphore, #tpu.memory_space<semaphore_mem>>)
    %dma_start3A_220 = arith.constant 5760 : i32
    %dma_start3A_221 = tpu.memref_slice %arg14[%dma_start3A_220] : memref<6144xf32, #tpu.memory_space<vmem>> -> memref<128xf32, #tpu.memory_space<vmem>>
    %dma_start3A_222 = arith.constant 640 : i32
    %dma_start3A_223 = tpu.memref_slice %arg12[%dma_start3A_222] : memref<1024xi32, #tpu.memory_space<vmem>> -> memref<128xi32, #tpu.memory_space<vmem>>
    %dma_start3A_224 = arith.constant 0 : i32
    %dma_start3A_225 = tpu.memref_slice %arg8[%dma_start3A_224] : memref<16777216xf32, #tpu.memory_space<hbm>> -> memref<16777216xf32, #tpu.memory_space<hbm>>
    tpu.enqueue_indirect_dma source(%dma_start3A_225 : memref<16777216xf32, #tpu.memory_space<hbm>>) target(%dma_start3A_221 : memref<128xf32, #tpu.memory_space<vmem>>) offsets(%dma_start3A_223 : memref<128xi32, #tpu.memory_space<vmem>>) semaphore(%arg17 : memref<!tpu.dma_semaphore, #tpu.memory_space<semaphore_mem>>)
    %dma_start3A_226 = arith.constant 768 : i32
    %dma_start3A_227 = tpu.memref_slice %arg14[%dma_start3A_226] : memref<6144xf32, #tpu.memory_space<vmem>> -> memref<128xf32, #tpu.memory_space<vmem>>
    %dma_start3A_228 = arith.constant 768 : i32
    %dma_start3A_229 = tpu.memref_slice %arg12[%dma_start3A_228] : memref<1024xi32, #tpu.memory_space<vmem>> -> memref<128xi32, #tpu.memory_space<vmem>>
    %dma_start3A_230 = arith.constant 0 : i32
    %dma_start3A_231 = tpu.memref_slice %arg3[%dma_start3A_230] : memref<16777216xf32, #tpu.memory_space<hbm>> -> memref<16777216xf32, #tpu.memory_space<hbm>>
    tpu.enqueue_indirect_dma source(%dma_start3A_231 : memref<16777216xf32, #tpu.memory_space<hbm>>) target(%dma_start3A_227 : memref<128xf32, #tpu.memory_space<vmem>>) offsets(%dma_start3A_229 : memref<128xi32, #tpu.memory_space<vmem>>) semaphore(%arg17 : memref<!tpu.dma_semaphore, #tpu.memory_space<semaphore_mem>>)
    %dma_start3A_232 = arith.constant 1792 : i32
    %dma_start3A_233 = tpu.memref_slice %arg14[%dma_start3A_232] : memref<6144xf32, #tpu.memory_space<vmem>> -> memref<128xf32, #tpu.memory_space<vmem>>
    %dma_start3A_234 = arith.constant 768 : i32
    %dma_start3A_235 = tpu.memref_slice %arg12[%dma_start3A_234] : memref<1024xi32, #tpu.memory_space<vmem>> -> memref<128xi32, #tpu.memory_space<vmem>>
    %dma_start3A_236 = arith.constant 0 : i32
    %dma_start3A_237 = tpu.memref_slice %arg4[%dma_start3A_236] : memref<16777216xf32, #tpu.memory_space<hbm>> -> memref<16777216xf32, #tpu.memory_space<hbm>>
    tpu.enqueue_indirect_dma source(%dma_start3A_237 : memref<16777216xf32, #tpu.memory_space<hbm>>) target(%dma_start3A_233 : memref<128xf32, #tpu.memory_space<vmem>>) offsets(%dma_start3A_235 : memref<128xi32, #tpu.memory_space<vmem>>) semaphore(%arg17 : memref<!tpu.dma_semaphore, #tpu.memory_space<semaphore_mem>>)
    %dma_start3A_238 = arith.constant 2816 : i32
    %dma_start3A_239 = tpu.memref_slice %arg14[%dma_start3A_238] : memref<6144xf32, #tpu.memory_space<vmem>> -> memref<128xf32, #tpu.memory_space<vmem>>
    %dma_start3A_240 = arith.constant 768 : i32
    %dma_start3A_241 = tpu.memref_slice %arg12[%dma_start3A_240] : memref<1024xi32, #tpu.memory_space<vmem>> -> memref<128xi32, #tpu.memory_space<vmem>>
    %dma_start3A_242 = arith.constant 0 : i32
    %dma_start3A_243 = tpu.memref_slice %arg5[%dma_start3A_242] : memref<16777216xf32, #tpu.memory_space<hbm>> -> memref<16777216xf32, #tpu.memory_space<hbm>>
    tpu.enqueue_indirect_dma source(%dma_start3A_243 : memref<16777216xf32, #tpu.memory_space<hbm>>) target(%dma_start3A_239 : memref<128xf32, #tpu.memory_space<vmem>>) offsets(%dma_start3A_241 : memref<128xi32, #tpu.memory_space<vmem>>) semaphore(%arg17 : memref<!tpu.dma_semaphore, #tpu.memory_space<semaphore_mem>>)
    %dma_start3A_244 = arith.constant 3840 : i32
    %dma_start3A_245 = tpu.memref_slice %arg14[%dma_start3A_244] : memref<6144xf32, #tpu.memory_space<vmem>> -> memref<128xf32, #tpu.memory_space<vmem>>
    %dma_start3A_246 = arith.constant 768 : i32
    %dma_start3A_247 = tpu.memref_slice %arg12[%dma_start3A_246] : memref<1024xi32, #tpu.memory_space<vmem>> -> memref<128xi32, #tpu.memory_space<vmem>>
    %dma_start3A_248 = arith.constant 0 : i32
    %dma_start3A_249 = tpu.memref_slice %arg6[%dma_start3A_248] : memref<16777216xf32, #tpu.memory_space<hbm>> -> memref<16777216xf32, #tpu.memory_space<hbm>>
    tpu.enqueue_indirect_dma source(%dma_start3A_249 : memref<16777216xf32, #tpu.memory_space<hbm>>) target(%dma_start3A_245 : memref<128xf32, #tpu.memory_space<vmem>>) offsets(%dma_start3A_247 : memref<128xi32, #tpu.memory_space<vmem>>) semaphore(%arg17 : memref<!tpu.dma_semaphore, #tpu.memory_space<semaphore_mem>>)
    %dma_start3A_250 = arith.constant 4864 : i32
    %dma_start3A_251 = tpu.memref_slice %arg14[%dma_start3A_250] : memref<6144xf32, #tpu.memory_space<vmem>> -> memref<128xf32, #tpu.memory_space<vmem>>
    %dma_start3A_252 = arith.constant 768 : i32
    %dma_start3A_253 = tpu.memref_slice %arg12[%dma_start3A_252] : memref<1024xi32, #tpu.memory_space<vmem>> -> memref<128xi32, #tpu.memory_space<vmem>>
    %dma_start3A_254 = arith.constant 0 : i32
    %dma_start3A_255 = tpu.memref_slice %arg7[%dma_start3A_254] : memref<16777216xf32, #tpu.memory_space<hbm>> -> memref<16777216xf32, #tpu.memory_space<hbm>>
    tpu.enqueue_indirect_dma source(%dma_start3A_255 : memref<16777216xf32, #tpu.memory_space<hbm>>) target(%dma_start3A_251 : memref<128xf32, #tpu.memory_space<vmem>>) offsets(%dma_start3A_253 : memref<128xi32, #tpu.memory_space<vmem>>) semaphore(%arg17 : memref<!tpu.dma_semaphore, #tpu.memory_space<semaphore_mem>>)
    %dma_start3A_256 = arith.constant 5888 : i32
    %dma_start3A_257 = tpu.memref_slice %arg14[%dma_start3A_256] : memref<6144xf32, #tpu.memory_space<vmem>> -> memref<128xf32, #tpu.memory_space<vmem>>
    %dma_start3A_258 = arith.constant 768 : i32
    %dma_start3A_259 = tpu.memref_slice %arg12[%dma_start3A_258] : memref<1024xi32, #tpu.memory_space<vmem>> -> memref<128xi32, #tpu.memory_space<vmem>>
    %dma_start3A_260 = arith.constant 0 : i32
    %dma_start3A_261 = tpu.memref_slice %arg8[%dma_start3A_260] : memref<16777216xf32, #tpu.memory_space<hbm>> -> memref<16777216xf32, #tpu.memory_space<hbm>>
    tpu.enqueue_indirect_dma source(%dma_start3A_261 : memref<16777216xf32, #tpu.memory_space<hbm>>) target(%dma_start3A_257 : memref<128xf32, #tpu.memory_space<vmem>>) offsets(%dma_start3A_259 : memref<128xi32, #tpu.memory_space<vmem>>) semaphore(%arg17 : memref<!tpu.dma_semaphore, #tpu.memory_space<semaphore_mem>>)
    %dma_start3A_262 = arith.constant 896 : i32
    %dma_start3A_263 = tpu.memref_slice %arg14[%dma_start3A_262] : memref<6144xf32, #tpu.memory_space<vmem>> -> memref<128xf32, #tpu.memory_space<vmem>>
    %dma_start3A_264 = arith.constant 896 : i32
    %dma_start3A_265 = tpu.memref_slice %arg12[%dma_start3A_264] : memref<1024xi32, #tpu.memory_space<vmem>> -> memref<128xi32, #tpu.memory_space<vmem>>
    %dma_start3A_266 = arith.constant 0 : i32
    %dma_start3A_267 = tpu.memref_slice %arg3[%dma_start3A_266] : memref<16777216xf32, #tpu.memory_space<hbm>> -> memref<16777216xf32, #tpu.memory_space<hbm>>
    tpu.enqueue_indirect_dma source(%dma_start3A_267 : memref<16777216xf32, #tpu.memory_space<hbm>>) target(%dma_start3A_263 : memref<128xf32, #tpu.memory_space<vmem>>) offsets(%dma_start3A_265 : memref<128xi32, #tpu.memory_space<vmem>>) semaphore(%arg17 : memref<!tpu.dma_semaphore, #tpu.memory_space<semaphore_mem>>)
    %dma_start3A_268 = arith.constant 1920 : i32
    %dma_start3A_269 = tpu.memref_slice %arg14[%dma_start3A_268] : memref<6144xf32, #tpu.memory_space<vmem>> -> memref<128xf32, #tpu.memory_space<vmem>>
    %dma_start3A_270 = arith.constant 896 : i32
    %dma_start3A_271 = tpu.memref_slice %arg12[%dma_start3A_270] : memref<1024xi32, #tpu.memory_space<vmem>> -> memref<128xi32, #tpu.memory_space<vmem>>
    %dma_start3A_272 = arith.constant 0 : i32
    %dma_start3A_273 = tpu.memref_slice %arg4[%dma_start3A_272] : memref<16777216xf32, #tpu.memory_space<hbm>> -> memref<16777216xf32, #tpu.memory_space<hbm>>
    tpu.enqueue_indirect_dma source(%dma_start3A_273 : memref<16777216xf32, #tpu.memory_space<hbm>>) target(%dma_start3A_269 : memref<128xf32, #tpu.memory_space<vmem>>) offsets(%dma_start3A_271 : memref<128xi32, #tpu.memory_space<vmem>>) semaphore(%arg17 : memref<!tpu.dma_semaphore, #tpu.memory_space<semaphore_mem>>)
    %dma_start3A_274 = arith.constant 2944 : i32
    %dma_start3A_275 = tpu.memref_slice %arg14[%dma_start3A_274] : memref<6144xf32, #tpu.memory_space<vmem>> -> memref<128xf32, #tpu.memory_space<vmem>>
    %dma_start3A_276 = arith.constant 896 : i32
    %dma_start3A_277 = tpu.memref_slice %arg12[%dma_start3A_276] : memref<1024xi32, #tpu.memory_space<vmem>> -> memref<128xi32, #tpu.memory_space<vmem>>
    %dma_start3A_278 = arith.constant 0 : i32
    %dma_start3A_279 = tpu.memref_slice %arg5[%dma_start3A_278] : memref<16777216xf32, #tpu.memory_space<hbm>> -> memref<16777216xf32, #tpu.memory_space<hbm>>
    tpu.enqueue_indirect_dma source(%dma_start3A_279 : memref<16777216xf32, #tpu.memory_space<hbm>>) target(%dma_start3A_275 : memref<128xf32, #tpu.memory_space<vmem>>) offsets(%dma_start3A_277 : memref<128xi32, #tpu.memory_space<vmem>>) semaphore(%arg17 : memref<!tpu.dma_semaphore, #tpu.memory_space<semaphore_mem>>)
    %dma_start3A_280 = arith.constant 3968 : i32
    %dma_start3A_281 = tpu.memref_slice %arg14[%dma_start3A_280] : memref<6144xf32, #tpu.memory_space<vmem>> -> memref<128xf32, #tpu.memory_space<vmem>>
    %dma_start3A_282 = arith.constant 896 : i32
    %dma_start3A_283 = tpu.memref_slice %arg12[%dma_start3A_282] : memref<1024xi32, #tpu.memory_space<vmem>> -> memref<128xi32, #tpu.memory_space<vmem>>
    %dma_start3A_284 = arith.constant 0 : i32
    %dma_start3A_285 = tpu.memref_slice %arg6[%dma_start3A_284] : memref<16777216xf32, #tpu.memory_space<hbm>> -> memref<16777216xf32, #tpu.memory_space<hbm>>
    tpu.enqueue_indirect_dma source(%dma_start3A_285 : memref<16777216xf32, #tpu.memory_space<hbm>>) target(%dma_start3A_281 : memref<128xf32, #tpu.memory_space<vmem>>) offsets(%dma_start3A_283 : memref<128xi32, #tpu.memory_space<vmem>>) semaphore(%arg17 : memref<!tpu.dma_semaphore, #tpu.memory_space<semaphore_mem>>)
    %dma_start3A_286 = arith.constant 4992 : i32
    %dma_start3A_287 = tpu.memref_slice %arg14[%dma_start3A_286] : memref<6144xf32, #tpu.memory_space<vmem>> -> memref<128xf32, #tpu.memory_space<vmem>>
    %dma_start3A_288 = arith.constant 896 : i32
    %dma_start3A_289 = tpu.memref_slice %arg12[%dma_start3A_288] : memref<1024xi32, #tpu.memory_space<vmem>> -> memref<128xi32, #tpu.memory_space<vmem>>
    %dma_start3A_290 = arith.constant 0 : i32
    %dma_start3A_291 = tpu.memref_slice %arg7[%dma_start3A_290] : memref<16777216xf32, #tpu.memory_space<hbm>> -> memref<16777216xf32, #tpu.memory_space<hbm>>
    tpu.enqueue_indirect_dma source(%dma_start3A_291 : memref<16777216xf32, #tpu.memory_space<hbm>>) target(%dma_start3A_287 : memref<128xf32, #tpu.memory_space<vmem>>) offsets(%dma_start3A_289 : memref<128xi32, #tpu.memory_space<vmem>>) semaphore(%arg17 : memref<!tpu.dma_semaphore, #tpu.memory_space<semaphore_mem>>)
    %dma_start3A_292 = arith.constant 6016 : i32
    %dma_start3A_293 = tpu.memref_slice %arg14[%dma_start3A_292] : memref<6144xf32, #tpu.memory_space<vmem>> -> memref<128xf32, #tpu.memory_space<vmem>>
    %dma_start3A_294 = arith.constant 896 : i32
    %dma_start3A_295 = tpu.memref_slice %arg12[%dma_start3A_294] : memref<1024xi32, #tpu.memory_space<vmem>> -> memref<128xi32, #tpu.memory_space<vmem>>
    %dma_start3A_296 = arith.constant 0 : i32
    %dma_start3A_297 = tpu.memref_slice %arg8[%dma_start3A_296] : memref<16777216xf32, #tpu.memory_space<hbm>> -> memref<16777216xf32, #tpu.memory_space<hbm>>
    tpu.enqueue_indirect_dma source(%dma_start3A_297 : memref<16777216xf32, #tpu.memory_space<hbm>>) target(%dma_start3A_293 : memref<128xf32, #tpu.memory_space<vmem>>) offsets(%dma_start3A_295 : memref<128xi32, #tpu.memory_space<vmem>>) semaphore(%arg17 : memref<!tpu.dma_semaphore, #tpu.memory_space<semaphore_mem>>)
    %scan3A_298 = arith.constant 0 : i32
    %scan3A_299 = arith.constant 15 : i32
    %scan3A_300 = arith.addi %scan3A_298, %scan3A_299 : i32
    %scan3A_301 = arith.constant 1 : i32
    scf.for %scan3A_631 = %scan3A_298 to %scan3A_300 step %scan3A_301  : i32 {
      %mul3A_632 = arith.constant 2 : i32
      %mul3A_633 = arith.muli %mul3A_632, %scan3A_631 : i32
      %add3A_634 = arith.constant 1 : i32
      %add3A_635 = arith.addi %mul3A_633, %add3A_634 : i32
      %mul3A_636 = arith.constant 32768 : i32
      %mul3A_637 = arith.muli %add3A, %mul3A_636 : i32
      %mul3A_638 = arith.constant 1024 : i32
      %mul3A_639 = arith.muli %add3A_635, %mul3A_638 : i32
      %add3A_640 = arith.addi %mul3A_637, %mul3A_639 : i32
      %mul3A_641 = arith.constant 3 : i32
      %mul3A_642 = arith.muli %add3A_640, %mul3A_641 : i32
      "tpu.region"() ({
        %run_scoped3A = tpu.sem_alloc : memref<!tpu.dma_semaphore, #tpu.memory_space<semaphore_mem>>
        %dma_start3A_1273 = tpu.memref_slice %arg2[%mul3A_642] : memref<3145728xf32, #tpu.memory_space<hbm>> -> memref<3072xf32, #tpu.memory_space<hbm>>
        %dma_start3A_1274 = tpu.memref_slice %arg2[%mul3A_642] : memref<3145728xf32, #tpu.memory_space<hbm>> -> memref<3072xf32, #tpu.memory_space<hbm>>
        tpu.enqueue_dma source(%dma_start3A_1274 : memref<3072xf32, #tpu.memory_space<hbm>>) target(%arg11 : memref<3072xf32, #tpu.memory_space<vmem>>) target_semaphore(%run_scoped3A : memref<!tpu.dma_semaphore, #tpu.memory_space<semaphore_mem>>)
        %dma_wait3A_1275 = tpu.memref_slice %arg2[%mul3A_642] : memref<3145728xf32, #tpu.memory_space<hbm>> -> memref<3072xf32, #tpu.memory_space<hbm>>
        %dma_wait3A_1276 = tpu.memref_slice %arg2[%mul3A_642] : memref<3145728xf32, #tpu.memory_space<hbm>> -> memref<3072xf32, #tpu.memory_space<hbm>>
        tpu.wait_dma2 semaphore(%run_scoped3A : memref<!tpu.dma_semaphore, #tpu.memory_space<semaphore_mem>>) src(%dma_wait3A_1276 : memref<3072xf32, #tpu.memory_space<hbm>>) dst(%arg11 : memref<3072xf32, #tpu.memory_space<vmem>>)
        tpu.yield
      }) : () -> ()
      %scan3A_643 = arith.constant 0 : i32
      %scan3A_644 = arith.constant 64 : i32
      %scan3A_645 = arith.addi %scan3A_643, %scan3A_644 : i32
      %scan3A_646 = arith.constant 1 : i32
      scf.for %scan3A_1273 = %scan3A_643 to %scan3A_645 step %scan3A_646  : i32 {
        %mul3A_1274 = arith.constant 48 : i32
        %mul3A_1275 = arith.muli %scan3A_1273, %mul3A_1274 : i32
        %mul3A_1276 = arith.constant 3 : i32
        %mul3A_1277 = vector.broadcast %mul3A_1276 : i32 to vector<16xi32>
        %mul3A_1278 = arith.muli %iota3A, %mul3A_1277 : vector<16xi32>
        %add3A_1279 = vector.broadcast %mul3A_1275 : i32 to vector<16xi32>
        %add3A_1280 = arith.addi %add3A_1279, %mul3A_1278 : vector<16xi32>
        %gather3A = tpu.vector_load_idx %arg11[%add3A_1280] : memref<3072xf32, #tpu.memory_space<vmem>>[vector<16xi32>], vector<16xf32>,
        %add3A_1281 = arith.constant 1 : i32
        %add3A_1282 = vector.broadcast %add3A_1281 : i32 to vector<16xi32>
        %add3A_1283 = arith.addi %add3A_1280, %add3A_1282 : vector<16xi32>
        %gather3A_1284 = tpu.vector_load_idx %arg11[%add3A_1283] : memref<3072xf32, #tpu.memory_space<vmem>>[vector<16xi32>], vector<16xf32>,
        %add3A_1285 = arith.constant 2 : i32
        %add3A_1286 = vector.broadcast %add3A_1285 : i32 to vector<16xi32>
        %add3A_1287 = arith.addi %add3A_1280, %add3A_1286 : vector<16xi32>
        %gather3A_1288 = tpu.vector_load_idx %arg11[%add3A_1287] : memref<3072xf32, #tpu.memory_space<vmem>>[vector<16xi32>], vector<16xf32>,
        %mul3A_1289 = arith.constant 6.553600e+04 : f32
        %mul3A_1290 = vector.broadcast %mul3A_1289 : f32 to vector<16xf32>
        %mul3A_1291 = arith.mulf %gather3A, %mul3A_1290 : vector<16xf32>
        %mul3A_1292 = arith.constant 2.560000e+02 : f32
        %mul3A_1293 = vector.broadcast %mul3A_1292 : f32 to vector<16xf32>
        %mul3A_1294 = arith.mulf %gather3A_1284, %mul3A_1293 : vector<16xf32>
        %add3A_1295 = arith.addf %mul3A_1291, %mul3A_1294 : vector<16xf32>
        %add3A_1296 = arith.addf %add3A_1295, %gather3A_1288 : vector<16xf32>
        %convert_element_type3A = arith.fptosi %add3A_1296 : vector<16xf32> to vector<16xi32>
        %mul3A_1297 = arith.constant 16 : i32
        %mul3A_1298 = arith.muli %scan3A_1273, %mul3A_1297 : i32
        %swap3A = arith.index_cast %mul3A_1298 : i32 to index
        %swap3A_1299 = tpu.vector_load %arg13[%swap3A] {strides = array<i32>} : memref<1024xi32, #tpu.memory_space<vmem>>, vector<16xi32>,
        tpu.vector_store %arg13[%swap3A], %convert_element_type3A {strides = array<i32>} : memref<1024xi32, #tpu.memory_space<vmem>>, vector<16xi32>,
      }
      %scan3A_647 = arith.constant 64 : i32
      %dma_start3A_648 = arith.constant 0 : i32
      %dma_start3A_649 = tpu.memref_slice %arg15[%dma_start3A_648] : memref<6144xf32, #tpu.memory_space<vmem>> -> memref<128xf32, #tpu.memory_space<vmem>>
      %dma_start3A_650 = arith.constant 0 : i32
      %dma_start3A_651 = tpu.memref_slice %arg13[%dma_start3A_650] : memref<1024xi32, #tpu.memory_space<vmem>> -> memref<128xi32, #tpu.memory_space<vmem>>
      %dma_start3A_652 = arith.constant 0 : i32
      %dma_start3A_653 = tpu.memref_slice %arg3[%dma_start3A_652] : memref<16777216xf32, #tpu.memory_space<hbm>> -> memref<16777216xf32, #tpu.memory_space<hbm>>
      tpu.enqueue_indirect_dma source(%dma_start3A_653 : memref<16777216xf32, #tpu.memory_space<hbm>>) target(%dma_start3A_649 : memref<128xf32, #tpu.memory_space<vmem>>) offsets(%dma_start3A_651 : memref<128xi32, #tpu.memory_space<vmem>>) semaphore(%arg18 : memref<!tpu.dma_semaphore, #tpu.memory_space<semaphore_mem>>)
      %dma_start3A_654 = arith.constant 1024 : i32
      %dma_start3A_655 = tpu.memref_slice %arg15[%dma_start3A_654] : memref<6144xf32, #tpu.memory_space<vmem>> -> memref<128xf32, #tpu.memory_space<vmem>>
      %dma_start3A_656 = arith.constant 0 : i32
      %dma_start3A_657 = tpu.memref_slice %arg13[%dma_start3A_656] : memref<1024xi32, #tpu.memory_space<vmem>> -> memref<128xi32, #tpu.memory_space<vmem>>
      %dma_start3A_658 = arith.constant 0 : i32
      %dma_start3A_659 = tpu.memref_slice %arg4[%dma_start3A_658] : memref<16777216xf32, #tpu.memory_space<hbm>> -> memref<16777216xf32, #tpu.memory_space<hbm>>
      tpu.enqueue_indirect_dma source(%dma_start3A_659 : memref<16777216xf32, #tpu.memory_space<hbm>>) target(%dma_start3A_655 : memref<128xf32, #tpu.memory_space<vmem>>) offsets(%dma_start3A_657 : memref<128xi32, #tpu.memory_space<vmem>>) semaphore(%arg18 : memref<!tpu.dma_semaphore, #tpu.memory_space<semaphore_mem>>)
      %dma_start3A_660 = arith.constant 2048 : i32
      %dma_start3A_661 = tpu.memref_slice %arg15[%dma_start3A_660] : memref<6144xf32, #tpu.memory_space<vmem>> -> memref<128xf32, #tpu.memory_space<vmem>>
      %dma_start3A_662 = arith.constant 0 : i32
      %dma_start3A_663 = tpu.memref_slice %arg13[%dma_start3A_662] : memref<1024xi32, #tpu.memory_space<vmem>> -> memref<128xi32, #tpu.memory_space<vmem>>
      %dma_start3A_664 = arith.constant 0 : i32
      %dma_start3A_665 = tpu.memref_slice %arg5[%dma_start3A_664] : memref<16777216xf32, #tpu.memory_space<hbm>> -> memref<16777216xf32, #tpu.memory_space<hbm>>
      tpu.enqueue_indirect_dma source(%dma_start3A_665 : memref<16777216xf32, #tpu.memory_space<hbm>>) target(%dma_start3A_661 : memref<128xf32, #tpu.memory_space<vmem>>) offsets(%dma_start3A_663 : memref<128xi32, #tpu.memory_space<vmem>>) semaphore(%arg18 : memref<!tpu.dma_semaphore, #tpu.memory_space<semaphore_mem>>)
      %dma_start3A_666 = arith.constant 3072 : i32
      %dma_start3A_667 = tpu.memref_slice %arg15[%dma_start3A_666] : memref<6144xf32, #tpu.memory_space<vmem>> -> memref<128xf32, #tpu.memory_space<vmem>>
      %dma_start3A_668 = arith.constant 0 : i32
      %dma_start3A_669 = tpu.memref_slice %arg13[%dma_start3A_668] : memref<1024xi32, #tpu.memory_space<vmem>> -> memref<128xi32, #tpu.memory_space<vmem>>
      %dma_start3A_670 = arith.constant 0 : i32
      %dma_start3A_671 = tpu.memref_slice %arg6[%dma_start3A_670] : memref<16777216xf32, #tpu.memory_space<hbm>> -> memref<16777216xf32, #tpu.memory_space<hbm>>
      tpu.enqueue_indirect_dma source(%dma_start3A_671 : memref<16777216xf32, #tpu.memory_space<hbm>>) target(%dma_start3A_667 : memref<128xf32, #tpu.memory_space<vmem>>) offsets(%dma_start3A_669 : memref<128xi32, #tpu.memory_space<vmem>>) semaphore(%arg18 : memref<!tpu.dma_semaphore, #tpu.memory_space<semaphore_mem>>)
      %dma_start3A_672 = arith.constant 4096 : i32
      %dma_start3A_673 = tpu.memref_slice %arg15[%dma_start3A_672] : memref<6144xf32, #tpu.memory_space<vmem>> -> memref<128xf32, #tpu.memory_space<vmem>>
      %dma_start3A_674 = arith.constant 0 : i32
      %dma_start3A_675 = tpu.memref_slice %arg13[%dma_start3A_674] : memref<1024xi32, #tpu.memory_space<vmem>> -> memref<128xi32, #tpu.memory_space<vmem>>
      %dma_start3A_676 = arith.constant 0 : i32
      %dma_start3A_677 = tpu.memref_slice %arg7[%dma_start3A_676] : memref<16777216xf32, #tpu.memory_space<hbm>> -> memref<16777216xf32, #tpu.memory_space<hbm>>
      tpu.enqueue_indirect_dma source(%dma_start3A_677 : memref<16777216xf32, #tpu.memory_space<hbm>>) target(%dma_start3A_673 : memref<128xf32, #tpu.memory_space<vmem>>) offsets(%dma_start3A_675 : memref<128xi32, #tpu.memory_space<vmem>>) semaphore(%arg18 : memref<!tpu.dma_semaphore, #tpu.memory_space<semaphore_mem>>)
      %dma_start3A_678 = arith.constant 5120 : i32
      %dma_start3A_679 = tpu.memref_slice %arg15[%dma_start3A_678] : memref<6144xf32, #tpu.memory_space<vmem>> -> memref<128xf32, #tpu.memory_space<vmem>>
      %dma_start3A_680 = arith.constant 0 : i32
      %dma_start3A_681 = tpu.memref_slice %arg13[%dma_start3A_680] : memref<1024xi32, #tpu.memory_space<vmem>> -> memref<128xi32, #tpu.memory_space<vmem>>
      %dma_start3A_682 = arith.constant 0 : i32
      %dma_start3A_683 = tpu.memref_slice %arg8[%dma_start3A_682] : memref<16777216xf32, #tpu.memory_space<hbm>> -> memref<16777216xf32, #tpu.memory_space<hbm>>
      tpu.enqueue_indirect_dma source(%dma_start3A_683 : memref<16777216xf32, #tpu.memory_space<hbm>>) target(%dma_start3A_679 : memref<128xf32, #tpu.memory_space<vmem>>) offsets(%dma_start3A_681 : memref<128xi32, #tpu.memory_space<vmem>>) semaphore(%arg18 : memref<!tpu.dma_semaphore, #tpu.memory_space<semaphore_mem>>)
      %dma_start3A_684 = arith.constant 128 : i32
      %dma_start3A_685 = tpu.memref_slice %arg15[%dma_start3A_684] : memref<6144xf32, #tpu.memory_space<vmem>> -> memref<128xf32, #tpu.memory_space<vmem>>
      %dma_start3A_686 = arith.constant 128 : i32
      %dma_start3A_687 = tpu.memref_slice %arg13[%dma_start3A_686] : memref<1024xi32, #tpu.memory_space<vmem>> -> memref<128xi32, #tpu.memory_space<vmem>>
      %dma_start3A_688 = arith.constant 0 : i32
      %dma_start3A_689 = tpu.memref_slice %arg3[%dma_start3A_688] : memref<16777216xf32, #tpu.memory_space<hbm>> -> memref<16777216xf32, #tpu.memory_space<hbm>>
      tpu.enqueue_indirect_dma source(%dma_start3A_689 : memref<16777216xf32, #tpu.memory_space<hbm>>) target(%dma_start3A_685 : memref<128xf32, #tpu.memory_space<vmem>>) offsets(%dma_start3A_687 : memref<128xi32, #tpu.memory_space<vmem>>) semaphore(%arg18 : memref<!tpu.dma_semaphore, #tpu.memory_space<semaphore_mem>>)
      %dma_start3A_690 = arith.constant 1152 : i32
      %dma_start3A_691 = tpu.memref_slice %arg15[%dma_start3A_690] : memref<6144xf32, #tpu.memory_space<vmem>> -> memref<128xf32, #tpu.memory_space<vmem>>
      %dma_start3A_692 = arith.constant 128 : i32
      %dma_start3A_693 = tpu.memref_slice %arg13[%dma_start3A_692] : memref<1024xi32, #tpu.memory_space<vmem>> -> memref<128xi32, #tpu.memory_space<vmem>>
      %dma_start3A_694 = arith.constant 0 : i32
      %dma_start3A_695 = tpu.memref_slice %arg4[%dma_start3A_694] : memref<16777216xf32, #tpu.memory_space<hbm>> -> memref<16777216xf32, #tpu.memory_space<hbm>>
      tpu.enqueue_indirect_dma source(%dma_start3A_695 : memref<16777216xf32, #tpu.memory_space<hbm>>) target(%dma_start3A_691 : memref<128xf32, #tpu.memory_space<vmem>>) offsets(%dma_start3A_693 : memref<128xi32, #tpu.memory_space<vmem>>) semaphore(%arg18 : memref<!tpu.dma_semaphore, #tpu.memory_space<semaphore_mem>>)
      %dma_start3A_696 = arith.constant 2176 : i32
      %dma_start3A_697 = tpu.memref_slice %arg15[%dma_start3A_696] : memref<6144xf32, #tpu.memory_space<vmem>> -> memref<128xf32, #tpu.memory_space<vmem>>
      %dma_start3A_698 = arith.constant 128 : i32
      %dma_start3A_699 = tpu.memref_slice %arg13[%dma_start3A_698] : memref<1024xi32, #tpu.memory_space<vmem>> -> memref<128xi32, #tpu.memory_space<vmem>>
      %dma_start3A_700 = arith.constant 0 : i32
      %dma_start3A_701 = tpu.memref_slice %arg5[%dma_start3A_700] : memref<16777216xf32, #tpu.memory_space<hbm>> -> memref<16777216xf32, #tpu.memory_space<hbm>>
      tpu.enqueue_indirect_dma source(%dma_start3A_701 : memref<16777216xf32, #tpu.memory_space<hbm>>) target(%dma_start3A_697 : memref<128xf32, #tpu.memory_space<vmem>>) offsets(%dma_start3A_699 : memref<128xi32, #tpu.memory_space<vmem>>) semaphore(%arg18 : memref<!tpu.dma_semaphore, #tpu.memory_space<semaphore_mem>>)
      %dma_start3A_702 = arith.constant 3200 : i32
      %dma_start3A_703 = tpu.memref_slice %arg15[%dma_start3A_702] : memref<6144xf32, #tpu.memory_space<vmem>> -> memref<128xf32, #tpu.memory_space<vmem>>
      %dma_start3A_704 = arith.constant 128 : i32
      %dma_start3A_705 = tpu.memref_slice %arg13[%dma_start3A_704] : memref<1024xi32, #tpu.memory_space<vmem>> -> memref<128xi32, #tpu.memory_space<vmem>>
      %dma_start3A_706 = arith.constant 0 : i32
      %dma_start3A_707 = tpu.memref_slice %arg6[%dma_start3A_706] : memref<16777216xf32, #tpu.memory_space<hbm>> -> memref<16777216xf32, #tpu.memory_space<hbm>>
      tpu.enqueue_indirect_dma source(%dma_start3A_707 : memref<16777216xf32, #tpu.memory_space<hbm>>) target(%dma_start3A_703 : memref<128xf32, #tpu.memory_space<vmem>>) offsets(%dma_start3A_705 : memref<128xi32, #tpu.memory_space<vmem>>) semaphore(%arg18 : memref<!tpu.dma_semaphore, #tpu.memory_space<semaphore_mem>>)
      %dma_start3A_708 = arith.constant 4224 : i32
      %dma_start3A_709 = tpu.memref_slice %arg15[%dma_start3A_708] : memref<6144xf32, #tpu.memory_space<vmem>> -> memref<128xf32, #tpu.memory_space<vmem>>
      %dma_start3A_710 = arith.constant 128 : i32
      %dma_start3A_711 = tpu.memref_slice %arg13[%dma_start3A_710] : memref<1024xi32, #tpu.memory_space<vmem>> -> memref<128xi32, #tpu.memory_space<vmem>>
      %dma_start3A_712 = arith.constant 0 : i32
      %dma_start3A_713 = tpu.memref_slice %arg7[%dma_start3A_712] : memref<16777216xf32, #tpu.memory_space<hbm>> -> memref<16777216xf32, #tpu.memory_space<hbm>>
      tpu.enqueue_indirect_dma source(%dma_start3A_713 : memref<16777216xf32, #tpu.memory_space<hbm>>) target(%dma_start3A_709 : memref<128xf32, #tpu.memory_space<vmem>>) offsets(%dma_start3A_711 : memref<128xi32, #tpu.memory_space<vmem>>) semaphore(%arg18 : memref<!tpu.dma_semaphore, #tpu.memory_space<semaphore_mem>>)
      %dma_start3A_714 = arith.constant 5248 : i32
      %dma_start3A_715 = tpu.memref_slice %arg15[%dma_start3A_714] : memref<6144xf32, #tpu.memory_space<vmem>> -> memref<128xf32, #tpu.memory_space<vmem>>
      %dma_start3A_716 = arith.constant 128 : i32
      %dma_start3A_717 = tpu.memref_slice %arg13[%dma_start3A_716] : memref<1024xi32, #tpu.memory_space<vmem>> -> memref<128xi32, #tpu.memory_space<vmem>>
      %dma_start3A_718 = arith.constant 0 : i32
      %dma_start3A_719 = tpu.memref_slice %arg8[%dma_start3A_718] : memref<16777216xf32, #tpu.memory_space<hbm>> -> memref<16777216xf32, #tpu.memory_space<hbm>>
      tpu.enqueue_indirect_dma source(%dma_start3A_719 : memref<16777216xf32, #tpu.memory_space<hbm>>) target(%dma_start3A_715 : memref<128xf32, #tpu.memory_space<vmem>>) offsets(%dma_start3A_717 : memref<128xi32, #tpu.memory_space<vmem>>) semaphore(%arg18 : memref<!tpu.dma_semaphore, #tpu.memory_space<semaphore_mem>>)
      %dma_start3A_720 = arith.constant 256 : i32
      %dma_start3A_721 = tpu.memref_slice %arg15[%dma_start3A_720] : memref<6144xf32, #tpu.memory_space<vmem>> -> memref<128xf32, #tpu.memory_space<vmem>>
      %dma_start3A_722 = arith.constant 256 : i32
      %dma_start3A_723 = tpu.memref_slice %arg13[%dma_start3A_722] : memref<1024xi32, #tpu.memory_space<vmem>> -> memref<128xi32, #tpu.memory_space<vmem>>
      %dma_start3A_724 = arith.constant 0 : i32
      %dma_start3A_725 = tpu.memref_slice %arg3[%dma_start3A_724] : memref<16777216xf32, #tpu.memory_space<hbm>> -> memref<16777216xf32, #tpu.memory_space<hbm>>
      tpu.enqueue_indirect_dma source(%dma_start3A_725 : memref<16777216xf32, #tpu.memory_space<hbm>>) target(%dma_start3A_721 : memref<128xf32, #tpu.memory_space<vmem>>) offsets(%dma_start3A_723 : memref<128xi32, #tpu.memory_space<vmem>>) semaphore(%arg18 : memref<!tpu.dma_semaphore, #tpu.memory_space<semaphore_mem>>)
      %dma_start3A_726 = arith.constant 1280 : i32
      %dma_start3A_727 = tpu.memref_slice %arg15[%dma_start3A_726] : memref<6144xf32, #tpu.memory_space<vmem>> -> memref<128xf32, #tpu.memory_space<vmem>>
      %dma_start3A_728 = arith.constant 256 : i32
      %dma_start3A_729 = tpu.memref_slice %arg13[%dma_start3A_728] : memref<1024xi32, #tpu.memory_space<vmem>> -> memref<128xi32, #tpu.memory_space<vmem>>
      %dma_start3A_730 = arith.constant 0 : i32
      %dma_start3A_731 = tpu.memref_slice %arg4[%dma_start3A_730] : memref<16777216xf32, #tpu.memory_space<hbm>> -> memref<16777216xf32, #tpu.memory_space<hbm>>
      tpu.enqueue_indirect_dma source(%dma_start3A_731 : memref<16777216xf32, #tpu.memory_space<hbm>>) target(%dma_start3A_727 : memref<128xf32, #tpu.memory_space<vmem>>) offsets(%dma_start3A_729 : memref<128xi32, #tpu.memory_space<vmem>>) semaphore(%arg18 : memref<!tpu.dma_semaphore, #tpu.memory_space<semaphore_mem>>)
      %dma_start3A_732 = arith.constant 2304 : i32
      %dma_start3A_733 = tpu.memref_slice %arg15[%dma_start3A_732] : memref<6144xf32, #tpu.memory_space<vmem>> -> memref<128xf32, #tpu.memory_space<vmem>>
      %dma_start3A_734 = arith.constant 256 : i32
      %dma_start3A_735 = tpu.memref_slice %arg13[%dma_start3A_734] : memref<1024xi32, #tpu.memory_space<vmem>> -> memref<128xi32, #tpu.memory_space<vmem>>
      %dma_start3A_736 = arith.constant 0 : i32
      %dma_start3A_737 = tpu.memref_slice %arg5[%dma_start3A_736] : memref<16777216xf32, #tpu.memory_space<hbm>> -> memref<16777216xf32, #tpu.memory_space<hbm>>
      tpu.enqueue_indirect_dma source(%dma_start3A_737 : memref<16777216xf32, #tpu.memory_space<hbm>>) target(%dma_start3A_733 : memref<128xf32, #tpu.memory_space<vmem>>) offsets(%dma_start3A_735 : memref<128xi32, #tpu.memory_space<vmem>>) semaphore(%arg18 : memref<!tpu.dma_semaphore, #tpu.memory_space<semaphore_mem>>)
      %dma_start3A_738 = arith.constant 3328 : i32
      %dma_start3A_739 = tpu.memref_slice %arg15[%dma_start3A_738] : memref<6144xf32, #tpu.memory_space<vmem>> -> memref<128xf32, #tpu.memory_space<vmem>>
      %dma_start3A_740 = arith.constant 256 : i32
      %dma_start3A_741 = tpu.memref_slice %arg13[%dma_start3A_740] : memref<1024xi32, #tpu.memory_space<vmem>> -> memref<128xi32, #tpu.memory_space<vmem>>
      %dma_start3A_742 = arith.constant 0 : i32
      %dma_start3A_743 = tpu.memref_slice %arg6[%dma_start3A_742] : memref<16777216xf32, #tpu.memory_space<hbm>> -> memref<16777216xf32, #tpu.memory_space<hbm>>
      tpu.enqueue_indirect_dma source(%dma_start3A_743 : memref<16777216xf32, #tpu.memory_space<hbm>>) target(%dma_start3A_739 : memref<128xf32, #tpu.memory_space<vmem>>) offsets(%dma_start3A_741 : memref<128xi32, #tpu.memory_space<vmem>>) semaphore(%arg18 : memref<!tpu.dma_semaphore, #tpu.memory_space<semaphore_mem>>)
      %dma_start3A_744 = arith.constant 4352 : i32
      %dma_start3A_745 = tpu.memref_slice %arg15[%dma_start3A_744] : memref<6144xf32, #tpu.memory_space<vmem>> -> memref<128xf32, #tpu.memory_space<vmem>>
      %dma_start3A_746 = arith.constant 256 : i32
      %dma_start3A_747 = tpu.memref_slice %arg13[%dma_start3A_746] : memref<1024xi32, #tpu.memory_space<vmem>> -> memref<128xi32, #tpu.memory_space<vmem>>
      %dma_start3A_748 = arith.constant 0 : i32
      %dma_start3A_749 = tpu.memref_slice %arg7[%dma_start3A_748] : memref<16777216xf32, #tpu.memory_space<hbm>> -> memref<16777216xf32, #tpu.memory_space<hbm>>
      tpu.enqueue_indirect_dma source(%dma_start3A_749 : memref<16777216xf32, #tpu.memory_space<hbm>>) target(%dma_start3A_745 : memref<128xf32, #tpu.memory_space<vmem>>) offsets(%dma_start3A_747 : memref<128xi32, #tpu.memory_space<vmem>>) semaphore(%arg18 : memref<!tpu.dma_semaphore, #tpu.memory_space<semaphore_mem>>)
      %dma_start3A_750 = arith.constant 5376 : i32
      %dma_start3A_751 = tpu.memref_slice %arg15[%dma_start3A_750] : memref<6144xf32, #tpu.memory_space<vmem>> -> memref<128xf32, #tpu.memory_space<vmem>>
      %dma_start3A_752 = arith.constant 256 : i32
      %dma_start3A_753 = tpu.memref_slice %arg13[%dma_start3A_752] : memref<1024xi32, #tpu.memory_space<vmem>> -> memref<128xi32, #tpu.memory_space<vmem>>
      %dma_start3A_754 = arith.constant 0 : i32
      %dma_start3A_755 = tpu.memref_slice %arg8[%dma_start3A_754] : memref<16777216xf32, #tpu.memory_space<hbm>> -> memref<16777216xf32, #tpu.memory_space<hbm>>
      tpu.enqueue_indirect_dma source(%dma_start3A_755 : memref<16777216xf32, #tpu.memory_space<hbm>>) target(%dma_start3A_751 : memref<128xf32, #tpu.memory_space<vmem>>) offsets(%dma_start3A_753 : memref<128xi32, #tpu.memory_space<vmem>>) semaphore(%arg18 : memref<!tpu.dma_semaphore, #tpu.memory_space<semaphore_mem>>)
      %dma_start3A_756 = arith.constant 384 : i32
      %dma_start3A_757 = tpu.memref_slice %arg15[%dma_start3A_756] : memref<6144xf32, #tpu.memory_space<vmem>> -> memref<128xf32, #tpu.memory_space<vmem>>
      %dma_start3A_758 = arith.constant 384 : i32
      %dma_start3A_759 = tpu.memref_slice %arg13[%dma_start3A_758] : memref<1024xi32, #tpu.memory_space<vmem>> -> memref<128xi32, #tpu.memory_space<vmem>>
      %dma_start3A_760 = arith.constant 0 : i32
      %dma_start3A_761 = tpu.memref_slice %arg3[%dma_start3A_760] : memref<16777216xf32, #tpu.memory_space<hbm>> -> memref<16777216xf32, #tpu.memory_space<hbm>>
      tpu.enqueue_indirect_dma source(%dma_start3A_761 : memref<16777216xf32, #tpu.memory_space<hbm>>) target(%dma_start3A_757 : memref<128xf32, #tpu.memory_space<vmem>>) offsets(%dma_start3A_759 : memref<128xi32, #tpu.memory_space<vmem>>) semaphore(%arg18 : memref<!tpu.dma_semaphore, #tpu.memory_space<semaphore_mem>>)
      %dma_start3A_762 = arith.constant 1408 : i32
      %dma_start3A_763 = tpu.memref_slice %arg15[%dma_start3A_762] : memref<6144xf32, #tpu.memory_space<vmem>> -> memref<128xf32, #tpu.memory_space<vmem>>
      %dma_start3A_764 = arith.constant 384 : i32
      %dma_start3A_765 = tpu.memref_slice %arg13[%dma_start3A_764] : memref<1024xi32, #tpu.memory_space<vmem>> -> memref<128xi32, #tpu.memory_space<vmem>>
      %dma_start3A_766 = arith.constant 0 : i32
      %dma_start3A_767 = tpu.memref_slice %arg4[%dma_start3A_766] : memref<16777216xf32, #tpu.memory_space<hbm>> -> memref<16777216xf32, #tpu.memory_space<hbm>>
      tpu.enqueue_indirect_dma source(%dma_start3A_767 : memref<16777216xf32, #tpu.memory_space<hbm>>) target(%dma_start3A_763 : memref<128xf32, #tpu.memory_space<vmem>>) offsets(%dma_start3A_765 : memref<128xi32, #tpu.memory_space<vmem>>) semaphore(%arg18 : memref<!tpu.dma_semaphore, #tpu.memory_space<semaphore_mem>>)
      %dma_start3A_768 = arith.constant 2432 : i32
      %dma_start3A_769 = tpu.memref_slice %arg15[%dma_start3A_768] : memref<6144xf32, #tpu.memory_space<vmem>> -> memref<128xf32, #tpu.memory_space<vmem>>
      %dma_start3A_770 = arith.constant 384 : i32
      %dma_start3A_771 = tpu.memref_slice %arg13[%dma_start3A_770] : memref<1024xi32, #tpu.memory_space<vmem>> -> memref<128xi32, #tpu.memory_space<vmem>>
      %dma_start3A_772 = arith.constant 0 : i32
      %dma_start3A_773 = tpu.memref_slice %arg5[%dma_start3A_772] : memref<16777216xf32, #tpu.memory_space<hbm>> -> memref<16777216xf32, #tpu.memory_space<hbm>>
      tpu.enqueue_indirect_dma source(%dma_start3A_773 : memref<16777216xf32, #tpu.memory_space<hbm>>) target(%dma_start3A_769 : memref<128xf32, #tpu.memory_space<vmem>>) offsets(%dma_start3A_771 : memref<128xi32, #tpu.memory_space<vmem>>) semaphore(%arg18 : memref<!tpu.dma_semaphore, #tpu.memory_space<semaphore_mem>>)
      %dma_start3A_774 = arith.constant 3456 : i32
      %dma_start3A_775 = tpu.memref_slice %arg15[%dma_start3A_774] : memref<6144xf32, #tpu.memory_space<vmem>> -> memref<128xf32, #tpu.memory_space<vmem>>
      %dma_start3A_776 = arith.constant 384 : i32
      %dma_start3A_777 = tpu.memref_slice %arg13[%dma_start3A_776] : memref<1024xi32, #tpu.memory_space<vmem>> -> memref<128xi32, #tpu.memory_space<vmem>>
      %dma_start3A_778 = arith.constant 0 : i32
      %dma_start3A_779 = tpu.memref_slice %arg6[%dma_start3A_778] : memref<16777216xf32, #tpu.memory_space<hbm>> -> memref<16777216xf32, #tpu.memory_space<hbm>>
      tpu.enqueue_indirect_dma source(%dma_start3A_779 : memref<16777216xf32, #tpu.memory_space<hbm>>) target(%dma_start3A_775 : memref<128xf32, #tpu.memory_space<vmem>>) offsets(%dma_start3A_777 : memref<128xi32, #tpu.memory_space<vmem>>) semaphore(%arg18 : memref<!tpu.dma_semaphore, #tpu.memory_space<semaphore_mem>>)
      %dma_start3A_780 = arith.constant 4480 : i32
      %dma_start3A_781 = tpu.memref_slice %arg15[%dma_start3A_780] : memref<6144xf32, #tpu.memory_space<vmem>> -> memref<128xf32, #tpu.memory_space<vmem>>
      %dma_start3A_782 = arith.constant 384 : i32
      %dma_start3A_783 = tpu.memref_slice %arg13[%dma_start3A_782] : memref<1024xi32, #tpu.memory_space<vmem>> -> memref<128xi32, #tpu.memory_space<vmem>>
      %dma_start3A_784 = arith.constant 0 : i32
      %dma_start3A_785 = tpu.memref_slice %arg7[%dma_start3A_784] : memref<16777216xf32, #tpu.memory_space<hbm>> -> memref<16777216xf32, #tpu.memory_space<hbm>>
      tpu.enqueue_indirect_dma source(%dma_start3A_785 : memref<16777216xf32, #tpu.memory_space<hbm>>) target(%dma_start3A_781 : memref<128xf32, #tpu.memory_space<vmem>>) offsets(%dma_start3A_783 : memref<128xi32, #tpu.memory_space<vmem>>) semaphore(%arg18 : memref<!tpu.dma_semaphore, #tpu.memory_space<semaphore_mem>>)
      %dma_start3A_786 = arith.constant 5504 : i32
      %dma_start3A_787 = tpu.memref_slice %arg15[%dma_start3A_786] : memref<6144xf32, #tpu.memory_space<vmem>> -> memref<128xf32, #tpu.memory_space<vmem>>
      %dma_start3A_788 = arith.constant 384 : i32
      %dma_start3A_789 = tpu.memref_slice %arg13[%dma_start3A_788] : memref<1024xi32, #tpu.memory_space<vmem>> -> memref<128xi32, #tpu.memory_space<vmem>>
      %dma_start3A_790 = arith.constant 0 : i32
      %dma_start3A_791 = tpu.memref_slice %arg8[%dma_start3A_790] : memref<16777216xf32, #tpu.memory_space<hbm>> -> memref<16777216xf32, #tpu.memory_space<hbm>>
      tpu.enqueue_indirect_dma source(%dma_start3A_791 : memref<16777216xf32, #tpu.memory_space<hbm>>) target(%dma_start3A_787 : memref<128xf32, #tpu.memory_space<vmem>>) offsets(%dma_start3A_789 : memref<128xi32, #tpu.memory_space<vmem>>) semaphore(%arg18 : memref<!tpu.dma_semaphore, #tpu.memory_space<semaphore_mem>>)
      %dma_start3A_792 = arith.constant 512 : i32
      %dma_start3A_793 = tpu.memref_slice %arg15[%dma_start3A_792] : memref<6144xf32, #tpu.memory_space<vmem>> -> memref<128xf32, #tpu.memory_space<vmem>>
      %dma_start3A_794 = arith.constant 512 : i32
      %dma_start3A_795 = tpu.memref_slice %arg13[%dma_start3A_794] : memref<1024xi32, #tpu.memory_space<vmem>> -> memref<128xi32, #tpu.memory_space<vmem>>
      %dma_start3A_796 = arith.constant 0 : i32
      %dma_start3A_797 = tpu.memref_slice %arg3[%dma_start3A_796] : memref<16777216xf32, #tpu.memory_space<hbm>> -> memref<16777216xf32, #tpu.memory_space<hbm>>
      tpu.enqueue_indirect_dma source(%dma_start3A_797 : memref<16777216xf32, #tpu.memory_space<hbm>>) target(%dma_start3A_793 : memref<128xf32, #tpu.memory_space<vmem>>) offsets(%dma_start3A_795 : memref<128xi32, #tpu.memory_space<vmem>>) semaphore(%arg18 : memref<!tpu.dma_semaphore, #tpu.memory_space<semaphore_mem>>)
      %dma_start3A_798 = arith.constant 1536 : i32
      %dma_start3A_799 = tpu.memref_slice %arg15[%dma_start3A_798] : memref<6144xf32, #tpu.memory_space<vmem>> -> memref<128xf32, #tpu.memory_space<vmem>>
      %dma_start3A_800 = arith.constant 512 : i32
      %dma_start3A_801 = tpu.memref_slice %arg13[%dma_start3A_800] : memref<1024xi32, #tpu.memory_space<vmem>> -> memref<128xi32, #tpu.memory_space<vmem>>
      %dma_start3A_802 = arith.constant 0 : i32
      %dma_start3A_803 = tpu.memref_slice %arg4[%dma_start3A_802] : memref<16777216xf32, #tpu.memory_space<hbm>> -> memref<16777216xf32, #tpu.memory_space<hbm>>
      tpu.enqueue_indirect_dma source(%dma_start3A_803 : memref<16777216xf32, #tpu.memory_space<hbm>>) target(%dma_start3A_799 : memref<128xf32, #tpu.memory_space<vmem>>) offsets(%dma_start3A_801 : memref<128xi32, #tpu.memory_space<vmem>>) semaphore(%arg18 : memref<!tpu.dma_semaphore, #tpu.memory_space<semaphore_mem>>)
      %dma_start3A_804 = arith.constant 2560 : i32
      %dma_start3A_805 = tpu.memref_slice %arg15[%dma_start3A_804] : memref<6144xf32, #tpu.memory_space<vmem>> -> memref<128xf32, #tpu.memory_space<vmem>>
      %dma_start3A_806 = arith.constant 512 : i32
      %dma_start3A_807 = tpu.memref_slice %arg13[%dma_start3A_806] : memref<1024xi32, #tpu.memory_space<vmem>> -> memref<128xi32, #tpu.memory_space<vmem>>
      %dma_start3A_808 = arith.constant 0 : i32
      %dma_start3A_809 = tpu.memref_slice %arg5[%dma_start3A_808] : memref<16777216xf32, #tpu.memory_space<hbm>> -> memref<16777216xf32, #tpu.memory_space<hbm>>
      tpu.enqueue_indirect_dma source(%dma_start3A_809 : memref<16777216xf32, #tpu.memory_space<hbm>>) target(%dma_start3A_805 : memref<128xf32, #tpu.memory_space<vmem>>) offsets(%dma_start3A_807 : memref<128xi32, #tpu.memory_space<vmem>>) semaphore(%arg18 : memref<!tpu.dma_semaphore, #tpu.memory_space<semaphore_mem>>)
      %dma_start3A_810 = arith.constant 3584 : i32
      %dma_start3A_811 = tpu.memref_slice %arg15[%dma_start3A_810] : memref<6144xf32, #tpu.memory_space<vmem>> -> memref<128xf32, #tpu.memory_space<vmem>>
      %dma_start3A_812 = arith.constant 512 : i32
      %dma_start3A_813 = tpu.memref_slice %arg13[%dma_start3A_812] : memref<1024xi32, #tpu.memory_space<vmem>> -> memref<128xi32, #tpu.memory_space<vmem>>
      %dma_start3A_814 = arith.constant 0 : i32
      %dma_start3A_815 = tpu.memref_slice %arg6[%dma_start3A_814] : memref<16777216xf32, #tpu.memory_space<hbm>> -> memref<16777216xf32, #tpu.memory_space<hbm>>
      tpu.enqueue_indirect_dma source(%dma_start3A_815 : memref<16777216xf32, #tpu.memory_space<hbm>>) target(%dma_start3A_811 : memref<128xf32, #tpu.memory_space<vmem>>) offsets(%dma_start3A_813 : memref<128xi32, #tpu.memory_space<vmem>>) semaphore(%arg18 : memref<!tpu.dma_semaphore, #tpu.memory_space<semaphore_mem>>)
      %dma_start3A_816 = arith.constant 4608 : i32
      %dma_start3A_817 = tpu.memref_slice %arg15[%dma_start3A_816] : memref<6144xf32, #tpu.memory_space<vmem>> -> memref<128xf32, #tpu.memory_space<vmem>>
      %dma_start3A_818 = arith.constant 512 : i32
      %dma_start3A_819 = tpu.memref_slice %arg13[%dma_start3A_818] : memref<1024xi32, #tpu.memory_space<vmem>> -> memref<128xi32, #tpu.memory_space<vmem>>
      %dma_start3A_820 = arith.constant 0 : i32
      %dma_start3A_821 = tpu.memref_slice %arg7[%dma_start3A_820] : memref<16777216xf32, #tpu.memory_space<hbm>> -> memref<16777216xf32, #tpu.memory_space<hbm>>
      tpu.enqueue_indirect_dma source(%dma_start3A_821 : memref<16777216xf32, #tpu.memory_space<hbm>>) target(%dma_start3A_817 : memref<128xf32, #tpu.memory_space<vmem>>) offsets(%dma_start3A_819 : memref<128xi32, #tpu.memory_space<vmem>>) semaphore(%arg18 : memref<!tpu.dma_semaphore, #tpu.memory_space<semaphore_mem>>)
      %dma_start3A_822 = arith.constant 5632 : i32
      %dma_start3A_823 = tpu.memref_slice %arg15[%dma_start3A_822] : memref<6144xf32, #tpu.memory_space<vmem>> -> memref<128xf32, #tpu.memory_space<vmem>>
      %dma_start3A_824 = arith.constant 512 : i32
      %dma_start3A_825 = tpu.memref_slice %arg13[%dma_start3A_824] : memref<1024xi32, #tpu.memory_space<vmem>> -> memref<128xi32, #tpu.memory_space<vmem>>
      %dma_start3A_826 = arith.constant 0 : i32
      %dma_start3A_827 = tpu.memref_slice %arg8[%dma_start3A_826] : memref<16777216xf32, #tpu.memory_space<hbm>> -> memref<16777216xf32, #tpu.memory_space<hbm>>
      tpu.enqueue_indirect_dma source(%dma_start3A_827 : memref<16777216xf32, #tpu.memory_space<hbm>>) target(%dma_start3A_823 : memref<128xf32, #tpu.memory_space<vmem>>) offsets(%dma_start3A_825 : memref<128xi32, #tpu.memory_space<vmem>>) semaphore(%arg18 : memref<!tpu.dma_semaphore, #tpu.memory_space<semaphore_mem>>)
      %dma_start3A_828 = arith.constant 640 : i32
      %dma_start3A_829 = tpu.memref_slice %arg15[%dma_start3A_828] : memref<6144xf32, #tpu.memory_space<vmem>> -> memref<128xf32, #tpu.memory_space<vmem>>
      %dma_start3A_830 = arith.constant 640 : i32
      %dma_start3A_831 = tpu.memref_slice %arg13[%dma_start3A_830] : memref<1024xi32, #tpu.memory_space<vmem>> -> memref<128xi32, #tpu.memory_space<vmem>>
      %dma_start3A_832 = arith.constant 0 : i32
      %dma_start3A_833 = tpu.memref_slice %arg3[%dma_start3A_832] : memref<16777216xf32, #tpu.memory_space<hbm>> -> memref<16777216xf32, #tpu.memory_space<hbm>>
      tpu.enqueue_indirect_dma source(%dma_start3A_833 : memref<16777216xf32, #tpu.memory_space<hbm>>) target(%dma_start3A_829 : memref<128xf32, #tpu.memory_space<vmem>>) offsets(%dma_start3A_831 : memref<128xi32, #tpu.memory_space<vmem>>) semaphore(%arg18 : memref<!tpu.dma_semaphore, #tpu.memory_space<semaphore_mem>>)
      %dma_start3A_834 = arith.constant 1664 : i32
      %dma_start3A_835 = tpu.memref_slice %arg15[%dma_start3A_834] : memref<6144xf32, #tpu.memory_space<vmem>> -> memref<128xf32, #tpu.memory_space<vmem>>
      %dma_start3A_836 = arith.constant 640 : i32
      %dma_start3A_837 = tpu.memref_slice %arg13[%dma_start3A_836] : memref<1024xi32, #tpu.memory_space<vmem>> -> memref<128xi32, #tpu.memory_space<vmem>>
      %dma_start3A_838 = arith.constant 0 : i32
      %dma_start3A_839 = tpu.memref_slice %arg4[%dma_start3A_838] : memref<16777216xf32, #tpu.memory_space<hbm>> -> memref<16777216xf32, #tpu.memory_space<hbm>>
      tpu.enqueue_indirect_dma source(%dma_start3A_839 : memref<16777216xf32, #tpu.memory_space<hbm>>) target(%dma_start3A_835 : memref<128xf32, #tpu.memory_space<vmem>>) offsets(%dma_start3A_837 : memref<128xi32, #tpu.memory_space<vmem>>) semaphore(%arg18 : memref<!tpu.dma_semaphore, #tpu.memory_space<semaphore_mem>>)
      %dma_start3A_840 = arith.constant 2688 : i32
      %dma_start3A_841 = tpu.memref_slice %arg15[%dma_start3A_840] : memref<6144xf32, #tpu.memory_space<vmem>> -> memref<128xf32, #tpu.memory_space<vmem>>
      %dma_start3A_842 = arith.constant 640 : i32
      %dma_start3A_843 = tpu.memref_slice %arg13[%dma_start3A_842] : memref<1024xi32, #tpu.memory_space<vmem>> -> memref<128xi32, #tpu.memory_space<vmem>>
      %dma_start3A_844 = arith.constant 0 : i32
      %dma_start3A_845 = tpu.memref_slice %arg5[%dma_start3A_844] : memref<16777216xf32, #tpu.memory_space<hbm>> -> memref<16777216xf32, #tpu.memory_space<hbm>>
      tpu.enqueue_indirect_dma source(%dma_start3A_845 : memref<16777216xf32, #tpu.memory_space<hbm>>) target(%dma_start3A_841 : memref<128xf32, #tpu.memory_space<vmem>>) offsets(%dma_start3A_843 : memref<128xi32, #tpu.memory_space<vmem>>) semaphore(%arg18 : memref<!tpu.dma_semaphore, #tpu.memory_space<semaphore_mem>>)
      %dma_start3A_846 = arith.constant 3712 : i32
      %dma_start3A_847 = tpu.memref_slice %arg15[%dma_start3A_846] : memref<6144xf32, #tpu.memory_space<vmem>> -> memref<128xf32, #tpu.memory_space<vmem>>
      %dma_start3A_848 = arith.constant 640 : i32
      %dma_start3A_849 = tpu.memref_slice %arg13[%dma_start3A_848] : memref<1024xi32, #tpu.memory_space<vmem>> -> memref<128xi32, #tpu.memory_space<vmem>>
      %dma_start3A_850 = arith.constant 0 : i32
      %dma_start3A_851 = tpu.memref_slice %arg6[%dma_start3A_850] : memref<16777216xf32, #tpu.memory_space<hbm>> -> memref<16777216xf32, #tpu.memory_space<hbm>>
      tpu.enqueue_indirect_dma source(%dma_start3A_851 : memref<16777216xf32, #tpu.memory_space<hbm>>) target(%dma_start3A_847 : memref<128xf32, #tpu.memory_space<vmem>>) offsets(%dma_start3A_849 : memref<128xi32, #tpu.memory_space<vmem>>) semaphore(%arg18 : memref<!tpu.dma_semaphore, #tpu.memory_space<semaphore_mem>>)
      %dma_start3A_852 = arith.constant 4736 : i32
      %dma_start3A_853 = tpu.memref_slice %arg15[%dma_start3A_852] : memref<6144xf32, #tpu.memory_space<vmem>> -> memref<128xf32, #tpu.memory_space<vmem>>
      %dma_start3A_854 = arith.constant 640 : i32
      %dma_start3A_855 = tpu.memref_slice %arg13[%dma_start3A_854] : memref<1024xi32, #tpu.memory_space<vmem>> -> memref<128xi32, #tpu.memory_space<vmem>>
      %dma_start3A_856 = arith.constant 0 : i32
      %dma_start3A_857 = tpu.memref_slice %arg7[%dma_start3A_856] : memref<16777216xf32, #tpu.memory_space<hbm>> -> memref<16777216xf32, #tpu.memory_space<hbm>>
      tpu.enqueue_indirect_dma source(%dma_start3A_857 : memref<16777216xf32, #tpu.memory_space<hbm>>) target(%dma_start3A_853 : memref<128xf32, #tpu.memory_space<vmem>>) offsets(%dma_start3A_855 : memref<128xi32, #tpu.memory_space<vmem>>) semaphore(%arg18 : memref<!tpu.dma_semaphore, #tpu.memory_space<semaphore_mem>>)
      %dma_start3A_858 = arith.constant 5760 : i32
      %dma_start3A_859 = tpu.memref_slice %arg15[%dma_start3A_858] : memref<6144xf32, #tpu.memory_space<vmem>> -> memref<128xf32, #tpu.memory_space<vmem>>
      %dma_start3A_860 = arith.constant 640 : i32
      %dma_start3A_861 = tpu.memref_slice %arg13[%dma_start3A_860] : memref<1024xi32, #tpu.memory_space<vmem>> -> memref<128xi32, #tpu.memory_space<vmem>>
      %dma_start3A_862 = arith.constant 0 : i32
      %dma_start3A_863 = tpu.memref_slice %arg8[%dma_start3A_862] : memref<16777216xf32, #tpu.memory_space<hbm>> -> memref<16777216xf32, #tpu.memory_space<hbm>>
      tpu.enqueue_indirect_dma source(%dma_start3A_863 : memref<16777216xf32, #tpu.memory_space<hbm>>) target(%dma_start3A_859 : memref<128xf32, #tpu.memory_space<vmem>>) offsets(%dma_start3A_861 : memref<128xi32, #tpu.memory_space<vmem>>) semaphore(%arg18 : memref<!tpu.dma_semaphore, #tpu.memory_space<semaphore_mem>>)
      %dma_start3A_864 = arith.constant 768 : i32
      %dma_start3A_865 = tpu.memref_slice %arg15[%dma_start3A_864] : memref<6144xf32, #tpu.memory_space<vmem>> -> memref<128xf32, #tpu.memory_space<vmem>>
      %dma_start3A_866 = arith.constant 768 : i32
      %dma_start3A_867 = tpu.memref_slice %arg13[%dma_start3A_866] : memref<1024xi32, #tpu.memory_space<vmem>> -> memref<128xi32, #tpu.memory_space<vmem>>
      %dma_start3A_868 = arith.constant 0 : i32
      %dma_start3A_869 = tpu.memref_slice %arg3[%dma_start3A_868] : memref<16777216xf32, #tpu.memory_space<hbm>> -> memref<16777216xf32, #tpu.memory_space<hbm>>
      tpu.enqueue_indirect_dma source(%dma_start3A_869 : memref<16777216xf32, #tpu.memory_space<hbm>>) target(%dma_start3A_865 : memref<128xf32, #tpu.memory_space<vmem>>) offsets(%dma_start3A_867 : memref<128xi32, #tpu.memory_space<vmem>>) semaphore(%arg18 : memref<!tpu.dma_semaphore, #tpu.memory_space<semaphore_mem>>)
      %dma_start3A_870 = arith.constant 1792 : i32
      %dma_start3A_871 = tpu.memref_slice %arg15[%dma_start3A_870] : memref<6144xf32, #tpu.memory_space<vmem>> -> memref<128xf32, #tpu.memory_space<vmem>>
      %dma_start3A_872 = arith.constant 768 : i32
      %dma_start3A_873 = tpu.memref_slice %arg13[%dma_start3A_872] : memref<1024xi32, #tpu.memory_space<vmem>> -> memref<128xi32, #tpu.memory_space<vmem>>
      %dma_start3A_874 = arith.constant 0 : i32
      %dma_start3A_875 = tpu.memref_slice %arg4[%dma_start3A_874] : memref<16777216xf32, #tpu.memory_space<hbm>> -> memref<16777216xf32, #tpu.memory_space<hbm>>
      tpu.enqueue_indirect_dma source(%dma_start3A_875 : memref<16777216xf32, #tpu.memory_space<hbm>>) target(%dma_start3A_871 : memref<128xf32, #tpu.memory_space<vmem>>) offsets(%dma_start3A_873 : memref<128xi32, #tpu.memory_space<vmem>>) semaphore(%arg18 : memref<!tpu.dma_semaphore, #tpu.memory_space<semaphore_mem>>)
      %dma_start3A_876 = arith.constant 2816 : i32
      %dma_start3A_877 = tpu.memref_slice %arg15[%dma_start3A_876] : memref<6144xf32, #tpu.memory_space<vmem>> -> memref<128xf32, #tpu.memory_space<vmem>>
      %dma_start3A_878 = arith.constant 768 : i32
      %dma_start3A_879 = tpu.memref_slice %arg13[%dma_start3A_878] : memref<1024xi32, #tpu.memory_space<vmem>> -> memref<128xi32, #tpu.memory_space<vmem>>
      %dma_start3A_880 = arith.constant 0 : i32
      %dma_start3A_881 = tpu.memref_slice %arg5[%dma_start3A_880] : memref<16777216xf32, #tpu.memory_space<hbm>> -> memref<16777216xf32, #tpu.memory_space<hbm>>
      tpu.enqueue_indirect_dma source(%dma_start3A_881 : memref<16777216xf32, #tpu.memory_space<hbm>>) target(%dma_start3A_877 : memref<128xf32, #tpu.memory_space<vmem>>) offsets(%dma_start3A_879 : memref<128xi32, #tpu.memory_space<vmem>>) semaphore(%arg18 : memref<!tpu.dma_semaphore, #tpu.memory_space<semaphore_mem>>)
      %dma_start3A_882 = arith.constant 3840 : i32
      %dma_start3A_883 = tpu.memref_slice %arg15[%dma_start3A_882] : memref<6144xf32, #tpu.memory_space<vmem>> -> memref<128xf32, #tpu.memory_space<vmem>>
      %dma_start3A_884 = arith.constant 768 : i32
      %dma_start3A_885 = tpu.memref_slice %arg13[%dma_start3A_884] : memref<1024xi32, #tpu.memory_space<vmem>> -> memref<128xi32, #tpu.memory_space<vmem>>
      %dma_start3A_886 = arith.constant 0 : i32
      %dma_start3A_887 = tpu.memref_slice %arg6[%dma_start3A_886] : memref<16777216xf32, #tpu.memory_space<hbm>> -> memref<16777216xf32, #tpu.memory_space<hbm>>
      tpu.enqueue_indirect_dma source(%dma_start3A_887 : memref<16777216xf32, #tpu.memory_space<hbm>>) target(%dma_start3A_883 : memref<128xf32, #tpu.memory_space<vmem>>) offsets(%dma_start3A_885 : memref<128xi32, #tpu.memory_space<vmem>>) semaphore(%arg18 : memref<!tpu.dma_semaphore, #tpu.memory_space<semaphore_mem>>)
      %dma_start3A_888 = arith.constant 4864 : i32
      %dma_start3A_889 = tpu.memref_slice %arg15[%dma_start3A_888] : memref<6144xf32, #tpu.memory_space<vmem>> -> memref<128xf32, #tpu.memory_space<vmem>>
      %dma_start3A_890 = arith.constant 768 : i32
      %dma_start3A_891 = tpu.memref_slice %arg13[%dma_start3A_890] : memref<1024xi32, #tpu.memory_space<vmem>> -> memref<128xi32, #tpu.memory_space<vmem>>
      %dma_start3A_892 = arith.constant 0 : i32
      %dma_start3A_893 = tpu.memref_slice %arg7[%dma_start3A_892] : memref<16777216xf32, #tpu.memory_space<hbm>> -> memref<16777216xf32, #tpu.memory_space<hbm>>
      tpu.enqueue_indirect_dma source(%dma_start3A_893 : memref<16777216xf32, #tpu.memory_space<hbm>>) target(%dma_start3A_889 : memref<128xf32, #tpu.memory_space<vmem>>) offsets(%dma_start3A_891 : memref<128xi32, #tpu.memory_space<vmem>>) semaphore(%arg18 : memref<!tpu.dma_semaphore, #tpu.memory_space<semaphore_mem>>)
      %dma_start3A_894 = arith.constant 5888 : i32
      %dma_start3A_895 = tpu.memref_slice %arg15[%dma_start3A_894] : memref<6144xf32, #tpu.memory_space<vmem>> -> memref<128xf32, #tpu.memory_space<vmem>>
      %dma_start3A_896 = arith.constant 768 : i32
      %dma_start3A_897 = tpu.memref_slice %arg13[%dma_start3A_896] : memref<1024xi32, #tpu.memory_space<vmem>> -> memref<128xi32, #tpu.memory_space<vmem>>
      %dma_start3A_898 = arith.constant 0 : i32
      %dma_start3A_899 = tpu.memref_slice %arg8[%dma_start3A_898] : memref<16777216xf32, #tpu.memory_space<hbm>> -> memref<16777216xf32, #tpu.memory_space<hbm>>
      tpu.enqueue_indirect_dma source(%dma_start3A_899 : memref<16777216xf32, #tpu.memory_space<hbm>>) target(%dma_start3A_895 : memref<128xf32, #tpu.memory_space<vmem>>) offsets(%dma_start3A_897 : memref<128xi32, #tpu.memory_space<vmem>>) semaphore(%arg18 : memref<!tpu.dma_semaphore, #tpu.memory_space<semaphore_mem>>)
      %dma_start3A_900 = arith.constant 896 : i32
      %dma_start3A_901 = tpu.memref_slice %arg15[%dma_start3A_900] : memref<6144xf32, #tpu.memory_space<vmem>> -> memref<128xf32, #tpu.memory_space<vmem>>
      %dma_start3A_902 = arith.constant 896 : i32
      %dma_start3A_903 = tpu.memref_slice %arg13[%dma_start3A_902] : memref<1024xi32, #tpu.memory_space<vmem>> -> memref<128xi32, #tpu.memory_space<vmem>>
      %dma_start3A_904 = arith.constant 0 : i32
      %dma_start3A_905 = tpu.memref_slice %arg3[%dma_start3A_904] : memref<16777216xf32, #tpu.memory_space<hbm>> -> memref<16777216xf32, #tpu.memory_space<hbm>>
      tpu.enqueue_indirect_dma source(%dma_start3A_905 : memref<16777216xf32, #tpu.memory_space<hbm>>) target(%dma_start3A_901 : memref<128xf32, #tpu.memory_space<vmem>>) offsets(%dma_start3A_903 : memref<128xi32, #tpu.memory_space<vmem>>) semaphore(%arg18 : memref<!tpu.dma_semaphore, #tpu.memory_space<semaphore_mem>>)
      %dma_start3A_906 = arith.constant 1920 : i32
      %dma_start3A_907 = tpu.memref_slice %arg15[%dma_start3A_906] : memref<6144xf32, #tpu.memory_space<vmem>> -> memref<128xf32, #tpu.memory_space<vmem>>
      %dma_start3A_908 = arith.constant 896 : i32
      %dma_start3A_909 = tpu.memref_slice %arg13[%dma_start3A_908] : memref<1024xi32, #tpu.memory_space<vmem>> -> memref<128xi32, #tpu.memory_space<vmem>>
      %dma_start3A_910 = arith.constant 0 : i32
      %dma_start3A_911 = tpu.memref_slice %arg4[%dma_start3A_910] : memref<16777216xf32, #tpu.memory_space<hbm>> -> memref<16777216xf32, #tpu.memory_space<hbm>>
      tpu.enqueue_indirect_dma source(%dma_start3A_911 : memref<16777216xf32, #tpu.memory_space<hbm>>) target(%dma_start3A_907 : memref<128xf32, #tpu.memory_space<vmem>>) offsets(%dma_start3A_909 : memref<128xi32, #tpu.memory_space<vmem>>) semaphore(%arg18 : memref<!tpu.dma_semaphore, #tpu.memory_space<semaphore_mem>>)
      %dma_start3A_912 = arith.constant 2944 : i32
      %dma_start3A_913 = tpu.memref_slice %arg15[%dma_start3A_912] : memref<6144xf32, #tpu.memory_space<vmem>> -> memref<128xf32, #tpu.memory_space<vmem>>
      %dma_start3A_914 = arith.constant 896 : i32
      %dma_start3A_915 = tpu.memref_slice %arg13[%dma_start3A_914] : memref<1024xi32, #tpu.memory_space<vmem>> -> memref<128xi32, #tpu.memory_space<vmem>>
      %dma_start3A_916 = arith.constant 0 : i32
      %dma_start3A_917 = tpu.memref_slice %arg5[%dma_start3A_916] : memref<16777216xf32, #tpu.memory_space<hbm>> -> memref<16777216xf32, #tpu.memory_space<hbm>>
      tpu.enqueue_indirect_dma source(%dma_start3A_917 : memref<16777216xf32, #tpu.memory_space<hbm>>) target(%dma_start3A_913 : memref<128xf32, #tpu.memory_space<vmem>>) offsets(%dma_start3A_915 : memref<128xi32, #tpu.memory_space<vmem>>) semaphore(%arg18 : memref<!tpu.dma_semaphore, #tpu.memory_space<semaphore_mem>>)
      %dma_start3A_918 = arith.constant 3968 : i32
      %dma_start3A_919 = tpu.memref_slice %arg15[%dma_start3A_918] : memref<6144xf32, #tpu.memory_space<vmem>> -> memref<128xf32, #tpu.memory_space<vmem>>
      %dma_start3A_920 = arith.constant 896 : i32
      %dma_start3A_921 = tpu.memref_slice %arg13[%dma_start3A_920] : memref<1024xi32, #tpu.memory_space<vmem>> -> memref<128xi32, #tpu.memory_space<vmem>>
      %dma_start3A_922 = arith.constant 0 : i32
      %dma_start3A_923 = tpu.memref_slice %arg6[%dma_start3A_922] : memref<16777216xf32, #tpu.memory_space<hbm>> -> memref<16777216xf32, #tpu.memory_space<hbm>>
      tpu.enqueue_indirect_dma source(%dma_start3A_923 : memref<16777216xf32, #tpu.memory_space<hbm>>) target(%dma_start3A_919 : memref<128xf32, #tpu.memory_space<vmem>>) offsets(%dma_start3A_921 : memref<128xi32, #tpu.memory_space<vmem>>) semaphore(%arg18 : memref<!tpu.dma_semaphore, #tpu.memory_space<semaphore_mem>>)
      %dma_start3A_924 = arith.constant 4992 : i32
      %dma_start3A_925 = tpu.memref_slice %arg15[%dma_start3A_924] : memref<6144xf32, #tpu.memory_space<vmem>> -> memref<128xf32, #tpu.memory_space<vmem>>
      %dma_start3A_926 = arith.constant 896 : i32
      %dma_start3A_927 = tpu.memref_slice %arg13[%dma_start3A_926] : memref<1024xi32, #tpu.memory_space<vmem>> -> memref<128xi32, #tpu.memory_space<vmem>>
      %dma_start3A_928 = arith.constant 0 : i32
      %dma_start3A_929 = tpu.memref_slice %arg7[%dma_start3A_928] : memref<16777216xf32, #tpu.memory_space<hbm>> -> memref<16777216xf32, #tpu.memory_space<hbm>>
      tpu.enqueue_indirect_dma source(%dma_start3A_929 : memref<16777216xf32, #tpu.memory_space<hbm>>) target(%dma_start3A_925 : memref<128xf32, #tpu.memory_space<vmem>>) offsets(%dma_start3A_927 : memref<128xi32, #tpu.memory_space<vmem>>) semaphore(%arg18 : memref<!tpu.dma_semaphore, #tpu.memory_space<semaphore_mem>>)
      %dma_start3A_930 = arith.constant 6016 : i32
      %dma_start3A_931 = tpu.memref_slice %arg15[%dma_start3A_930] : memref<6144xf32, #tpu.memory_space<vmem>> -> memref<128xf32, #tpu.memory_space<vmem>>
      %dma_start3A_932 = arith.constant 896 : i32
      %dma_start3A_933 = tpu.memref_slice %arg13[%dma_start3A_932] : memref<1024xi32, #tpu.memory_space<vmem>> -> memref<128xi32, #tpu.memory_space<vmem>>
      %dma_start3A_934 = arith.constant 0 : i32
      %dma_start3A_935 = tpu.memref_slice %arg8[%dma_start3A_934] : memref<16777216xf32, #tpu.memory_space<hbm>> -> memref<16777216xf32, #tpu.memory_space<hbm>>
      tpu.enqueue_indirect_dma source(%dma_start3A_935 : memref<16777216xf32, #tpu.memory_space<hbm>>) target(%dma_start3A_931 : memref<128xf32, #tpu.memory_space<vmem>>) offsets(%dma_start3A_933 : memref<128xi32, #tpu.memory_space<vmem>>) semaphore(%arg18 : memref<!tpu.dma_semaphore, #tpu.memory_space<semaphore_mem>>)
      %dma_wait3A_936 = arith.constant 0 : i32
      %dma_wait3A_937 = tpu.memref_slice %arg2[%dma_wait3A_936] : memref<3145728xf32, #tpu.memory_space<hbm>> -> memref<6144xf32, #tpu.memory_space<hbm>>
      %dma_wait3A_938 = arith.constant 0 : i32
      %dma_wait3A_939 = tpu.memref_slice %arg2[%dma_wait3A_938] : memref<3145728xf32, #tpu.memory_space<hbm>> -> memref<6144xf32, #tpu.memory_space<hbm>>
      tpu.wait_dma2 semaphore(%arg17 : memref<!tpu.dma_semaphore, #tpu.memory_space<semaphore_mem>>) src(%dma_wait3A_939 : memref<6144xf32, #tpu.memory_space<hbm>>) dst(%arg14 : memref<6144xf32, #tpu.memory_space<vmem>>)
      %sub3A = arith.constant 1 : i32
      %sub3A_940 = arith.subi %add3A_635, %sub3A : i32
      %scan3A_941 = arith.constant 0 : i32
      %scan3A_942 = arith.constant 64 : i32
      %scan3A_943 = arith.addi %scan3A_941, %scan3A_942 : i32
      %scan3A_944 = arith.constant 1 : i32
      scf.for %scan3A_1273 = %scan3A_941 to %scan3A_943 step %scan3A_944  : i32 {
        %mul3A_1274 = arith.constant 48 : i32
        %mul3A_1275 = arith.muli %scan3A_1273, %mul3A_1274 : i32
        %mul3A_1276 = arith.constant 3 : i32
        %mul3A_1277 = vector.broadcast %mul3A_1276 : i32 to vector<16xi32>
        %mul3A_1278 = arith.muli %iota3A, %mul3A_1277 : vector<16xi32>
        %add3A_1279 = vector.broadcast %mul3A_1275 : i32 to vector<16xi32>
        %add3A_1280 = arith.addi %add3A_1279, %mul3A_1278 : vector<16xi32>
        %add3A_1281 = arith.constant 0 : i32
        %add3A_1282 = vector.broadcast %add3A_1281 : i32 to vector<16xi32>
        %add3A_1283 = arith.addi %add3A_1280, %add3A_1282 : vector<16xi32>
        %gather3A = tpu.vector_load_idx %arg10[%add3A_1283] : memref<3072xf32, #tpu.memory_space<vmem>>[vector<16xi32>], vector<16xf32>,
        %mul3A_1284 = arith.constant 16 : i32
        %mul3A_1285 = arith.muli %scan3A_1273, %mul3A_1284 : i32
        %add3A_1286 = arith.constant 0 : i32
        %add3A_1287 = arith.addi %add3A_1286, %mul3A_1285 : i32
        %get3A = arith.index_cast %add3A_1287 : i32 to index
        %get3A_1288 = tpu.vector_load %arg14[%get3A] {strides = array<i32>} : memref<6144xf32, #tpu.memory_space<vmem>>, vector<16xf32>,
        %mul3A_1289 = arith.constant 16 : i32
        %mul3A_1290 = arith.muli %scan3A_1273, %mul3A_1289 : i32
        %add3A_1291 = arith.constant 3072 : i32
        %add3A_1292 = arith.addi %add3A_1291, %mul3A_1290 : i32
        %get3A_1293 = arith.index_cast %add3A_1292 : i32 to index
        %get3A_1294 = tpu.vector_load %arg14[%get3A_1293] {strides = array<i32>} : memref<6144xf32, #tpu.memory_space<vmem>>, vector<16xf32>,
        %add3A_1295 = arith.constant 0 : i32
        %add3A_1296 = vector.broadcast %add3A_1295 : i32 to vector<16xi32>
        %add3A_1297 = arith.addi %add3A_1280, %add3A_1296 : vector<16xi32>
        %mul3A_1298 = arith.mulf %gather3A, %get3A_1288 : vector<16xf32>
        %add3A_1299 = arith.addf %mul3A_1298, %get3A_1294 : vector<16xf32>
        %add3A_1300 = arith.addf %add3A_1299, %add3A_1299 : vector<16xf32>
        %exp3A = math.exp %add3A_1300 : vector<16xf32>
        %add3A_1301 = arith.constant 1.000000e+00 : f32
        %add3A_1302 = vector.broadcast %add3A_1301 : f32 to vector<16xf32>
        %add3A_1303 = arith.addf %exp3A, %add3A_1302 : vector<16xf32>
        %div3A = arith.constant 2.000000e+00 : f32
        %div3A_1304 = vector.broadcast %div3A : f32 to vector<16xf32>
        %div3A_1305 = arith.divf %div3A_1304, %add3A_1303 : vector<16xf32>
        %sub3A_1306 = arith.constant 1.000000e+00 : f32
        %sub3A_1307 = vector.broadcast %sub3A_1306 : f32 to vector<16xf32>
        %sub3A_1308 = arith.subf %sub3A_1307, %div3A_1305 : vector<16xf32>
        tpu.vector_store_idx %arg16[%add3A_1297], %sub3A_1308 : memref<3072xf32, #tpu.memory_space<vmem>>[vector<16xi32>], vector<16xf32>,
        %add3A_1309 = arith.constant 1 : i32
        %add3A_1310 = vector.broadcast %add3A_1309 : i32 to vector<16xi32>
        %add3A_1311 = arith.addi %add3A_1280, %add3A_1310 : vector<16xi32>
        %gather3A_1312 = tpu.vector_load_idx %arg10[%add3A_1311] : memref<3072xf32, #tpu.memory_space<vmem>>[vector<16xi32>], vector<16xf32>,
        %mul3A_1313 = arith.constant 16 : i32
        %mul3A_1314 = arith.muli %scan3A_1273, %mul3A_1313 : i32
        %add3A_1315 = arith.constant 1024 : i32
        %add3A_1316 = arith.addi %add3A_1315, %mul3A_1314 : i32
        %get3A_1317 = arith.index_cast %add3A_1316 : i32 to index
        %get3A_1318 = tpu.vector_load %arg14[%get3A_1317] {strides = array<i32>} : memref<6144xf32, #tpu.memory_space<vmem>>, vector<16xf32>,
        %mul3A_1319 = arith.constant 16 : i32
        %mul3A_1320 = arith.muli %scan3A_1273, %mul3A_1319 : i32
        %add3A_1321 = arith.constant 4096 : i32
        %add3A_1322 = arith.addi %add3A_1321, %mul3A_1320 : i32
        %get3A_1323 = arith.index_cast %add3A_1322 : i32 to index
        %get3A_1324 = tpu.vector_load %arg14[%get3A_1323] {strides = array<i32>} : memref<6144xf32, #tpu.memory_space<vmem>>, vector<16xf32>,
        %add3A_1325 = arith.constant 1 : i32
        %add3A_1326 = vector.broadcast %add3A_1325 : i32 to vector<16xi32>
        %add3A_1327 = arith.addi %add3A_1280, %add3A_1326 : vector<16xi32>
        %mul3A_1328 = arith.mulf %gather3A_1312, %get3A_1318 : vector<16xf32>
        %add3A_1329 = arith.addf %mul3A_1328, %get3A_1324 : vector<16xf32>
        %add3A_1330 = arith.addf %add3A_1329, %add3A_1329 : vector<16xf32>
        %exp3A_1331 = math.exp %add3A_1330 : vector<16xf32>
        %add3A_1332 = arith.constant 1.000000e+00 : f32
        %add3A_1333 = vector.broadcast %add3A_1332 : f32 to vector<16xf32>
        %add3A_1334 = arith.addf %exp3A_1331, %add3A_1333 : vector<16xf32>
        %div3A_1335 = arith.constant 2.000000e+00 : f32
        %div3A_1336 = vector.broadcast %div3A_1335 : f32 to vector<16xf32>
        %div3A_1337 = arith.divf %div3A_1336, %add3A_1334 : vector<16xf32>
        %sub3A_1338 = arith.constant 1.000000e+00 : f32
        %sub3A_1339 = vector.broadcast %sub3A_1338 : f32 to vector<16xf32>
        %sub3A_1340 = arith.subf %sub3A_1339, %div3A_1337 : vector<16xf32>
        tpu.vector_store_idx %arg16[%add3A_1327], %sub3A_1340 : memref<3072xf32, #tpu.memory_space<vmem>>[vector<16xi32>], vector<16xf32>,
        %add3A_1341 = arith.constant 2 : i32
        %add3A_1342 = vector.broadcast %add3A_1341 : i32 to vector<16xi32>
        %add3A_1343 = arith.addi %add3A_1280, %add3A_1342 : vector<16xi32>
        %gather3A_1344 = tpu.vector_load_idx %arg10[%add3A_1343] : memref<3072xf32, #tpu.memory_space<vmem>>[vector<16xi32>], vector<16xf32>,
        %mul3A_1345 = arith.constant 16 : i32
        %mul3A_1346 = arith.muli %scan3A_1273, %mul3A_1345 : i32
        %add3A_1347 = arith.constant 2048 : i32
        %add3A_1348 = arith.addi %add3A_1347, %mul3A_1346 : i32
        %get3A_1349 = arith.index_cast %add3A_1348 : i32 to index
        %get3A_1350 = tpu.vector_load %arg14[%get3A_1349] {strides = array<i32>} : memref<6144xf32, #tpu.memory_space<vmem>>, vector<16xf32>,
        %mul3A_1351 = arith.constant 16 : i32
        %mul3A_1352 = arith.muli %scan3A_1273, %mul3A_1351 : i32
        %add3A_1353 = arith.constant 5120 : i32
        %add3A_1354 = arith.addi %add3A_1353, %mul3A_1352 : i32
        %get3A_1355 = arith.index_cast %add3A_1354 : i32 to index
        %get3A_1356 = tpu.vector_load %arg14[%get3A_1355] {strides = array<i32>} : memref<6144xf32, #tpu.memory_space<vmem>>, vector<16xf32>,
        %add3A_1357 = arith.constant 2 : i32
        %add3A_1358 = vector.broadcast %add3A_1357 : i32 to vector<16xi32>
        %add3A_1359 = arith.addi %add3A_1280, %add3A_1358 : vector<16xi32>
        %mul3A_1360 = arith.mulf %gather3A_1344, %get3A_1350 : vector<16xf32>
        %add3A_1361 = arith.addf %mul3A_1360, %get3A_1356 : vector<16xf32>
        %add3A_1362 = arith.addf %add3A_1361, %add3A_1361 : vector<16xf32>
        %exp3A_1363 = math.exp %add3A_1362 : vector<16xf32>
        %add3A_1364 = arith.constant 1.000000e+00 : f32
        %add3A_1365 = vector.broadcast %add3A_1364 : f32 to vector<16xf32>
        %add3A_1366 = arith.addf %exp3A_1363, %add3A_1365 : vector<16xf32>
        %div3A_1367 = arith.constant 2.000000e+00 : f32
        %div3A_1368 = vector.broadcast %div3A_1367 : f32 to vector<16xf32>
        %div3A_1369 = arith.divf %div3A_1368, %add3A_1366 : vector<16xf32>
        %sub3A_1370 = arith.constant 1.000000e+00 : f32
        %sub3A_1371 = vector.broadcast %sub3A_1370 : f32 to vector<16xf32>
        %sub3A_1372 = arith.subf %sub3A_1371, %div3A_1369 : vector<16xf32>
        tpu.vector_store_idx %arg16[%add3A_1359], %sub3A_1372 : memref<3072xf32, #tpu.memory_space<vmem>>[vector<16xi32>], vector<16xf32>,
      }
      %scan3A_945 = arith.constant 64 : i32
      %mul3A_946 = arith.constant 32768 : i32
      %mul3A_947 = arith.muli %add3A, %mul3A_946 : i32
      %mul3A_948 = arith.constant 1024 : i32
      %mul3A_949 = arith.muli %sub3A_940, %mul3A_948 : i32
      %add3A_950 = arith.addi %mul3A_947, %mul3A_949 : i32
      %mul3A_951 = arith.constant 3 : i32
      %mul3A_952 = arith.muli %add3A_950, %mul3A_951 : i32
      "tpu.region"() ({
        %run_scoped3A = tpu.sem_alloc : memref<!tpu.dma_semaphore, #tpu.memory_space<semaphore_mem>>
        %dma_start3A_1273 = tpu.memref_slice %arg9[%mul3A_952] : memref<3145728xf32, #tpu.memory_space<hbm>> -> memref<3072xf32, #tpu.memory_space<hbm>>
        %dma_start3A_1274 = tpu.memref_slice %arg9[%mul3A_952] : memref<3145728xf32, #tpu.memory_space<hbm>> -> memref<3072xf32, #tpu.memory_space<hbm>>
        tpu.enqueue_dma source(%arg16 : memref<3072xf32, #tpu.memory_space<vmem>>) target(%dma_start3A_1274 : memref<3072xf32, #tpu.memory_space<hbm>>) target_semaphore(%run_scoped3A : memref<!tpu.dma_semaphore, #tpu.memory_space<semaphore_mem>>)
        %dma_wait3A_1275 = tpu.memref_slice %arg9[%mul3A_952] : memref<3145728xf32, #tpu.memory_space<hbm>> -> memref<3072xf32, #tpu.memory_space<hbm>>
        %dma_wait3A_1276 = tpu.memref_slice %arg9[%mul3A_952] : memref<3145728xf32, #tpu.memory_space<hbm>> -> memref<3072xf32, #tpu.memory_space<hbm>>
        tpu.wait_dma2 semaphore(%run_scoped3A : memref<!tpu.dma_semaphore, #tpu.memory_space<semaphore_mem>>) src(%arg16 : memref<3072xf32, #tpu.memory_space<vmem>>) dst(%dma_wait3A_1276 : memref<3072xf32, #tpu.memory_space<hbm>>)
        tpu.yield
      }) : () -> ()
      %mul3A_953 = arith.constant 2 : i32
      %mul3A_954 = arith.muli %mul3A_953, %scan3A_631 : i32
      %add3A_955 = arith.constant 2 : i32
      %add3A_956 = arith.addi %mul3A_954, %add3A_955 : i32
      %mul3A_957 = arith.constant 32768 : i32
      %mul3A_958 = arith.muli %add3A, %mul3A_957 : i32
      %mul3A_959 = arith.constant 1024 : i32
      %mul3A_960 = arith.muli %add3A_956, %mul3A_959 : i32
      %add3A_961 = arith.addi %mul3A_958, %mul3A_960 : i32
      %mul3A_962 = arith.constant 3 : i32
      %mul3A_963 = arith.muli %add3A_961, %mul3A_962 : i32
      "tpu.region"() ({
        %run_scoped3A = tpu.sem_alloc : memref<!tpu.dma_semaphore, #tpu.memory_space<semaphore_mem>>
        %dma_start3A_1273 = tpu.memref_slice %arg2[%mul3A_963] : memref<3145728xf32, #tpu.memory_space<hbm>> -> memref<3072xf32, #tpu.memory_space<hbm>>
        %dma_start3A_1274 = tpu.memref_slice %arg2[%mul3A_963] : memref<3145728xf32, #tpu.memory_space<hbm>> -> memref<3072xf32, #tpu.memory_space<hbm>>
        tpu.enqueue_dma source(%dma_start3A_1274 : memref<3072xf32, #tpu.memory_space<hbm>>) target(%arg10 : memref<3072xf32, #tpu.memory_space<vmem>>) target_semaphore(%run_scoped3A : memref<!tpu.dma_semaphore, #tpu.memory_space<semaphore_mem>>)
        %dma_wait3A_1275 = tpu.memref_slice %arg2[%mul3A_963] : memref<3145728xf32, #tpu.memory_space<hbm>> -> memref<3072xf32, #tpu.memory_space<hbm>>
        %dma_wait3A_1276 = tpu.memref_slice %arg2[%mul3A_963] : memref<3145728xf32, #tpu.memory_space<hbm>> -> memref<3072xf32, #tpu.memory_space<hbm>>
        tpu.wait_dma2 semaphore(%run_scoped3A : memref<!tpu.dma_semaphore, #tpu.memory_space<semaphore_mem>>) src(%dma_wait3A_1276 : memref<3072xf32, #tpu.memory_space<hbm>>) dst(%arg10 : memref<3072xf32, #tpu.memory_space<vmem>>)
        tpu.yield
      }) : () -> ()
      %scan3A_964 = arith.constant 0 : i32
      %scan3A_965 = arith.constant 64 : i32
      %scan3A_966 = arith.addi %scan3A_964, %scan3A_965 : i32
      %scan3A_967 = arith.constant 1 : i32
      scf.for %scan3A_1273 = %scan3A_964 to %scan3A_966 step %scan3A_967  : i32 {
        %mul3A_1274 = arith.constant 48 : i32
        %mul3A_1275 = arith.muli %scan3A_1273, %mul3A_1274 : i32
        %mul3A_1276 = arith.constant 3 : i32
        %mul3A_1277 = vector.broadcast %mul3A_1276 : i32 to vector<16xi32>
        %mul3A_1278 = arith.muli %iota3A, %mul3A_1277 : vector<16xi32>
        %add3A_1279 = vector.broadcast %mul3A_1275 : i32 to vector<16xi32>
        %add3A_1280 = arith.addi %add3A_1279, %mul3A_1278 : vector<16xi32>
        %gather3A = tpu.vector_load_idx %arg10[%add3A_1280] : memref<3072xf32, #tpu.memory_space<vmem>>[vector<16xi32>], vector<16xf32>,
        %add3A_1281 = arith.constant 1 : i32
        %add3A_1282 = vector.broadcast %add3A_1281 : i32 to vector<16xi32>
        %add3A_1283 = arith.addi %add3A_1280, %add3A_1282 : vector<16xi32>
        %gather3A_1284 = tpu.vector_load_idx %arg10[%add3A_1283] : memref<3072xf32, #tpu.memory_space<vmem>>[vector<16xi32>], vector<16xf32>,
        %add3A_1285 = arith.constant 2 : i32
        %add3A_1286 = vector.broadcast %add3A_1285 : i32 to vector<16xi32>
        %add3A_1287 = arith.addi %add3A_1280, %add3A_1286 : vector<16xi32>
        %gather3A_1288 = tpu.vector_load_idx %arg10[%add3A_1287] : memref<3072xf32, #tpu.memory_space<vmem>>[vector<16xi32>], vector<16xf32>,
        %mul3A_1289 = arith.constant 6.553600e+04 : f32
        %mul3A_1290 = vector.broadcast %mul3A_1289 : f32 to vector<16xf32>
        %mul3A_1291 = arith.mulf %gather3A, %mul3A_1290 : vector<16xf32>
        %mul3A_1292 = arith.constant 2.560000e+02 : f32
        %mul3A_1293 = vector.broadcast %mul3A_1292 : f32 to vector<16xf32>
        %mul3A_1294 = arith.mulf %gather3A_1284, %mul3A_1293 : vector<16xf32>
        %add3A_1295 = arith.addf %mul3A_1291, %mul3A_1294 : vector<16xf32>
        %add3A_1296 = arith.addf %add3A_1295, %gather3A_1288 : vector<16xf32>
        %convert_element_type3A = arith.fptosi %add3A_1296 : vector<16xf32> to vector<16xi32>
        %mul3A_1297 = arith.constant 16 : i32
        %mul3A_1298 = arith.muli %scan3A_1273, %mul3A_1297 : i32
        %swap3A = arith.index_cast %mul3A_1298 : i32 to index
        %swap3A_1299 = tpu.vector_load %arg12[%swap3A] {strides = array<i32>} : memref<1024xi32, #tpu.memory_space<vmem>>, vector<16xi32>,
        tpu.vector_store %arg12[%swap3A], %convert_element_type3A {strides = array<i32>} : memref<1024xi32, #tpu.memory_space<vmem>>, vector<16xi32>,
      }
      %scan3A_968 = arith.constant 64 : i32
      %dma_start3A_969 = arith.constant 0 : i32
      %dma_start3A_970 = tpu.memref_slice %arg14[%dma_start3A_969] : memref<6144xf32, #tpu.memory_space<vmem>> -> memref<128xf32, #tpu.memory_space<vmem>>
      %dma_start3A_971 = arith.constant 0 : i32
      %dma_start3A_972 = tpu.memref_slice %arg12[%dma_start3A_971] : memref<1024xi32, #tpu.memory_space<vmem>> -> memref<128xi32, #tpu.memory_space<vmem>>
      %dma_start3A_973 = arith.constant 0 : i32
      %dma_start3A_974 = tpu.memref_slice %arg3[%dma_start3A_973] : memref<16777216xf32, #tpu.memory_space<hbm>> -> memref<16777216xf32, #tpu.memory_space<hbm>>
      tpu.enqueue_indirect_dma source(%dma_start3A_974 : memref<16777216xf32, #tpu.memory_space<hbm>>) target(%dma_start3A_970 : memref<128xf32, #tpu.memory_space<vmem>>) offsets(%dma_start3A_972 : memref<128xi32, #tpu.memory_space<vmem>>) semaphore(%arg17 : memref<!tpu.dma_semaphore, #tpu.memory_space<semaphore_mem>>)
      %dma_start3A_975 = arith.constant 1024 : i32
      %dma_start3A_976 = tpu.memref_slice %arg14[%dma_start3A_975] : memref<6144xf32, #tpu.memory_space<vmem>> -> memref<128xf32, #tpu.memory_space<vmem>>
      %dma_start3A_977 = arith.constant 0 : i32
      %dma_start3A_978 = tpu.memref_slice %arg12[%dma_start3A_977] : memref<1024xi32, #tpu.memory_space<vmem>> -> memref<128xi32, #tpu.memory_space<vmem>>
      %dma_start3A_979 = arith.constant 0 : i32
      %dma_start3A_980 = tpu.memref_slice %arg4[%dma_start3A_979] : memref<16777216xf32, #tpu.memory_space<hbm>> -> memref<16777216xf32, #tpu.memory_space<hbm>>
      tpu.enqueue_indirect_dma source(%dma_start3A_980 : memref<16777216xf32, #tpu.memory_space<hbm>>) target(%dma_start3A_976 : memref<128xf32, #tpu.memory_space<vmem>>) offsets(%dma_start3A_978 : memref<128xi32, #tpu.memory_space<vmem>>) semaphore(%arg17 : memref<!tpu.dma_semaphore, #tpu.memory_space<semaphore_mem>>)
      %dma_start3A_981 = arith.constant 2048 : i32
      %dma_start3A_982 = tpu.memref_slice %arg14[%dma_start3A_981] : memref<6144xf32, #tpu.memory_space<vmem>> -> memref<128xf32, #tpu.memory_space<vmem>>
      %dma_start3A_983 = arith.constant 0 : i32
      %dma_start3A_984 = tpu.memref_slice %arg12[%dma_start3A_983] : memref<1024xi32, #tpu.memory_space<vmem>> -> memref<128xi32, #tpu.memory_space<vmem>>
      %dma_start3A_985 = arith.constant 0 : i32
      %dma_start3A_986 = tpu.memref_slice %arg5[%dma_start3A_985] : memref<16777216xf32, #tpu.memory_space<hbm>> -> memref<16777216xf32, #tpu.memory_space<hbm>>
      tpu.enqueue_indirect_dma source(%dma_start3A_986 : memref<16777216xf32, #tpu.memory_space<hbm>>) target(%dma_start3A_982 : memref<128xf32, #tpu.memory_space<vmem>>) offsets(%dma_start3A_984 : memref<128xi32, #tpu.memory_space<vmem>>) semaphore(%arg17 : memref<!tpu.dma_semaphore, #tpu.memory_space<semaphore_mem>>)
      %dma_start3A_987 = arith.constant 3072 : i32
      %dma_start3A_988 = tpu.memref_slice %arg14[%dma_start3A_987] : memref<6144xf32, #tpu.memory_space<vmem>> -> memref<128xf32, #tpu.memory_space<vmem>>
      %dma_start3A_989 = arith.constant 0 : i32
      %dma_start3A_990 = tpu.memref_slice %arg12[%dma_start3A_989] : memref<1024xi32, #tpu.memory_space<vmem>> -> memref<128xi32, #tpu.memory_space<vmem>>
      %dma_start3A_991 = arith.constant 0 : i32
      %dma_start3A_992 = tpu.memref_slice %arg6[%dma_start3A_991] : memref<16777216xf32, #tpu.memory_space<hbm>> -> memref<16777216xf32, #tpu.memory_space<hbm>>
      tpu.enqueue_indirect_dma source(%dma_start3A_992 : memref<16777216xf32, #tpu.memory_space<hbm>>) target(%dma_start3A_988 : memref<128xf32, #tpu.memory_space<vmem>>) offsets(%dma_start3A_990 : memref<128xi32, #tpu.memory_space<vmem>>) semaphore(%arg17 : memref<!tpu.dma_semaphore, #tpu.memory_space<semaphore_mem>>)
      %dma_start3A_993 = arith.constant 4096 : i32
      %dma_start3A_994 = tpu.memref_slice %arg14[%dma_start3A_993] : memref<6144xf32, #tpu.memory_space<vmem>> -> memref<128xf32, #tpu.memory_space<vmem>>
      %dma_start3A_995 = arith.constant 0 : i32
      %dma_start3A_996 = tpu.memref_slice %arg12[%dma_start3A_995] : memref<1024xi32, #tpu.memory_space<vmem>> -> memref<128xi32, #tpu.memory_space<vmem>>
      %dma_start3A_997 = arith.constant 0 : i32
      %dma_start3A_998 = tpu.memref_slice %arg7[%dma_start3A_997] : memref<16777216xf32, #tpu.memory_space<hbm>> -> memref<16777216xf32, #tpu.memory_space<hbm>>
      tpu.enqueue_indirect_dma source(%dma_start3A_998 : memref<16777216xf32, #tpu.memory_space<hbm>>) target(%dma_start3A_994 : memref<128xf32, #tpu.memory_space<vmem>>) offsets(%dma_start3A_996 : memref<128xi32, #tpu.memory_space<vmem>>) semaphore(%arg17 : memref<!tpu.dma_semaphore, #tpu.memory_space<semaphore_mem>>)
      %dma_start3A_999 = arith.constant 5120 : i32
      %dma_start3A_1000 = tpu.memref_slice %arg14[%dma_start3A_999] : memref<6144xf32, #tpu.memory_space<vmem>> -> memref<128xf32, #tpu.memory_space<vmem>>
      %dma_start3A_1001 = arith.constant 0 : i32
      %dma_start3A_1002 = tpu.memref_slice %arg12[%dma_start3A_1001] : memref<1024xi32, #tpu.memory_space<vmem>> -> memref<128xi32, #tpu.memory_space<vmem>>
      %dma_start3A_1003 = arith.constant 0 : i32
      %dma_start3A_1004 = tpu.memref_slice %arg8[%dma_start3A_1003] : memref<16777216xf32, #tpu.memory_space<hbm>> -> memref<16777216xf32, #tpu.memory_space<hbm>>
      tpu.enqueue_indirect_dma source(%dma_start3A_1004 : memref<16777216xf32, #tpu.memory_space<hbm>>) target(%dma_start3A_1000 : memref<128xf32, #tpu.memory_space<vmem>>) offsets(%dma_start3A_1002 : memref<128xi32, #tpu.memory_space<vmem>>) semaphore(%arg17 : memref<!tpu.dma_semaphore, #tpu.memory_space<semaphore_mem>>)
      %dma_start3A_1005 = arith.constant 128 : i32
      %dma_start3A_1006 = tpu.memref_slice %arg14[%dma_start3A_1005] : memref<6144xf32, #tpu.memory_space<vmem>> -> memref<128xf32, #tpu.memory_space<vmem>>
      %dma_start3A_1007 = arith.constant 128 : i32
      %dma_start3A_1008 = tpu.memref_slice %arg12[%dma_start3A_1007] : memref<1024xi32, #tpu.memory_space<vmem>> -> memref<128xi32, #tpu.memory_space<vmem>>
      %dma_start3A_1009 = arith.constant 0 : i32
      %dma_start3A_1010 = tpu.memref_slice %arg3[%dma_start3A_1009] : memref<16777216xf32, #tpu.memory_space<hbm>> -> memref<16777216xf32, #tpu.memory_space<hbm>>
      tpu.enqueue_indirect_dma source(%dma_start3A_1010 : memref<16777216xf32, #tpu.memory_space<hbm>>) target(%dma_start3A_1006 : memref<128xf32, #tpu.memory_space<vmem>>) offsets(%dma_start3A_1008 : memref<128xi32, #tpu.memory_space<vmem>>) semaphore(%arg17 : memref<!tpu.dma_semaphore, #tpu.memory_space<semaphore_mem>>)
      %dma_start3A_1011 = arith.constant 1152 : i32
      %dma_start3A_1012 = tpu.memref_slice %arg14[%dma_start3A_1011] : memref<6144xf32, #tpu.memory_space<vmem>> -> memref<128xf32, #tpu.memory_space<vmem>>
      %dma_start3A_1013 = arith.constant 128 : i32
      %dma_start3A_1014 = tpu.memref_slice %arg12[%dma_start3A_1013] : memref<1024xi32, #tpu.memory_space<vmem>> -> memref<128xi32, #tpu.memory_space<vmem>>
      %dma_start3A_1015 = arith.constant 0 : i32
      %dma_start3A_1016 = tpu.memref_slice %arg4[%dma_start3A_1015] : memref<16777216xf32, #tpu.memory_space<hbm>> -> memref<16777216xf32, #tpu.memory_space<hbm>>
      tpu.enqueue_indirect_dma source(%dma_start3A_1016 : memref<16777216xf32, #tpu.memory_space<hbm>>) target(%dma_start3A_1012 : memref<128xf32, #tpu.memory_space<vmem>>) offsets(%dma_start3A_1014 : memref<128xi32, #tpu.memory_space<vmem>>) semaphore(%arg17 : memref<!tpu.dma_semaphore, #tpu.memory_space<semaphore_mem>>)
      %dma_start3A_1017 = arith.constant 2176 : i32
      %dma_start3A_1018 = tpu.memref_slice %arg14[%dma_start3A_1017] : memref<6144xf32, #tpu.memory_space<vmem>> -> memref<128xf32, #tpu.memory_space<vmem>>
      %dma_start3A_1019 = arith.constant 128 : i32
      %dma_start3A_1020 = tpu.memref_slice %arg12[%dma_start3A_1019] : memref<1024xi32, #tpu.memory_space<vmem>> -> memref<128xi32, #tpu.memory_space<vmem>>
      %dma_start3A_1021 = arith.constant 0 : i32
      %dma_start3A_1022 = tpu.memref_slice %arg5[%dma_start3A_1021] : memref<16777216xf32, #tpu.memory_space<hbm>> -> memref<16777216xf32, #tpu.memory_space<hbm>>
      tpu.enqueue_indirect_dma source(%dma_start3A_1022 : memref<16777216xf32, #tpu.memory_space<hbm>>) target(%dma_start3A_1018 : memref<128xf32, #tpu.memory_space<vmem>>) offsets(%dma_start3A_1020 : memref<128xi32, #tpu.memory_space<vmem>>) semaphore(%arg17 : memref<!tpu.dma_semaphore, #tpu.memory_space<semaphore_mem>>)
      %dma_start3A_1023 = arith.constant 3200 : i32
      %dma_start3A_1024 = tpu.memref_slice %arg14[%dma_start3A_1023] : memref<6144xf32, #tpu.memory_space<vmem>> -> memref<128xf32, #tpu.memory_space<vmem>>
      %dma_start3A_1025 = arith.constant 128 : i32
      %dma_start3A_1026 = tpu.memref_slice %arg12[%dma_start3A_1025] : memref<1024xi32, #tpu.memory_space<vmem>> -> memref<128xi32, #tpu.memory_space<vmem>>
      %dma_start3A_1027 = arith.constant 0 : i32
      %dma_start3A_1028 = tpu.memref_slice %arg6[%dma_start3A_1027] : memref<16777216xf32, #tpu.memory_space<hbm>> -> memref<16777216xf32, #tpu.memory_space<hbm>>
      tpu.enqueue_indirect_dma source(%dma_start3A_1028 : memref<16777216xf32, #tpu.memory_space<hbm>>) target(%dma_start3A_1024 : memref<128xf32, #tpu.memory_space<vmem>>) offsets(%dma_start3A_1026 : memref<128xi32, #tpu.memory_space<vmem>>) semaphore(%arg17 : memref<!tpu.dma_semaphore, #tpu.memory_space<semaphore_mem>>)
      %dma_start3A_1029 = arith.constant 4224 : i32
      %dma_start3A_1030 = tpu.memref_slice %arg14[%dma_start3A_1029] : memref<6144xf32, #tpu.memory_space<vmem>> -> memref<128xf32, #tpu.memory_space<vmem>>
      %dma_start3A_1031 = arith.constant 128 : i32
      %dma_start3A_1032 = tpu.memref_slice %arg12[%dma_start3A_1031] : memref<1024xi32, #tpu.memory_space<vmem>> -> memref<128xi32, #tpu.memory_space<vmem>>
      %dma_start3A_1033 = arith.constant 0 : i32
      %dma_start3A_1034 = tpu.memref_slice %arg7[%dma_start3A_1033] : memref<16777216xf32, #tpu.memory_space<hbm>> -> memref<16777216xf32, #tpu.memory_space<hbm>>
      tpu.enqueue_indirect_dma source(%dma_start3A_1034 : memref<16777216xf32, #tpu.memory_space<hbm>>) target(%dma_start3A_1030 : memref<128xf32, #tpu.memory_space<vmem>>) offsets(%dma_start3A_1032 : memref<128xi32, #tpu.memory_space<vmem>>) semaphore(%arg17 : memref<!tpu.dma_semaphore, #tpu.memory_space<semaphore_mem>>)
      %dma_start3A_1035 = arith.constant 5248 : i32
      %dma_start3A_1036 = tpu.memref_slice %arg14[%dma_start3A_1035] : memref<6144xf32, #tpu.memory_space<vmem>> -> memref<128xf32, #tpu.memory_space<vmem>>
      %dma_start3A_1037 = arith.constant 128 : i32
      %dma_start3A_1038 = tpu.memref_slice %arg12[%dma_start3A_1037] : memref<1024xi32, #tpu.memory_space<vmem>> -> memref<128xi32, #tpu.memory_space<vmem>>
      %dma_start3A_1039 = arith.constant 0 : i32
      %dma_start3A_1040 = tpu.memref_slice %arg8[%dma_start3A_1039] : memref<16777216xf32, #tpu.memory_space<hbm>> -> memref<16777216xf32, #tpu.memory_space<hbm>>
      tpu.enqueue_indirect_dma source(%dma_start3A_1040 : memref<16777216xf32, #tpu.memory_space<hbm>>) target(%dma_start3A_1036 : memref<128xf32, #tpu.memory_space<vmem>>) offsets(%dma_start3A_1038 : memref<128xi32, #tpu.memory_space<vmem>>) semaphore(%arg17 : memref<!tpu.dma_semaphore, #tpu.memory_space<semaphore_mem>>)
      %dma_start3A_1041 = arith.constant 256 : i32
      %dma_start3A_1042 = tpu.memref_slice %arg14[%dma_start3A_1041] : memref<6144xf32, #tpu.memory_space<vmem>> -> memref<128xf32, #tpu.memory_space<vmem>>
      %dma_start3A_1043 = arith.constant 256 : i32
      %dma_start3A_1044 = tpu.memref_slice %arg12[%dma_start3A_1043] : memref<1024xi32, #tpu.memory_space<vmem>> -> memref<128xi32, #tpu.memory_space<vmem>>
      %dma_start3A_1045 = arith.constant 0 : i32
      %dma_start3A_1046 = tpu.memref_slice %arg3[%dma_start3A_1045] : memref<16777216xf32, #tpu.memory_space<hbm>> -> memref<16777216xf32, #tpu.memory_space<hbm>>
      tpu.enqueue_indirect_dma source(%dma_start3A_1046 : memref<16777216xf32, #tpu.memory_space<hbm>>) target(%dma_start3A_1042 : memref<128xf32, #tpu.memory_space<vmem>>) offsets(%dma_start3A_1044 : memref<128xi32, #tpu.memory_space<vmem>>) semaphore(%arg17 : memref<!tpu.dma_semaphore, #tpu.memory_space<semaphore_mem>>)
      %dma_start3A_1047 = arith.constant 1280 : i32
      %dma_start3A_1048 = tpu.memref_slice %arg14[%dma_start3A_1047] : memref<6144xf32, #tpu.memory_space<vmem>> -> memref<128xf32, #tpu.memory_space<vmem>>
      %dma_start3A_1049 = arith.constant 256 : i32
      %dma_start3A_1050 = tpu.memref_slice %arg12[%dma_start3A_1049] : memref<1024xi32, #tpu.memory_space<vmem>> -> memref<128xi32, #tpu.memory_space<vmem>>
      %dma_start3A_1051 = arith.constant 0 : i32
      %dma_start3A_1052 = tpu.memref_slice %arg4[%dma_start3A_1051] : memref<16777216xf32, #tpu.memory_space<hbm>> -> memref<16777216xf32, #tpu.memory_space<hbm>>
      tpu.enqueue_indirect_dma source(%dma_start3A_1052 : memref<16777216xf32, #tpu.memory_space<hbm>>) target(%dma_start3A_1048 : memref<128xf32, #tpu.memory_space<vmem>>) offsets(%dma_start3A_1050 : memref<128xi32, #tpu.memory_space<vmem>>) semaphore(%arg17 : memref<!tpu.dma_semaphore, #tpu.memory_space<semaphore_mem>>)
      %dma_start3A_1053 = arith.constant 2304 : i32
      %dma_start3A_1054 = tpu.memref_slice %arg14[%dma_start3A_1053] : memref<6144xf32, #tpu.memory_space<vmem>> -> memref<128xf32, #tpu.memory_space<vmem>>
      %dma_start3A_1055 = arith.constant 256 : i32
      %dma_start3A_1056 = tpu.memref_slice %arg12[%dma_start3A_1055] : memref<1024xi32, #tpu.memory_space<vmem>> -> memref<128xi32, #tpu.memory_space<vmem>>
      %dma_start3A_1057 = arith.constant 0 : i32
      %dma_start3A_1058 = tpu.memref_slice %arg5[%dma_start3A_1057] : memref<16777216xf32, #tpu.memory_space<hbm>> -> memref<16777216xf32, #tpu.memory_space<hbm>>
      tpu.enqueue_indirect_dma source(%dma_start3A_1058 : memref<16777216xf32, #tpu.memory_space<hbm>>) target(%dma_start3A_1054 : memref<128xf32, #tpu.memory_space<vmem>>) offsets(%dma_start3A_1056 : memref<128xi32, #tpu.memory_space<vmem>>) semaphore(%arg17 : memref<!tpu.dma_semaphore, #tpu.memory_space<semaphore_mem>>)
      %dma_start3A_1059 = arith.constant 3328 : i32
      %dma_start3A_1060 = tpu.memref_slice %arg14[%dma_start3A_1059] : memref<6144xf32, #tpu.memory_space<vmem>> -> memref<128xf32, #tpu.memory_space<vmem>>
      %dma_start3A_1061 = arith.constant 256 : i32
      %dma_start3A_1062 = tpu.memref_slice %arg12[%dma_start3A_1061] : memref<1024xi32, #tpu.memory_space<vmem>> -> memref<128xi32, #tpu.memory_space<vmem>>
      %dma_start3A_1063 = arith.constant 0 : i32
      %dma_start3A_1064 = tpu.memref_slice %arg6[%dma_start3A_1063] : memref<16777216xf32, #tpu.memory_space<hbm>> -> memref<16777216xf32, #tpu.memory_space<hbm>>
      tpu.enqueue_indirect_dma source(%dma_start3A_1064 : memref<16777216xf32, #tpu.memory_space<hbm>>) target(%dma_start3A_1060 : memref<128xf32, #tpu.memory_space<vmem>>) offsets(%dma_start3A_1062 : memref<128xi32, #tpu.memory_space<vmem>>) semaphore(%arg17 : memref<!tpu.dma_semaphore, #tpu.memory_space<semaphore_mem>>)
      %dma_start3A_1065 = arith.constant 4352 : i32
      %dma_start3A_1066 = tpu.memref_slice %arg14[%dma_start3A_1065] : memref<6144xf32, #tpu.memory_space<vmem>> -> memref<128xf32, #tpu.memory_space<vmem>>
      %dma_start3A_1067 = arith.constant 256 : i32
      %dma_start3A_1068 = tpu.memref_slice %arg12[%dma_start3A_1067] : memref<1024xi32, #tpu.memory_space<vmem>> -> memref<128xi32, #tpu.memory_space<vmem>>
      %dma_start3A_1069 = arith.constant 0 : i32
      %dma_start3A_1070 = tpu.memref_slice %arg7[%dma_start3A_1069] : memref<16777216xf32, #tpu.memory_space<hbm>> -> memref<16777216xf32, #tpu.memory_space<hbm>>
      tpu.enqueue_indirect_dma source(%dma_start3A_1070 : memref<16777216xf32, #tpu.memory_space<hbm>>) target(%dma_start3A_1066 : memref<128xf32, #tpu.memory_space<vmem>>) offsets(%dma_start3A_1068 : memref<128xi32, #tpu.memory_space<vmem>>) semaphore(%arg17 : memref<!tpu.dma_semaphore, #tpu.memory_space<semaphore_mem>>)
      %dma_start3A_1071 = arith.constant 5376 : i32
      %dma_start3A_1072 = tpu.memref_slice %arg14[%dma_start3A_1071] : memref<6144xf32, #tpu.memory_space<vmem>> -> memref<128xf32, #tpu.memory_space<vmem>>
      %dma_start3A_1073 = arith.constant 256 : i32
      %dma_start3A_1074 = tpu.memref_slice %arg12[%dma_start3A_1073] : memref<1024xi32, #tpu.memory_space<vmem>> -> memref<128xi32, #tpu.memory_space<vmem>>
      %dma_start3A_1075 = arith.constant 0 : i32
      %dma_start3A_1076 = tpu.memref_slice %arg8[%dma_start3A_1075] : memref<16777216xf32, #tpu.memory_space<hbm>> -> memref<16777216xf32, #tpu.memory_space<hbm>>
      tpu.enqueue_indirect_dma source(%dma_start3A_1076 : memref<16777216xf32, #tpu.memory_space<hbm>>) target(%dma_start3A_1072 : memref<128xf32, #tpu.memory_space<vmem>>) offsets(%dma_start3A_1074 : memref<128xi32, #tpu.memory_space<vmem>>) semaphore(%arg17 : memref<!tpu.dma_semaphore, #tpu.memory_space<semaphore_mem>>)
      %dma_start3A_1077 = arith.constant 384 : i32
      %dma_start3A_1078 = tpu.memref_slice %arg14[%dma_start3A_1077] : memref<6144xf32, #tpu.memory_space<vmem>> -> memref<128xf32, #tpu.memory_space<vmem>>
      %dma_start3A_1079 = arith.constant 384 : i32
      %dma_start3A_1080 = tpu.memref_slice %arg12[%dma_start3A_1079] : memref<1024xi32, #tpu.memory_space<vmem>> -> memref<128xi32, #tpu.memory_space<vmem>>
      %dma_start3A_1081 = arith.constant 0 : i32
      %dma_start3A_1082 = tpu.memref_slice %arg3[%dma_start3A_1081] : memref<16777216xf32, #tpu.memory_space<hbm>> -> memref<16777216xf32, #tpu.memory_space<hbm>>
      tpu.enqueue_indirect_dma source(%dma_start3A_1082 : memref<16777216xf32, #tpu.memory_space<hbm>>) target(%dma_start3A_1078 : memref<128xf32, #tpu.memory_space<vmem>>) offsets(%dma_start3A_1080 : memref<128xi32, #tpu.memory_space<vmem>>) semaphore(%arg17 : memref<!tpu.dma_semaphore, #tpu.memory_space<semaphore_mem>>)
      %dma_start3A_1083 = arith.constant 1408 : i32
      %dma_start3A_1084 = tpu.memref_slice %arg14[%dma_start3A_1083] : memref<6144xf32, #tpu.memory_space<vmem>> -> memref<128xf32, #tpu.memory_space<vmem>>
      %dma_start3A_1085 = arith.constant 384 : i32
      %dma_start3A_1086 = tpu.memref_slice %arg12[%dma_start3A_1085] : memref<1024xi32, #tpu.memory_space<vmem>> -> memref<128xi32, #tpu.memory_space<vmem>>
      %dma_start3A_1087 = arith.constant 0 : i32
      %dma_start3A_1088 = tpu.memref_slice %arg4[%dma_start3A_1087] : memref<16777216xf32, #tpu.memory_space<hbm>> -> memref<16777216xf32, #tpu.memory_space<hbm>>
      tpu.enqueue_indirect_dma source(%dma_start3A_1088 : memref<16777216xf32, #tpu.memory_space<hbm>>) target(%dma_start3A_1084 : memref<128xf32, #tpu.memory_space<vmem>>) offsets(%dma_start3A_1086 : memref<128xi32, #tpu.memory_space<vmem>>) semaphore(%arg17 : memref<!tpu.dma_semaphore, #tpu.memory_space<semaphore_mem>>)
      %dma_start3A_1089 = arith.constant 2432 : i32
      %dma_start3A_1090 = tpu.memref_slice %arg14[%dma_start3A_1089] : memref<6144xf32, #tpu.memory_space<vmem>> -> memref<128xf32, #tpu.memory_space<vmem>>
      %dma_start3A_1091 = arith.constant 384 : i32
      %dma_start3A_1092 = tpu.memref_slice %arg12[%dma_start3A_1091] : memref<1024xi32, #tpu.memory_space<vmem>> -> memref<128xi32, #tpu.memory_space<vmem>>
      %dma_start3A_1093 = arith.constant 0 : i32
      %dma_start3A_1094 = tpu.memref_slice %arg5[%dma_start3A_1093] : memref<16777216xf32, #tpu.memory_space<hbm>> -> memref<16777216xf32, #tpu.memory_space<hbm>>
      tpu.enqueue_indirect_dma source(%dma_start3A_1094 : memref<16777216xf32, #tpu.memory_space<hbm>>) target(%dma_start3A_1090 : memref<128xf32, #tpu.memory_space<vmem>>) offsets(%dma_start3A_1092 : memref<128xi32, #tpu.memory_space<vmem>>) semaphore(%arg17 : memref<!tpu.dma_semaphore, #tpu.memory_space<semaphore_mem>>)
      %dma_start3A_1095 = arith.constant 3456 : i32
      %dma_start3A_1096 = tpu.memref_slice %arg14[%dma_start3A_1095] : memref<6144xf32, #tpu.memory_space<vmem>> -> memref<128xf32, #tpu.memory_space<vmem>>
      %dma_start3A_1097 = arith.constant 384 : i32
      %dma_start3A_1098 = tpu.memref_slice %arg12[%dma_start3A_1097] : memref<1024xi32, #tpu.memory_space<vmem>> -> memref<128xi32, #tpu.memory_space<vmem>>
      %dma_start3A_1099 = arith.constant 0 : i32
      %dma_start3A_1100 = tpu.memref_slice %arg6[%dma_start3A_1099] : memref<16777216xf32, #tpu.memory_space<hbm>> -> memref<16777216xf32, #tpu.memory_space<hbm>>
      tpu.enqueue_indirect_dma source(%dma_start3A_1100 : memref<16777216xf32, #tpu.memory_space<hbm>>) target(%dma_start3A_1096 : memref<128xf32, #tpu.memory_space<vmem>>) offsets(%dma_start3A_1098 : memref<128xi32, #tpu.memory_space<vmem>>) semaphore(%arg17 : memref<!tpu.dma_semaphore, #tpu.memory_space<semaphore_mem>>)
      %dma_start3A_1101 = arith.constant 4480 : i32
      %dma_start3A_1102 = tpu.memref_slice %arg14[%dma_start3A_1101] : memref<6144xf32, #tpu.memory_space<vmem>> -> memref<128xf32, #tpu.memory_space<vmem>>
      %dma_start3A_1103 = arith.constant 384 : i32
      %dma_start3A_1104 = tpu.memref_slice %arg12[%dma_start3A_1103] : memref<1024xi32, #tpu.memory_space<vmem>> -> memref<128xi32, #tpu.memory_space<vmem>>
      %dma_start3A_1105 = arith.constant 0 : i32
      %dma_start3A_1106 = tpu.memref_slice %arg7[%dma_start3A_1105] : memref<16777216xf32, #tpu.memory_space<hbm>> -> memref<16777216xf32, #tpu.memory_space<hbm>>
      tpu.enqueue_indirect_dma source(%dma_start3A_1106 : memref<16777216xf32, #tpu.memory_space<hbm>>) target(%dma_start3A_1102 : memref<128xf32, #tpu.memory_space<vmem>>) offsets(%dma_start3A_1104 : memref<128xi32, #tpu.memory_space<vmem>>) semaphore(%arg17 : memref<!tpu.dma_semaphore, #tpu.memory_space<semaphore_mem>>)
      %dma_start3A_1107 = arith.constant 5504 : i32
      %dma_start3A_1108 = tpu.memref_slice %arg14[%dma_start3A_1107] : memref<6144xf32, #tpu.memory_space<vmem>> -> memref<128xf32, #tpu.memory_space<vmem>>
      %dma_start3A_1109 = arith.constant 384 : i32
      %dma_start3A_1110 = tpu.memref_slice %arg12[%dma_start3A_1109] : memref<1024xi32, #tpu.memory_space<vmem>> -> memref<128xi32, #tpu.memory_space<vmem>>
      %dma_start3A_1111 = arith.constant 0 : i32
      %dma_start3A_1112 = tpu.memref_slice %arg8[%dma_start3A_1111] : memref<16777216xf32, #tpu.memory_space<hbm>> -> memref<16777216xf32, #tpu.memory_space<hbm>>
      tpu.enqueue_indirect_dma source(%dma_start3A_1112 : memref<16777216xf32, #tpu.memory_space<hbm>>) target(%dma_start3A_1108 : memref<128xf32, #tpu.memory_space<vmem>>) offsets(%dma_start3A_1110 : memref<128xi32, #tpu.memory_space<vmem>>) semaphore(%arg17 : memref<!tpu.dma_semaphore, #tpu.memory_space<semaphore_mem>>)
      %dma_start3A_1113 = arith.constant 512 : i32
      %dma_start3A_1114 = tpu.memref_slice %arg14[%dma_start3A_1113] : memref<6144xf32, #tpu.memory_space<vmem>> -> memref<128xf32, #tpu.memory_space<vmem>>
      %dma_start3A_1115 = arith.constant 512 : i32
      %dma_start3A_1116 = tpu.memref_slice %arg12[%dma_start3A_1115] : memref<1024xi32, #tpu.memory_space<vmem>> -> memref<128xi32, #tpu.memory_space<vmem>>
      %dma_start3A_1117 = arith.constant 0 : i32
      %dma_start3A_1118 = tpu.memref_slice %arg3[%dma_start3A_1117] : memref<16777216xf32, #tpu.memory_space<hbm>> -> memref<16777216xf32, #tpu.memory_space<hbm>>
      tpu.enqueue_indirect_dma source(%dma_start3A_1118 : memref<16777216xf32, #tpu.memory_space<hbm>>) target(%dma_start3A_1114 : memref<128xf32, #tpu.memory_space<vmem>>) offsets(%dma_start3A_1116 : memref<128xi32, #tpu.memory_space<vmem>>) semaphore(%arg17 : memref<!tpu.dma_semaphore, #tpu.memory_space<semaphore_mem>>)
      %dma_start3A_1119 = arith.constant 1536 : i32
      %dma_start3A_1120 = tpu.memref_slice %arg14[%dma_start3A_1119] : memref<6144xf32, #tpu.memory_space<vmem>> -> memref<128xf32, #tpu.memory_space<vmem>>
      %dma_start3A_1121 = arith.constant 512 : i32
      %dma_start3A_1122 = tpu.memref_slice %arg12[%dma_start3A_1121] : memref<1024xi32, #tpu.memory_space<vmem>> -> memref<128xi32, #tpu.memory_space<vmem>>
      %dma_start3A_1123 = arith.constant 0 : i32
      %dma_start3A_1124 = tpu.memref_slice %arg4[%dma_start3A_1123] : memref<16777216xf32, #tpu.memory_space<hbm>> -> memref<16777216xf32, #tpu.memory_space<hbm>>
      tpu.enqueue_indirect_dma source(%dma_start3A_1124 : memref<16777216xf32, #tpu.memory_space<hbm>>) target(%dma_start3A_1120 : memref<128xf32, #tpu.memory_space<vmem>>) offsets(%dma_start3A_1122 : memref<128xi32, #tpu.memory_space<vmem>>) semaphore(%arg17 : memref<!tpu.dma_semaphore, #tpu.memory_space<semaphore_mem>>)
      %dma_start3A_1125 = arith.constant 2560 : i32
      %dma_start3A_1126 = tpu.memref_slice %arg14[%dma_start3A_1125] : memref<6144xf32, #tpu.memory_space<vmem>> -> memref<128xf32, #tpu.memory_space<vmem>>
      %dma_start3A_1127 = arith.constant 512 : i32
      %dma_start3A_1128 = tpu.memref_slice %arg12[%dma_start3A_1127] : memref<1024xi32, #tpu.memory_space<vmem>> -> memref<128xi32, #tpu.memory_space<vmem>>
      %dma_start3A_1129 = arith.constant 0 : i32
      %dma_start3A_1130 = tpu.memref_slice %arg5[%dma_start3A_1129] : memref<16777216xf32, #tpu.memory_space<hbm>> -> memref<16777216xf32, #tpu.memory_space<hbm>>
      tpu.enqueue_indirect_dma source(%dma_start3A_1130 : memref<16777216xf32, #tpu.memory_space<hbm>>) target(%dma_start3A_1126 : memref<128xf32, #tpu.memory_space<vmem>>) offsets(%dma_start3A_1128 : memref<128xi32, #tpu.memory_space<vmem>>) semaphore(%arg17 : memref<!tpu.dma_semaphore, #tpu.memory_space<semaphore_mem>>)
      %dma_start3A_1131 = arith.constant 3584 : i32
      %dma_start3A_1132 = tpu.memref_slice %arg14[%dma_start3A_1131] : memref<6144xf32, #tpu.memory_space<vmem>> -> memref<128xf32, #tpu.memory_space<vmem>>
      %dma_start3A_1133 = arith.constant 512 : i32
      %dma_start3A_1134 = tpu.memref_slice %arg12[%dma_start3A_1133] : memref<1024xi32, #tpu.memory_space<vmem>> -> memref<128xi32, #tpu.memory_space<vmem>>
      %dma_start3A_1135 = arith.constant 0 : i32
      %dma_start3A_1136 = tpu.memref_slice %arg6[%dma_start3A_1135] : memref<16777216xf32, #tpu.memory_space<hbm>> -> memref<16777216xf32, #tpu.memory_space<hbm>>
      tpu.enqueue_indirect_dma source(%dma_start3A_1136 : memref<16777216xf32, #tpu.memory_space<hbm>>) target(%dma_start3A_1132 : memref<128xf32, #tpu.memory_space<vmem>>) offsets(%dma_start3A_1134 : memref<128xi32, #tpu.memory_space<vmem>>) semaphore(%arg17 : memref<!tpu.dma_semaphore, #tpu.memory_space<semaphore_mem>>)
      %dma_start3A_1137 = arith.constant 4608 : i32
      %dma_start3A_1138 = tpu.memref_slice %arg14[%dma_start3A_1137] : memref<6144xf32, #tpu.memory_space<vmem>> -> memref<128xf32, #tpu.memory_space<vmem>>
      %dma_start3A_1139 = arith.constant 512 : i32
      %dma_start3A_1140 = tpu.memref_slice %arg12[%dma_start3A_1139] : memref<1024xi32, #tpu.memory_space<vmem>> -> memref<128xi32, #tpu.memory_space<vmem>>
      %dma_start3A_1141 = arith.constant 0 : i32
      %dma_start3A_1142 = tpu.memref_slice %arg7[%dma_start3A_1141] : memref<16777216xf32, #tpu.memory_space<hbm>> -> memref<16777216xf32, #tpu.memory_space<hbm>>
      tpu.enqueue_indirect_dma source(%dma_start3A_1142 : memref<16777216xf32, #tpu.memory_space<hbm>>) target(%dma_start3A_1138 : memref<128xf32, #tpu.memory_space<vmem>>) offsets(%dma_start3A_1140 : memref<128xi32, #tpu.memory_space<vmem>>) semaphore(%arg17 : memref<!tpu.dma_semaphore, #tpu.memory_space<semaphore_mem>>)
      %dma_start3A_1143 = arith.constant 5632 : i32
      %dma_start3A_1144 = tpu.memref_slice %arg14[%dma_start3A_1143] : memref<6144xf32, #tpu.memory_space<vmem>> -> memref<128xf32, #tpu.memory_space<vmem>>
      %dma_start3A_1145 = arith.constant 512 : i32
      %dma_start3A_1146 = tpu.memref_slice %arg12[%dma_start3A_1145] : memref<1024xi32, #tpu.memory_space<vmem>> -> memref<128xi32, #tpu.memory_space<vmem>>
      %dma_start3A_1147 = arith.constant 0 : i32
      %dma_start3A_1148 = tpu.memref_slice %arg8[%dma_start3A_1147] : memref<16777216xf32, #tpu.memory_space<hbm>> -> memref<16777216xf32, #tpu.memory_space<hbm>>
      tpu.enqueue_indirect_dma source(%dma_start3A_1148 : memref<16777216xf32, #tpu.memory_space<hbm>>) target(%dma_start3A_1144 : memref<128xf32, #tpu.memory_space<vmem>>) offsets(%dma_start3A_1146 : memref<128xi32, #tpu.memory_space<vmem>>) semaphore(%arg17 : memref<!tpu.dma_semaphore, #tpu.memory_space<semaphore_mem>>)
      %dma_start3A_1149 = arith.constant 640 : i32
      %dma_start3A_1150 = tpu.memref_slice %arg14[%dma_start3A_1149] : memref<6144xf32, #tpu.memory_space<vmem>> -> memref<128xf32, #tpu.memory_space<vmem>>
      %dma_start3A_1151 = arith.constant 640 : i32
      %dma_start3A_1152 = tpu.memref_slice %arg12[%dma_start3A_1151] : memref<1024xi32, #tpu.memory_space<vmem>> -> memref<128xi32, #tpu.memory_space<vmem>>
      %dma_start3A_1153 = arith.constant 0 : i32
      %dma_start3A_1154 = tpu.memref_slice %arg3[%dma_start3A_1153] : memref<16777216xf32, #tpu.memory_space<hbm>> -> memref<16777216xf32, #tpu.memory_space<hbm>>
      tpu.enqueue_indirect_dma source(%dma_start3A_1154 : memref<16777216xf32, #tpu.memory_space<hbm>>) target(%dma_start3A_1150 : memref<128xf32, #tpu.memory_space<vmem>>) offsets(%dma_start3A_1152 : memref<128xi32, #tpu.memory_space<vmem>>) semaphore(%arg17 : memref<!tpu.dma_semaphore, #tpu.memory_space<semaphore_mem>>)
      %dma_start3A_1155 = arith.constant 1664 : i32
      %dma_start3A_1156 = tpu.memref_slice %arg14[%dma_start3A_1155] : memref<6144xf32, #tpu.memory_space<vmem>> -> memref<128xf32, #tpu.memory_space<vmem>>
      %dma_start3A_1157 = arith.constant 640 : i32
      %dma_start3A_1158 = tpu.memref_slice %arg12[%dma_start3A_1157] : memref<1024xi32, #tpu.memory_space<vmem>> -> memref<128xi32, #tpu.memory_space<vmem>>
      %dma_start3A_1159 = arith.constant 0 : i32
      %dma_start3A_1160 = tpu.memref_slice %arg4[%dma_start3A_1159] : memref<16777216xf32, #tpu.memory_space<hbm>> -> memref<16777216xf32, #tpu.memory_space<hbm>>
      tpu.enqueue_indirect_dma source(%dma_start3A_1160 : memref<16777216xf32, #tpu.memory_space<hbm>>) target(%dma_start3A_1156 : memref<128xf32, #tpu.memory_space<vmem>>) offsets(%dma_start3A_1158 : memref<128xi32, #tpu.memory_space<vmem>>) semaphore(%arg17 : memref<!tpu.dma_semaphore, #tpu.memory_space<semaphore_mem>>)
      %dma_start3A_1161 = arith.constant 2688 : i32
      %dma_start3A_1162 = tpu.memref_slice %arg14[%dma_start3A_1161] : memref<6144xf32, #tpu.memory_space<vmem>> -> memref<128xf32, #tpu.memory_space<vmem>>
      %dma_start3A_1163 = arith.constant 640 : i32
      %dma_start3A_1164 = tpu.memref_slice %arg12[%dma_start3A_1163] : memref<1024xi32, #tpu.memory_space<vmem>> -> memref<128xi32, #tpu.memory_space<vmem>>
      %dma_start3A_1165 = arith.constant 0 : i32
      %dma_start3A_1166 = tpu.memref_slice %arg5[%dma_start3A_1165] : memref<16777216xf32, #tpu.memory_space<hbm>> -> memref<16777216xf32, #tpu.memory_space<hbm>>
      tpu.enqueue_indirect_dma source(%dma_start3A_1166 : memref<16777216xf32, #tpu.memory_space<hbm>>) target(%dma_start3A_1162 : memref<128xf32, #tpu.memory_space<vmem>>) offsets(%dma_start3A_1164 : memref<128xi32, #tpu.memory_space<vmem>>) semaphore(%arg17 : memref<!tpu.dma_semaphore, #tpu.memory_space<semaphore_mem>>)
      %dma_start3A_1167 = arith.constant 3712 : i32
      %dma_start3A_1168 = tpu.memref_slice %arg14[%dma_start3A_1167] : memref<6144xf32, #tpu.memory_space<vmem>> -> memref<128xf32, #tpu.memory_space<vmem>>
      %dma_start3A_1169 = arith.constant 640 : i32
      %dma_start3A_1170 = tpu.memref_slice %arg12[%dma_start3A_1169] : memref<1024xi32, #tpu.memory_space<vmem>> -> memref<128xi32, #tpu.memory_space<vmem>>
      %dma_start3A_1171 = arith.constant 0 : i32
      %dma_start3A_1172 = tpu.memref_slice %arg6[%dma_start3A_1171] : memref<16777216xf32, #tpu.memory_space<hbm>> -> memref<16777216xf32, #tpu.memory_space<hbm>>
      tpu.enqueue_indirect_dma source(%dma_start3A_1172 : memref<16777216xf32, #tpu.memory_space<hbm>>) target(%dma_start3A_1168 : memref<128xf32, #tpu.memory_space<vmem>>) offsets(%dma_start3A_1170 : memref<128xi32, #tpu.memory_space<vmem>>) semaphore(%arg17 : memref<!tpu.dma_semaphore, #tpu.memory_space<semaphore_mem>>)
      %dma_start3A_1173 = arith.constant 4736 : i32
      %dma_start3A_1174 = tpu.memref_slice %arg14[%dma_start3A_1173] : memref<6144xf32, #tpu.memory_space<vmem>> -> memref<128xf32, #tpu.memory_space<vmem>>
      %dma_start3A_1175 = arith.constant 640 : i32
      %dma_start3A_1176 = tpu.memref_slice %arg12[%dma_start3A_1175] : memref<1024xi32, #tpu.memory_space<vmem>> -> memref<128xi32, #tpu.memory_space<vmem>>
      %dma_start3A_1177 = arith.constant 0 : i32
      %dma_start3A_1178 = tpu.memref_slice %arg7[%dma_start3A_1177] : memref<16777216xf32, #tpu.memory_space<hbm>> -> memref<16777216xf32, #tpu.memory_space<hbm>>
      tpu.enqueue_indirect_dma source(%dma_start3A_1178 : memref<16777216xf32, #tpu.memory_space<hbm>>) target(%dma_start3A_1174 : memref<128xf32, #tpu.memory_space<vmem>>) offsets(%dma_start3A_1176 : memref<128xi32, #tpu.memory_space<vmem>>) semaphore(%arg17 : memref<!tpu.dma_semaphore, #tpu.memory_space<semaphore_mem>>)
      %dma_start3A_1179 = arith.constant 5760 : i32
      %dma_start3A_1180 = tpu.memref_slice %arg14[%dma_start3A_1179] : memref<6144xf32, #tpu.memory_space<vmem>> -> memref<128xf32, #tpu.memory_space<vmem>>
      %dma_start3A_1181 = arith.constant 640 : i32
      %dma_start3A_1182 = tpu.memref_slice %arg12[%dma_start3A_1181] : memref<1024xi32, #tpu.memory_space<vmem>> -> memref<128xi32, #tpu.memory_space<vmem>>
      %dma_start3A_1183 = arith.constant 0 : i32
      %dma_start3A_1184 = tpu.memref_slice %arg8[%dma_start3A_1183] : memref<16777216xf32, #tpu.memory_space<hbm>> -> memref<16777216xf32, #tpu.memory_space<hbm>>
      tpu.enqueue_indirect_dma source(%dma_start3A_1184 : memref<16777216xf32, #tpu.memory_space<hbm>>) target(%dma_start3A_1180 : memref<128xf32, #tpu.memory_space<vmem>>) offsets(%dma_start3A_1182 : memref<128xi32, #tpu.memory_space<vmem>>) semaphore(%arg17 : memref<!tpu.dma_semaphore, #tpu.memory_space<semaphore_mem>>)
      %dma_start3A_1185 = arith.constant 768 : i32
      %dma_start3A_1186 = tpu.memref_slice %arg14[%dma_start3A_1185] : memref<6144xf32, #tpu.memory_space<vmem>> -> memref<128xf32, #tpu.memory_space<vmem>>
      %dma_start3A_1187 = arith.constant 768 : i32
      %dma_start3A_1188 = tpu.memref_slice %arg12[%dma_start3A_1187] : memref<1024xi32, #tpu.memory_space<vmem>> -> memref<128xi32, #tpu.memory_space<vmem>>
      %dma_start3A_1189 = arith.constant 0 : i32
      %dma_start3A_1190 = tpu.memref_slice %arg3[%dma_start3A_1189] : memref<16777216xf32, #tpu.memory_space<hbm>> -> memref<16777216xf32, #tpu.memory_space<hbm>>
      tpu.enqueue_indirect_dma source(%dma_start3A_1190 : memref<16777216xf32, #tpu.memory_space<hbm>>) target(%dma_start3A_1186 : memref<128xf32, #tpu.memory_space<vmem>>) offsets(%dma_start3A_1188 : memref<128xi32, #tpu.memory_space<vmem>>) semaphore(%arg17 : memref<!tpu.dma_semaphore, #tpu.memory_space<semaphore_mem>>)
      %dma_start3A_1191 = arith.constant 1792 : i32
      %dma_start3A_1192 = tpu.memref_slice %arg14[%dma_start3A_1191] : memref<6144xf32, #tpu.memory_space<vmem>> -> memref<128xf32, #tpu.memory_space<vmem>>
      %dma_start3A_1193 = arith.constant 768 : i32
      %dma_start3A_1194 = tpu.memref_slice %arg12[%dma_start3A_1193] : memref<1024xi32, #tpu.memory_space<vmem>> -> memref<128xi32, #tpu.memory_space<vmem>>
      %dma_start3A_1195 = arith.constant 0 : i32
      %dma_start3A_1196 = tpu.memref_slice %arg4[%dma_start3A_1195] : memref<16777216xf32, #tpu.memory_space<hbm>> -> memref<16777216xf32, #tpu.memory_space<hbm>>
      tpu.enqueue_indirect_dma source(%dma_start3A_1196 : memref<16777216xf32, #tpu.memory_space<hbm>>) target(%dma_start3A_1192 : memref<128xf32, #tpu.memory_space<vmem>>) offsets(%dma_start3A_1194 : memref<128xi32, #tpu.memory_space<vmem>>) semaphore(%arg17 : memref<!tpu.dma_semaphore, #tpu.memory_space<semaphore_mem>>)
      %dma_start3A_1197 = arith.constant 2816 : i32
      %dma_start3A_1198 = tpu.memref_slice %arg14[%dma_start3A_1197] : memref<6144xf32, #tpu.memory_space<vmem>> -> memref<128xf32, #tpu.memory_space<vmem>>
      %dma_start3A_1199 = arith.constant 768 : i32
      %dma_start3A_1200 = tpu.memref_slice %arg12[%dma_start3A_1199] : memref<1024xi32, #tpu.memory_space<vmem>> -> memref<128xi32, #tpu.memory_space<vmem>>
      %dma_start3A_1201 = arith.constant 0 : i32
      %dma_start3A_1202 = tpu.memref_slice %arg5[%dma_start3A_1201] : memref<16777216xf32, #tpu.memory_space<hbm>> -> memref<16777216xf32, #tpu.memory_space<hbm>>
      tpu.enqueue_indirect_dma source(%dma_start3A_1202 : memref<16777216xf32, #tpu.memory_space<hbm>>) target(%dma_start3A_1198 : memref<128xf32, #tpu.memory_space<vmem>>) offsets(%dma_start3A_1200 : memref<128xi32, #tpu.memory_space<vmem>>) semaphore(%arg17 : memref<!tpu.dma_semaphore, #tpu.memory_space<semaphore_mem>>)
      %dma_start3A_1203 = arith.constant 3840 : i32
      %dma_start3A_1204 = tpu.memref_slice %arg14[%dma_start3A_1203] : memref<6144xf32, #tpu.memory_space<vmem>> -> memref<128xf32, #tpu.memory_space<vmem>>
      %dma_start3A_1205 = arith.constant 768 : i32
      %dma_start3A_1206 = tpu.memref_slice %arg12[%dma_start3A_1205] : memref<1024xi32, #tpu.memory_space<vmem>> -> memref<128xi32, #tpu.memory_space<vmem>>
      %dma_start3A_1207 = arith.constant 0 : i32
      %dma_start3A_1208 = tpu.memref_slice %arg6[%dma_start3A_1207] : memref<16777216xf32, #tpu.memory_space<hbm>> -> memref<16777216xf32, #tpu.memory_space<hbm>>
      tpu.enqueue_indirect_dma source(%dma_start3A_1208 : memref<16777216xf32, #tpu.memory_space<hbm>>) target(%dma_start3A_1204 : memref<128xf32, #tpu.memory_space<vmem>>) offsets(%dma_start3A_1206 : memref<128xi32, #tpu.memory_space<vmem>>) semaphore(%arg17 : memref<!tpu.dma_semaphore, #tpu.memory_space<semaphore_mem>>)
      %dma_start3A_1209 = arith.constant 4864 : i32
      %dma_start3A_1210 = tpu.memref_slice %arg14[%dma_start3A_1209] : memref<6144xf32, #tpu.memory_space<vmem>> -> memref<128xf32, #tpu.memory_space<vmem>>
      %dma_start3A_1211 = arith.constant 768 : i32
      %dma_start3A_1212 = tpu.memref_slice %arg12[%dma_start3A_1211] : memref<1024xi32, #tpu.memory_space<vmem>> -> memref<128xi32, #tpu.memory_space<vmem>>
      %dma_start3A_1213 = arith.constant 0 : i32
      %dma_start3A_1214 = tpu.memref_slice %arg7[%dma_start3A_1213] : memref<16777216xf32, #tpu.memory_space<hbm>> -> memref<16777216xf32, #tpu.memory_space<hbm>>
      tpu.enqueue_indirect_dma source(%dma_start3A_1214 : memref<16777216xf32, #tpu.memory_space<hbm>>) target(%dma_start3A_1210 : memref<128xf32, #tpu.memory_space<vmem>>) offsets(%dma_start3A_1212 : memref<128xi32, #tpu.memory_space<vmem>>) semaphore(%arg17 : memref<!tpu.dma_semaphore, #tpu.memory_space<semaphore_mem>>)
      %dma_start3A_1215 = arith.constant 5888 : i32
      %dma_start3A_1216 = tpu.memref_slice %arg14[%dma_start3A_1215] : memref<6144xf32, #tpu.memory_space<vmem>> -> memref<128xf32, #tpu.memory_space<vmem>>
      %dma_start3A_1217 = arith.constant 768 : i32
      %dma_start3A_1218 = tpu.memref_slice %arg12[%dma_start3A_1217] : memref<1024xi32, #tpu.memory_space<vmem>> -> memref<128xi32, #tpu.memory_space<vmem>>
      %dma_start3A_1219 = arith.constant 0 : i32
      %dma_start3A_1220 = tpu.memref_slice %arg8[%dma_start3A_1219] : memref<16777216xf32, #tpu.memory_space<hbm>> -> memref<16777216xf32, #tpu.memory_space<hbm>>
      tpu.enqueue_indirect_dma source(%dma_start3A_1220 : memref<16777216xf32, #tpu.memory_space<hbm>>) target(%dma_start3A_1216 : memref<128xf32, #tpu.memory_space<vmem>>) offsets(%dma_start3A_1218 : memref<128xi32, #tpu.memory_space<vmem>>) semaphore(%arg17 : memref<!tpu.dma_semaphore, #tpu.memory_space<semaphore_mem>>)
      %dma_start3A_1221 = arith.constant 896 : i32
      %dma_start3A_1222 = tpu.memref_slice %arg14[%dma_start3A_1221] : memref<6144xf32, #tpu.memory_space<vmem>> -> memref<128xf32, #tpu.memory_space<vmem>>
      %dma_start3A_1223 = arith.constant 896 : i32
      %dma_start3A_1224 = tpu.memref_slice %arg12[%dma_start3A_1223] : memref<1024xi32, #tpu.memory_space<vmem>> -> memref<128xi32, #tpu.memory_space<vmem>>
      %dma_start3A_1225 = arith.constant 0 : i32
      %dma_start3A_1226 = tpu.memref_slice %arg3[%dma_start3A_1225] : memref<16777216xf32, #tpu.memory_space<hbm>> -> memref<16777216xf32, #tpu.memory_space<hbm>>
      tpu.enqueue_indirect_dma source(%dma_start3A_1226 : memref<16777216xf32, #tpu.memory_space<hbm>>) target(%dma_start3A_1222 : memref<128xf32, #tpu.memory_space<vmem>>) offsets(%dma_start3A_1224 : memref<128xi32, #tpu.memory_space<vmem>>) semaphore(%arg17 : memref<!tpu.dma_semaphore, #tpu.memory_space<semaphore_mem>>)
      %dma_start3A_1227 = arith.constant 1920 : i32
      %dma_start3A_1228 = tpu.memref_slice %arg14[%dma_start3A_1227] : memref<6144xf32, #tpu.memory_space<vmem>> -> memref<128xf32, #tpu.memory_space<vmem>>
      %dma_start3A_1229 = arith.constant 896 : i32
      %dma_start3A_1230 = tpu.memref_slice %arg12[%dma_start3A_1229] : memref<1024xi32, #tpu.memory_space<vmem>> -> memref<128xi32, #tpu.memory_space<vmem>>
      %dma_start3A_1231 = arith.constant 0 : i32
      %dma_start3A_1232 = tpu.memref_slice %arg4[%dma_start3A_1231] : memref<16777216xf32, #tpu.memory_space<hbm>> -> memref<16777216xf32, #tpu.memory_space<hbm>>
      tpu.enqueue_indirect_dma source(%dma_start3A_1232 : memref<16777216xf32, #tpu.memory_space<hbm>>) target(%dma_start3A_1228 : memref<128xf32, #tpu.memory_space<vmem>>) offsets(%dma_start3A_1230 : memref<128xi32, #tpu.memory_space<vmem>>) semaphore(%arg17 : memref<!tpu.dma_semaphore, #tpu.memory_space<semaphore_mem>>)
      %dma_start3A_1233 = arith.constant 2944 : i32
      %dma_start3A_1234 = tpu.memref_slice %arg14[%dma_start3A_1233] : memref<6144xf32, #tpu.memory_space<vmem>> -> memref<128xf32, #tpu.memory_space<vmem>>
      %dma_start3A_1235 = arith.constant 896 : i32
      %dma_start3A_1236 = tpu.memref_slice %arg12[%dma_start3A_1235] : memref<1024xi32, #tpu.memory_space<vmem>> -> memref<128xi32, #tpu.memory_space<vmem>>
      %dma_start3A_1237 = arith.constant 0 : i32
      %dma_start3A_1238 = tpu.memref_slice %arg5[%dma_start3A_1237] : memref<16777216xf32, #tpu.memory_space<hbm>> -> memref<16777216xf32, #tpu.memory_space<hbm>>
      tpu.enqueue_indirect_dma source(%dma_start3A_1238 : memref<16777216xf32, #tpu.memory_space<hbm>>) target(%dma_start3A_1234 : memref<128xf32, #tpu.memory_space<vmem>>) offsets(%dma_start3A_1236 : memref<128xi32, #tpu.memory_space<vmem>>) semaphore(%arg17 : memref<!tpu.dma_semaphore, #tpu.memory_space<semaphore_mem>>)
      %dma_start3A_1239 = arith.constant 3968 : i32
      %dma_start3A_1240 = tpu.memref_slice %arg14[%dma_start3A_1239] : memref<6144xf32, #tpu.memory_space<vmem>> -> memref<128xf32, #tpu.memory_space<vmem>>
      %dma_start3A_1241 = arith.constant 896 : i32
      %dma_start3A_1242 = tpu.memref_slice %arg12[%dma_start3A_1241] : memref<1024xi32, #tpu.memory_space<vmem>> -> memref<128xi32, #tpu.memory_space<vmem>>
      %dma_start3A_1243 = arith.constant 0 : i32
      %dma_start3A_1244 = tpu.memref_slice %arg6[%dma_start3A_1243] : memref<16777216xf32, #tpu.memory_space<hbm>> -> memref<16777216xf32, #tpu.memory_space<hbm>>
      tpu.enqueue_indirect_dma source(%dma_start3A_1244 : memref<16777216xf32, #tpu.memory_space<hbm>>) target(%dma_start3A_1240 : memref<128xf32, #tpu.memory_space<vmem>>) offsets(%dma_start3A_1242 : memref<128xi32, #tpu.memory_space<vmem>>) semaphore(%arg17 : memref<!tpu.dma_semaphore, #tpu.memory_space<semaphore_mem>>)
      %dma_start3A_1245 = arith.constant 4992 : i32
      %dma_start3A_1246 = tpu.memref_slice %arg14[%dma_start3A_1245] : memref<6144xf32, #tpu.memory_space<vmem>> -> memref<128xf32, #tpu.memory_space<vmem>>
      %dma_start3A_1247 = arith.constant 896 : i32
      %dma_start3A_1248 = tpu.memref_slice %arg12[%dma_start3A_1247] : memref<1024xi32, #tpu.memory_space<vmem>> -> memref<128xi32, #tpu.memory_space<vmem>>
      %dma_start3A_1249 = arith.constant 0 : i32
      %dma_start3A_1250 = tpu.memref_slice %arg7[%dma_start3A_1249] : memref<16777216xf32, #tpu.memory_space<hbm>> -> memref<16777216xf32, #tpu.memory_space<hbm>>
      tpu.enqueue_indirect_dma source(%dma_start3A_1250 : memref<16777216xf32, #tpu.memory_space<hbm>>) target(%dma_start3A_1246 : memref<128xf32, #tpu.memory_space<vmem>>) offsets(%dma_start3A_1248 : memref<128xi32, #tpu.memory_space<vmem>>) semaphore(%arg17 : memref<!tpu.dma_semaphore, #tpu.memory_space<semaphore_mem>>)
      %dma_start3A_1251 = arith.constant 6016 : i32
      %dma_start3A_1252 = tpu.memref_slice %arg14[%dma_start3A_1251] : memref<6144xf32, #tpu.memory_space<vmem>> -> memref<128xf32, #tpu.memory_space<vmem>>
      %dma_start3A_1253 = arith.constant 896 : i32
      %dma_start3A_1254 = tpu.memref_slice %arg12[%dma_start3A_1253] : memref<1024xi32, #tpu.memory_space<vmem>> -> memref<128xi32, #tpu.memory_space<vmem>>
      %dma_start3A_1255 = arith.constant 0 : i32
      %dma_start3A_1256 = tpu.memref_slice %arg8[%dma_start3A_1255] : memref<16777216xf32, #tpu.memory_space<hbm>> -> memref<16777216xf32, #tpu.memory_space<hbm>>
      tpu.enqueue_indirect_dma source(%dma_start3A_1256 : memref<16777216xf32, #tpu.memory_space<hbm>>) target(%dma_start3A_1252 : memref<128xf32, #tpu.memory_space<vmem>>) offsets(%dma_start3A_1254 : memref<128xi32, #tpu.memory_space<vmem>>) semaphore(%arg17 : memref<!tpu.dma_semaphore, #tpu.memory_space<semaphore_mem>>)
      %dma_wait3A_1257 = arith.constant 0 : i32
      %dma_wait3A_1258 = tpu.memref_slice %arg2[%dma_wait3A_1257] : memref<3145728xf32, #tpu.memory_space<hbm>> -> memref<6144xf32, #tpu.memory_space<hbm>>
      %dma_wait3A_1259 = arith.constant 0 : i32
      %dma_wait3A_1260 = tpu.memref_slice %arg2[%dma_wait3A_1259] : memref<3145728xf32, #tpu.memory_space<hbm>> -> memref<6144xf32, #tpu.memory_space<hbm>>
      tpu.wait_dma2 semaphore(%arg18 : memref<!tpu.dma_semaphore, #tpu.memory_space<semaphore_mem>>) src(%dma_wait3A_1260 : memref<6144xf32, #tpu.memory_space<hbm>>) dst(%arg15 : memref<6144xf32, #tpu.memory_space<vmem>>)
      %scan3A_1261 = arith.constant 0 : i32
      %scan3A_1262 = arith.constant 64 : i32
      %scan3A_1263 = arith.addi %scan3A_1261, %scan3A_1262 : i32
      %scan3A_1264 = arith.constant 1 : i32
      scf.for %scan3A_1273 = %scan3A_1261 to %scan3A_1263 step %scan3A_1264  : i32 {
        %mul3A_1274 = arith.constant 48 : i32
        %mul3A_1275 = arith.muli %scan3A_1273, %mul3A_1274 : i32
        %mul3A_1276 = arith.constant 3 : i32
        %mul3A_1277 = vector.broadcast %mul3A_1276 : i32 to vector<16xi32>
        %mul3A_1278 = arith.muli %iota3A, %mul3A_1277 : vector<16xi32>
        %add3A_1279 = vector.broadcast %mul3A_1275 : i32 to vector<16xi32>
        %add3A_1280 = arith.addi %add3A_1279, %mul3A_1278 : vector<16xi32>
        %add3A_1281 = arith.constant 0 : i32
        %add3A_1282 = vector.broadcast %add3A_1281 : i32 to vector<16xi32>
        %add3A_1283 = arith.addi %add3A_1280, %add3A_1282 : vector<16xi32>
        %gather3A = tpu.vector_load_idx %arg11[%add3A_1283] : memref<3072xf32, #tpu.memory_space<vmem>>[vector<16xi32>], vector<16xf32>,
        %mul3A_1284 = arith.constant 16 : i32
        %mul3A_1285 = arith.muli %scan3A_1273, %mul3A_1284 : i32
        %add3A_1286 = arith.constant 0 : i32
        %add3A_1287 = arith.addi %add3A_1286, %mul3A_1285 : i32
        %get3A = arith.index_cast %add3A_1287 : i32 to index
        %get3A_1288 = tpu.vector_load %arg15[%get3A] {strides = array<i32>} : memref<6144xf32, #tpu.memory_space<vmem>>, vector<16xf32>,
        %mul3A_1289 = arith.constant 16 : i32
        %mul3A_1290 = arith.muli %scan3A_1273, %mul3A_1289 : i32
        %add3A_1291 = arith.constant 3072 : i32
        %add3A_1292 = arith.addi %add3A_1291, %mul3A_1290 : i32
        %get3A_1293 = arith.index_cast %add3A_1292 : i32 to index
        %get3A_1294 = tpu.vector_load %arg15[%get3A_1293] {strides = array<i32>} : memref<6144xf32, #tpu.memory_space<vmem>>, vector<16xf32>,
        %add3A_1295 = arith.constant 0 : i32
        %add3A_1296 = vector.broadcast %add3A_1295 : i32 to vector<16xi32>
        %add3A_1297 = arith.addi %add3A_1280, %add3A_1296 : vector<16xi32>
        %mul3A_1298 = arith.mulf %gather3A, %get3A_1288 : vector<16xf32>
        %add3A_1299 = arith.addf %mul3A_1298, %get3A_1294 : vector<16xf32>
        %add3A_1300 = arith.addf %add3A_1299, %add3A_1299 : vector<16xf32>
        %exp3A = math.exp %add3A_1300 : vector<16xf32>
        %add3A_1301 = arith.constant 1.000000e+00 : f32
        %add3A_1302 = vector.broadcast %add3A_1301 : f32 to vector<16xf32>
        %add3A_1303 = arith.addf %exp3A, %add3A_1302 : vector<16xf32>
        %div3A = arith.constant 2.000000e+00 : f32
        %div3A_1304 = vector.broadcast %div3A : f32 to vector<16xf32>
        %div3A_1305 = arith.divf %div3A_1304, %add3A_1303 : vector<16xf32>
        %sub3A_1306 = arith.constant 1.000000e+00 : f32
        %sub3A_1307 = vector.broadcast %sub3A_1306 : f32 to vector<16xf32>
        %sub3A_1308 = arith.subf %sub3A_1307, %div3A_1305 : vector<16xf32>
        tpu.vector_store_idx %arg16[%add3A_1297], %sub3A_1308 : memref<3072xf32, #tpu.memory_space<vmem>>[vector<16xi32>], vector<16xf32>,
        %add3A_1309 = arith.constant 1 : i32
        %add3A_1310 = vector.broadcast %add3A_1309 : i32 to vector<16xi32>
        %add3A_1311 = arith.addi %add3A_1280, %add3A_1310 : vector<16xi32>
        %gather3A_1312 = tpu.vector_load_idx %arg11[%add3A_1311] : memref<3072xf32, #tpu.memory_space<vmem>>[vector<16xi32>], vector<16xf32>,
        %mul3A_1313 = arith.constant 16 : i32
        %mul3A_1314 = arith.muli %scan3A_1273, %mul3A_1313 : i32
        %add3A_1315 = arith.constant 1024 : i32
        %add3A_1316 = arith.addi %add3A_1315, %mul3A_1314 : i32
        %get3A_1317 = arith.index_cast %add3A_1316 : i32 to index
        %get3A_1318 = tpu.vector_load %arg15[%get3A_1317] {strides = array<i32>} : memref<6144xf32, #tpu.memory_space<vmem>>, vector<16xf32>,
        %mul3A_1319 = arith.constant 16 : i32
        %mul3A_1320 = arith.muli %scan3A_1273, %mul3A_1319 : i32
        %add3A_1321 = arith.constant 4096 : i32
        %add3A_1322 = arith.addi %add3A_1321, %mul3A_1320 : i32
        %get3A_1323 = arith.index_cast %add3A_1322 : i32 to index
        %get3A_1324 = tpu.vector_load %arg15[%get3A_1323] {strides = array<i32>} : memref<6144xf32, #tpu.memory_space<vmem>>, vector<16xf32>,
        %add3A_1325 = arith.constant 1 : i32
        %add3A_1326 = vector.broadcast %add3A_1325 : i32 to vector<16xi32>
        %add3A_1327 = arith.addi %add3A_1280, %add3A_1326 : vector<16xi32>
        %mul3A_1328 = arith.mulf %gather3A_1312, %get3A_1318 : vector<16xf32>
        %add3A_1329 = arith.addf %mul3A_1328, %get3A_1324 : vector<16xf32>
        %add3A_1330 = arith.addf %add3A_1329, %add3A_1329 : vector<16xf32>
        %exp3A_1331 = math.exp %add3A_1330 : vector<16xf32>
        %add3A_1332 = arith.constant 1.000000e+00 : f32
        %add3A_1333 = vector.broadcast %add3A_1332 : f32 to vector<16xf32>
        %add3A_1334 = arith.addf %exp3A_1331, %add3A_1333 : vector<16xf32>
        %div3A_1335 = arith.constant 2.000000e+00 : f32
        %div3A_1336 = vector.broadcast %div3A_1335 : f32 to vector<16xf32>
        %div3A_1337 = arith.divf %div3A_1336, %add3A_1334 : vector<16xf32>
        %sub3A_1338 = arith.constant 1.000000e+00 : f32
        %sub3A_1339 = vector.broadcast %sub3A_1338 : f32 to vector<16xf32>
        %sub3A_1340 = arith.subf %sub3A_1339, %div3A_1337 : vector<16xf32>
        tpu.vector_store_idx %arg16[%add3A_1327], %sub3A_1340 : memref<3072xf32, #tpu.memory_space<vmem>>[vector<16xi32>], vector<16xf32>,
        %add3A_1341 = arith.constant 2 : i32
        %add3A_1342 = vector.broadcast %add3A_1341 : i32 to vector<16xi32>
        %add3A_1343 = arith.addi %add3A_1280, %add3A_1342 : vector<16xi32>
        %gather3A_1344 = tpu.vector_load_idx %arg11[%add3A_1343] : memref<3072xf32, #tpu.memory_space<vmem>>[vector<16xi32>], vector<16xf32>,
        %mul3A_1345 = arith.constant 16 : i32
        %mul3A_1346 = arith.muli %scan3A_1273, %mul3A_1345 : i32
        %add3A_1347 = arith.constant 2048 : i32
        %add3A_1348 = arith.addi %add3A_1347, %mul3A_1346 : i32
        %get3A_1349 = arith.index_cast %add3A_1348 : i32 to index
        %get3A_1350 = tpu.vector_load %arg15[%get3A_1349] {strides = array<i32>} : memref<6144xf32, #tpu.memory_space<vmem>>, vector<16xf32>,
        %mul3A_1351 = arith.constant 16 : i32
        %mul3A_1352 = arith.muli %scan3A_1273, %mul3A_1351 : i32
        %add3A_1353 = arith.constant 5120 : i32
        %add3A_1354 = arith.addi %add3A_1353, %mul3A_1352 : i32
        %get3A_1355 = arith.index_cast %add3A_1354 : i32 to index
        %get3A_1356 = tpu.vector_load %arg15[%get3A_1355] {strides = array<i32>} : memref<6144xf32, #tpu.memory_space<vmem>>, vector<16xf32>,
        %add3A_1357 = arith.constant 2 : i32
        %add3A_1358 = vector.broadcast %add3A_1357 : i32 to vector<16xi32>
        %add3A_1359 = arith.addi %add3A_1280, %add3A_1358 : vector<16xi32>
        %mul3A_1360 = arith.mulf %gather3A_1344, %get3A_1350 : vector<16xf32>
        %add3A_1361 = arith.addf %mul3A_1360, %get3A_1356 : vector<16xf32>
        %add3A_1362 = arith.addf %add3A_1361, %add3A_1361 : vector<16xf32>
        %exp3A_1363 = math.exp %add3A_1362 : vector<16xf32>
        %add3A_1364 = arith.constant 1.000000e+00 : f32
        %add3A_1365 = vector.broadcast %add3A_1364 : f32 to vector<16xf32>
        %add3A_1366 = arith.addf %exp3A_1363, %add3A_1365 : vector<16xf32>
        %div3A_1367 = arith.constant 2.000000e+00 : f32
        %div3A_1368 = vector.broadcast %div3A_1367 : f32 to vector<16xf32>
        %div3A_1369 = arith.divf %div3A_1368, %add3A_1366 : vector<16xf32>
        %sub3A_1370 = arith.constant 1.000000e+00 : f32
        %sub3A_1371 = vector.broadcast %sub3A_1370 : f32 to vector<16xf32>
        %sub3A_1372 = arith.subf %sub3A_1371, %div3A_1369 : vector<16xf32>
        tpu.vector_store_idx %arg16[%add3A_1359], %sub3A_1372 : memref<3072xf32, #tpu.memory_space<vmem>>[vector<16xi32>], vector<16xf32>,
      }
      %scan3A_1265 = arith.constant 64 : i32
      %mul3A_1266 = arith.constant 32768 : i32
      %mul3A_1267 = arith.muli %add3A, %mul3A_1266 : i32
      %mul3A_1268 = arith.constant 1024 : i32
      %mul3A_1269 = arith.muli %add3A_635, %mul3A_1268 : i32
      %add3A_1270 = arith.addi %mul3A_1267, %mul3A_1269 : i32
      %mul3A_1271 = arith.constant 3 : i32
      %mul3A_1272 = arith.muli %add3A_1270, %mul3A_1271 : i32
      "tpu.region"() ({
        %run_scoped3A = tpu.sem_alloc : memref<!tpu.dma_semaphore, #tpu.memory_space<semaphore_mem>>
        %dma_start3A_1273 = tpu.memref_slice %arg9[%mul3A_1272] : memref<3145728xf32, #tpu.memory_space<hbm>> -> memref<3072xf32, #tpu.memory_space<hbm>>
        %dma_start3A_1274 = tpu.memref_slice %arg9[%mul3A_1272] : memref<3145728xf32, #tpu.memory_space<hbm>> -> memref<3072xf32, #tpu.memory_space<hbm>>
        tpu.enqueue_dma source(%arg16 : memref<3072xf32, #tpu.memory_space<vmem>>) target(%dma_start3A_1274 : memref<3072xf32, #tpu.memory_space<hbm>>) target_semaphore(%run_scoped3A : memref<!tpu.dma_semaphore, #tpu.memory_space<semaphore_mem>>)
        %dma_wait3A_1275 = tpu.memref_slice %arg9[%mul3A_1272] : memref<3145728xf32, #tpu.memory_space<hbm>> -> memref<3072xf32, #tpu.memory_space<hbm>>
        %dma_wait3A_1276 = tpu.memref_slice %arg9[%mul3A_1272] : memref<3145728xf32, #tpu.memory_space<hbm>> -> memref<3072xf32, #tpu.memory_space<hbm>>
        tpu.wait_dma2 semaphore(%run_scoped3A : memref<!tpu.dma_semaphore, #tpu.memory_space<semaphore_mem>>) src(%arg16 : memref<3072xf32, #tpu.memory_space<vmem>>) dst(%dma_wait3A_1276 : memref<3072xf32, #tpu.memory_space<hbm>>)
        tpu.yield
      }) : () -> ()
    }
    %scan3A_302 = arith.constant 15 : i32
    %mul3A_303 = arith.constant 32768 : i32
    %mul3A_304 = arith.muli %add3A, %mul3A_303 : i32
    %add3A_305 = arith.constant 31744 : i32
    %add3A_306 = arith.addi %mul3A_304, %add3A_305 : i32
    %mul3A_307 = arith.constant 3 : i32
    %mul3A_308 = arith.muli %add3A_306, %mul3A_307 : i32
    "tpu.region"() ({
      %run_scoped3A = tpu.sem_alloc : memref<!tpu.dma_semaphore, #tpu.memory_space<semaphore_mem>>
      %dma_start3A_631 = tpu.memref_slice %arg2[%mul3A_308] : memref<3145728xf32, #tpu.memory_space<hbm>> -> memref<3072xf32, #tpu.memory_space<hbm>>
      %dma_start3A_632 = tpu.memref_slice %arg2[%mul3A_308] : memref<3145728xf32, #tpu.memory_space<hbm>> -> memref<3072xf32, #tpu.memory_space<hbm>>
      tpu.enqueue_dma source(%dma_start3A_632 : memref<3072xf32, #tpu.memory_space<hbm>>) target(%arg11 : memref<3072xf32, #tpu.memory_space<vmem>>) target_semaphore(%run_scoped3A : memref<!tpu.dma_semaphore, #tpu.memory_space<semaphore_mem>>)
      %dma_wait3A_633 = tpu.memref_slice %arg2[%mul3A_308] : memref<3145728xf32, #tpu.memory_space<hbm>> -> memref<3072xf32, #tpu.memory_space<hbm>>
      %dma_wait3A_634 = tpu.memref_slice %arg2[%mul3A_308] : memref<3145728xf32, #tpu.memory_space<hbm>> -> memref<3072xf32, #tpu.memory_space<hbm>>
      tpu.wait_dma2 semaphore(%run_scoped3A : memref<!tpu.dma_semaphore, #tpu.memory_space<semaphore_mem>>) src(%dma_wait3A_634 : memref<3072xf32, #tpu.memory_space<hbm>>) dst(%arg11 : memref<3072xf32, #tpu.memory_space<vmem>>)
      tpu.yield
    }) : () -> ()
    %scan3A_309 = arith.constant 0 : i32
    %scan3A_310 = arith.constant 64 : i32
    %scan3A_311 = arith.addi %scan3A_309, %scan3A_310 : i32
    %scan3A_312 = arith.constant 1 : i32
    scf.for %scan3A_631 = %scan3A_309 to %scan3A_311 step %scan3A_312  : i32 {
      %mul3A_632 = arith.constant 48 : i32
      %mul3A_633 = arith.muli %scan3A_631, %mul3A_632 : i32
      %mul3A_634 = arith.constant 3 : i32
      %mul3A_635 = vector.broadcast %mul3A_634 : i32 to vector<16xi32>
      %mul3A_636 = arith.muli %iota3A, %mul3A_635 : vector<16xi32>
      %add3A_637 = vector.broadcast %mul3A_633 : i32 to vector<16xi32>
      %add3A_638 = arith.addi %add3A_637, %mul3A_636 : vector<16xi32>
      %gather3A = tpu.vector_load_idx %arg11[%add3A_638] : memref<3072xf32, #tpu.memory_space<vmem>>[vector<16xi32>], vector<16xf32>,
      %add3A_639 = arith.constant 1 : i32
      %add3A_640 = vector.broadcast %add3A_639 : i32 to vector<16xi32>
      %add3A_641 = arith.addi %add3A_638, %add3A_640 : vector<16xi32>
      %gather3A_642 = tpu.vector_load_idx %arg11[%add3A_641] : memref<3072xf32, #tpu.memory_space<vmem>>[vector<16xi32>], vector<16xf32>,
      %add3A_643 = arith.constant 2 : i32
      %add3A_644 = vector.broadcast %add3A_643 : i32 to vector<16xi32>
      %add3A_645 = arith.addi %add3A_638, %add3A_644 : vector<16xi32>
      %gather3A_646 = tpu.vector_load_idx %arg11[%add3A_645] : memref<3072xf32, #tpu.memory_space<vmem>>[vector<16xi32>], vector<16xf32>,
      %mul3A_647 = arith.constant 6.553600e+04 : f32
      %mul3A_648 = vector.broadcast %mul3A_647 : f32 to vector<16xf32>
      %mul3A_649 = arith.mulf %gather3A, %mul3A_648 : vector<16xf32>
      %mul3A_650 = arith.constant 2.560000e+02 : f32
      %mul3A_651 = vector.broadcast %mul3A_650 : f32 to vector<16xf32>
      %mul3A_652 = arith.mulf %gather3A_642, %mul3A_651 : vector<16xf32>
      %add3A_653 = arith.addf %mul3A_649, %mul3A_652 : vector<16xf32>
      %add3A_654 = arith.addf %add3A_653, %gather3A_646 : vector<16xf32>
      %convert_element_type3A = arith.fptosi %add3A_654 : vector<16xf32> to vector<16xi32>
      %mul3A_655 = arith.constant 16 : i32
      %mul3A_656 = arith.muli %scan3A_631, %mul3A_655 : i32
      %swap3A = arith.index_cast %mul3A_656 : i32 to index
      %swap3A_657 = tpu.vector_load %arg13[%swap3A] {strides = array<i32>} : memref<1024xi32, #tpu.memory_space<vmem>>, vector<16xi32>,
      tpu.vector_store %arg13[%swap3A], %convert_element_type3A {strides = array<i32>} : memref<1024xi32, #tpu.memory_space<vmem>>, vector<16xi32>,
    }
    %scan3A_313 = arith.constant 64 : i32
    %dma_start3A_314 = arith.constant 0 : i32
    %dma_start3A_315 = tpu.memref_slice %arg15[%dma_start3A_314] : memref<6144xf32, #tpu.memory_space<vmem>> -> memref<128xf32, #tpu.memory_space<vmem>>
    %dma_start3A_316 = arith.constant 0 : i32
    %dma_start3A_317 = tpu.memref_slice %arg13[%dma_start3A_316] : memref<1024xi32, #tpu.memory_space<vmem>> -> memref<128xi32, #tpu.memory_space<vmem>>
    %dma_start3A_318 = arith.constant 0 : i32
    %dma_start3A_319 = tpu.memref_slice %arg3[%dma_start3A_318] : memref<16777216xf32, #tpu.memory_space<hbm>> -> memref<16777216xf32, #tpu.memory_space<hbm>>
    tpu.enqueue_indirect_dma source(%dma_start3A_319 : memref<16777216xf32, #tpu.memory_space<hbm>>) target(%dma_start3A_315 : memref<128xf32, #tpu.memory_space<vmem>>) offsets(%dma_start3A_317 : memref<128xi32, #tpu.memory_space<vmem>>) semaphore(%arg18 : memref<!tpu.dma_semaphore, #tpu.memory_space<semaphore_mem>>)
    %dma_start3A_320 = arith.constant 1024 : i32
    %dma_start3A_321 = tpu.memref_slice %arg15[%dma_start3A_320] : memref<6144xf32, #tpu.memory_space<vmem>> -> memref<128xf32, #tpu.memory_space<vmem>>
    %dma_start3A_322 = arith.constant 0 : i32
    %dma_start3A_323 = tpu.memref_slice %arg13[%dma_start3A_322] : memref<1024xi32, #tpu.memory_space<vmem>> -> memref<128xi32, #tpu.memory_space<vmem>>
    %dma_start3A_324 = arith.constant 0 : i32
    %dma_start3A_325 = tpu.memref_slice %arg4[%dma_start3A_324] : memref<16777216xf32, #tpu.memory_space<hbm>> -> memref<16777216xf32, #tpu.memory_space<hbm>>
    tpu.enqueue_indirect_dma source(%dma_start3A_325 : memref<16777216xf32, #tpu.memory_space<hbm>>) target(%dma_start3A_321 : memref<128xf32, #tpu.memory_space<vmem>>) offsets(%dma_start3A_323 : memref<128xi32, #tpu.memory_space<vmem>>) semaphore(%arg18 : memref<!tpu.dma_semaphore, #tpu.memory_space<semaphore_mem>>)
    %dma_start3A_326 = arith.constant 2048 : i32
    %dma_start3A_327 = tpu.memref_slice %arg15[%dma_start3A_326] : memref<6144xf32, #tpu.memory_space<vmem>> -> memref<128xf32, #tpu.memory_space<vmem>>
    %dma_start3A_328 = arith.constant 0 : i32
    %dma_start3A_329 = tpu.memref_slice %arg13[%dma_start3A_328] : memref<1024xi32, #tpu.memory_space<vmem>> -> memref<128xi32, #tpu.memory_space<vmem>>
    %dma_start3A_330 = arith.constant 0 : i32
    %dma_start3A_331 = tpu.memref_slice %arg5[%dma_start3A_330] : memref<16777216xf32, #tpu.memory_space<hbm>> -> memref<16777216xf32, #tpu.memory_space<hbm>>
    tpu.enqueue_indirect_dma source(%dma_start3A_331 : memref<16777216xf32, #tpu.memory_space<hbm>>) target(%dma_start3A_327 : memref<128xf32, #tpu.memory_space<vmem>>) offsets(%dma_start3A_329 : memref<128xi32, #tpu.memory_space<vmem>>) semaphore(%arg18 : memref<!tpu.dma_semaphore, #tpu.memory_space<semaphore_mem>>)
    %dma_start3A_332 = arith.constant 3072 : i32
    %dma_start3A_333 = tpu.memref_slice %arg15[%dma_start3A_332] : memref<6144xf32, #tpu.memory_space<vmem>> -> memref<128xf32, #tpu.memory_space<vmem>>
    %dma_start3A_334 = arith.constant 0 : i32
    %dma_start3A_335 = tpu.memref_slice %arg13[%dma_start3A_334] : memref<1024xi32, #tpu.memory_space<vmem>> -> memref<128xi32, #tpu.memory_space<vmem>>
    %dma_start3A_336 = arith.constant 0 : i32
    %dma_start3A_337 = tpu.memref_slice %arg6[%dma_start3A_336] : memref<16777216xf32, #tpu.memory_space<hbm>> -> memref<16777216xf32, #tpu.memory_space<hbm>>
    tpu.enqueue_indirect_dma source(%dma_start3A_337 : memref<16777216xf32, #tpu.memory_space<hbm>>) target(%dma_start3A_333 : memref<128xf32, #tpu.memory_space<vmem>>) offsets(%dma_start3A_335 : memref<128xi32, #tpu.memory_space<vmem>>) semaphore(%arg18 : memref<!tpu.dma_semaphore, #tpu.memory_space<semaphore_mem>>)
    %dma_start3A_338 = arith.constant 4096 : i32
    %dma_start3A_339 = tpu.memref_slice %arg15[%dma_start3A_338] : memref<6144xf32, #tpu.memory_space<vmem>> -> memref<128xf32, #tpu.memory_space<vmem>>
    %dma_start3A_340 = arith.constant 0 : i32
    %dma_start3A_341 = tpu.memref_slice %arg13[%dma_start3A_340] : memref<1024xi32, #tpu.memory_space<vmem>> -> memref<128xi32, #tpu.memory_space<vmem>>
    %dma_start3A_342 = arith.constant 0 : i32
    %dma_start3A_343 = tpu.memref_slice %arg7[%dma_start3A_342] : memref<16777216xf32, #tpu.memory_space<hbm>> -> memref<16777216xf32, #tpu.memory_space<hbm>>
    tpu.enqueue_indirect_dma source(%dma_start3A_343 : memref<16777216xf32, #tpu.memory_space<hbm>>) target(%dma_start3A_339 : memref<128xf32, #tpu.memory_space<vmem>>) offsets(%dma_start3A_341 : memref<128xi32, #tpu.memory_space<vmem>>) semaphore(%arg18 : memref<!tpu.dma_semaphore, #tpu.memory_space<semaphore_mem>>)
    %dma_start3A_344 = arith.constant 5120 : i32
    %dma_start3A_345 = tpu.memref_slice %arg15[%dma_start3A_344] : memref<6144xf32, #tpu.memory_space<vmem>> -> memref<128xf32, #tpu.memory_space<vmem>>
    %dma_start3A_346 = arith.constant 0 : i32
    %dma_start3A_347 = tpu.memref_slice %arg13[%dma_start3A_346] : memref<1024xi32, #tpu.memory_space<vmem>> -> memref<128xi32, #tpu.memory_space<vmem>>
    %dma_start3A_348 = arith.constant 0 : i32
    %dma_start3A_349 = tpu.memref_slice %arg8[%dma_start3A_348] : memref<16777216xf32, #tpu.memory_space<hbm>> -> memref<16777216xf32, #tpu.memory_space<hbm>>
    tpu.enqueue_indirect_dma source(%dma_start3A_349 : memref<16777216xf32, #tpu.memory_space<hbm>>) target(%dma_start3A_345 : memref<128xf32, #tpu.memory_space<vmem>>) offsets(%dma_start3A_347 : memref<128xi32, #tpu.memory_space<vmem>>) semaphore(%arg18 : memref<!tpu.dma_semaphore, #tpu.memory_space<semaphore_mem>>)
    %dma_start3A_350 = arith.constant 128 : i32
    %dma_start3A_351 = tpu.memref_slice %arg15[%dma_start3A_350] : memref<6144xf32, #tpu.memory_space<vmem>> -> memref<128xf32, #tpu.memory_space<vmem>>
    %dma_start3A_352 = arith.constant 128 : i32
    %dma_start3A_353 = tpu.memref_slice %arg13[%dma_start3A_352] : memref<1024xi32, #tpu.memory_space<vmem>> -> memref<128xi32, #tpu.memory_space<vmem>>
    %dma_start3A_354 = arith.constant 0 : i32
    %dma_start3A_355 = tpu.memref_slice %arg3[%dma_start3A_354] : memref<16777216xf32, #tpu.memory_space<hbm>> -> memref<16777216xf32, #tpu.memory_space<hbm>>
    tpu.enqueue_indirect_dma source(%dma_start3A_355 : memref<16777216xf32, #tpu.memory_space<hbm>>) target(%dma_start3A_351 : memref<128xf32, #tpu.memory_space<vmem>>) offsets(%dma_start3A_353 : memref<128xi32, #tpu.memory_space<vmem>>) semaphore(%arg18 : memref<!tpu.dma_semaphore, #tpu.memory_space<semaphore_mem>>)
    %dma_start3A_356 = arith.constant 1152 : i32
    %dma_start3A_357 = tpu.memref_slice %arg15[%dma_start3A_356] : memref<6144xf32, #tpu.memory_space<vmem>> -> memref<128xf32, #tpu.memory_space<vmem>>
    %dma_start3A_358 = arith.constant 128 : i32
    %dma_start3A_359 = tpu.memref_slice %arg13[%dma_start3A_358] : memref<1024xi32, #tpu.memory_space<vmem>> -> memref<128xi32, #tpu.memory_space<vmem>>
    %dma_start3A_360 = arith.constant 0 : i32
    %dma_start3A_361 = tpu.memref_slice %arg4[%dma_start3A_360] : memref<16777216xf32, #tpu.memory_space<hbm>> -> memref<16777216xf32, #tpu.memory_space<hbm>>
    tpu.enqueue_indirect_dma source(%dma_start3A_361 : memref<16777216xf32, #tpu.memory_space<hbm>>) target(%dma_start3A_357 : memref<128xf32, #tpu.memory_space<vmem>>) offsets(%dma_start3A_359 : memref<128xi32, #tpu.memory_space<vmem>>) semaphore(%arg18 : memref<!tpu.dma_semaphore, #tpu.memory_space<semaphore_mem>>)
    %dma_start3A_362 = arith.constant 2176 : i32
    %dma_start3A_363 = tpu.memref_slice %arg15[%dma_start3A_362] : memref<6144xf32, #tpu.memory_space<vmem>> -> memref<128xf32, #tpu.memory_space<vmem>>
    %dma_start3A_364 = arith.constant 128 : i32
    %dma_start3A_365 = tpu.memref_slice %arg13[%dma_start3A_364] : memref<1024xi32, #tpu.memory_space<vmem>> -> memref<128xi32, #tpu.memory_space<vmem>>
    %dma_start3A_366 = arith.constant 0 : i32
    %dma_start3A_367 = tpu.memref_slice %arg5[%dma_start3A_366] : memref<16777216xf32, #tpu.memory_space<hbm>> -> memref<16777216xf32, #tpu.memory_space<hbm>>
    tpu.enqueue_indirect_dma source(%dma_start3A_367 : memref<16777216xf32, #tpu.memory_space<hbm>>) target(%dma_start3A_363 : memref<128xf32, #tpu.memory_space<vmem>>) offsets(%dma_start3A_365 : memref<128xi32, #tpu.memory_space<vmem>>) semaphore(%arg18 : memref<!tpu.dma_semaphore, #tpu.memory_space<semaphore_mem>>)
    %dma_start3A_368 = arith.constant 3200 : i32
    %dma_start3A_369 = tpu.memref_slice %arg15[%dma_start3A_368] : memref<6144xf32, #tpu.memory_space<vmem>> -> memref<128xf32, #tpu.memory_space<vmem>>
    %dma_start3A_370 = arith.constant 128 : i32
    %dma_start3A_371 = tpu.memref_slice %arg13[%dma_start3A_370] : memref<1024xi32, #tpu.memory_space<vmem>> -> memref<128xi32, #tpu.memory_space<vmem>>
    %dma_start3A_372 = arith.constant 0 : i32
    %dma_start3A_373 = tpu.memref_slice %arg6[%dma_start3A_372] : memref<16777216xf32, #tpu.memory_space<hbm>> -> memref<16777216xf32, #tpu.memory_space<hbm>>
    tpu.enqueue_indirect_dma source(%dma_start3A_373 : memref<16777216xf32, #tpu.memory_space<hbm>>) target(%dma_start3A_369 : memref<128xf32, #tpu.memory_space<vmem>>) offsets(%dma_start3A_371 : memref<128xi32, #tpu.memory_space<vmem>>) semaphore(%arg18 : memref<!tpu.dma_semaphore, #tpu.memory_space<semaphore_mem>>)
    %dma_start3A_374 = arith.constant 4224 : i32
    %dma_start3A_375 = tpu.memref_slice %arg15[%dma_start3A_374] : memref<6144xf32, #tpu.memory_space<vmem>> -> memref<128xf32, #tpu.memory_space<vmem>>
    %dma_start3A_376 = arith.constant 128 : i32
    %dma_start3A_377 = tpu.memref_slice %arg13[%dma_start3A_376] : memref<1024xi32, #tpu.memory_space<vmem>> -> memref<128xi32, #tpu.memory_space<vmem>>
    %dma_start3A_378 = arith.constant 0 : i32
    %dma_start3A_379 = tpu.memref_slice %arg7[%dma_start3A_378] : memref<16777216xf32, #tpu.memory_space<hbm>> -> memref<16777216xf32, #tpu.memory_space<hbm>>
    tpu.enqueue_indirect_dma source(%dma_start3A_379 : memref<16777216xf32, #tpu.memory_space<hbm>>) target(%dma_start3A_375 : memref<128xf32, #tpu.memory_space<vmem>>) offsets(%dma_start3A_377 : memref<128xi32, #tpu.memory_space<vmem>>) semaphore(%arg18 : memref<!tpu.dma_semaphore, #tpu.memory_space<semaphore_mem>>)
    %dma_start3A_380 = arith.constant 5248 : i32
    %dma_start3A_381 = tpu.memref_slice %arg15[%dma_start3A_380] : memref<6144xf32, #tpu.memory_space<vmem>> -> memref<128xf32, #tpu.memory_space<vmem>>
    %dma_start3A_382 = arith.constant 128 : i32
    %dma_start3A_383 = tpu.memref_slice %arg13[%dma_start3A_382] : memref<1024xi32, #tpu.memory_space<vmem>> -> memref<128xi32, #tpu.memory_space<vmem>>
    %dma_start3A_384 = arith.constant 0 : i32
    %dma_start3A_385 = tpu.memref_slice %arg8[%dma_start3A_384] : memref<16777216xf32, #tpu.memory_space<hbm>> -> memref<16777216xf32, #tpu.memory_space<hbm>>
    tpu.enqueue_indirect_dma source(%dma_start3A_385 : memref<16777216xf32, #tpu.memory_space<hbm>>) target(%dma_start3A_381 : memref<128xf32, #tpu.memory_space<vmem>>) offsets(%dma_start3A_383 : memref<128xi32, #tpu.memory_space<vmem>>) semaphore(%arg18 : memref<!tpu.dma_semaphore, #tpu.memory_space<semaphore_mem>>)
    %dma_start3A_386 = arith.constant 256 : i32
    %dma_start3A_387 = tpu.memref_slice %arg15[%dma_start3A_386] : memref<6144xf32, #tpu.memory_space<vmem>> -> memref<128xf32, #tpu.memory_space<vmem>>
    %dma_start3A_388 = arith.constant 256 : i32
    %dma_start3A_389 = tpu.memref_slice %arg13[%dma_start3A_388] : memref<1024xi32, #tpu.memory_space<vmem>> -> memref<128xi32, #tpu.memory_space<vmem>>
    %dma_start3A_390 = arith.constant 0 : i32
    %dma_start3A_391 = tpu.memref_slice %arg3[%dma_start3A_390] : memref<16777216xf32, #tpu.memory_space<hbm>> -> memref<16777216xf32, #tpu.memory_space<hbm>>
    tpu.enqueue_indirect_dma source(%dma_start3A_391 : memref<16777216xf32, #tpu.memory_space<hbm>>) target(%dma_start3A_387 : memref<128xf32, #tpu.memory_space<vmem>>) offsets(%dma_start3A_389 : memref<128xi32, #tpu.memory_space<vmem>>) semaphore(%arg18 : memref<!tpu.dma_semaphore, #tpu.memory_space<semaphore_mem>>)
    %dma_start3A_392 = arith.constant 1280 : i32
    %dma_start3A_393 = tpu.memref_slice %arg15[%dma_start3A_392] : memref<6144xf32, #tpu.memory_space<vmem>> -> memref<128xf32, #tpu.memory_space<vmem>>
    %dma_start3A_394 = arith.constant 256 : i32
    %dma_start3A_395 = tpu.memref_slice %arg13[%dma_start3A_394] : memref<1024xi32, #tpu.memory_space<vmem>> -> memref<128xi32, #tpu.memory_space<vmem>>
    %dma_start3A_396 = arith.constant 0 : i32
    %dma_start3A_397 = tpu.memref_slice %arg4[%dma_start3A_396] : memref<16777216xf32, #tpu.memory_space<hbm>> -> memref<16777216xf32, #tpu.memory_space<hbm>>
    tpu.enqueue_indirect_dma source(%dma_start3A_397 : memref<16777216xf32, #tpu.memory_space<hbm>>) target(%dma_start3A_393 : memref<128xf32, #tpu.memory_space<vmem>>) offsets(%dma_start3A_395 : memref<128xi32, #tpu.memory_space<vmem>>) semaphore(%arg18 : memref<!tpu.dma_semaphore, #tpu.memory_space<semaphore_mem>>)
    %dma_start3A_398 = arith.constant 2304 : i32
    %dma_start3A_399 = tpu.memref_slice %arg15[%dma_start3A_398] : memref<6144xf32, #tpu.memory_space<vmem>> -> memref<128xf32, #tpu.memory_space<vmem>>
    %dma_start3A_400 = arith.constant 256 : i32
    %dma_start3A_401 = tpu.memref_slice %arg13[%dma_start3A_400] : memref<1024xi32, #tpu.memory_space<vmem>> -> memref<128xi32, #tpu.memory_space<vmem>>
    %dma_start3A_402 = arith.constant 0 : i32
    %dma_start3A_403 = tpu.memref_slice %arg5[%dma_start3A_402] : memref<16777216xf32, #tpu.memory_space<hbm>> -> memref<16777216xf32, #tpu.memory_space<hbm>>
    tpu.enqueue_indirect_dma source(%dma_start3A_403 : memref<16777216xf32, #tpu.memory_space<hbm>>) target(%dma_start3A_399 : memref<128xf32, #tpu.memory_space<vmem>>) offsets(%dma_start3A_401 : memref<128xi32, #tpu.memory_space<vmem>>) semaphore(%arg18 : memref<!tpu.dma_semaphore, #tpu.memory_space<semaphore_mem>>)
    %dma_start3A_404 = arith.constant 3328 : i32
    %dma_start3A_405 = tpu.memref_slice %arg15[%dma_start3A_404] : memref<6144xf32, #tpu.memory_space<vmem>> -> memref<128xf32, #tpu.memory_space<vmem>>
    %dma_start3A_406 = arith.constant 256 : i32
    %dma_start3A_407 = tpu.memref_slice %arg13[%dma_start3A_406] : memref<1024xi32, #tpu.memory_space<vmem>> -> memref<128xi32, #tpu.memory_space<vmem>>
    %dma_start3A_408 = arith.constant 0 : i32
    %dma_start3A_409 = tpu.memref_slice %arg6[%dma_start3A_408] : memref<16777216xf32, #tpu.memory_space<hbm>> -> memref<16777216xf32, #tpu.memory_space<hbm>>
    tpu.enqueue_indirect_dma source(%dma_start3A_409 : memref<16777216xf32, #tpu.memory_space<hbm>>) target(%dma_start3A_405 : memref<128xf32, #tpu.memory_space<vmem>>) offsets(%dma_start3A_407 : memref<128xi32, #tpu.memory_space<vmem>>) semaphore(%arg18 : memref<!tpu.dma_semaphore, #tpu.memory_space<semaphore_mem>>)
    %dma_start3A_410 = arith.constant 4352 : i32
    %dma_start3A_411 = tpu.memref_slice %arg15[%dma_start3A_410] : memref<6144xf32, #tpu.memory_space<vmem>> -> memref<128xf32, #tpu.memory_space<vmem>>
    %dma_start3A_412 = arith.constant 256 : i32
    %dma_start3A_413 = tpu.memref_slice %arg13[%dma_start3A_412] : memref<1024xi32, #tpu.memory_space<vmem>> -> memref<128xi32, #tpu.memory_space<vmem>>
    %dma_start3A_414 = arith.constant 0 : i32
    %dma_start3A_415 = tpu.memref_slice %arg7[%dma_start3A_414] : memref<16777216xf32, #tpu.memory_space<hbm>> -> memref<16777216xf32, #tpu.memory_space<hbm>>
    tpu.enqueue_indirect_dma source(%dma_start3A_415 : memref<16777216xf32, #tpu.memory_space<hbm>>) target(%dma_start3A_411 : memref<128xf32, #tpu.memory_space<vmem>>) offsets(%dma_start3A_413 : memref<128xi32, #tpu.memory_space<vmem>>) semaphore(%arg18 : memref<!tpu.dma_semaphore, #tpu.memory_space<semaphore_mem>>)
    %dma_start3A_416 = arith.constant 5376 : i32
    %dma_start3A_417 = tpu.memref_slice %arg15[%dma_start3A_416] : memref<6144xf32, #tpu.memory_space<vmem>> -> memref<128xf32, #tpu.memory_space<vmem>>
    %dma_start3A_418 = arith.constant 256 : i32
    %dma_start3A_419 = tpu.memref_slice %arg13[%dma_start3A_418] : memref<1024xi32, #tpu.memory_space<vmem>> -> memref<128xi32, #tpu.memory_space<vmem>>
    %dma_start3A_420 = arith.constant 0 : i32
    %dma_start3A_421 = tpu.memref_slice %arg8[%dma_start3A_420] : memref<16777216xf32, #tpu.memory_space<hbm>> -> memref<16777216xf32, #tpu.memory_space<hbm>>
    tpu.enqueue_indirect_dma source(%dma_start3A_421 : memref<16777216xf32, #tpu.memory_space<hbm>>) target(%dma_start3A_417 : memref<128xf32, #tpu.memory_space<vmem>>) offsets(%dma_start3A_419 : memref<128xi32, #tpu.memory_space<vmem>>) semaphore(%arg18 : memref<!tpu.dma_semaphore, #tpu.memory_space<semaphore_mem>>)
    %dma_start3A_422 = arith.constant 384 : i32
    %dma_start3A_423 = tpu.memref_slice %arg15[%dma_start3A_422] : memref<6144xf32, #tpu.memory_space<vmem>> -> memref<128xf32, #tpu.memory_space<vmem>>
    %dma_start3A_424 = arith.constant 384 : i32
    %dma_start3A_425 = tpu.memref_slice %arg13[%dma_start3A_424] : memref<1024xi32, #tpu.memory_space<vmem>> -> memref<128xi32, #tpu.memory_space<vmem>>
    %dma_start3A_426 = arith.constant 0 : i32
    %dma_start3A_427 = tpu.memref_slice %arg3[%dma_start3A_426] : memref<16777216xf32, #tpu.memory_space<hbm>> -> memref<16777216xf32, #tpu.memory_space<hbm>>
    tpu.enqueue_indirect_dma source(%dma_start3A_427 : memref<16777216xf32, #tpu.memory_space<hbm>>) target(%dma_start3A_423 : memref<128xf32, #tpu.memory_space<vmem>>) offsets(%dma_start3A_425 : memref<128xi32, #tpu.memory_space<vmem>>) semaphore(%arg18 : memref<!tpu.dma_semaphore, #tpu.memory_space<semaphore_mem>>)
    %dma_start3A_428 = arith.constant 1408 : i32
    %dma_start3A_429 = tpu.memref_slice %arg15[%dma_start3A_428] : memref<6144xf32, #tpu.memory_space<vmem>> -> memref<128xf32, #tpu.memory_space<vmem>>
    %dma_start3A_430 = arith.constant 384 : i32
    %dma_start3A_431 = tpu.memref_slice %arg13[%dma_start3A_430] : memref<1024xi32, #tpu.memory_space<vmem>> -> memref<128xi32, #tpu.memory_space<vmem>>
    %dma_start3A_432 = arith.constant 0 : i32
    %dma_start3A_433 = tpu.memref_slice %arg4[%dma_start3A_432] : memref<16777216xf32, #tpu.memory_space<hbm>> -> memref<16777216xf32, #tpu.memory_space<hbm>>
    tpu.enqueue_indirect_dma source(%dma_start3A_433 : memref<16777216xf32, #tpu.memory_space<hbm>>) target(%dma_start3A_429 : memref<128xf32, #tpu.memory_space<vmem>>) offsets(%dma_start3A_431 : memref<128xi32, #tpu.memory_space<vmem>>) semaphore(%arg18 : memref<!tpu.dma_semaphore, #tpu.memory_space<semaphore_mem>>)
    %dma_start3A_434 = arith.constant 2432 : i32
    %dma_start3A_435 = tpu.memref_slice %arg15[%dma_start3A_434] : memref<6144xf32, #tpu.memory_space<vmem>> -> memref<128xf32, #tpu.memory_space<vmem>>
    %dma_start3A_436 = arith.constant 384 : i32
    %dma_start3A_437 = tpu.memref_slice %arg13[%dma_start3A_436] : memref<1024xi32, #tpu.memory_space<vmem>> -> memref<128xi32, #tpu.memory_space<vmem>>
    %dma_start3A_438 = arith.constant 0 : i32
    %dma_start3A_439 = tpu.memref_slice %arg5[%dma_start3A_438] : memref<16777216xf32, #tpu.memory_space<hbm>> -> memref<16777216xf32, #tpu.memory_space<hbm>>
    tpu.enqueue_indirect_dma source(%dma_start3A_439 : memref<16777216xf32, #tpu.memory_space<hbm>>) target(%dma_start3A_435 : memref<128xf32, #tpu.memory_space<vmem>>) offsets(%dma_start3A_437 : memref<128xi32, #tpu.memory_space<vmem>>) semaphore(%arg18 : memref<!tpu.dma_semaphore, #tpu.memory_space<semaphore_mem>>)
    %dma_start3A_440 = arith.constant 3456 : i32
    %dma_start3A_441 = tpu.memref_slice %arg15[%dma_start3A_440] : memref<6144xf32, #tpu.memory_space<vmem>> -> memref<128xf32, #tpu.memory_space<vmem>>
    %dma_start3A_442 = arith.constant 384 : i32
    %dma_start3A_443 = tpu.memref_slice %arg13[%dma_start3A_442] : memref<1024xi32, #tpu.memory_space<vmem>> -> memref<128xi32, #tpu.memory_space<vmem>>
    %dma_start3A_444 = arith.constant 0 : i32
    %dma_start3A_445 = tpu.memref_slice %arg6[%dma_start3A_444] : memref<16777216xf32, #tpu.memory_space<hbm>> -> memref<16777216xf32, #tpu.memory_space<hbm>>
    tpu.enqueue_indirect_dma source(%dma_start3A_445 : memref<16777216xf32, #tpu.memory_space<hbm>>) target(%dma_start3A_441 : memref<128xf32, #tpu.memory_space<vmem>>) offsets(%dma_start3A_443 : memref<128xi32, #tpu.memory_space<vmem>>) semaphore(%arg18 : memref<!tpu.dma_semaphore, #tpu.memory_space<semaphore_mem>>)
    %dma_start3A_446 = arith.constant 4480 : i32
    %dma_start3A_447 = tpu.memref_slice %arg15[%dma_start3A_446] : memref<6144xf32, #tpu.memory_space<vmem>> -> memref<128xf32, #tpu.memory_space<vmem>>
    %dma_start3A_448 = arith.constant 384 : i32
    %dma_start3A_449 = tpu.memref_slice %arg13[%dma_start3A_448] : memref<1024xi32, #tpu.memory_space<vmem>> -> memref<128xi32, #tpu.memory_space<vmem>>
    %dma_start3A_450 = arith.constant 0 : i32
    %dma_start3A_451 = tpu.memref_slice %arg7[%dma_start3A_450] : memref<16777216xf32, #tpu.memory_space<hbm>> -> memref<16777216xf32, #tpu.memory_space<hbm>>
    tpu.enqueue_indirect_dma source(%dma_start3A_451 : memref<16777216xf32, #tpu.memory_space<hbm>>) target(%dma_start3A_447 : memref<128xf32, #tpu.memory_space<vmem>>) offsets(%dma_start3A_449 : memref<128xi32, #tpu.memory_space<vmem>>) semaphore(%arg18 : memref<!tpu.dma_semaphore, #tpu.memory_space<semaphore_mem>>)
    %dma_start3A_452 = arith.constant 5504 : i32
    %dma_start3A_453 = tpu.memref_slice %arg15[%dma_start3A_452] : memref<6144xf32, #tpu.memory_space<vmem>> -> memref<128xf32, #tpu.memory_space<vmem>>
    %dma_start3A_454 = arith.constant 384 : i32
    %dma_start3A_455 = tpu.memref_slice %arg13[%dma_start3A_454] : memref<1024xi32, #tpu.memory_space<vmem>> -> memref<128xi32, #tpu.memory_space<vmem>>
    %dma_start3A_456 = arith.constant 0 : i32
    %dma_start3A_457 = tpu.memref_slice %arg8[%dma_start3A_456] : memref<16777216xf32, #tpu.memory_space<hbm>> -> memref<16777216xf32, #tpu.memory_space<hbm>>
    tpu.enqueue_indirect_dma source(%dma_start3A_457 : memref<16777216xf32, #tpu.memory_space<hbm>>) target(%dma_start3A_453 : memref<128xf32, #tpu.memory_space<vmem>>) offsets(%dma_start3A_455 : memref<128xi32, #tpu.memory_space<vmem>>) semaphore(%arg18 : memref<!tpu.dma_semaphore, #tpu.memory_space<semaphore_mem>>)
    %dma_start3A_458 = arith.constant 512 : i32
    %dma_start3A_459 = tpu.memref_slice %arg15[%dma_start3A_458] : memref<6144xf32, #tpu.memory_space<vmem>> -> memref<128xf32, #tpu.memory_space<vmem>>
    %dma_start3A_460 = arith.constant 512 : i32
    %dma_start3A_461 = tpu.memref_slice %arg13[%dma_start3A_460] : memref<1024xi32, #tpu.memory_space<vmem>> -> memref<128xi32, #tpu.memory_space<vmem>>
    %dma_start3A_462 = arith.constant 0 : i32
    %dma_start3A_463 = tpu.memref_slice %arg3[%dma_start3A_462] : memref<16777216xf32, #tpu.memory_space<hbm>> -> memref<16777216xf32, #tpu.memory_space<hbm>>
    tpu.enqueue_indirect_dma source(%dma_start3A_463 : memref<16777216xf32, #tpu.memory_space<hbm>>) target(%dma_start3A_459 : memref<128xf32, #tpu.memory_space<vmem>>) offsets(%dma_start3A_461 : memref<128xi32, #tpu.memory_space<vmem>>) semaphore(%arg18 : memref<!tpu.dma_semaphore, #tpu.memory_space<semaphore_mem>>)
    %dma_start3A_464 = arith.constant 1536 : i32
    %dma_start3A_465 = tpu.memref_slice %arg15[%dma_start3A_464] : memref<6144xf32, #tpu.memory_space<vmem>> -> memref<128xf32, #tpu.memory_space<vmem>>
    %dma_start3A_466 = arith.constant 512 : i32
    %dma_start3A_467 = tpu.memref_slice %arg13[%dma_start3A_466] : memref<1024xi32, #tpu.memory_space<vmem>> -> memref<128xi32, #tpu.memory_space<vmem>>
    %dma_start3A_468 = arith.constant 0 : i32
    %dma_start3A_469 = tpu.memref_slice %arg4[%dma_start3A_468] : memref<16777216xf32, #tpu.memory_space<hbm>> -> memref<16777216xf32, #tpu.memory_space<hbm>>
    tpu.enqueue_indirect_dma source(%dma_start3A_469 : memref<16777216xf32, #tpu.memory_space<hbm>>) target(%dma_start3A_465 : memref<128xf32, #tpu.memory_space<vmem>>) offsets(%dma_start3A_467 : memref<128xi32, #tpu.memory_space<vmem>>) semaphore(%arg18 : memref<!tpu.dma_semaphore, #tpu.memory_space<semaphore_mem>>)
    %dma_start3A_470 = arith.constant 2560 : i32
    %dma_start3A_471 = tpu.memref_slice %arg15[%dma_start3A_470] : memref<6144xf32, #tpu.memory_space<vmem>> -> memref<128xf32, #tpu.memory_space<vmem>>
    %dma_start3A_472 = arith.constant 512 : i32
    %dma_start3A_473 = tpu.memref_slice %arg13[%dma_start3A_472] : memref<1024xi32, #tpu.memory_space<vmem>> -> memref<128xi32, #tpu.memory_space<vmem>>
    %dma_start3A_474 = arith.constant 0 : i32
    %dma_start3A_475 = tpu.memref_slice %arg5[%dma_start3A_474] : memref<16777216xf32, #tpu.memory_space<hbm>> -> memref<16777216xf32, #tpu.memory_space<hbm>>
    tpu.enqueue_indirect_dma source(%dma_start3A_475 : memref<16777216xf32, #tpu.memory_space<hbm>>) target(%dma_start3A_471 : memref<128xf32, #tpu.memory_space<vmem>>) offsets(%dma_start3A_473 : memref<128xi32, #tpu.memory_space<vmem>>) semaphore(%arg18 : memref<!tpu.dma_semaphore, #tpu.memory_space<semaphore_mem>>)
    %dma_start3A_476 = arith.constant 3584 : i32
    %dma_start3A_477 = tpu.memref_slice %arg15[%dma_start3A_476] : memref<6144xf32, #tpu.memory_space<vmem>> -> memref<128xf32, #tpu.memory_space<vmem>>
    %dma_start3A_478 = arith.constant 512 : i32
    %dma_start3A_479 = tpu.memref_slice %arg13[%dma_start3A_478] : memref<1024xi32, #tpu.memory_space<vmem>> -> memref<128xi32, #tpu.memory_space<vmem>>
    %dma_start3A_480 = arith.constant 0 : i32
    %dma_start3A_481 = tpu.memref_slice %arg6[%dma_start3A_480] : memref<16777216xf32, #tpu.memory_space<hbm>> -> memref<16777216xf32, #tpu.memory_space<hbm>>
    tpu.enqueue_indirect_dma source(%dma_start3A_481 : memref<16777216xf32, #tpu.memory_space<hbm>>) target(%dma_start3A_477 : memref<128xf32, #tpu.memory_space<vmem>>) offsets(%dma_start3A_479 : memref<128xi32, #tpu.memory_space<vmem>>) semaphore(%arg18 : memref<!tpu.dma_semaphore, #tpu.memory_space<semaphore_mem>>)
    %dma_start3A_482 = arith.constant 4608 : i32
    %dma_start3A_483 = tpu.memref_slice %arg15[%dma_start3A_482] : memref<6144xf32, #tpu.memory_space<vmem>> -> memref<128xf32, #tpu.memory_space<vmem>>
    %dma_start3A_484 = arith.constant 512 : i32
    %dma_start3A_485 = tpu.memref_slice %arg13[%dma_start3A_484] : memref<1024xi32, #tpu.memory_space<vmem>> -> memref<128xi32, #tpu.memory_space<vmem>>
    %dma_start3A_486 = arith.constant 0 : i32
    %dma_start3A_487 = tpu.memref_slice %arg7[%dma_start3A_486] : memref<16777216xf32, #tpu.memory_space<hbm>> -> memref<16777216xf32, #tpu.memory_space<hbm>>
    tpu.enqueue_indirect_dma source(%dma_start3A_487 : memref<16777216xf32, #tpu.memory_space<hbm>>) target(%dma_start3A_483 : memref<128xf32, #tpu.memory_space<vmem>>) offsets(%dma_start3A_485 : memref<128xi32, #tpu.memory_space<vmem>>) semaphore(%arg18 : memref<!tpu.dma_semaphore, #tpu.memory_space<semaphore_mem>>)
    %dma_start3A_488 = arith.constant 5632 : i32
    %dma_start3A_489 = tpu.memref_slice %arg15[%dma_start3A_488] : memref<6144xf32, #tpu.memory_space<vmem>> -> memref<128xf32, #tpu.memory_space<vmem>>
    %dma_start3A_490 = arith.constant 512 : i32
    %dma_start3A_491 = tpu.memref_slice %arg13[%dma_start3A_490] : memref<1024xi32, #tpu.memory_space<vmem>> -> memref<128xi32, #tpu.memory_space<vmem>>
    %dma_start3A_492 = arith.constant 0 : i32
    %dma_start3A_493 = tpu.memref_slice %arg8[%dma_start3A_492] : memref<16777216xf32, #tpu.memory_space<hbm>> -> memref<16777216xf32, #tpu.memory_space<hbm>>
    tpu.enqueue_indirect_dma source(%dma_start3A_493 : memref<16777216xf32, #tpu.memory_space<hbm>>) target(%dma_start3A_489 : memref<128xf32, #tpu.memory_space<vmem>>) offsets(%dma_start3A_491 : memref<128xi32, #tpu.memory_space<vmem>>) semaphore(%arg18 : memref<!tpu.dma_semaphore, #tpu.memory_space<semaphore_mem>>)
    %dma_start3A_494 = arith.constant 640 : i32
    %dma_start3A_495 = tpu.memref_slice %arg15[%dma_start3A_494] : memref<6144xf32, #tpu.memory_space<vmem>> -> memref<128xf32, #tpu.memory_space<vmem>>
    %dma_start3A_496 = arith.constant 640 : i32
    %dma_start3A_497 = tpu.memref_slice %arg13[%dma_start3A_496] : memref<1024xi32, #tpu.memory_space<vmem>> -> memref<128xi32, #tpu.memory_space<vmem>>
    %dma_start3A_498 = arith.constant 0 : i32
    %dma_start3A_499 = tpu.memref_slice %arg3[%dma_start3A_498] : memref<16777216xf32, #tpu.memory_space<hbm>> -> memref<16777216xf32, #tpu.memory_space<hbm>>
    tpu.enqueue_indirect_dma source(%dma_start3A_499 : memref<16777216xf32, #tpu.memory_space<hbm>>) target(%dma_start3A_495 : memref<128xf32, #tpu.memory_space<vmem>>) offsets(%dma_start3A_497 : memref<128xi32, #tpu.memory_space<vmem>>) semaphore(%arg18 : memref<!tpu.dma_semaphore, #tpu.memory_space<semaphore_mem>>)
    %dma_start3A_500 = arith.constant 1664 : i32
    %dma_start3A_501 = tpu.memref_slice %arg15[%dma_start3A_500] : memref<6144xf32, #tpu.memory_space<vmem>> -> memref<128xf32, #tpu.memory_space<vmem>>
    %dma_start3A_502 = arith.constant 640 : i32
    %dma_start3A_503 = tpu.memref_slice %arg13[%dma_start3A_502] : memref<1024xi32, #tpu.memory_space<vmem>> -> memref<128xi32, #tpu.memory_space<vmem>>
    %dma_start3A_504 = arith.constant 0 : i32
    %dma_start3A_505 = tpu.memref_slice %arg4[%dma_start3A_504] : memref<16777216xf32, #tpu.memory_space<hbm>> -> memref<16777216xf32, #tpu.memory_space<hbm>>
    tpu.enqueue_indirect_dma source(%dma_start3A_505 : memref<16777216xf32, #tpu.memory_space<hbm>>) target(%dma_start3A_501 : memref<128xf32, #tpu.memory_space<vmem>>) offsets(%dma_start3A_503 : memref<128xi32, #tpu.memory_space<vmem>>) semaphore(%arg18 : memref<!tpu.dma_semaphore, #tpu.memory_space<semaphore_mem>>)
    %dma_start3A_506 = arith.constant 2688 : i32
    %dma_start3A_507 = tpu.memref_slice %arg15[%dma_start3A_506] : memref<6144xf32, #tpu.memory_space<vmem>> -> memref<128xf32, #tpu.memory_space<vmem>>
    %dma_start3A_508 = arith.constant 640 : i32
    %dma_start3A_509 = tpu.memref_slice %arg13[%dma_start3A_508] : memref<1024xi32, #tpu.memory_space<vmem>> -> memref<128xi32, #tpu.memory_space<vmem>>
    %dma_start3A_510 = arith.constant 0 : i32
    %dma_start3A_511 = tpu.memref_slice %arg5[%dma_start3A_510] : memref<16777216xf32, #tpu.memory_space<hbm>> -> memref<16777216xf32, #tpu.memory_space<hbm>>
    tpu.enqueue_indirect_dma source(%dma_start3A_511 : memref<16777216xf32, #tpu.memory_space<hbm>>) target(%dma_start3A_507 : memref<128xf32, #tpu.memory_space<vmem>>) offsets(%dma_start3A_509 : memref<128xi32, #tpu.memory_space<vmem>>) semaphore(%arg18 : memref<!tpu.dma_semaphore, #tpu.memory_space<semaphore_mem>>)
    %dma_start3A_512 = arith.constant 3712 : i32
    %dma_start3A_513 = tpu.memref_slice %arg15[%dma_start3A_512] : memref<6144xf32, #tpu.memory_space<vmem>> -> memref<128xf32, #tpu.memory_space<vmem>>
    %dma_start3A_514 = arith.constant 640 : i32
    %dma_start3A_515 = tpu.memref_slice %arg13[%dma_start3A_514] : memref<1024xi32, #tpu.memory_space<vmem>> -> memref<128xi32, #tpu.memory_space<vmem>>
    %dma_start3A_516 = arith.constant 0 : i32
    %dma_start3A_517 = tpu.memref_slice %arg6[%dma_start3A_516] : memref<16777216xf32, #tpu.memory_space<hbm>> -> memref<16777216xf32, #tpu.memory_space<hbm>>
    tpu.enqueue_indirect_dma source(%dma_start3A_517 : memref<16777216xf32, #tpu.memory_space<hbm>>) target(%dma_start3A_513 : memref<128xf32, #tpu.memory_space<vmem>>) offsets(%dma_start3A_515 : memref<128xi32, #tpu.memory_space<vmem>>) semaphore(%arg18 : memref<!tpu.dma_semaphore, #tpu.memory_space<semaphore_mem>>)
    %dma_start3A_518 = arith.constant 4736 : i32
    %dma_start3A_519 = tpu.memref_slice %arg15[%dma_start3A_518] : memref<6144xf32, #tpu.memory_space<vmem>> -> memref<128xf32, #tpu.memory_space<vmem>>
    %dma_start3A_520 = arith.constant 640 : i32
    %dma_start3A_521 = tpu.memref_slice %arg13[%dma_start3A_520] : memref<1024xi32, #tpu.memory_space<vmem>> -> memref<128xi32, #tpu.memory_space<vmem>>
    %dma_start3A_522 = arith.constant 0 : i32
    %dma_start3A_523 = tpu.memref_slice %arg7[%dma_start3A_522] : memref<16777216xf32, #tpu.memory_space<hbm>> -> memref<16777216xf32, #tpu.memory_space<hbm>>
    tpu.enqueue_indirect_dma source(%dma_start3A_523 : memref<16777216xf32, #tpu.memory_space<hbm>>) target(%dma_start3A_519 : memref<128xf32, #tpu.memory_space<vmem>>) offsets(%dma_start3A_521 : memref<128xi32, #tpu.memory_space<vmem>>) semaphore(%arg18 : memref<!tpu.dma_semaphore, #tpu.memory_space<semaphore_mem>>)
    %dma_start3A_524 = arith.constant 5760 : i32
    %dma_start3A_525 = tpu.memref_slice %arg15[%dma_start3A_524] : memref<6144xf32, #tpu.memory_space<vmem>> -> memref<128xf32, #tpu.memory_space<vmem>>
    %dma_start3A_526 = arith.constant 640 : i32
    %dma_start3A_527 = tpu.memref_slice %arg13[%dma_start3A_526] : memref<1024xi32, #tpu.memory_space<vmem>> -> memref<128xi32, #tpu.memory_space<vmem>>
    %dma_start3A_528 = arith.constant 0 : i32
    %dma_start3A_529 = tpu.memref_slice %arg8[%dma_start3A_528] : memref<16777216xf32, #tpu.memory_space<hbm>> -> memref<16777216xf32, #tpu.memory_space<hbm>>
    tpu.enqueue_indirect_dma source(%dma_start3A_529 : memref<16777216xf32, #tpu.memory_space<hbm>>) target(%dma_start3A_525 : memref<128xf32, #tpu.memory_space<vmem>>) offsets(%dma_start3A_527 : memref<128xi32, #tpu.memory_space<vmem>>) semaphore(%arg18 : memref<!tpu.dma_semaphore, #tpu.memory_space<semaphore_mem>>)
    %dma_start3A_530 = arith.constant 768 : i32
    %dma_start3A_531 = tpu.memref_slice %arg15[%dma_start3A_530] : memref<6144xf32, #tpu.memory_space<vmem>> -> memref<128xf32, #tpu.memory_space<vmem>>
    %dma_start3A_532 = arith.constant 768 : i32
    %dma_start3A_533 = tpu.memref_slice %arg13[%dma_start3A_532] : memref<1024xi32, #tpu.memory_space<vmem>> -> memref<128xi32, #tpu.memory_space<vmem>>
    %dma_start3A_534 = arith.constant 0 : i32
    %dma_start3A_535 = tpu.memref_slice %arg3[%dma_start3A_534] : memref<16777216xf32, #tpu.memory_space<hbm>> -> memref<16777216xf32, #tpu.memory_space<hbm>>
    tpu.enqueue_indirect_dma source(%dma_start3A_535 : memref<16777216xf32, #tpu.memory_space<hbm>>) target(%dma_start3A_531 : memref<128xf32, #tpu.memory_space<vmem>>) offsets(%dma_start3A_533 : memref<128xi32, #tpu.memory_space<vmem>>) semaphore(%arg18 : memref<!tpu.dma_semaphore, #tpu.memory_space<semaphore_mem>>)
    %dma_start3A_536 = arith.constant 1792 : i32
    %dma_start3A_537 = tpu.memref_slice %arg15[%dma_start3A_536] : memref<6144xf32, #tpu.memory_space<vmem>> -> memref<128xf32, #tpu.memory_space<vmem>>
    %dma_start3A_538 = arith.constant 768 : i32
    %dma_start3A_539 = tpu.memref_slice %arg13[%dma_start3A_538] : memref<1024xi32, #tpu.memory_space<vmem>> -> memref<128xi32, #tpu.memory_space<vmem>>
    %dma_start3A_540 = arith.constant 0 : i32
    %dma_start3A_541 = tpu.memref_slice %arg4[%dma_start3A_540] : memref<16777216xf32, #tpu.memory_space<hbm>> -> memref<16777216xf32, #tpu.memory_space<hbm>>
    tpu.enqueue_indirect_dma source(%dma_start3A_541 : memref<16777216xf32, #tpu.memory_space<hbm>>) target(%dma_start3A_537 : memref<128xf32, #tpu.memory_space<vmem>>) offsets(%dma_start3A_539 : memref<128xi32, #tpu.memory_space<vmem>>) semaphore(%arg18 : memref<!tpu.dma_semaphore, #tpu.memory_space<semaphore_mem>>)
    %dma_start3A_542 = arith.constant 2816 : i32
    %dma_start3A_543 = tpu.memref_slice %arg15[%dma_start3A_542] : memref<6144xf32, #tpu.memory_space<vmem>> -> memref<128xf32, #tpu.memory_space<vmem>>
    %dma_start3A_544 = arith.constant 768 : i32
    %dma_start3A_545 = tpu.memref_slice %arg13[%dma_start3A_544] : memref<1024xi32, #tpu.memory_space<vmem>> -> memref<128xi32, #tpu.memory_space<vmem>>
    %dma_start3A_546 = arith.constant 0 : i32
    %dma_start3A_547 = tpu.memref_slice %arg5[%dma_start3A_546] : memref<16777216xf32, #tpu.memory_space<hbm>> -> memref<16777216xf32, #tpu.memory_space<hbm>>
    tpu.enqueue_indirect_dma source(%dma_start3A_547 : memref<16777216xf32, #tpu.memory_space<hbm>>) target(%dma_start3A_543 : memref<128xf32, #tpu.memory_space<vmem>>) offsets(%dma_start3A_545 : memref<128xi32, #tpu.memory_space<vmem>>) semaphore(%arg18 : memref<!tpu.dma_semaphore, #tpu.memory_space<semaphore_mem>>)
    %dma_start3A_548 = arith.constant 3840 : i32
    %dma_start3A_549 = tpu.memref_slice %arg15[%dma_start3A_548] : memref<6144xf32, #tpu.memory_space<vmem>> -> memref<128xf32, #tpu.memory_space<vmem>>
    %dma_start3A_550 = arith.constant 768 : i32
    %dma_start3A_551 = tpu.memref_slice %arg13[%dma_start3A_550] : memref<1024xi32, #tpu.memory_space<vmem>> -> memref<128xi32, #tpu.memory_space<vmem>>
    %dma_start3A_552 = arith.constant 0 : i32
    %dma_start3A_553 = tpu.memref_slice %arg6[%dma_start3A_552] : memref<16777216xf32, #tpu.memory_space<hbm>> -> memref<16777216xf32, #tpu.memory_space<hbm>>
    tpu.enqueue_indirect_dma source(%dma_start3A_553 : memref<16777216xf32, #tpu.memory_space<hbm>>) target(%dma_start3A_549 : memref<128xf32, #tpu.memory_space<vmem>>) offsets(%dma_start3A_551 : memref<128xi32, #tpu.memory_space<vmem>>) semaphore(%arg18 : memref<!tpu.dma_semaphore, #tpu.memory_space<semaphore_mem>>)
    %dma_start3A_554 = arith.constant 4864 : i32
    %dma_start3A_555 = tpu.memref_slice %arg15[%dma_start3A_554] : memref<6144xf32, #tpu.memory_space<vmem>> -> memref<128xf32, #tpu.memory_space<vmem>>
    %dma_start3A_556 = arith.constant 768 : i32
    %dma_start3A_557 = tpu.memref_slice %arg13[%dma_start3A_556] : memref<1024xi32, #tpu.memory_space<vmem>> -> memref<128xi32, #tpu.memory_space<vmem>>
    %dma_start3A_558 = arith.constant 0 : i32
    %dma_start3A_559 = tpu.memref_slice %arg7[%dma_start3A_558] : memref<16777216xf32, #tpu.memory_space<hbm>> -> memref<16777216xf32, #tpu.memory_space<hbm>>
    tpu.enqueue_indirect_dma source(%dma_start3A_559 : memref<16777216xf32, #tpu.memory_space<hbm>>) target(%dma_start3A_555 : memref<128xf32, #tpu.memory_space<vmem>>) offsets(%dma_start3A_557 : memref<128xi32, #tpu.memory_space<vmem>>) semaphore(%arg18 : memref<!tpu.dma_semaphore, #tpu.memory_space<semaphore_mem>>)
    %dma_start3A_560 = arith.constant 5888 : i32
    %dma_start3A_561 = tpu.memref_slice %arg15[%dma_start3A_560] : memref<6144xf32, #tpu.memory_space<vmem>> -> memref<128xf32, #tpu.memory_space<vmem>>
    %dma_start3A_562 = arith.constant 768 : i32
    %dma_start3A_563 = tpu.memref_slice %arg13[%dma_start3A_562] : memref<1024xi32, #tpu.memory_space<vmem>> -> memref<128xi32, #tpu.memory_space<vmem>>
    %dma_start3A_564 = arith.constant 0 : i32
    %dma_start3A_565 = tpu.memref_slice %arg8[%dma_start3A_564] : memref<16777216xf32, #tpu.memory_space<hbm>> -> memref<16777216xf32, #tpu.memory_space<hbm>>
    tpu.enqueue_indirect_dma source(%dma_start3A_565 : memref<16777216xf32, #tpu.memory_space<hbm>>) target(%dma_start3A_561 : memref<128xf32, #tpu.memory_space<vmem>>) offsets(%dma_start3A_563 : memref<128xi32, #tpu.memory_space<vmem>>) semaphore(%arg18 : memref<!tpu.dma_semaphore, #tpu.memory_space<semaphore_mem>>)
    %dma_start3A_566 = arith.constant 896 : i32
    %dma_start3A_567 = tpu.memref_slice %arg15[%dma_start3A_566] : memref<6144xf32, #tpu.memory_space<vmem>> -> memref<128xf32, #tpu.memory_space<vmem>>
    %dma_start3A_568 = arith.constant 896 : i32
    %dma_start3A_569 = tpu.memref_slice %arg13[%dma_start3A_568] : memref<1024xi32, #tpu.memory_space<vmem>> -> memref<128xi32, #tpu.memory_space<vmem>>
    %dma_start3A_570 = arith.constant 0 : i32
    %dma_start3A_571 = tpu.memref_slice %arg3[%dma_start3A_570] : memref<16777216xf32, #tpu.memory_space<hbm>> -> memref<16777216xf32, #tpu.memory_space<hbm>>
    tpu.enqueue_indirect_dma source(%dma_start3A_571 : memref<16777216xf32, #tpu.memory_space<hbm>>) target(%dma_start3A_567 : memref<128xf32, #tpu.memory_space<vmem>>) offsets(%dma_start3A_569 : memref<128xi32, #tpu.memory_space<vmem>>) semaphore(%arg18 : memref<!tpu.dma_semaphore, #tpu.memory_space<semaphore_mem>>)
    %dma_start3A_572 = arith.constant 1920 : i32
    %dma_start3A_573 = tpu.memref_slice %arg15[%dma_start3A_572] : memref<6144xf32, #tpu.memory_space<vmem>> -> memref<128xf32, #tpu.memory_space<vmem>>
    %dma_start3A_574 = arith.constant 896 : i32
    %dma_start3A_575 = tpu.memref_slice %arg13[%dma_start3A_574] : memref<1024xi32, #tpu.memory_space<vmem>> -> memref<128xi32, #tpu.memory_space<vmem>>
    %dma_start3A_576 = arith.constant 0 : i32
    %dma_start3A_577 = tpu.memref_slice %arg4[%dma_start3A_576] : memref<16777216xf32, #tpu.memory_space<hbm>> -> memref<16777216xf32, #tpu.memory_space<hbm>>
    tpu.enqueue_indirect_dma source(%dma_start3A_577 : memref<16777216xf32, #tpu.memory_space<hbm>>) target(%dma_start3A_573 : memref<128xf32, #tpu.memory_space<vmem>>) offsets(%dma_start3A_575 : memref<128xi32, #tpu.memory_space<vmem>>) semaphore(%arg18 : memref<!tpu.dma_semaphore, #tpu.memory_space<semaphore_mem>>)
    %dma_start3A_578 = arith.constant 2944 : i32
    %dma_start3A_579 = tpu.memref_slice %arg15[%dma_start3A_578] : memref<6144xf32, #tpu.memory_space<vmem>> -> memref<128xf32, #tpu.memory_space<vmem>>
    %dma_start3A_580 = arith.constant 896 : i32
    %dma_start3A_581 = tpu.memref_slice %arg13[%dma_start3A_580] : memref<1024xi32, #tpu.memory_space<vmem>> -> memref<128xi32, #tpu.memory_space<vmem>>
    %dma_start3A_582 = arith.constant 0 : i32
    %dma_start3A_583 = tpu.memref_slice %arg5[%dma_start3A_582] : memref<16777216xf32, #tpu.memory_space<hbm>> -> memref<16777216xf32, #tpu.memory_space<hbm>>
    tpu.enqueue_indirect_dma source(%dma_start3A_583 : memref<16777216xf32, #tpu.memory_space<hbm>>) target(%dma_start3A_579 : memref<128xf32, #tpu.memory_space<vmem>>) offsets(%dma_start3A_581 : memref<128xi32, #tpu.memory_space<vmem>>) semaphore(%arg18 : memref<!tpu.dma_semaphore, #tpu.memory_space<semaphore_mem>>)
    %dma_start3A_584 = arith.constant 3968 : i32
    %dma_start3A_585 = tpu.memref_slice %arg15[%dma_start3A_584] : memref<6144xf32, #tpu.memory_space<vmem>> -> memref<128xf32, #tpu.memory_space<vmem>>
    %dma_start3A_586 = arith.constant 896 : i32
    %dma_start3A_587 = tpu.memref_slice %arg13[%dma_start3A_586] : memref<1024xi32, #tpu.memory_space<vmem>> -> memref<128xi32, #tpu.memory_space<vmem>>
    %dma_start3A_588 = arith.constant 0 : i32
    %dma_start3A_589 = tpu.memref_slice %arg6[%dma_start3A_588] : memref<16777216xf32, #tpu.memory_space<hbm>> -> memref<16777216xf32, #tpu.memory_space<hbm>>
    tpu.enqueue_indirect_dma source(%dma_start3A_589 : memref<16777216xf32, #tpu.memory_space<hbm>>) target(%dma_start3A_585 : memref<128xf32, #tpu.memory_space<vmem>>) offsets(%dma_start3A_587 : memref<128xi32, #tpu.memory_space<vmem>>) semaphore(%arg18 : memref<!tpu.dma_semaphore, #tpu.memory_space<semaphore_mem>>)
    %dma_start3A_590 = arith.constant 4992 : i32
    %dma_start3A_591 = tpu.memref_slice %arg15[%dma_start3A_590] : memref<6144xf32, #tpu.memory_space<vmem>> -> memref<128xf32, #tpu.memory_space<vmem>>
    %dma_start3A_592 = arith.constant 896 : i32
    %dma_start3A_593 = tpu.memref_slice %arg13[%dma_start3A_592] : memref<1024xi32, #tpu.memory_space<vmem>> -> memref<128xi32, #tpu.memory_space<vmem>>
    %dma_start3A_594 = arith.constant 0 : i32
    %dma_start3A_595 = tpu.memref_slice %arg7[%dma_start3A_594] : memref<16777216xf32, #tpu.memory_space<hbm>> -> memref<16777216xf32, #tpu.memory_space<hbm>>
    tpu.enqueue_indirect_dma source(%dma_start3A_595 : memref<16777216xf32, #tpu.memory_space<hbm>>) target(%dma_start3A_591 : memref<128xf32, #tpu.memory_space<vmem>>) offsets(%dma_start3A_593 : memref<128xi32, #tpu.memory_space<vmem>>) semaphore(%arg18 : memref<!tpu.dma_semaphore, #tpu.memory_space<semaphore_mem>>)
    %dma_start3A_596 = arith.constant 6016 : i32
    %dma_start3A_597 = tpu.memref_slice %arg15[%dma_start3A_596] : memref<6144xf32, #tpu.memory_space<vmem>> -> memref<128xf32, #tpu.memory_space<vmem>>
    %dma_start3A_598 = arith.constant 896 : i32
    %dma_start3A_599 = tpu.memref_slice %arg13[%dma_start3A_598] : memref<1024xi32, #tpu.memory_space<vmem>> -> memref<128xi32, #tpu.memory_space<vmem>>
    %dma_start3A_600 = arith.constant 0 : i32
    %dma_start3A_601 = tpu.memref_slice %arg8[%dma_start3A_600] : memref<16777216xf32, #tpu.memory_space<hbm>> -> memref<16777216xf32, #tpu.memory_space<hbm>>
    tpu.enqueue_indirect_dma source(%dma_start3A_601 : memref<16777216xf32, #tpu.memory_space<hbm>>) target(%dma_start3A_597 : memref<128xf32, #tpu.memory_space<vmem>>) offsets(%dma_start3A_599 : memref<128xi32, #tpu.memory_space<vmem>>) semaphore(%arg18 : memref<!tpu.dma_semaphore, #tpu.memory_space<semaphore_mem>>)
    %dma_wait3A = arith.constant 0 : i32
    %dma_wait3A_602 = tpu.memref_slice %arg2[%dma_wait3A] : memref<3145728xf32, #tpu.memory_space<hbm>> -> memref<6144xf32, #tpu.memory_space<hbm>>
    %dma_wait3A_603 = arith.constant 0 : i32
    %dma_wait3A_604 = tpu.memref_slice %arg2[%dma_wait3A_603] : memref<3145728xf32, #tpu.memory_space<hbm>> -> memref<6144xf32, #tpu.memory_space<hbm>>
    tpu.wait_dma2 semaphore(%arg17 : memref<!tpu.dma_semaphore, #tpu.memory_space<semaphore_mem>>) src(%dma_wait3A_604 : memref<6144xf32, #tpu.memory_space<hbm>>) dst(%arg14 : memref<6144xf32, #tpu.memory_space<vmem>>)
    %scan3A_605 = arith.constant 0 : i32
    %scan3A_606 = arith.constant 64 : i32
    %scan3A_607 = arith.addi %scan3A_605, %scan3A_606 : i32
    %scan3A_608 = arith.constant 1 : i32
    scf.for %scan3A_631 = %scan3A_605 to %scan3A_607 step %scan3A_608  : i32 {
      %mul3A_632 = arith.constant 48 : i32
      %mul3A_633 = arith.muli %scan3A_631, %mul3A_632 : i32
      %mul3A_634 = arith.constant 3 : i32
      %mul3A_635 = vector.broadcast %mul3A_634 : i32 to vector<16xi32>
      %mul3A_636 = arith.muli %iota3A, %mul3A_635 : vector<16xi32>
      %add3A_637 = vector.broadcast %mul3A_633 : i32 to vector<16xi32>
      %add3A_638 = arith.addi %add3A_637, %mul3A_636 : vector<16xi32>
      %add3A_639 = arith.constant 0 : i32
      %add3A_640 = vector.broadcast %add3A_639 : i32 to vector<16xi32>
      %add3A_641 = arith.addi %add3A_638, %add3A_640 : vector<16xi32>
      %gather3A = tpu.vector_load_idx %arg10[%add3A_641] : memref<3072xf32, #tpu.memory_space<vmem>>[vector<16xi32>], vector<16xf32>,
      %mul3A_642 = arith.constant 16 : i32
      %mul3A_643 = arith.muli %scan3A_631, %mul3A_642 : i32
      %add3A_644 = arith.constant 0 : i32
      %add3A_645 = arith.addi %add3A_644, %mul3A_643 : i32
      %get3A = arith.index_cast %add3A_645 : i32 to index
      %get3A_646 = tpu.vector_load %arg14[%get3A] {strides = array<i32>} : memref<6144xf32, #tpu.memory_space<vmem>>, vector<16xf32>,
      %mul3A_647 = arith.constant 16 : i32
      %mul3A_648 = arith.muli %scan3A_631, %mul3A_647 : i32
      %add3A_649 = arith.constant 3072 : i32
      %add3A_650 = arith.addi %add3A_649, %mul3A_648 : i32
      %get3A_651 = arith.index_cast %add3A_650 : i32 to index
      %get3A_652 = tpu.vector_load %arg14[%get3A_651] {strides = array<i32>} : memref<6144xf32, #tpu.memory_space<vmem>>, vector<16xf32>,
      %add3A_653 = arith.constant 0 : i32
      %add3A_654 = vector.broadcast %add3A_653 : i32 to vector<16xi32>
      %add3A_655 = arith.addi %add3A_638, %add3A_654 : vector<16xi32>
      %mul3A_656 = arith.mulf %gather3A, %get3A_646 : vector<16xf32>
      %add3A_657 = arith.addf %mul3A_656, %get3A_652 : vector<16xf32>
      %add3A_658 = arith.addf %add3A_657, %add3A_657 : vector<16xf32>
      %exp3A = math.exp %add3A_658 : vector<16xf32>
      %add3A_659 = arith.constant 1.000000e+00 : f32
      %add3A_660 = vector.broadcast %add3A_659 : f32 to vector<16xf32>
      %add3A_661 = arith.addf %exp3A, %add3A_660 : vector<16xf32>
      %div3A = arith.constant 2.000000e+00 : f32
      %div3A_662 = vector.broadcast %div3A : f32 to vector<16xf32>
      %div3A_663 = arith.divf %div3A_662, %add3A_661 : vector<16xf32>
      %sub3A = arith.constant 1.000000e+00 : f32
      %sub3A_664 = vector.broadcast %sub3A : f32 to vector<16xf32>
      %sub3A_665 = arith.subf %sub3A_664, %div3A_663 : vector<16xf32>
      tpu.vector_store_idx %arg16[%add3A_655], %sub3A_665 : memref<3072xf32, #tpu.memory_space<vmem>>[vector<16xi32>], vector<16xf32>,
      %add3A_666 = arith.constant 1 : i32
      %add3A_667 = vector.broadcast %add3A_666 : i32 to vector<16xi32>
      %add3A_668 = arith.addi %add3A_638, %add3A_667 : vector<16xi32>
      %gather3A_669 = tpu.vector_load_idx %arg10[%add3A_668] : memref<3072xf32, #tpu.memory_space<vmem>>[vector<16xi32>], vector<16xf32>,
      %mul3A_670 = arith.constant 16 : i32
      %mul3A_671 = arith.muli %scan3A_631, %mul3A_670 : i32
      %add3A_672 = arith.constant 1024 : i32
      %add3A_673 = arith.addi %add3A_672, %mul3A_671 : i32
      %get3A_674 = arith.index_cast %add3A_673 : i32 to index
      %get3A_675 = tpu.vector_load %arg14[%get3A_674] {strides = array<i32>} : memref<6144xf32, #tpu.memory_space<vmem>>, vector<16xf32>,
      %mul3A_676 = arith.constant 16 : i32
      %mul3A_677 = arith.muli %scan3A_631, %mul3A_676 : i32
      %add3A_678 = arith.constant 4096 : i32
      %add3A_679 = arith.addi %add3A_678, %mul3A_677 : i32
      %get3A_680 = arith.index_cast %add3A_679 : i32 to index
      %get3A_681 = tpu.vector_load %arg14[%get3A_680] {strides = array<i32>} : memref<6144xf32, #tpu.memory_space<vmem>>, vector<16xf32>,
      %add3A_682 = arith.constant 1 : i32
      %add3A_683 = vector.broadcast %add3A_682 : i32 to vector<16xi32>
      %add3A_684 = arith.addi %add3A_638, %add3A_683 : vector<16xi32>
      %mul3A_685 = arith.mulf %gather3A_669, %get3A_675 : vector<16xf32>
      %add3A_686 = arith.addf %mul3A_685, %get3A_681 : vector<16xf32>
      %add3A_687 = arith.addf %add3A_686, %add3A_686 : vector<16xf32>
      %exp3A_688 = math.exp %add3A_687 : vector<16xf32>
      %add3A_689 = arith.constant 1.000000e+00 : f32
      %add3A_690 = vector.broadcast %add3A_689 : f32 to vector<16xf32>
      %add3A_691 = arith.addf %exp3A_688, %add3A_690 : vector<16xf32>
      %div3A_692 = arith.constant 2.000000e+00 : f32
      %div3A_693 = vector.broadcast %div3A_692 : f32 to vector<16xf32>
      %div3A_694 = arith.divf %div3A_693, %add3A_691 : vector<16xf32>
      %sub3A_695 = arith.constant 1.000000e+00 : f32
      %sub3A_696 = vector.broadcast %sub3A_695 : f32 to vector<16xf32>
      %sub3A_697 = arith.subf %sub3A_696, %div3A_694 : vector<16xf32>
      tpu.vector_store_idx %arg16[%add3A_684], %sub3A_697 : memref<3072xf32, #tpu.memory_space<vmem>>[vector<16xi32>], vector<16xf32>,
      %add3A_698 = arith.constant 2 : i32
      %add3A_699 = vector.broadcast %add3A_698 : i32 to vector<16xi32>
      %add3A_700 = arith.addi %add3A_638, %add3A_699 : vector<16xi32>
      %gather3A_701 = tpu.vector_load_idx %arg10[%add3A_700] : memref<3072xf32, #tpu.memory_space<vmem>>[vector<16xi32>], vector<16xf32>,
      %mul3A_702 = arith.constant 16 : i32
      %mul3A_703 = arith.muli %scan3A_631, %mul3A_702 : i32
      %add3A_704 = arith.constant 2048 : i32
      %add3A_705 = arith.addi %add3A_704, %mul3A_703 : i32
      %get3A_706 = arith.index_cast %add3A_705 : i32 to index
      %get3A_707 = tpu.vector_load %arg14[%get3A_706] {strides = array<i32>} : memref<6144xf32, #tpu.memory_space<vmem>>, vector<16xf32>,
      %mul3A_708 = arith.constant 16 : i32
      %mul3A_709 = arith.muli %scan3A_631, %mul3A_708 : i32
      %add3A_710 = arith.constant 5120 : i32
      %add3A_711 = arith.addi %add3A_710, %mul3A_709 : i32
      %get3A_712 = arith.index_cast %add3A_711 : i32 to index
      %get3A_713 = tpu.vector_load %arg14[%get3A_712] {strides = array<i32>} : memref<6144xf32, #tpu.memory_space<vmem>>, vector<16xf32>,
      %add3A_714 = arith.constant 2 : i32
      %add3A_715 = vector.broadcast %add3A_714 : i32 to vector<16xi32>
      %add3A_716 = arith.addi %add3A_638, %add3A_715 : vector<16xi32>
      %mul3A_717 = arith.mulf %gather3A_701, %get3A_707 : vector<16xf32>
      %add3A_718 = arith.addf %mul3A_717, %get3A_713 : vector<16xf32>
      %add3A_719 = arith.addf %add3A_718, %add3A_718 : vector<16xf32>
      %exp3A_720 = math.exp %add3A_719 : vector<16xf32>
      %add3A_721 = arith.constant 1.000000e+00 : f32
      %add3A_722 = vector.broadcast %add3A_721 : f32 to vector<16xf32>
      %add3A_723 = arith.addf %exp3A_720, %add3A_722 : vector<16xf32>
      %div3A_724 = arith.constant 2.000000e+00 : f32
      %div3A_725 = vector.broadcast %div3A_724 : f32 to vector<16xf32>
      %div3A_726 = arith.divf %div3A_725, %add3A_723 : vector<16xf32>
      %sub3A_727 = arith.constant 1.000000e+00 : f32
      %sub3A_728 = vector.broadcast %sub3A_727 : f32 to vector<16xf32>
      %sub3A_729 = arith.subf %sub3A_728, %div3A_726 : vector<16xf32>
      tpu.vector_store_idx %arg16[%add3A_716], %sub3A_729 : memref<3072xf32, #tpu.memory_space<vmem>>[vector<16xi32>], vector<16xf32>,
    }
    %scan3A_609 = arith.constant 64 : i32
    %mul3A_610 = arith.constant 32768 : i32
    %mul3A_611 = arith.muli %add3A, %mul3A_610 : i32
    %add3A_612 = arith.constant 30720 : i32
    %add3A_613 = arith.addi %mul3A_611, %add3A_612 : i32
    %mul3A_614 = arith.constant 3 : i32
    %mul3A_615 = arith.muli %add3A_613, %mul3A_614 : i32
    "tpu.region"() ({
      %run_scoped3A = tpu.sem_alloc : memref<!tpu.dma_semaphore, #tpu.memory_space<semaphore_mem>>
      %dma_start3A_631 = tpu.memref_slice %arg9[%mul3A_615] : memref<3145728xf32, #tpu.memory_space<hbm>> -> memref<3072xf32, #tpu.memory_space<hbm>>
      %dma_start3A_632 = tpu.memref_slice %arg9[%mul3A_615] : memref<3145728xf32, #tpu.memory_space<hbm>> -> memref<3072xf32, #tpu.memory_space<hbm>>
      tpu.enqueue_dma source(%arg16 : memref<3072xf32, #tpu.memory_space<vmem>>) target(%dma_start3A_632 : memref<3072xf32, #tpu.memory_space<hbm>>) target_semaphore(%run_scoped3A : memref<!tpu.dma_semaphore, #tpu.memory_space<semaphore_mem>>)
      %dma_wait3A_633 = tpu.memref_slice %arg9[%mul3A_615] : memref<3145728xf32, #tpu.memory_space<hbm>> -> memref<3072xf32, #tpu.memory_space<hbm>>
      %dma_wait3A_634 = tpu.memref_slice %arg9[%mul3A_615] : memref<3145728xf32, #tpu.memory_space<hbm>> -> memref<3072xf32, #tpu.memory_space<hbm>>
      tpu.wait_dma2 semaphore(%run_scoped3A : memref<!tpu.dma_semaphore, #tpu.memory_space<semaphore_mem>>) src(%arg16 : memref<3072xf32, #tpu.memory_space<vmem>>) dst(%dma_wait3A_634 : memref<3072xf32, #tpu.memory_space<hbm>>)
      tpu.yield
    }) : () -> ()
    %dma_wait3A_616 = arith.constant 0 : i32
    %dma_wait3A_617 = tpu.memref_slice %arg2[%dma_wait3A_616] : memref<3145728xf32, #tpu.memory_space<hbm>> -> memref<6144xf32, #tpu.memory_space<hbm>>
    %dma_wait3A_618 = arith.constant 0 : i32
    %dma_wait3A_619 = tpu.memref_slice %arg2[%dma_wait3A_618] : memref<3145728xf32, #tpu.memory_space<hbm>> -> memref<6144xf32, #tpu.memory_space<hbm>>
    tpu.wait_dma2 semaphore(%arg18 : memref<!tpu.dma_semaphore, #tpu.memory_space<semaphore_mem>>) src(%dma_wait3A_619 : memref<6144xf32, #tpu.memory_space<hbm>>) dst(%arg15 : memref<6144xf32, #tpu.memory_space<vmem>>)
    %scan3A_620 = arith.constant 0 : i32
    %scan3A_621 = arith.constant 64 : i32
    %scan3A_622 = arith.addi %scan3A_620, %scan3A_621 : i32
    %scan3A_623 = arith.constant 1 : i32
    scf.for %scan3A_631 = %scan3A_620 to %scan3A_622 step %scan3A_623  : i32 {
      %mul3A_632 = arith.constant 48 : i32
      %mul3A_633 = arith.muli %scan3A_631, %mul3A_632 : i32
      %mul3A_634 = arith.constant 3 : i32
      %mul3A_635 = vector.broadcast %mul3A_634 : i32 to vector<16xi32>
      %mul3A_636 = arith.muli %iota3A, %mul3A_635 : vector<16xi32>
      %add3A_637 = vector.broadcast %mul3A_633 : i32 to vector<16xi32>
      %add3A_638 = arith.addi %add3A_637, %mul3A_636 : vector<16xi32>
      %add3A_639 = arith.constant 0 : i32
      %add3A_640 = vector.broadcast %add3A_639 : i32 to vector<16xi32>
      %add3A_641 = arith.addi %add3A_638, %add3A_640 : vector<16xi32>
      %gather3A = tpu.vector_load_idx %arg11[%add3A_641] : memref<3072xf32, #tpu.memory_space<vmem>>[vector<16xi32>], vector<16xf32>,
      %mul3A_642 = arith.constant 16 : i32
      %mul3A_643 = arith.muli %scan3A_631, %mul3A_642 : i32
      %add3A_644 = arith.constant 0 : i32
      %add3A_645 = arith.addi %add3A_644, %mul3A_643 : i32
      %get3A = arith.index_cast %add3A_645 : i32 to index
      %get3A_646 = tpu.vector_load %arg15[%get3A] {strides = array<i32>} : memref<6144xf32, #tpu.memory_space<vmem>>, vector<16xf32>,
      %mul3A_647 = arith.constant 16 : i32
      %mul3A_648 = arith.muli %scan3A_631, %mul3A_647 : i32
      %add3A_649 = arith.constant 3072 : i32
      %add3A_650 = arith.addi %add3A_649, %mul3A_648 : i32
      %get3A_651 = arith.index_cast %add3A_650 : i32 to index
      %get3A_652 = tpu.vector_load %arg15[%get3A_651] {strides = array<i32>} : memref<6144xf32, #tpu.memory_space<vmem>>, vector<16xf32>,
      %add3A_653 = arith.constant 0 : i32
      %add3A_654 = vector.broadcast %add3A_653 : i32 to vector<16xi32>
      %add3A_655 = arith.addi %add3A_638, %add3A_654 : vector<16xi32>
      %mul3A_656 = arith.mulf %gather3A, %get3A_646 : vector<16xf32>
      %add3A_657 = arith.addf %mul3A_656, %get3A_652 : vector<16xf32>
      %add3A_658 = arith.addf %add3A_657, %add3A_657 : vector<16xf32>
      %exp3A = math.exp %add3A_658 : vector<16xf32>
      %add3A_659 = arith.constant 1.000000e+00 : f32
      %add3A_660 = vector.broadcast %add3A_659 : f32 to vector<16xf32>
      %add3A_661 = arith.addf %exp3A, %add3A_660 : vector<16xf32>
      %div3A = arith.constant 2.000000e+00 : f32
      %div3A_662 = vector.broadcast %div3A : f32 to vector<16xf32>
      %div3A_663 = arith.divf %div3A_662, %add3A_661 : vector<16xf32>
      %sub3A = arith.constant 1.000000e+00 : f32
      %sub3A_664 = vector.broadcast %sub3A : f32 to vector<16xf32>
      %sub3A_665 = arith.subf %sub3A_664, %div3A_663 : vector<16xf32>
      tpu.vector_store_idx %arg16[%add3A_655], %sub3A_665 : memref<3072xf32, #tpu.memory_space<vmem>>[vector<16xi32>], vector<16xf32>,
      %add3A_666 = arith.constant 1 : i32
      %add3A_667 = vector.broadcast %add3A_666 : i32 to vector<16xi32>
      %add3A_668 = arith.addi %add3A_638, %add3A_667 : vector<16xi32>
      %gather3A_669 = tpu.vector_load_idx %arg11[%add3A_668] : memref<3072xf32, #tpu.memory_space<vmem>>[vector<16xi32>], vector<16xf32>,
      %mul3A_670 = arith.constant 16 : i32
      %mul3A_671 = arith.muli %scan3A_631, %mul3A_670 : i32
      %add3A_672 = arith.constant 1024 : i32
      %add3A_673 = arith.addi %add3A_672, %mul3A_671 : i32
      %get3A_674 = arith.index_cast %add3A_673 : i32 to index
      %get3A_675 = tpu.vector_load %arg15[%get3A_674] {strides = array<i32>} : memref<6144xf32, #tpu.memory_space<vmem>>, vector<16xf32>,
      %mul3A_676 = arith.constant 16 : i32
      %mul3A_677 = arith.muli %scan3A_631, %mul3A_676 : i32
      %add3A_678 = arith.constant 4096 : i32
      %add3A_679 = arith.addi %add3A_678, %mul3A_677 : i32
      %get3A_680 = arith.index_cast %add3A_679 : i32 to index
      %get3A_681 = tpu.vector_load %arg15[%get3A_680] {strides = array<i32>} : memref<6144xf32, #tpu.memory_space<vmem>>, vector<16xf32>,
      %add3A_682 = arith.constant 1 : i32
      %add3A_683 = vector.broadcast %add3A_682 : i32 to vector<16xi32>
      %add3A_684 = arith.addi %add3A_638, %add3A_683 : vector<16xi32>
      %mul3A_685 = arith.mulf %gather3A_669, %get3A_675 : vector<16xf32>
      %add3A_686 = arith.addf %mul3A_685, %get3A_681 : vector<16xf32>
      %add3A_687 = arith.addf %add3A_686, %add3A_686 : vector<16xf32>
      %exp3A_688 = math.exp %add3A_687 : vector<16xf32>
      %add3A_689 = arith.constant 1.000000e+00 : f32
      %add3A_690 = vector.broadcast %add3A_689 : f32 to vector<16xf32>
      %add3A_691 = arith.addf %exp3A_688, %add3A_690 : vector<16xf32>
      %div3A_692 = arith.constant 2.000000e+00 : f32
      %div3A_693 = vector.broadcast %div3A_692 : f32 to vector<16xf32>
      %div3A_694 = arith.divf %div3A_693, %add3A_691 : vector<16xf32>
      %sub3A_695 = arith.constant 1.000000e+00 : f32
      %sub3A_696 = vector.broadcast %sub3A_695 : f32 to vector<16xf32>
      %sub3A_697 = arith.subf %sub3A_696, %div3A_694 : vector<16xf32>
      tpu.vector_store_idx %arg16[%add3A_684], %sub3A_697 : memref<3072xf32, #tpu.memory_space<vmem>>[vector<16xi32>], vector<16xf32>,
      %add3A_698 = arith.constant 2 : i32
      %add3A_699 = vector.broadcast %add3A_698 : i32 to vector<16xi32>
      %add3A_700 = arith.addi %add3A_638, %add3A_699 : vector<16xi32>
      %gather3A_701 = tpu.vector_load_idx %arg11[%add3A_700] : memref<3072xf32, #tpu.memory_space<vmem>>[vector<16xi32>], vector<16xf32>,
      %mul3A_702 = arith.constant 16 : i32
      %mul3A_703 = arith.muli %scan3A_631, %mul3A_702 : i32
      %add3A_704 = arith.constant 2048 : i32
      %add3A_705 = arith.addi %add3A_704, %mul3A_703 : i32
      %get3A_706 = arith.index_cast %add3A_705 : i32 to index
      %get3A_707 = tpu.vector_load %arg15[%get3A_706] {strides = array<i32>} : memref<6144xf32, #tpu.memory_space<vmem>>, vector<16xf32>,
      %mul3A_708 = arith.constant 16 : i32
      %mul3A_709 = arith.muli %scan3A_631, %mul3A_708 : i32
      %add3A_710 = arith.constant 5120 : i32
      %add3A_711 = arith.addi %add3A_710, %mul3A_709 : i32
      %get3A_712 = arith.index_cast %add3A_711 : i32 to index
      %get3A_713 = tpu.vector_load %arg15[%get3A_712] {strides = array<i32>} : memref<6144xf32, #tpu.memory_space<vmem>>, vector<16xf32>,
      %add3A_714 = arith.constant 2 : i32
      %add3A_715 = vector.broadcast %add3A_714 : i32 to vector<16xi32>
      %add3A_716 = arith.addi %add3A_638, %add3A_715 : vector<16xi32>
      %mul3A_717 = arith.mulf %gather3A_701, %get3A_707 : vector<16xf32>
      %add3A_718 = arith.addf %mul3A_717, %get3A_713 : vector<16xf32>
      %add3A_719 = arith.addf %add3A_718, %add3A_718 : vector<16xf32>
      %exp3A_720 = math.exp %add3A_719 : vector<16xf32>
      %add3A_721 = arith.constant 1.000000e+00 : f32
      %add3A_722 = vector.broadcast %add3A_721 : f32 to vector<16xf32>
      %add3A_723 = arith.addf %exp3A_720, %add3A_722 : vector<16xf32>
      %div3A_724 = arith.constant 2.000000e+00 : f32
      %div3A_725 = vector.broadcast %div3A_724 : f32 to vector<16xf32>
      %div3A_726 = arith.divf %div3A_725, %add3A_723 : vector<16xf32>
      %sub3A_727 = arith.constant 1.000000e+00 : f32
      %sub3A_728 = vector.broadcast %sub3A_727 : f32 to vector<16xf32>
      %sub3A_729 = arith.subf %sub3A_728, %div3A_726 : vector<16xf32>
      tpu.vector_store_idx %arg16[%add3A_716], %sub3A_729 : memref<3072xf32, #tpu.memory_space<vmem>>[vector<16xi32>], vector<16xf32>,
    }
    %scan3A_624 = arith.constant 64 : i32
    %mul3A_625 = arith.constant 32768 : i32
    %mul3A_626 = arith.muli %add3A, %mul3A_625 : i32
    %add3A_627 = arith.constant 31744 : i32
    %add3A_628 = arith.addi %mul3A_626, %add3A_627 : i32
    %mul3A_629 = arith.constant 3 : i32
    %mul3A_630 = arith.muli %add3A_628, %mul3A_629 : i32
    "tpu.region"() ({
      %run_scoped3A = tpu.sem_alloc : memref<!tpu.dma_semaphore, #tpu.memory_space<semaphore_mem>>
      %dma_start3A_631 = tpu.memref_slice %arg9[%mul3A_630] : memref<3145728xf32, #tpu.memory_space<hbm>> -> memref<3072xf32, #tpu.memory_space<hbm>>
      %dma_start3A_632 = tpu.memref_slice %arg9[%mul3A_630] : memref<3145728xf32, #tpu.memory_space<hbm>> -> memref<3072xf32, #tpu.memory_space<hbm>>
      tpu.enqueue_dma source(%arg16 : memref<3072xf32, #tpu.memory_space<vmem>>) target(%dma_start3A_632 : memref<3072xf32, #tpu.memory_space<hbm>>) target_semaphore(%run_scoped3A : memref<!tpu.dma_semaphore, #tpu.memory_space<semaphore_mem>>)
      %dma_wait3A_633 = tpu.memref_slice %arg9[%mul3A_630] : memref<3145728xf32, #tpu.memory_space<hbm>> -> memref<3072xf32, #tpu.memory_space<hbm>>
      %dma_wait3A_634 = tpu.memref_slice %arg9[%mul3A_630] : memref<3145728xf32, #tpu.memory_space<hbm>> -> memref<3072xf32, #tpu.memory_space<hbm>>
      tpu.wait_dma2 semaphore(%run_scoped3A : memref<!tpu.dma_semaphore, #tpu.memory_space<semaphore_mem>>) src(%arg16 : memref<3072xf32, #tpu.memory_space<vmem>>) dst(%dma_wait3A_634 : memref<3072xf32, #tpu.memory_space<hbm>>)
      tpu.yield
    }) : () -> ()
    return
  }
}

</mosaic_0001>

<sc_bundles>
// kernel: _colormap_sc.3.cloned.1.call-start
scs
__scs_entry_jumppad:
0x0: {  	(pc) =	sbr.rel $0x88, $3  }
0x1: {  	(tag) =	ssettag $0x0;
	lr =	simm.s32 $0x1  }
0x2: {  	[smem:$0x3F9A] =	sst lr;
	_ =	strace $0xD0000000  }
0x3: {  	_ = 	snop  }
0x4: {  	_ = 	snop  }
0x5: {  	_ = 	snop  }
0x6: {  	_ = 	snop  }
0x7: {  	_ = 	snop  }
__scs_overlays_trampoline_lowered:
0x8: {  	[smem:$0x3FA9] =	sst s0  }
0x9: {  	[smem:$0x3FAA] =	sst s1  }
0xa: {  	[smem:$0x3FAB] =	sst s2  }
0xb: {  	[smem:$0x3FAC] =	sst s3  }
0xc: {  	[smem:$0x3FAD] =	sst s4  }
0xd: {  	[smem:$0x3FAE] =	sst s5  }
0xe: {  	[smem:$0x3FAF] =	sst s6  }
0xf: {  	[smem:$0x3FB0] =	sst s7  }
0x10: {  	[smem:$0x3FB1] =	sst s8  }
0x11: {  	[smem:$0x3FB2] =	sst s9;
	s0 =	simm.s32 @!p0 $0x0  }
0x12: {  	s1 =	sld [smem:$0x3F98];
	s0 =	simm.s32 @p0 $0x1  }
0x13: {  	[smem:$0x3FB3] =	sst s0;
	s0 =	simm.s32 @!p1 $0x0  }
0x14: {  	s2 =	sld [smem:$0x3F97];
	s0 =	simm.s32 @p1 $0x1  }
0x15: {  	[smem:$0x3FB4] =	sst s0;
	s0 =	simm.s32 @!p2 $0x0  }
0x16: {  	s3 =	sld [smem:$0x3FDB];
	s0 =	simm.s32 @p2 $0x1  }
0x17: {  	s4 =	simm.s32 $0x1BF5;
	[smem:$0x3FB6] =	sst s0  }
0x18: {  	s0 =	sld [smem:$0x3F99];
	_ =	swait.ge [sflag:s4], $0x0  }
0x19: {  	s7 =	sld [smem:$0x3F9A]  }
0x1a: {  	s8 =	sadd.s32 $0xFFFFE003, lr  }
0x1b: {  	s9 =	sadd.s32 $0xFFFFFEF7, lr;
	s5 =	simm.s32 $0xFFFFFFFF;
	p2 =	slt.u32 s8, $0xFFFFF086  }
0x1c: {  	p1 =	slt.u32 s9, $0xF7A;
	s5 =	simm.s32 @!p2 $0x0  }
0x1d: {  	s5 =	simm.s32 @p1 $0x1;
	p0 =	seq.s32 s7, s2  }
0x1e: {  	s7 =	smul.u32 @!p0 $0xF7A, s2;
	p2 =	seq.s32 @!p0 s5, $0x0  }
0x1f: {  	s9 =	smul.u32 $0xF7A, s1;
	s8 =	simm.s32 @!p0 $0x1BF5;
	p2 =	por !p2, p0  }
0x20: {  	[sflag:s8] =	ssyncset.s32 @!p0 $0xFFFFF086;
	s6 =	sadd.s32 @!p0 s3, s7;
	s7 =	simm.s32 @!p0 $0x108  }
0x21: {  	s3 =	sadd.s32 s3, s9;
	s6 =	sadd.s32 @!p0 $0x88, s6;
	s7 =	simm.s32 @p2 $0x1082  }
0x22: {  	[simem:s7], [sflag:s8] =	dma.local @!p0 [hbm:s6], $0xF7A  }
0x23: {  	s9 =	sor.u32 $0xD0000000, s2;
	s6 =	simm.s32 $0x108;
	_ =	swait.ge @!p0 [sflag:s8], $0x0  }
0x24: {  	s3 =	sadd.s32 $0x88, s3;
	s6 =	simm.s32 @!p1 $0x1082;
	[sflag:s4] =	ssyncset.s32 $0xFFFFF086  }
0x25: {  	[simem:s6], [sflag:s4] =	dma.local [hbm:s3], $0xF7A  }
0x26: {  	[smem:$0x3F9A] =	sst s1;
	(tag) =	ssettag s2;
	_ =	strace s9  }
0x27: {  	s1 =	sld [smem:$0x3FAA]  }
0x28: {  	s2 =	sld [smem:$0x3FAB]  }
0x29: {  	s4 =	sld [smem:$0x3FAD]  }
0x2a: {  	p0 =	seq.s32 s5, $0x0;
	s5 =	sld [smem:$0x3FAE]  }
0x2b: {  	s6 =	sld [smem:$0x3FAF]  }
0x2c: {  	s7 =	sld [smem:$0x3FB0]  }
0x2d: {  	s3 =	simm.s32 $0x108;
	s8 =	sld [smem:$0x3FB1]  }
0x2e: {  	s3 =	simm.s32 @!p0 $0x1082;
	s9 =	sld [smem:$0x3FB2]  }
0x2f: {  	lr =	sadd.s32 s0, s3;
	s0 =	sld [smem:$0x3FA9]  }
0x30: {  	s3 =	sld [smem:$0x3FAC]  }
0x31: {  	[smem:$0x3FB5] =	sst s10  }
0x32: {  	s10 =	sld [smem:$0x3FB3];
	_ =	sdelay $0x3  }
0x33: {  	p0 =	seq.s32 s10, $0x1;
	s10 =	sld [smem:$0x3FB5];
	_ =	sdelay $0x3  }
0x34: {  	[smem:$0x3FB5] =	sst s10  }
0x35: {  	s10 =	sld [smem:$0x3FB4];
	_ =	sdelay $0x3  }
0x36: {  	p1 =	seq.s32 s10, $0x1;
	s10 =	sld [smem:$0x3FB5];
	_ =	sdelay $0x3  }
0x37: {  	[smem:$0x3FB5] =	sst s10  }
0x38: {  	s10 =	sld [smem:$0x3FB6]  }
0x39: {  	_ = 	snop;
	(pc) =	sbr.ind lr, $3  }
0x3a: {  	_ = 	snop  }
0x3b: {  	_ = 	snop  }
0x3c: {  	p2 =	seq.s32 s10, $0x1;
	s10 =	sld [smem:$0x3FB5]  }
0x3d: {  	_ =	shalt  }
0x3e: {  	_ =	shalt  }
0x3f: {  	_ =	shalt  }
0x40: {  	_ =	shalt  }
0x41: {  	_ =	shalt  }
0x42: {  	_ =	shalt  }
0x43: {  	_ =	shalt  }
0x44: {  	_ =	shalt  }
0x45: {  	_ =	shalt  }
0x46: {  	_ =	shalt  }
0x47: {  	_ =	shalt  }
0x48: {  	_ =	shalt  }
0x49: {  	_ =	shalt  }
0x4a: {  	_ =	shalt  }
0x4b: {  	_ =	shalt  }
0x4c: {  	_ =	shalt  }
0x4d: {  	_ =	shalt  }
0x4e: {  	_ =	shalt  }
0x4f: {  	_ =	shalt  }
0x50: {  	_ =	shalt  }
0x51: {  	_ =	shalt  }
0x52: {  	_ =	shalt  }
0x53: {  	_ =	shalt  }
0x54: {  	_ =	shalt  }
0x55: {  	_ =	shalt  }
0x56: {  	_ =	shalt  }
0x57: {  	_ =	shalt  }
0x58: {  	_ =	shalt  }
0x59: {  	_ =	shalt  }
0x5a: {  	_ =	shalt  }
0x5b: {  	_ =	shalt  }
0x5c: {  	_ =	shalt  }
0x5d: {  	_ =	shalt  }
0x5e: {  	_ =	shalt  }
0x5f: {  	_ =	shalt  }
0x60: {  	_ =	shalt  }
0x61: {  	_ =	shalt  }
0x62: {  	_ =	shalt  }
0x63: {  	_ =	shalt  }
0x64: {  	_ =	shalt  }
0x65: {  	_ =	shalt  }
0x66: {  	_ =	shalt  }
0x67: {  	_ =	shalt  }
0x68: {  	_ =	shalt  }
0x69: {  	_ =	shalt  }
0x6a: {  	_ =	shalt  }
0x6b: {  	_ =	shalt  }
0x6c: {  	_ =	shalt  }
0x6d: {  	_ =	shalt  }
0x6e: {  	_ =	shalt  }
0x6f: {  	_ =	shalt  }
0x70: {  	_ =	shalt  }
0x71: {  	_ =	shalt  }
0x72: {  	_ =	shalt  }
0x73: {  	_ =	shalt  }
0x74: {  	_ =	shalt  }
0x75: {  	_ =	shalt  }
0x76: {  	_ =	shalt  }
0x77: {  	_ =	shalt  }
0x78: {  	_ =	shalt  }
0x79: {  	_ =	shalt  }
0x7a: {  	_ =	shalt  }
0x7b: {  	_ =	shalt  }
0x7c: {  	_ =	shalt  }
0x7d: {  	_ =	shalt  }
0x7e: {  	_ =	shalt  }
0x7f: {  	_ =	shalt  }
0x80: {  	_ =	shalt  }
0x81: {  	_ =	shalt  }
0x82: {  	_ =	shalt  }
0x83: {  	_ =	shalt  }
0x84: {  	_ =	shalt  }
0x85: {  	_ =	shalt  }
0x86: {  	_ =	shalt  }
0x87: {  	_ =	shalt  }
.Lfunc_end0:
.L_simem_size_0:
called_computation_lowered:
.L_overlay_start_0:
0x88: {  	s2 =	sld [smem:$0x3FD9]  }
0x89: {  	s3 =	sld [smem:$0x3FFE];
	_ =	sdelay $0x1  }
0x8a: {  	s1 =	srdreg.scid  }
0x8b: {  	s0 =	sand.u32 $0x1, s1  }
0x8c: {  	s18 =	sshll.u32 s0, $0xA;
	s2 =	sadd.s32 s3, s2  }
0x8d: {  	s2 =	sadd.s32 s2, s18  }
0x8e: {  	[smem:$0x3FC1] =	sst s2  }
0x8f: {  	_ = 	snop  }
0x90: {  	s2 =	sld [smem:$0x3FC9]  }
0x91: {  	s19 =	sld [smem:$0x3FC8]  }
0x92: {  	s4 =	sld [smem:$0x3FC7]  }
0x93: {  	s5 =	sld [smem:$0x3FC6]  }
0x94: {  	s6 =	sld [smem:$0x3FC5]  }
0x95: {  	s7 =	sld [smem:$0x3FC4]  }
0x96: {  	s8 =	sld [smem:$0x3FC3]  }
0x97: {  	s9 =	sld [smem:$0x3FD0];
	(tm) =	ssettm $0x1  }
0x98: {  	s10 =	sld [smem:$0x3FFB];
	_ =	sdelay $0x3  }
0x99: {  	_ =	strace s10  }
0x9a: {  	s10 =	sld [smem:$0x3FFC];
	_ =	sdelay $0x3  }
0x9b: {  	_ =	strace s10  }
0x9c: {  	s10 =	sld [smem:$0x3FFD];
	_ =	sdelay $0x3  }
0x9d: {  	_ =	strace s10  }
0x9e: {  	_ =	strace $0x8FFFFFFF  }
0x9f: {  	s20 =	sld [smem:$0x3FDB];
	_ =	sdelay $0x1  }
0xa0: {  	s11 =	simm.s32 $_scs_section_size  }
0xa1: {  	s12 =	simm.s32 $_size__tile_overlayer_lowered;
	s13 =	simm.s32 $_tile_overlayer_lowered  }
0xa2: {  	s23 =	simm.s32 $0x1BFF;
	s22 =	sshll.u32 s13, $0x1;
	s10 =	sadd.s32 s11, s20  }
0xa3: {  	s14 =	simm.s32 $0x0;
	s21 =	sshll.u32 s12, $0x1;
	s12 =	sadd.s32 s22, s10  }
0xa4: {  	[timem:s14], [sflag:s23] =	dma.local [hbm:s12], s21  }
0xa5: {  	_ =	swait.ge [sflag:s23], s21  }
0xa6: {  	s11 =	ssub.s32 $0x0, s21;
	[sflag:s23] =	ssyncset.done $0x0  }
0xa7: {  	[sflag:s23] =	ssyncadd.s32 s11;
	_ =	sdelay $0x1  }
0xa8: {  	s24 =	simm.s32 $0x1B8B  }
0xa9: {  	_ =	swait.ge [sflag:s24], $0x1  }
0xaa: {  	[sflag:s24] =	ssyncset.done $0x0  }
0xab: {  	s25 =	simm.s32 $0x1B8E;
	[sflag:s24] =	ssyncadd.s32 $0xFFFFFFFF  }
0xac: {  	s26 =	simm.s32 $execute0_lowered;
	[smem:$0x3FD2] =	sst s25  }
0xad: {  	s11 =	sshll.u32 s26, $0x1;
	_ =	strace $0x80000046;
	[dreg:$0x1] =	wrdreg $0xFFFFFFFF  }
0xae: {  	s28 =	simm.s32 $_size_execute0_lowered;
	s10 =	sadd.s32 s10, s11;
	[dreg:$0x0] =	wrdreg $0x0  }
0xaf: {  	s11 =	sshll.u32 s28, $0x1;
	[dreg:$0x2] =	wrdreg s10  }
0xb0: {  	[dreg:$0x3] =	wrdreg s11  }
0xb1: {  	[dreg:$0x4] =	wrdreg $0xC0  }
0xb2: {  	_ =	task [dreg:s14], $0x5FFFF  }
0xb3: {  	[dreg:$0x1] =	wrdreg $0xFFFFFFFF  }
0xb4: {  	[dreg:$0x0] =	wrdreg $0x60  }
0xb5: {  	[dreg:$0x2] =	wrdreg s2  }
0xb6: {  	[dreg:$0x3] =	wrdreg s19  }
0xb7: {  	[dreg:$0x4] =	wrdreg s4  }
0xb8: {  	[dreg:$0x5] =	wrdreg s5  }
0xb9: {  	[dreg:$0x6] =	wrdreg s6  }
0xba: {  	[dreg:$0x7] =	wrdreg s7  }
0xbb: {  	[dreg:$0x8] =	wrdreg s8  }
0xbc: {  	[dreg:$0x9] =	wrdreg s9  }
0xbd: {  	[dreg:$0xa] =	wrdreg $0x9  }
0xbe: {  	_ =	task.clear_ibuf [dreg:s14], $0xBFFFF;
	_ =	strace $0x90000046  }
0xbf: {  	s29 =	simm.s32 $0x9;
	_ =	strace $0x80000048  }
0xc0: {  	_ =	swait.ge [sflag:s29], $0x1  }
0xc1: {  	[sflag:s29] =	ssyncadd.s32 $0xFFFFFFFF  }
0xc2: {  	_ =	strace $0x90000048  }
0xc3: {  	_ =	sfence  }
0xc4: {  	s30 =	sld [smem:$0x0];
	_ =	sdelay $0x2  }
0xc5: {  	s31 =	sshll.u32 s1, $0xD;
	s1 =	sshrl.u32 s1, $0x2  }
0xc6: {  	s3 =	sand.u32 $0x4000, s31;
	s1 =	sadd.s32 s1, s30  }
0xc7: {  	s0 =	sor.u32 s3, s0;
	s1 =	sshll.u32 s1, $0x11  }
0xc8: {  	s0 =	sor.u32 s1, s0  }
0xc9: {  	s0 =	sadd.s32 $0x8F2B, s0  }
0xca: {  	[sflag:s0] =	ssyncadd.remote.s32 $0x1  }
0xcb: {  	_ =	sfence.sel $0xFFFF  }
0xcc: {  	[dreg:$0x0] =	wrdreg $0xFFFFFFFF;
	(pc) =	sbr.abs _section_cstart, $3  }
0xcd: {  	[dreg:$0x1] =	wrdreg $0xFFFFFFFF  }
0xce: {  	_ =	task.clear_ibuf [dreg:s14], $0x2FFFF;
	_ =	strace $0x9FFFFFFF  }
0xcf: {  	(tm) =	ssettm $0x7FFFFFFF  }
tec
execute0_lowered:
.L_overlay_start_1:
0x0: {  	(tag) =	ssettag $0x1  }
0x1: {  	s28 =	rddreg [dreg:$0x0]  }
0x2: {  	s1 =	rddreg [dreg:$0x1]  }
0x3: {  	s2 =	rddreg [dreg:$0x2]  }
0x4: {  	s3 =	rddreg [dreg:$0x3]  }
0x5: {  	s5 =	rddreg [dreg:$0x4]  }
0x6: {  	s6 =	rddreg [dreg:$0x5]  }
0x7: {  	s8 =	rddreg [dreg:$0x6]  }
0x8: {  	s0 =	srdreg.scid;
	s4 =	stileid.u32  }
0x9: {  	s12 =	rddreg [dreg:$0x7];
	s10 =	simm.s32 $0x0;
	s18 =	simm.s32 $0x3  }
0xa: {  	s19 =	simm.s32 $0x80;
	s17 =	simm.s32 $0xC00;
	s21 =	simm.s32 $0x1C00  }
0xb: {  	s15 =	simm.s32 $0x1C80;
	s16 =	simm.s32 $0x1D80;
	s31 =	simm.s32 $0x1E80  }
0xc: {  	s22 =	simm.s32 $0x1F00;
	s0 =	sand.u32 $0x1, s0;
	s4 =	sshll.u32 s4, $0x1  }
0xd: {  	s29 =	simm.s32 $0x1F80;
	[smem:$0x7FF] =	sst s10;
	s4 =	sor.u32 s0, s4  }
0xe: {  	s0 =	ssub.s32 $0x2, s0;
	_ =	strace $0x80000047;
	s7 =	smul.u32 $0x3000, s4  }
0xf: {  	s9 =	sshrl.u32 s0, $0x1;
	s11 =	smul.u32 $0x18000, s4;
	s23 =	sshll.u32 s4, $0xF  }
0x10: {  	s0 =	ssub.s32 s0, s9;
	[dreg:$0xa] =	wrdreg s23;
	s9 =	simm.s32 $0x0  }
0x11: {  	s7 =	sadd.s32 s28, s7;
	s24 =	sshrl.u32 s11, $0x3;
	s0 =	smax.u32 s0, $0x1  }
0x12: {  	s11 =	simm.s32 $0x1B00;
	[dreg:$0x9] =	wrdreg s7;
	s7 =	sor.u32 $0x800, s23  }
0x13: {  	v1 =	vimm.s32 $0x52741630;
	v0 =	vlaneseq.u32;
	v2 =	vimm.s32 $0x63052741;
	s25 =	sadd.s32 $0x2E80, s24;
	s4 =	sadd.s32 s12, s24;
	[dreg:$0xf] =	wrdreg s0  }
0x14: {  	v3 =	vimm.s32 $0x74163052;
	v0 =	vmul.u32 $0x3, v0;
	v1 =	vunpack.c.l.s4.s8 v1;
	s23 =	simm.s32 $0x1A80;
	[dreg:$0xb] =	wrdreg s7;
	s26 =	sadd.s32 s28, s25  }
0x15: {  	v4 =	vunpack.c.l.s4.s8 v2;
	v5 =	vunpack.c.l.s4.s8 v3;
	s0 =	simm.s32 $0x5000;
	s4 =	sadd.s32 $0x2D00, s4;
	[dreg:$0xc] =	wrdreg s26  }
0x16: {  	v1 =	vunpack.c.0.s8.s32 v1;
	v2 =	vadd.s32 $0x1, v0;
	s30 =	sadd.s32 s12, s25;
	s7 =	simm.s32 $0x1D00;
	[dreg:$0xd] =	wrdreg s4  }
0x17: {  	v3 =	vunpack.c.0.s8.s32 v4;
	v4 =	vadd.s32 $0x2, v0;
	v5 =	vunpack.c.0.s8.s32 v5;
	s25 =	simm.s32 $0x1E00;
	[dreg:$0xe] =	wrdreg s30;
	s26 =	simm.s32 $0x1B80  }
.LBB2_1:
0x18: {  	v6 =	vadd.s32 s10, v0  }
0x19: {  	[dreg:$0x10] =	wrdreg s9;
	v7 =	vadd.s32 s10, v2;
	v6 =	vand.u32 $0x1FF8, v6  }
0x1a: {  	s4 =	rddreg [dreg:$0x9];
	v7 =	vand.u32 $0x1FF8, v7;
	v6 =	vor.u32 v1, v6  }
0x1b: {  	[tilespmem:s10], [sflag:$0x3] =	stream.linear.gather [hbm4b:s4+s10], $0xC00, $0x38;
	v7 =	vor.u32 v3, v7;
	[tilespmem:$0x5C00] =	vst v63  }
0x1c: {  	_ =	swait.ge [sflag:s18], $0xC00  }
0x1d: {  	v8 =	vadd.s32 s10, v4;
	[sflag:s18] =	ssyncset.done $0x0  }
0x1e: {  	v8 =	vand.u32 $0x1FF8, v8;
	[sflag:s18] =	ssyncadd.s32 $0xFFFFF400  }
0x1f: {  	v8 =	vor.u32 v5, v8;
	v6 =	vld.idx.msk [tilespmem:v6+s10+$0x0], $0xffff  }
0x20: {  	v7 =	vld.idx.msk [tilespmem:v7+s10+$0x0], $0xffff;
	_ =	sdelay $0x3  }
0x21: {  	v8 =	vld.idx.msk [tilespmem:v8+s10+$0x0], $0xffff  }
0x22: {  	v6 =	vmul.f32 $6.553600000e+04, v6;
	v7 =	vmul.f32 $2.560000000e+02, v7;
	_ =	sdelay $0x1  }
0x23: {  	s24 =	simm.s32 $0x30;
	v6 =	vadd.f32 v7, v6  }
0x24: {  	v7 =	vadd.s32 s24, v0  }
0x25: {  	v9 =	vadd.s32 s24, v2;
	v7 =	vand.u32 $0x1FF8, v7;
	v6 =	vadd.f32 v6, v8  }
0x26: {  	v7 =	vor.u32 v1, v7;
	v8 =	vand.u32 $0x1FF8, v9  }
0x27: {  	v8 =	vor.u32 v3, v8;
	v6 =	vtrunc.f32 v6  }
0x28: {  	v6 =	vcvt.f32.s32 v6  }
0x29: {  	s30 =	simm.s32 $0x1800;
	v9 =	vadd.s32 s24, v4  }
0x2a: {  	v9 =	vand.u32 $0x1FF8, v9;
	[tilespmem:s30+$0x0] =	vst v6  }
0x2b: {  	v6 =	vld.idx.msk [tilespmem:v7+s10+$0x0], $0xffff;
	v7 =	vor.u32 v5, v9  }
0x2c: {  	v8 =	vld.idx.msk [tilespmem:v8+s10+$0x0], $0xffff;
	_ =	sdelay $0x3  }
0x2d: {  	v9 =	vld.idx.msk [tilespmem:v7+s10+$0x0], $0xffff  }
0x2e: {  	v6 =	vmul.f32 $6.553600000e+04, v6;
	v7 =	vmul.f32 $2.560000000e+02, v8;
	_ =	sdelay $0x1  }
0x2f: {  	s9 =	simm.s32 $0x60;
	v6 =	vadd.f32 v7, v6  }
0x30: {  	v7 =	vadd.s32 s9, v0  }
0x31: {  	s13 =	simm.s32 $0x90;
	s12 =	simm.s32 $0x1800;
	v8 =	vadd.s32 s9, v2;
	v7 =	vand.u32 $0x1FF8, v7;
	v6 =	vadd.f32 v6, v9  }
.LBB2_2:
0x32: {  	p0 =	sne.s32 s13, $0xBD0;
	v7 =	vor.u32 v1, v7;
	v8 =	vand.u32 $0x1FF8, v8  }
0x33: {  	v8 =	vor.u32 v3, v8;
	v6 =	vtrunc.f32 v6  }
0x34: {  	v6 =	vcvt.f32.s32 v6  }
0x35: {  	v9 =	vadd.s32 s9, v4;
	s12 =	sadd.s32 $0x10, s12;
	s9 =	smov.u32 s13  }
0x36: {  	v9 =	vand.u32 $0x1FF8, v9;
	[tilespmem:s12+$0x0] =	vst v6  }
0x37: {  	v6 =	vld.idx.msk [tilespmem:v7+s10+$0x0], $0xffff;
	v7 =	vor.u32 v5, v9  }
0x38: {  	v8 =	vld.idx.msk [tilespmem:v8+s10+$0x0], $0xffff;
	_ =	sdelay $0x3  }
0x39: {  	v9 =	vld.idx.msk [tilespmem:v7+s10+$0x0], $0xffff;
	_ =	sdelay $0x1  }
.Ltmp0:
0x3a: {  	v6 =	vmul.f32 $6.553600000e+04, v6;
	v7 =	vmul.f32 $2.560000000e+02, v8;
	(pc) =	sbr.rel @p0 .LBB2_2-.Ltmp0, $4  }
0x3b: {  	_ = 	snop  }
0x3c: {  	v6 =	vadd.f32 v7, v6  }
0x3d: {  	v7 =	vadd.s32 s13, v0  }
0x3e: {  	v8 =	vadd.s32 s9, v2;
	s13 =	sadd.s32 $0x30, s13;
	v7 =	vand.u32 $0x1FF8, v7;
	v6 =	vadd.f32 v6, v9  }
0x3f: {  	v7 =	vor.u32 v1, v7;
	v8 =	vand.u32 $0x1FF8, v8  }
0x40: {  	v8 =	vor.u32 v3, v8;
	v6 =	vtrunc.f32 v6  }
0x41: {  	v6 =	vcvt.f32.s32 v6  }
0x42: {  	v9 =	vadd.s32 s9, v4;
	s4 =	sadd.s32 $0x10, s12  }
0x43: {  	v9 =	vand.u32 $0x1FF8, v9;
	[tilespmem:s4+$0x0] =	vst v6  }
0x44: {  	v6 =	vld.idx.msk [tilespmem:v7+s10+$0x0], $0xffff;
	v7 =	vor.u32 v5, v9  }
0x45: {  	v8 =	vld.idx.msk [tilespmem:v8+s10+$0x0], $0xffff;
	_ =	sdelay $0x3  }
0x46: {  	v7 =	vld.idx.msk [tilespmem:v7+s10+$0x0], $0xffff  }
0x47: {  	v6 =	vmul.f32 $6.553600000e+04, v6;
	v8 =	vmul.f32 $2.560000000e+02, v8;
	_ =	sdelay $0x1  }
0x48: {  	v6 =	vadd.f32 v8, v6;
	_ =	sdelay $0x1  }
0x49: {  	v6 =	vadd.f32 v6, v7;
	_ =	sdelay $0x1  }
0x4a: {  	v6 =	vtrunc.f32 v6  }
0x4b: {  	v6 =	vcvt.f32.s32 v6  }
0x4c: {  	s9 =	sadd.s32 $0x10, s4  }
0x4d: {  	s12 =	simm.s32 $0x2000;
	s4 =	simm.s32 $0x1800;
	[tilespmem:s9+$0x0] =	vst v6  }
0x4e: {  	[tilespmem:s12], [sflag:$0x1] =	stream.indirect.gather [hbm4b:s1+s19], $0x1, s4, s19, $0xb8;
	[tilespmem:$0x5C00] =	vst v63  }
0x4f: {  	s13 =	simm.s32 $0x2400  }
0x50: {  	[tilespmem:s13], [sflag:$0x1] =	stream.indirect.gather [hbm4b:s2+s19], $0x1, s4, s19, $0xb8;
	[tilespmem:$0x5C00] =	vst v63  }
0x51: {  	s14 =	simm.s32 $0x2800  }
0x52: {  	[tilespmem:s14], [sflag:$0x1] =	stream.indirect.gather [hbm4b:s3+s19], $0x1, s4, s19, $0xb8;
	[tilespmem:$0x5C00] =	vst v63  }
0x53: {  	s20 =	simm.s32 $0x2C00  }
0x54: {  	[tilespmem:s20], [sflag:$0x1] =	stream.indirect.gather [hbm4b:s5+s19], $0x1, s4, s19, $0xb8;
	[tilespmem:$0x5C00] =	vst v63  }
0x55: {  	s24 =	simm.s32 $0x3000  }
0x56: {  	[tilespmem:s24], [sflag:$0x1] =	stream.indirect.gather [hbm4b:s6+s19], $0x1, s4, s19, $0xb8;
	[tilespmem:$0x5C00] =	vst v63  }
0x57: {  	s12 =	simm.s32 $0x3400  }
0x58: {  	[tilespmem:s12], [sflag:$0x1] =	stream.indirect.gather [hbm4b:s8+s19], $0x1, s4, s19, $0xb8;
	[tilespmem:$0x5C00] =	vst v63  }
0x59: {  	s13 =	simm.s32 $0x2080;
	s4 =	simm.s32 $0x1880  }
0x5a: {  	[tilespmem:s13], [sflag:$0x1] =	stream.indirect.gather [hbm4b:s1+s19], $0x1, s4, s19, $0xb8;
	[tilespmem:$0x5C00] =	vst v63  }
0x5b: {  	s14 =	simm.s32 $0x2480  }
0x5c: {  	[tilespmem:s14], [sflag:$0x1] =	stream.indirect.gather [hbm4b:s2+s19], $0x1, s4, s19, $0xb8;
	[tilespmem:$0x5C00] =	vst v63  }
0x5d: {  	s20 =	simm.s32 $0x2880  }
0x5e: {  	[tilespmem:s20], [sflag:$0x1] =	stream.indirect.gather [hbm4b:s3+s19], $0x1, s4, s19, $0xb8;
	[tilespmem:$0x5C00] =	vst v63  }
0x5f: {  	s24 =	simm.s32 $0x2C80  }
0x60: {  	[tilespmem:s24], [sflag:$0x1] =	stream.indirect.gather [hbm4b:s5+s19], $0x1, s4, s19, $0xb8;
	[tilespmem:$0x5C00] =	vst v63  }
0x61: {  	s12 =	simm.s32 $0x3080  }
0x62: {  	[tilespmem:s12], [sflag:$0x1] =	stream.indirect.gather [hbm4b:s6+s19], $0x1, s4, s19, $0xb8;
	[tilespmem:$0x5C00] =	vst v63  }
0x63: {  	s13 =	simm.s32 $0x3480  }
0x64: {  	[tilespmem:s13], [sflag:$0x1] =	stream.indirect.gather [hbm4b:s8+s19], $0x1, s4, s19, $0xb8;
	[tilespmem:$0x5C00] =	vst v63  }
0x65: {  	s14 =	simm.s32 $0x2100;
	s4 =	simm.s32 $0x1900  }
0x66: {  	[tilespmem:s14], [sflag:$0x1] =	stream.indirect.gather [hbm4b:s1+s19], $0x1, s4, s19, $0xb8;
	[tilespmem:$0x5C00] =	vst v63  }
0x67: {  	s20 =	simm.s32 $0x2500  }
0x68: {  	[tilespmem:s20], [sflag:$0x1] =	stream.indirect.gather [hbm4b:s2+s19], $0x1, s4, s19, $0xb8;
	[tilespmem:$0x5C00] =	vst v63  }
0x69: {  	s24 =	simm.s32 $0x2900  }
0x6a: {  	[tilespmem:s24], [sflag:$0x1] =	stream.indirect.gather [hbm4b:s3+s19], $0x1, s4, s19, $0xb8;
	[tilespmem:$0x5C00] =	vst v63  }
0x6b: {  	s12 =	simm.s32 $0x2D00  }
0x6c: {  	[tilespmem:s12], [sflag:$0x1] =	stream.indirect.gather [hbm4b:s5+s19], $0x1, s4, s19, $0xb8;
	[tilespmem:$0x5C00] =	vst v63  }
0x6d: {  	s13 =	simm.s32 $0x3100  }
0x6e: {  	[tilespmem:s13], [sflag:$0x1] =	stream.indirect.gather [hbm4b:s6+s19], $0x1, s4, s19, $0xb8;
	[tilespmem:$0x5C00] =	vst v63  }
0x6f: {  	s14 =	simm.s32 $0x3500  }
0x70: {  	[tilespmem:s14], [sflag:$0x1] =	stream.indirect.gather [hbm4b:s8+s19], $0x1, s4, s19, $0xb8;
	[tilespmem:$0x5C00] =	vst v63  }
0x71: {  	s20 =	simm.s32 $0x2180;
	s4 =	simm.s32 $0x1980  }
0x72: {  	[tilespmem:s20], [sflag:$0x1] =	stream.indirect.gather [hbm4b:s1+s19], $0x1, s4, s19, $0xb8;
	[tilespmem:$0x5C00] =	vst v63  }
0x73: {  	s24 =	simm.s32 $0x2580  }
0x74: {  	[tilespmem:s24], [sflag:$0x1] =	stream.indirect.gather [hbm4b:s2+s19], $0x1, s4, s19, $0xb8;
	[tilespmem:$0x5C00] =	vst v63  }
0x75: {  	s12 =	simm.s32 $0x2980  }
0x76: {  	[tilespmem:s12], [sflag:$0x1] =	stream.indirect.gather [hbm4b:s3+s19], $0x1, s4, s19, $0xb8;
	[tilespmem:$0x5C00] =	vst v63  }
0x77: {  	s13 =	simm.s32 $0x2D80  }
0x78: {  	[tilespmem:s13], [sflag:$0x1] =	stream.indirect.gather [hbm4b:s5+s19], $0x1, s4, s19, $0xb8;
	[tilespmem:$0x5C00] =	vst v63  }
0x79: {  	s14 =	simm.s32 $0x3180  }
0x7a: {  	[tilespmem:s14], [sflag:$0x1] =	stream.indirect.gather [hbm4b:s6+s19], $0x1, s4, s19, $0xb8;
	[tilespmem:$0x5C00] =	vst v63  }
0x7b: {  	s20 =	simm.s32 $0x3580  }
0x7c: {  	[tilespmem:s20], [sflag:$0x1] =	stream.indirect.gather [hbm4b:s8+s19], $0x1, s4, s19, $0xb8;
	[tilespmem:$0x5C00] =	vst v63  }
0x7d: {  	s24 =	simm.s32 $0x2200;
	s4 =	simm.s32 $0x1A00  }
0x7e: {  	[tilespmem:s24], [sflag:$0x1] =	stream.indirect.gather [hbm4b:s1+s19], $0x1, s4, s19, $0xb8;
	[tilespmem:$0x5C00] =	vst v63  }
0x7f: {  	s12 =	simm.s32 $0x2600  }
0x80: {  	[tilespmem:s12], [sflag:$0x1] =	stream.indirect.gather [hbm4b:s2+s19], $0x1, s4, s19, $0xb8;
	[tilespmem:$0x5C00] =	vst v63  }
0x81: {  	s13 =	simm.s32 $0x2A00  }
0x82: {  	[tilespmem:s13], [sflag:$0x1] =	stream.indirect.gather [hbm4b:s3+s19], $0x1, s4, s19, $0xb8;
	[tilespmem:$0x5C00] =	vst v63  }
0x83: {  	s14 =	simm.s32 $0x2E00  }
0x84: {  	[tilespmem:s14], [sflag:$0x1] =	stream.indirect.gather [hbm4b:s5+s19], $0x1, s4, s19, $0xb8;
	[tilespmem:$0x5C00] =	vst v63  }
0x85: {  	s20 =	simm.s32 $0x3200  }
0x86: {  	[tilespmem:s20], [sflag:$0x1] =	stream.indirect.gather [hbm4b:s6+s19], $0x1, s4, s19, $0xb8;
	[tilespmem:$0x5C00] =	vst v63  }
0x87: {  	s24 =	simm.s32 $0x3600  }
0x88: {  	[tilespmem:s24], [sflag:$0x1] =	stream.indirect.gather [hbm4b:s8+s19], $0x1, s4, s19, $0xb8;
	[tilespmem:$0x5C00] =	vst v63  }
0x89: {  	s9 =	simm.s32 $0x2280  }
0x8a: {  	[tilespmem:s9], [sflag:$0x1] =	stream.indirect.gather [hbm4b:s1+s19], $0x1, s23, s19, $0xb8;
	[tilespmem:$0x5C00] =	vst v63  }
0x8b: {  	s12 =	simm.s32 $0x2680  }
0x8c: {  	[tilespmem:s12], [sflag:$0x1] =	stream.indirect.gather [hbm4b:s2+s19], $0x1, s23, s19, $0xb8;
	[tilespmem:$0x5C00] =	vst v63  }
0x8d: {  	s13 =	simm.s32 $0x2A80  }
0x8e: {  	[tilespmem:s13], [sflag:$0x1] =	stream.indirect.gather [hbm4b:s3+s19], $0x1, s23, s19, $0xb8;
	[tilespmem:$0x5C00] =	vst v63  }
0x8f: {  	s14 =	simm.s32 $0x2E80  }
0x90: {  	[tilespmem:s14], [sflag:$0x1] =	stream.indirect.gather [hbm4b:s5+s19], $0x1, s23, s19, $0xb8;
	[tilespmem:$0x5C00] =	vst v63  }
0x91: {  	s20 =	simm.s32 $0x3280  }
0x92: {  	[tilespmem:s20], [sflag:$0x1] =	stream.indirect.gather [hbm4b:s6+s19], $0x1, s23, s19, $0xb8;
	[tilespmem:$0x5C00] =	vst v63  }
0x93: {  	s24 =	simm.s32 $0x3680  }
0x94: {  	[tilespmem:s24], [sflag:$0x1] =	stream.indirect.gather [hbm4b:s8+s19], $0x1, s23, s19, $0xb8;
	[tilespmem:$0x5C00] =	vst v63  }
0x95: {  	s9 =	simm.s32 $0x2300  }
0x96: {  	[tilespmem:s9], [sflag:$0x1] =	stream.indirect.gather [hbm4b:s1+s19], $0x1, s11, s19, $0xb8;
	[tilespmem:$0x5C00] =	vst v63  }
0x97: {  	s12 =	simm.s32 $0x2700  }
0x98: {  	[tilespmem:s12], [sflag:$0x1] =	stream.indirect.gather [hbm4b:s2+s19], $0x1, s11, s19, $0xb8;
	[tilespmem:$0x5C00] =	vst v63  }
0x99: {  	s13 =	simm.s32 $0x2B00  }
0x9a: {  	[tilespmem:s13], [sflag:$0x1] =	stream.indirect.gather [hbm4b:s3+s19], $0x1, s11, s19, $0xb8;
	[tilespmem:$0x5C00] =	vst v63  }
0x9b: {  	s14 =	simm.s32 $0x2F00  }
0x9c: {  	[tilespmem:s14], [sflag:$0x1] =	stream.indirect.gather [hbm4b:s5+s19], $0x1, s11, s19, $0xb8;
	[tilespmem:$0x5C00] =	vst v63  }
0x9d: {  	s20 =	simm.s32 $0x3300  }
0x9e: {  	[tilespmem:s20], [sflag:$0x1] =	stream.indirect.gather [hbm4b:s6+s19], $0x1, s11, s19, $0xb8;
	[tilespmem:$0x5C00] =	vst v63  }
0x9f: {  	s24 =	simm.s32 $0x3700  }
0xa0: {  	[tilespmem:s24], [sflag:$0x1] =	stream.indirect.gather [hbm4b:s8+s19], $0x1, s11, s19, $0xb8;
	[tilespmem:$0x5C00] =	vst v63  }
0xa1: {  	s9 =	simm.s32 $0x2380  }
0xa2: {  	[tilespmem:s9], [sflag:$0x1] =	stream.indirect.gather [hbm4b:s1+s19], $0x1, s26, s19, $0xb8;
	[tilespmem:$0x5C00] =	vst v63  }
0xa3: {  	s12 =	simm.s32 $0x2780  }
0xa4: {  	[tilespmem:s12], [sflag:$0x1] =	stream.indirect.gather [hbm4b:s2+s19], $0x1, s26, s19, $0xb8;
	[tilespmem:$0x5C00] =	vst v63  }
0xa5: {  	s13 =	simm.s32 $0x2B80  }
0xa6: {  	[tilespmem:s13], [sflag:$0x1] =	stream.indirect.gather [hbm4b:s3+s19], $0x1, s26, s19, $0xb8;
	[tilespmem:$0x5C00] =	vst v63  }
0xa7: {  	s14 =	simm.s32 $0x2F80  }
0xa8: {  	[tilespmem:s14], [sflag:$0x1] =	stream.indirect.gather [hbm4b:s5+s19], $0x1, s26, s19, $0xb8;
	[tilespmem:$0x5C00] =	vst v63  }
0xa9: {  	s20 =	simm.s32 $0x3380  }
0xaa: {  	[tilespmem:s20], [sflag:$0x1] =	stream.indirect.gather [hbm4b:s6+s19], $0x1, s26, s19, $0xb8;
	[tilespmem:$0x5C00] =	vst v63  }
0xab: {  	s30 =	simm.s32 $0x0;
	s24 =	simm.s32 $0x3780;
	s13 =	simm.s32 $0x0  }
0xac: {  	[tilespmem:s24], [sflag:$0x1] =	stream.indirect.gather [hbm4b:s8+s19], $0x1, s26, s19, $0xb8;
	[tilespmem:$0x5C00] =	vst v63  }
.LBB2_4:
0xad: {  	s12 =	sshll.u32 s30, $0xB;
	s4 =	rddreg [dreg:$0xa]  }
0xae: {  	s9 =	sadd.s32 s12, s4  }
0xaf: {  	s9 =	smul.u32 $0x3, s9;
	_ =	sdelay $0x1  }
0xb0: {  	v6 =	vadd.s32 s13, v0;
	s9 =	sadd.s32 $0xC00, s9  }
0xb1: {  	v7 =	vadd.s32 s13, v2;
	v6 =	vand.u32 $0x1FF8, v6;
	s9 =	sshrl.u32 s9, $0x3  }
0xb2: {  	v7 =	vand.u32 $0x1FF8, v7;
	v6 =	vor.u32 v1, v6;
	s14 =	sadd.s32 s28, s9  }
0xb3: {  	v7 =	vor.u32 v3, v7;
	[tilespmem:s17], [sflag:$0x3] =	stream.linear.gather [hbm4b:s14+s13], $0xC00, $0x38;
	[tilespmem:$0x5C00] =	vst v63  }
0xb4: {  	_ =	swait.ge [sflag:s18], $0xC00  }
0xb5: {  	v8 =	vadd.s32 s13, v4;
	[sflag:s18] =	ssyncset.done $0x0  }
0xb6: {  	v8 =	vand.u32 $0x1FF8, v8;
	[sflag:s18] =	ssyncadd.s32 $0xFFFFF400  }
0xb7: {  	v8 =	vor.u32 v5, v8;
	v6 =	vld.idx.msk [tilespmem:v6+s17+$0x0], $0xffff  }
0xb8: {  	v7 =	vld.idx.msk [tilespmem:v7+s17+$0x0], $0xffff;
	_ =	sdelay $0x3  }
0xb9: {  	v8 =	vld.idx.msk [tilespmem:v8+s17+$0x0], $0xffff  }
0xba: {  	v6 =	vmul.f32 $6.553600000e+04, v6;
	v7 =	vmul.f32 $2.560000000e+02, v7;
	_ =	sdelay $0x1  }
0xbb: {  	s20 =	simm.s32 $0x30;
	v6 =	vadd.f32 v7, v6  }
0xbc: {  	v7 =	vadd.s32 s20, v0  }
0xbd: {  	v9 =	vadd.s32 s20, v2;
	v7 =	vand.u32 $0x1FF8, v7;
	v6 =	vadd.f32 v6, v8  }
0xbe: {  	v7 =	vor.u32 v1, v7;
	v8 =	vand.u32 $0x1FF8, v9  }
0xbf: {  	v8 =	vor.u32 v3, v8;
	v6 =	vtrunc.f32 v6  }
0xc0: {  	v6 =	vcvt.f32.s32 v6  }
0xc1: {  	s14 =	simm.s32 $0x1C00;
	v9 =	vadd.s32 s20, v4  }
0xc2: {  	v9 =	vand.u32 $0x1FF8, v9;
	[tilespmem:s14+$0x0] =	vst v6  }
0xc3: {  	v6 =	vld.idx.msk [tilespmem:v7+s17+$0x0], $0xffff;
	v7 =	vor.u32 v5, v9  }
0xc4: {  	v8 =	vld.idx.msk [tilespmem:v8+s17+$0x0], $0xffff;
	_ =	sdelay $0x3  }
0xc5: {  	v9 =	vld.idx.msk [tilespmem:v7+s17+$0x0], $0xffff  }
0xc6: {  	v6 =	vmul.f32 $6.553600000e+04, v6;
	v7 =	vmul.f32 $2.560000000e+02, v8;
	_ =	sdelay $0x1  }
0xc7: {  	s20 =	simm.s32 $0x60;
	v6 =	vadd.f32 v7, v6  }
0xc8: {  	v7 =	vadd.s32 s20, v0  }
0xc9: {  	s24 =	simm.s32 $0x90;
	s4 =	smov.u32 s28;
	v8 =	vadd.s32 s20, v2;
	v7 =	vand.u32 $0x1FF8, v7;
	v6 =	vadd.f32 v6, v9  }
.LBB2_5:
0xca: {  	p0 =	sne.s32 s24, $0xBD0;
	v7 =	vor.u32 v1, v7;
	v8 =	vand.u32 $0x1FF8, v8  }
0xcb: {  	v8 =	vor.u32 v3, v8;
	v6 =	vtrunc.f32 v6  }
0xcc: {  	v6 =	vcvt.f32.s32 v6  }
0xcd: {  	v9 =	vadd.s32 s20, v4;
	s14 =	sadd.s32 $0x10, s14;
	s20 =	smov.u32 s24  }
0xce: {  	v9 =	vand.u32 $0x1FF8, v9;
	[tilespmem:s14+$0x0] =	vst v6  }
0xcf: {  	v6 =	vld.idx.msk [tilespmem:v7+s17+$0x0], $0xffff;
	v7 =	vor.u32 v5, v9  }
0xd0: {  	v8 =	vld.idx.msk [tilespmem:v8+s17+$0x0], $0xffff;
	_ =	sdelay $0x3  }
0xd1: {  	v9 =	vld.idx.msk [tilespmem:v7+s17+$0x0], $0xffff;
	_ =	sdelay $0x1  }
.Ltmp1:
0xd2: {  	v6 =	vmul.f32 $6.553600000e+04, v6;
	v7 =	vmul.f32 $2.560000000e+02, v8;
	(pc) =	sbr.rel @p0 .LBB2_5-.Ltmp1, $4  }
0xd3: {  	_ = 	snop  }
0xd4: {  	v6 =	vadd.f32 v7, v6  }
0xd5: {  	v7 =	vadd.s32 s24, v0  }
0xd6: {  	v8 =	vadd.s32 s20, v2;
	s24 =	sadd.s32 $0x30, s24;
	v7 =	vand.u32 $0x1FF8, v7;
	v6 =	vadd.f32 v6, v9  }
0xd7: {  	v7 =	vor.u32 v1, v7;
	v8 =	vand.u32 $0x1FF8, v8  }
0xd8: {  	v8 =	vor.u32 v3, v8;
	v6 =	vtrunc.f32 v6  }
0xd9: {  	v6 =	vcvt.f32.s32 v6  }
0xda: {  	v9 =	vadd.s32 s20, v4;
	s14 =	sadd.s32 $0x10, s14  }
0xdb: {  	v9 =	vand.u32 $0x1FF8, v9;
	[tilespmem:s14+$0x0] =	vst v6  }
0xdc: {  	v6 =	vld.idx.msk [tilespmem:v7+s17+$0x0], $0xffff;
	v7 =	vor.u32 v5, v9  }
0xdd: {  	v8 =	vld.idx.msk [tilespmem:v8+s17+$0x0], $0xffff;
	_ =	sdelay $0x3  }
0xde: {  	v7 =	vld.idx.msk [tilespmem:v7+s17+$0x0], $0xffff  }
0xdf: {  	v6 =	vmul.f32 $6.553600000e+04, v6;
	v8 =	vmul.f32 $2.560000000e+02, v8;
	_ =	sdelay $0x1  }
0xe0: {  	v6 =	vadd.f32 v8, v6;
	_ =	sdelay $0x1  }
0xe1: {  	v6 =	vadd.f32 v6, v7;
	_ =	sdelay $0x1  }
0xe2: {  	v6 =	vtrunc.f32 v6  }
0xe3: {  	v6 =	vcvt.f32.s32 v6  }
0xe4: {  	s14 =	sadd.s32 $0x10, s14  }
0xe5: {  	s24 =	simm.s32 $0x3800;
	[tilespmem:s14+$0x0] =	vst v6  }
0xe6: {  	[tilespmem:s24], [sflag:$0x2] =	stream.indirect.gather [hbm4b:s1+s19], $0x1, s21, s19, $0xb8;
	[tilespmem:$0x5C00] =	vst v63  }
0xe7: {  	s20 =	simm.s32 $0x3C00  }
0xe8: {  	[tilespmem:s20], [sflag:$0x2] =	stream.indirect.gather [hbm4b:s2+s19], $0x1, s21, s19, $0xb8;
	[tilespmem:$0x5C00] =	vst v63  }
0xe9: {  	s24 =	simm.s32 $0x4000  }
0xea: {  	[tilespmem:s24], [sflag:$0x2] =	stream.indirect.gather [hbm4b:s3+s19], $0x1, s21, s19, $0xb8;
	[tilespmem:$0x5C00] =	vst v63  }
0xeb: {  	s20 =	simm.s32 $0x4400  }
0xec: {  	[tilespmem:s20], [sflag:$0x2] =	stream.indirect.gather [hbm4b:s5+s19], $0x1, s21, s19, $0xb8;
	[tilespmem:$0x5C00] =	vst v63  }
0xed: {  	s24 =	simm.s32 $0x4800  }
0xee: {  	[tilespmem:s24], [sflag:$0x2] =	stream.indirect.gather [hbm4b:s6+s19], $0x1, s21, s19, $0xb8;
	[tilespmem:$0x5C00] =	vst v63  }
0xef: {  	s20 =	simm.s32 $0x4C00  }
0xf0: {  	[tilespmem:s20], [sflag:$0x2] =	stream.indirect.gather [hbm4b:s8+s19], $0x1, s21, s19, $0xb8;
	[tilespmem:$0x5C00] =	vst v63  }
0xf1: {  	s24 =	simm.s32 $0x3880  }
0xf2: {  	[tilespmem:s24], [sflag:$0x2] =	stream.indirect.gather [hbm4b:s1+s19], $0x1, s15, s19, $0xb8;
	[tilespmem:$0x5C00] =	vst v63  }
0xf3: {  	s20 =	simm.s32 $0x3C80  }
0xf4: {  	[tilespmem:s20], [sflag:$0x2] =	stream.indirect.gather [hbm4b:s2+s19], $0x1, s15, s19, $0xb8;
	[tilespmem:$0x5C00] =	vst v63  }
0xf5: {  	s24 =	simm.s32 $0x4080  }
0xf6: {  	[tilespmem:s24], [sflag:$0x2] =	stream.indirect.gather [hbm4b:s3+s19], $0x1, s15, s19, $0xb8;
	[tilespmem:$0x5C00] =	vst v63  }
0xf7: {  	s20 =	simm.s32 $0x4480  }
0xf8: {  	[tilespmem:s20], [sflag:$0x2] =	stream.indirect.gather [hbm4b:s5+s19], $0x1, s15, s19, $0xb8;
	[tilespmem:$0x5C00] =	vst v63  }
0xf9: {  	s24 =	simm.s32 $0x4880  }
0xfa: {  	[tilespmem:s24], [sflag:$0x2] =	stream.indirect.gather [hbm4b:s6+s19], $0x1, s15, s19, $0xb8;
	[tilespmem:$0x5C00] =	vst v63  }
0xfb: {  	s20 =	simm.s32 $0x4C80  }
0xfc: {  	[tilespmem:s20], [sflag:$0x2] =	stream.indirect.gather [hbm4b:s8+s19], $0x1, s15, s19, $0xb8;
	[tilespmem:$0x5C00] =	vst v63  }
0xfd: {  	s24 =	simm.s32 $0x3900  }
0xfe: {  	[tilespmem:s24], [sflag:$0x2] =	stream.indirect.gather [hbm4b:s1+s19], $0x1, s7, s19, $0xb8;
	[tilespmem:$0x5C00] =	vst v63  }
0xff: {  	s20 =	simm.s32 $0x3D00  }
0x100: {  	[tilespmem:s20], [sflag:$0x2] =	stream.indirect.gather [hbm4b:s2+s19], $0x1, s7, s19, $0xb8;
	[tilespmem:$0x5C00] =	vst v63  }
0x101: {  	s24 =	simm.s32 $0x4100  }
0x102: {  	[tilespmem:s24], [sflag:$0x2] =	stream.indirect.gather [hbm4b:s3+s19], $0x1, s7, s19, $0xb8;
	[tilespmem:$0x5C00] =	vst v63  }
0x103: {  	s20 =	simm.s32 $0x4500  }
0x104: {  	[tilespmem:s20], [sflag:$0x2] =	stream.indirect.gather [hbm4b:s5+s19], $0x1, s7, s19, $0xb8;
	[tilespmem:$0x5C00] =	vst v63  }
0x105: {  	s24 =	simm.s32 $0x4900  }
0x106: {  	[tilespmem:s24], [sflag:$0x2] =	stream.indirect.gather [hbm4b:s6+s19], $0x1, s7, s19, $0xb8;
	[tilespmem:$0x5C00] =	vst v63  }
0x107: {  	s20 =	simm.s32 $0x4D00  }
0x108: {  	[tilespmem:s20], [sflag:$0x2] =	stream.indirect.gather [hbm4b:s8+s19], $0x1, s7, s19, $0xb8;
	[tilespmem:$0x5C00] =	vst v63  }
0x109: {  	s24 =	simm.s32 $0x3980  }
0x10a: {  	[tilespmem:s24], [sflag:$0x2] =	stream.indirect.gather [hbm4b:s1+s19], $0x1, s16, s19, $0xb8;
	[tilespmem:$0x5C00] =	vst v63  }
0x10b: {  	s20 =	simm.s32 $0x3D80  }
0x10c: {  	[tilespmem:s20], [sflag:$0x2] =	stream.indirect.gather [hbm4b:s2+s19], $0x1, s16, s19, $0xb8;
	[tilespmem:$0x5C00] =	vst v63  }
0x10d: {  	s24 =	simm.s32 $0x4180  }
0x10e: {  	[tilespmem:s24], [sflag:$0x2] =	stream.indirect.gather [hbm4b:s3+s19], $0x1, s16, s19, $0xb8;
	[tilespmem:$0x5C00] =	vst v63  }
0x10f: {  	s20 =	simm.s32 $0x4580  }
0x110: {  	[tilespmem:s20], [sflag:$0x2] =	stream.indirect.gather [hbm4b:s5+s19], $0x1, s16, s19, $0xb8;
	[tilespmem:$0x5C00] =	vst v63  }
0x111: {  	s24 =	simm.s32 $0x4980  }
0x112: {  	[tilespmem:s24], [sflag:$0x2] =	stream.indirect.gather [hbm4b:s6+s19], $0x1, s16, s19, $0xb8;
	[tilespmem:$0x5C00] =	vst v63  }
0x113: {  	s20 =	simm.s32 $0x4D80  }
0x114: {  	[tilespmem:s20], [sflag:$0x2] =	stream.indirect.gather [hbm4b:s8+s19], $0x1, s16, s19, $0xb8;
	[tilespmem:$0x5C00] =	vst v63  }
0x115: {  	s24 =	simm.s32 $0x3A00  }
0x116: {  	[tilespmem:s24], [sflag:$0x2] =	stream.indirect.gather [hbm4b:s1+s19], $0x1, s25, s19, $0xb8;
	[tilespmem:$0x5C00] =	vst v63  }
0x117: {  	s20 =	simm.s32 $0x3E00  }
0x118: {  	[tilespmem:s20], [sflag:$0x2] =	stream.indirect.gather [hbm4b:s2+s19], $0x1, s25, s19, $0xb8;
	[tilespmem:$0x5C00] =	vst v63  }
0x119: {  	s24 =	simm.s32 $0x4200  }
0x11a: {  	[tilespmem:s24], [sflag:$0x2] =	stream.indirect.gather [hbm4b:s3+s19], $0x1, s25, s19, $0xb8;
	[tilespmem:$0x5C00] =	vst v63  }
0x11b: {  	s20 =	simm.s32 $0x4600  }
0x11c: {  	[tilespmem:s20], [sflag:$0x2] =	stream.indirect.gather [hbm4b:s5+s19], $0x1, s25, s19, $0xb8;
	[tilespmem:$0x5C00] =	vst v63  }
0x11d: {  	s24 =	simm.s32 $0x4A00  }
0x11e: {  	[tilespmem:s24], [sflag:$0x2] =	stream.indirect.gather [hbm4b:s6+s19], $0x1, s25, s19, $0xb8;
	[tilespmem:$0x5C00] =	vst v63  }
0x11f: {  	s20 =	simm.s32 $0x4E00  }
0x120: {  	[tilespmem:s20], [sflag:$0x2] =	stream.indirect.gather [hbm4b:s8+s19], $0x1, s25, s19, $0xb8;
	[tilespmem:$0x5C00] =	vst v63  }
0x121: {  	s24 =	simm.s32 $0x3A80  }
0x122: {  	[tilespmem:s24], [sflag:$0x2] =	stream.indirect.gather [hbm4b:s1+s19], $0x1, s31, s19, $0xb8;
	[tilespmem:$0x5C00] =	vst v63  }
0x123: {  	s20 =	simm.s32 $0x3E80  }
0x124: {  	[tilespmem:s20], [sflag:$0x2] =	stream.indirect.gather [hbm4b:s2+s19], $0x1, s31, s19, $0xb8;
	[tilespmem:$0x5C00] =	vst v63  }
0x125: {  	s24 =	simm.s32 $0x4280  }
0x126: {  	[tilespmem:s24], [sflag:$0x2] =	stream.indirect.gather [hbm4b:s3+s19], $0x1, s31, s19, $0xb8;
	[tilespmem:$0x5C00] =	vst v63  }
0x127: {  	s20 =	simm.s32 $0x4680  }
0x128: {  	[tilespmem:s20], [sflag:$0x2] =	stream.indirect.gather [hbm4b:s5+s19], $0x1, s31, s19, $0xb8;
	[tilespmem:$0x5C00] =	vst v63  }
0x129: {  	s24 =	simm.s32 $0x4A80  }
0x12a: {  	[tilespmem:s24], [sflag:$0x2] =	stream.indirect.gather [hbm4b:s6+s19], $0x1, s31, s19, $0xb8;
	[tilespmem:$0x5C00] =	vst v63  }
0x12b: {  	s20 =	simm.s32 $0x4E80  }
0x12c: {  	[tilespmem:s20], [sflag:$0x2] =	stream.indirect.gather [hbm4b:s8+s19], $0x1, s31, s19, $0xb8;
	[tilespmem:$0x5C00] =	vst v63  }
0x12d: {  	s24 =	simm.s32 $0x3B00  }
0x12e: {  	[tilespmem:s24], [sflag:$0x2] =	stream.indirect.gather [hbm4b:s1+s19], $0x1, s22, s19, $0xb8;
	[tilespmem:$0x5C00] =	vst v63  }
0x12f: {  	s20 =	simm.s32 $0x3F00  }
0x130: {  	[tilespmem:s20], [sflag:$0x2] =	stream.indirect.gather [hbm4b:s2+s19], $0x1, s22, s19, $0xb8;
	[tilespmem:$0x5C00] =	vst v63  }
0x131: {  	s24 =	simm.s32 $0x4300  }
0x132: {  	[tilespmem:s24], [sflag:$0x2] =	stream.indirect.gather [hbm4b:s3+s19], $0x1, s22, s19, $0xb8;
	[tilespmem:$0x5C00] =	vst v63  }
0x133: {  	s20 =	simm.s32 $0x4700  }
0x134: {  	[tilespmem:s20], [sflag:$0x2] =	stream.indirect.gather [hbm4b:s5+s19], $0x1, s22, s19, $0xb8;
	[tilespmem:$0x5C00] =	vst v63  }
0x135: {  	s24 =	simm.s32 $0x4B00  }
0x136: {  	[tilespmem:s24], [sflag:$0x2] =	stream.indirect.gather [hbm4b:s6+s19], $0x1, s22, s19, $0xb8;
	[tilespmem:$0x5C00] =	vst v63  }
0x137: {  	s20 =	simm.s32 $0x4F00  }
0x138: {  	[tilespmem:s20], [sflag:$0x2] =	stream.indirect.gather [hbm4b:s8+s19], $0x1, s22, s19, $0xb8;
	[tilespmem:$0x5C00] =	vst v63  }
0x139: {  	s24 =	simm.s32 $0x3B80  }
0x13a: {  	[tilespmem:s24], [sflag:$0x2] =	stream.indirect.gather [hbm4b:s1+s19], $0x1, s29, s19, $0xb8;
	[tilespmem:$0x5C00] =	vst v63  }
0x13b: {  	s20 =	simm.s32 $0x3F80  }
0x13c: {  	[tilespmem:s20], [sflag:$0x2] =	stream.indirect.gather [hbm4b:s2+s19], $0x1, s29, s19, $0xb8;
	[tilespmem:$0x5C00] =	vst v63  }
0x13d: {  	s24 =	simm.s32 $0x4380  }
0x13e: {  	[tilespmem:s24], [sflag:$0x2] =	stream.indirect.gather [hbm4b:s3+s19], $0x1, s29, s19, $0xb8;
	[tilespmem:$0x5C00] =	vst v63  }
0x13f: {  	s20 =	simm.s32 $0x4780  }
0x140: {  	[tilespmem:s20], [sflag:$0x2] =	stream.indirect.gather [hbm4b:s5+s19], $0x1, s29, s19, $0xb8;
	[tilespmem:$0x5C00] =	vst v63  }
0x141: {  	s14 =	simm.s32 $0x0;
	s24 =	simm.s32 $0x4B80  }
0x142: {  	v6 =	vadd.s32 s14, v0;
	[tilespmem:s24], [sflag:$0x2] =	stream.indirect.gather [hbm4b:s6+s19], $0x1, s29, s19, $0xb8;
	[tilespmem:$0x5C00] =	vst v63  }
0x143: {  	v6 =	vand.u32 $0x1FF8, v6;
	s24 =	simm.s32 $0x4F80  }
0x144: {  	v6 =	vor.u32 v1, v6;
	[tilespmem:s24], [sflag:$0x2] =	stream.indirect.gather [hbm4b:s8+s19], $0x1, s29, s19, $0xb8;
	[tilespmem:$0x5C00] =	vst v63  }
0x145: {  	s24 =	simm.s32 $0x1  }
0x146: {  	_ =	swait.ge [sflag:s24], $0x1800  }
0x147: {  	[sflag:s24] =	ssyncset.done $0x0  }
0x148: {  	[sflag:s24] =	ssyncadd.s32 $0xFFFFE800  }
0x149: {  	s28 =	simm.s32 $0x2C00;
	v7 =	vld.idx.msk [tilespmem:v6+s10+$0x0], $0xffff  }
0x14a: {  	v8 =	vld [tilespmem:s28+$0xFFFFF400];
	_ =	sdelay $0x1  }
0x14b: {  	v9 =	vld [tilespmem:s28+$0x0];
	_ =	sdelay $0x2  }
0x14c: {  	v7 =	vmul.f32 v8, v7;
	_ =	sdelay $0x1  }
0x14d: {  	v7 =	vadd.f32 v9, v7;
	_ =	sdelay $0x1  }
0x14e: {  	v7 =	vadd.f32 v7, v7;
	_ =	sdelay $0x1  }
0x14f: {  	v7 =	vmul.f32 $1.442695020e+00, v7;
	_ =	sdelay $0x1  }
0x150: {  	(erf) = vpow2.f32 v7;
	_ =	sdelay $0x8  }
0x151: {  	v7 =	vpop (erf)  }
0x152: {  	v7 =	vadd.f32 $1.000000000e+00, v7;
	_ =	sdelay $0x1  }
0x153: {  	(erf) = vrcp.f32 v7;
	_ =	sdelay $0x7  }
0x154: {  	v7 =	vadd.s32 s14, v2  }
0x155: {  	v7 =	vand.u32 $0x1FF8, v7;
	v8 =	vpop (erf)  }
0x156: {  	v9 =	vor.u32 v3, v7;
	v8 =	vadd.f32 v8, v8;
	_ =	sdelay $0x1  }
0x157: {  	v7 =	vsub.f32 $1.000000000e+00, v8;
	_ =	sdelay $0x1  }
0x158: {  	[tilespmem:v6+s0+$0x0] =	vst.idx.msk $0xffff, v7  }
0x159: {  	v6 =	vld.idx.msk [tilespmem:v9+s10+$0x0], $0xffff  }
0x15a: {  	v7 =	vld [tilespmem:s28+$0xFFFFF800];
	_ =	sdelay $0x1  }
0x15b: {  	v8 =	vld [tilespmem:s28+$0x400];
	_ =	sdelay $0x2  }
0x15c: {  	v6 =	vmul.f32 v7, v6;
	_ =	sdelay $0x1  }
0x15d: {  	v6 =	vadd.f32 v8, v6;
	_ =	sdelay $0x1  }
0x15e: {  	v6 =	vadd.f32 v6, v6;
	_ =	sdelay $0x1  }
0x15f: {  	v6 =	vmul.f32 $1.442695020e+00, v6;
	_ =	sdelay $0x1  }
0x160: {  	(erf) = vpow2.f32 v6;
	_ =	sdelay $0x8  }
0x161: {  	v6 =	vpop (erf)  }
0x162: {  	v6 =	vadd.f32 $1.000000000e+00, v6;
	_ =	sdelay $0x1  }
0x163: {  	(erf) = vrcp.f32 v6;
	_ =	sdelay $0x7  }
0x164: {  	v6 =	vadd.s32 s14, v4  }
0x165: {  	v6 =	vand.u32 $0x1FF8, v6;
	v7 =	vpop (erf)  }
0x166: {  	v8 =	vadd.f32 v7, v7;
	v7 =	vor.u32 v5, v6;
	_ =	sdelay $0x1  }
0x167: {  	v6 =	vsub.f32 $1.000000000e+00, v8;
	_ =	sdelay $0x1  }
0x168: {  	[tilespmem:v9+s0+$0x0] =	vst.idx.msk $0xffff, v6  }
0x169: {  	v6 =	vld.idx.msk [tilespmem:v7+s10+$0x0], $0xffff  }
0x16a: {  	v8 =	vld [tilespmem:s28+$0xFFFFFC00];
	_ =	sdelay $0x1  }
0x16b: {  	v9 =	vld [tilespmem:s28+$0x800];
	_ =	sdelay $0x2  }
0x16c: {  	v6 =	vmul.f32 v8, v6;
	_ =	sdelay $0x1  }
0x16d: {  	v6 =	vadd.f32 v9, v6;
	_ =	sdelay $0x1  }
0x16e: {  	v6 =	vadd.f32 v6, v6;
	_ =	sdelay $0x1  }
0x16f: {  	v6 =	vmul.f32 $1.442695020e+00, v6;
	_ =	sdelay $0x1  }
0x170: {  	(erf) = vpow2.f32 v6;
	_ =	sdelay $0x8  }
0x171: {  	v6 =	vpop (erf)  }
0x172: {  	v6 =	vadd.f32 $1.000000000e+00, v6;
	_ =	sdelay $0x1  }
0x173: {  	(erf) = vrcp.f32 v6;
	_ =	sdelay $0x7  }
0x174: {  	s20 =	simm.s32 $0x30  }
0x175: {  	v8 =	vadd.s32 s20, v0;
	v6 =	vpop (erf)  }
0x176: {  	v9 =	vadd.f32 v6, v6;
	v6 =	vand.u32 $0x1FF8, v8  }
0x177: {  	v6 =	vor.u32 v1, v6;
	_ =	sdelay $0x1  }
0x178: {  	s14 =	simm.s32 $0x60;
	v8 =	vsub.f32 $1.000000000e+00, v9  }
.LBB2_7:
0x179: {  	p0 =	sne.s32 s14, $0xBD0  }
0x17a: {  	s28 =	sadd.s32 $0x10, s28;
	s24 =	smov.u32 s14;
	s14 =	sadd.s32 $0x30, s14;
	[tilespmem:v7+s0+$0x0] =	vst.idx.msk $0xffff, v8  }
0x17b: {  	v7 =	vld.idx.msk [tilespmem:v6+s10+$0x0], $0xffff  }
0x17c: {  	v8 =	vld [tilespmem:s28+$0xFFFFF400];
	_ =	sdelay $0x1  }
0x17d: {  	v9 =	vld [tilespmem:s28+$0x0];
	_ =	sdelay $0x2  }
0x17e: {  	v7 =	vmul.f32 v8, v7;
	_ =	sdelay $0x1  }
0x17f: {  	v7 =	vadd.f32 v9, v7;
	_ =	sdelay $0x1  }
0x180: {  	v7 =	vadd.f32 v7, v7;
	_ =	sdelay $0x1  }
0x181: {  	v7 =	vmul.f32 $1.442695020e+00, v7;
	_ =	sdelay $0x1  }
0x182: {  	(erf) = vpow2.f32 v7;
	_ =	sdelay $0x8  }
0x183: {  	v7 =	vpop (erf)  }
0x184: {  	v7 =	vadd.f32 $1.000000000e+00, v7;
	_ =	sdelay $0x1  }
0x185: {  	(erf) = vrcp.f32 v7;
	_ =	sdelay $0x7  }
0x186: {  	v7 =	vadd.s32 s20, v2  }
0x187: {  	v7 =	vand.u32 $0x1FF8, v7;
	v8 =	vpop (erf)  }
0x188: {  	v9 =	vor.u32 v3, v7;
	v8 =	vadd.f32 v8, v8;
	_ =	sdelay $0x1  }
0x189: {  	v7 =	vsub.f32 $1.000000000e+00, v8;
	_ =	sdelay $0x1  }
0x18a: {  	[tilespmem:v6+s0+$0x0] =	vst.idx.msk $0xffff, v7  }
0x18b: {  	v6 =	vld.idx.msk [tilespmem:v9+s10+$0x0], $0xffff  }
0x18c: {  	v7 =	vld [tilespmem:s28+$0xFFFFF800];
	_ =	sdelay $0x1  }
0x18d: {  	v8 =	vld [tilespmem:s28+$0x400];
	_ =	sdelay $0x2  }
0x18e: {  	v6 =	vmul.f32 v7, v6;
	_ =	sdelay $0x1  }
0x18f: {  	v6 =	vadd.f32 v8, v6;
	_ =	sdelay $0x1  }
0x190: {  	v6 =	vadd.f32 v6, v6;
	_ =	sdelay $0x1  }
0x191: {  	v6 =	vmul.f32 $1.442695020e+00, v6;
	_ =	sdelay $0x1  }
0x192: {  	(erf) = vpow2.f32 v6;
	_ =	sdelay $0x8  }
0x193: {  	v6 =	vpop (erf)  }
0x194: {  	v6 =	vadd.f32 $1.000000000e+00, v6;
	_ =	sdelay $0x1  }
0x195: {  	(erf) = vrcp.f32 v6;
	_ =	sdelay $0x7  }
0x196: {  	v6 =	vadd.s32 s20, v4;
	s20 =	smov.u32 s24  }
0x197: {  	v6 =	vand.u32 $0x1FF8, v6;
	v7 =	vpop (erf)  }
0x198: {  	v8 =	vadd.f32 v7, v7;
	v7 =	vor.u32 v5, v6;
	_ =	sdelay $0x1  }
0x199: {  	v6 =	vsub.f32 $1.000000000e+00, v8;
	_ =	sdelay $0x1  }
0x19a: {  	[tilespmem:v9+s0+$0x0] =	vst.idx.msk $0xffff, v6  }
0x19b: {  	v6 =	vld.idx.msk [tilespmem:v7+s10+$0x0], $0xffff  }
0x19c: {  	v8 =	vld [tilespmem:s28+$0xFFFFFC00];
	_ =	sdelay $0x1  }
0x19d: {  	v9 =	vld [tilespmem:s28+$0x800];
	_ =	sdelay $0x2  }
0x19e: {  	v6 =	vmul.f32 v8, v6;
	_ =	sdelay $0x1  }
0x19f: {  	v6 =	vadd.f32 v9, v6;
	_ =	sdelay $0x1  }
0x1a0: {  	v6 =	vadd.f32 v6, v6;
	_ =	sdelay $0x1  }
0x1a1: {  	v6 =	vmul.f32 $1.442695020e+00, v6;
	_ =	sdelay $0x1  }
0x1a2: {  	(erf) = vpow2.f32 v6;
	_ =	sdelay $0x8  }
0x1a3: {  	v6 =	vpop (erf)  }
0x1a4: {  	v6 =	vadd.f32 $1.000000000e+00, v6;
	_ =	sdelay $0x1  }
0x1a5: {  	(erf) = vrcp.f32 v6;
	_ =	sdelay $0x7  }
.Ltmp2:
0x1a6: {  	v6 =	vadd.s32 s20, v0;
	(pc) =	sbr.rel @p0 .LBB2_7-.Ltmp2, $3  }
0x1a7: {  	v6 =	vand.u32 $0x1FF8, v6;
	v8 =	vpop (erf)  }
0x1a8: {  	v6 =	vor.u32 v1, v6;
	v8 =	vadd.f32 v8, v8;
	_ =	sdelay $0x1  }
0x1a9: {  	v8 =	vsub.f32 $1.000000000e+00, v8  }
0x1aa: {  	_ =	sdelay $0x3  }
0x1ab: {  	[tilespmem:v7+s0+$0x0] =	vst.idx.msk $0xffff, v8  }
0x1ac: {  	s14 =	sadd.s32 $0x10, s28;
	v7 =	vld.idx.msk [tilespmem:v6+s10+$0x0], $0xffff  }
0x1ad: {  	v8 =	vld [tilespmem:s14+$0xFFFFF400];
	_ =	sdelay $0x1  }
0x1ae: {  	v9 =	vld [tilespmem:s14+$0x0];
	_ =	sdelay $0x2  }
0x1af: {  	v7 =	vmul.f32 v8, v7;
	_ =	sdelay $0x1  }
0x1b0: {  	v7 =	vadd.f32 v9, v7;
	_ =	sdelay $0x1  }
0x1b1: {  	v7 =	vadd.f32 v7, v7;
	_ =	sdelay $0x1  }
0x1b2: {  	v7 =	vmul.f32 $1.442695020e+00, v7;
	_ =	sdelay $0x1  }
0x1b3: {  	(erf) = vpow2.f32 v7;
	_ =	sdelay $0x8  }
0x1b4: {  	v7 =	vpop (erf)  }
0x1b5: {  	v7 =	vadd.f32 $1.000000000e+00, v7;
	_ =	sdelay $0x1  }
0x1b6: {  	(erf) = vrcp.f32 v7;
	_ =	sdelay $0x7  }
0x1b7: {  	v7 =	vadd.s32 s20, v2  }
0x1b8: {  	v7 =	vand.u32 $0x1FF8, v7;
	v8 =	vpop (erf)  }
0x1b9: {  	v7 =	vor.u32 v3, v7;
	v8 =	vadd.f32 v8, v8;
	_ =	sdelay $0x1  }
0x1ba: {  	v8 =	vsub.f32 $1.000000000e+00, v8;
	_ =	sdelay $0x1  }
0x1bb: {  	[tilespmem:v6+s0+$0x0] =	vst.idx.msk $0xffff, v8  }
0x1bc: {  	v6 =	vld.idx.msk [tilespmem:v7+s10+$0x0], $0xffff  }
0x1bd: {  	v8 =	vld [tilespmem:s14+$0xFFFFF800];
	_ =	sdelay $0x1  }
0x1be: {  	v9 =	vld [tilespmem:s14+$0x400];
	_ =	sdelay $0x2  }
0x1bf: {  	v6 =	vmul.f32 v8, v6;
	_ =	sdelay $0x1  }
0x1c0: {  	v6 =	vadd.f32 v9, v6;
	_ =	sdelay $0x1  }
0x1c1: {  	v6 =	vadd.f32 v6, v6;
	_ =	sdelay $0x1  }
0x1c2: {  	v6 =	vmul.f32 $1.442695020e+00, v6;
	_ =	sdelay $0x1  }
0x1c3: {  	(erf) = vpow2.f32 v6;
	_ =	sdelay $0x8  }
0x1c4: {  	v6 =	vpop (erf)  }
0x1c5: {  	v6 =	vadd.f32 $1.000000000e+00, v6;
	_ =	sdelay $0x1  }
0x1c6: {  	(erf) = vrcp.f32 v6;
	_ =	sdelay $0x7  }
0x1c7: {  	v6 =	vadd.s32 s20, v4  }
0x1c8: {  	v6 =	vand.u32 $0x1FF8, v6;
	v8 =	vpop (erf)  }
0x1c9: {  	v6 =	vor.u32 v5, v6;
	v8 =	vadd.f32 v8, v8;
	_ =	sdelay $0x1  }
0x1ca: {  	v8 =	vsub.f32 $1.000000000e+00, v8;
	_ =	sdelay $0x1  }
0x1cb: {  	[tilespmem:v7+s0+$0x0] =	vst.idx.msk $0xffff, v8  }
0x1cc: {  	v7 =	vld.idx.msk [tilespmem:v6+s10+$0x0], $0xffff  }
0x1cd: {  	v8 =	vld [tilespmem:s14+$0xFFFFFC00];
	_ =	sdelay $0x1  }
0x1ce: {  	v9 =	vld [tilespmem:s14+$0x800];
	_ =	sdelay $0x2  }
0x1cf: {  	v7 =	vmul.f32 v8, v7;
	_ =	sdelay $0x1  }
0x1d0: {  	v7 =	vadd.f32 v9, v7;
	_ =	sdelay $0x1  }
0x1d1: {  	v7 =	vadd.f32 v7, v7;
	_ =	sdelay $0x1  }
0x1d2: {  	v7 =	vmul.f32 $1.442695020e+00, v7;
	_ =	sdelay $0x1  }
0x1d3: {  	(erf) = vpow2.f32 v7;
	_ =	sdelay $0x8  }
0x1d4: {  	v7 =	vpop (erf)  }
0x1d5: {  	v7 =	vadd.f32 $1.000000000e+00, v7;
	_ =	sdelay $0x1  }
0x1d6: {  	(erf) = vrcp.f32 v7;
	_ =	sdelay $0x8  }
0x1d7: {  	s20 =	rddreg [dreg:$0xa];
	v7 =	vpop (erf)  }
0x1d8: {  	s14 =	sadd.s32 s20, s12;
	v7 =	vadd.f32 v7, v7  }
0x1d9: {  	s14 =	smul.u32 $0x3, s14  }
0x1da: {  	v7 =	vsub.f32 $1.000000000e+00, v7  }
0x1db: {  	s24 =	rddreg [dreg:$0x7];
	s14 =	sshrl.u32 s14, $0x3  }
0x1dc: {  	s20 =	simm.s32 $0x0;
	s14 =	sadd.s32 s24, s14;
	s24 =	rddreg [dreg:$0xb];
	[tilespmem:v6+s0+$0x0] =	vst.idx.msk $0xffff, v7  }
0x1dd: {  	[hbm4b:s14+s20] =	stream.linear.scatter [tilespmem:s0], [sflag:$0x3], $0xC00, $0x38;
	[tilespmem:$0x5C00] =	vst v63  }
0x1de: {  	s14 =	sadd.s32 s12, s24  }
0x1df: {  	s12 =	smul.u32 $0x3, s14  }
0x1e0: {  	v6 =	vadd.s32 s20, v0;
	_ =	swait.ge [sflag:s18], $0xC00  }
0x1e1: {  	v7 =	vadd.s32 s20, v2;
	v6 =	vand.u32 $0x1FF8, v6;
	[sflag:s18] =	ssyncset.done $0x0;
	s12 =	sshrl.u32 s12, $0x3  }
0x1e2: {  	v7 =	vand.u32 $0x1FF8, v7;
	v6 =	vor.u32 v1, v6;
	[sflag:s18] =	ssyncadd.s32 $0xFFFFF400;
	s12 =	sadd.s32 s4, s12  }
0x1e3: {  	v7 =	vor.u32 v3, v7;
	[tilespmem:s20], [sflag:$0x3] =	stream.linear.gather [hbm4b:s12+s20], $0xC00, $0x38;
	[tilespmem:$0x5C00] =	vst v63  }
0x1e4: {  	_ =	swait.ge [sflag:s18], $0xC00  }
0x1e5: {  	v8 =	vadd.s32 s20, v4;
	[sflag:s18] =	ssyncset.done $0x0  }
0x1e6: {  	v8 =	vand.u32 $0x1FF8, v8;
	[sflag:s18] =	ssyncadd.s32 $0xFFFFF400  }
0x1e7: {  	v8 =	vor.u32 v5, v8;
	v6 =	vld.idx.msk [tilespmem:v6+s10+$0x0], $0xffff  }
0x1e8: {  	v7 =	vld.idx.msk [tilespmem:v7+s10+$0x0], $0xffff;
	_ =	sdelay $0x3  }
0x1e9: {  	v8 =	vld.idx.msk [tilespmem:v8+s10+$0x0], $0xffff  }
0x1ea: {  	v6 =	vmul.f32 $6.553600000e+04, v6;
	v7 =	vmul.f32 $2.560000000e+02, v7;
	_ =	sdelay $0x1  }
0x1eb: {  	s24 =	simm.s32 $0x30;
	v6 =	vadd.f32 v7, v6  }
0x1ec: {  	v7 =	vadd.s32 s24, v0  }
0x1ed: {  	v9 =	vadd.s32 s24, v2;
	v7 =	vand.u32 $0x1FF8, v7;
	v6 =	vadd.f32 v6, v8  }
0x1ee: {  	v7 =	vor.u32 v1, v7;
	v8 =	vand.u32 $0x1FF8, v9  }
0x1ef: {  	v8 =	vor.u32 v3, v8;
	v6 =	vtrunc.f32 v6  }
0x1f0: {  	v6 =	vcvt.f32.s32 v6  }
0x1f1: {  	s12 =	simm.s32 $0x1800;
	v9 =	vadd.s32 s24, v4  }
0x1f2: {  	v9 =	vand.u32 $0x1FF8, v9;
	[tilespmem:s12+$0x0] =	vst v6  }
0x1f3: {  	v6 =	vld.idx.msk [tilespmem:v7+s10+$0x0], $0xffff;
	v7 =	vor.u32 v5, v9  }
0x1f4: {  	v8 =	vld.idx.msk [tilespmem:v8+s10+$0x0], $0xffff;
	_ =	sdelay $0x3  }
0x1f5: {  	v9 =	vld.idx.msk [tilespmem:v7+s10+$0x0], $0xffff  }
0x1f6: {  	v6 =	vmul.f32 $6.553600000e+04, v6;
	v7 =	vmul.f32 $2.560000000e+02, v8;
	_ =	sdelay $0x1  }
0x1f7: {  	s14 =	simm.s32 $0x60;
	v6 =	vadd.f32 v7, v6  }
0x1f8: {  	v7 =	vadd.s32 s14, v0  }
0x1f9: {  	s28 =	smov.u32 s4;
	s20 =	simm.s32 $0x90;
	v8 =	vadd.s32 s14, v2;
	v7 =	vand.u32 $0x1FF8, v7;
	v6 =	vadd.f32 v6, v9  }
.LBB2_9:
0x1fa: {  	p0 =	sne.s32 s20, $0xBD0;
	v7 =	vor.u32 v1, v7;
	v8 =	vand.u32 $0x1FF8, v8  }
0x1fb: {  	v8 =	vor.u32 v3, v8;
	v6 =	vtrunc.f32 v6  }
0x1fc: {  	v6 =	vcvt.f32.s32 v6  }
0x1fd: {  	v9 =	vadd.s32 s14, v4;
	s12 =	sadd.s32 $0x10, s12;
	s14 =	smov.u32 s20  }
0x1fe: {  	v9 =	vand.u32 $0x1FF8, v9;
	[tilespmem:s12+$0x0] =	vst v6  }
0x1ff: {  	v6 =	vld.idx.msk [tilespmem:v7+s10+$0x0], $0xffff;
	v7 =	vor.u32 v5, v9  }
0x200: {  	v8 =	vld.idx.msk [tilespmem:v8+s10+$0x0], $0xffff;
	_ =	sdelay $0x3  }
0x201: {  	v9 =	vld.idx.msk [tilespmem:v7+s10+$0x0], $0xffff;
	_ =	sdelay $0x1  }
.Ltmp3:
0x202: {  	v6 =	vmul.f32 $6.553600000e+04, v6;
	v7 =	vmul.f32 $2.560000000e+02, v8;
	(pc) =	sbr.rel @p0 .LBB2_9-.Ltmp3, $4  }
0x203: {  	_ = 	snop  }
0x204: {  	v6 =	vadd.f32 v7, v6  }
0x205: {  	v7 =	vadd.s32 s20, v0  }
0x206: {  	v8 =	vadd.s32 s14, v2;
	s20 =	sadd.s32 $0x30, s20;
	v7 =	vand.u32 $0x1FF8, v7;
	v6 =	vadd.f32 v6, v9  }
0x207: {  	v7 =	vor.u32 v1, v7;
	v8 =	vand.u32 $0x1FF8, v8  }
0x208: {  	v8 =	vor.u32 v3, v8;
	v6 =	vtrunc.f32 v6  }
0x209: {  	v6 =	vcvt.f32.s32 v6  }
0x20a: {  	v9 =	vadd.s32 s14, v4;
	s12 =	sadd.s32 $0x10, s12  }
0x20b: {  	v9 =	vand.u32 $0x1FF8, v9;
	[tilespmem:s12+$0x0] =	vst v6  }
0x20c: {  	v6 =	vld.idx.msk [tilespmem:v7+s10+$0x0], $0xffff;
	v7 =	vor.u32 v5, v9  }
0x20d: {  	v8 =	vld.idx.msk [tilespmem:v8+s10+$0x0], $0xffff;
	_ =	sdelay $0x3  }
0x20e: {  	v7 =	vld.idx.msk [tilespmem:v7+s10+$0x0], $0xffff  }
0x20f: {  	v6 =	vmul.f32 $6.553600000e+04, v6;
	v8 =	vmul.f32 $2.560000000e+02, v8;
	_ =	sdelay $0x1  }
0x210: {  	v6 =	vadd.f32 v8, v6;
	_ =	sdelay $0x1  }
0x211: {  	v6 =	vadd.f32 v6, v7;
	_ =	sdelay $0x1  }
0x212: {  	v6 =	vtrunc.f32 v6  }
0x213: {  	v6 =	vcvt.f32.s32 v6  }
0x214: {  	s12 =	sadd.s32 $0x10, s12  }
0x215: {  	s4 =	simm.s32 $0x1800;
	s14 =	simm.s32 $0x2000;
	[tilespmem:s12+$0x0] =	vst v6  }
0x216: {  	[tilespmem:s14], [sflag:$0x1] =	stream.indirect.gather [hbm4b:s1+s19], $0x1, s4, s19, $0xb8;
	[tilespmem:$0x5C00] =	vst v63  }
0x217: {  	s20 =	simm.s32 $0x2400  }
0x218: {  	[tilespmem:s20], [sflag:$0x1] =	stream.indirect.gather [hbm4b:s2+s19], $0x1, s4, s19, $0xb8;
	[tilespmem:$0x5C00] =	vst v63  }
0x219: {  	s24 =	simm.s32 $0x2800  }
0x21a: {  	[tilespmem:s24], [sflag:$0x1] =	stream.indirect.gather [hbm4b:s3+s19], $0x1, s4, s19, $0xb8;
	[tilespmem:$0x5C00] =	vst v63  }
0x21b: {  	s14 =	simm.s32 $0x2C00  }
0x21c: {  	[tilespmem:s14], [sflag:$0x1] =	stream.indirect.gather [hbm4b:s5+s19], $0x1, s4, s19, $0xb8;
	[tilespmem:$0x5C00] =	vst v63  }
0x21d: {  	s20 =	simm.s32 $0x3000  }
0x21e: {  	[tilespmem:s20], [sflag:$0x1] =	stream.indirect.gather [hbm4b:s6+s19], $0x1, s4, s19, $0xb8;
	[tilespmem:$0x5C00] =	vst v63  }
0x21f: {  	s24 =	simm.s32 $0x3400  }
0x220: {  	[tilespmem:s24], [sflag:$0x1] =	stream.indirect.gather [hbm4b:s8+s19], $0x1, s4, s19, $0xb8;
	[tilespmem:$0x5C00] =	vst v63  }
0x221: {  	s14 =	simm.s32 $0x2080;
	s4 =	simm.s32 $0x1880  }
0x222: {  	[tilespmem:s14], [sflag:$0x1] =	stream.indirect.gather [hbm4b:s1+s19], $0x1, s4, s19, $0xb8;
	[tilespmem:$0x5C00] =	vst v63  }
0x223: {  	s20 =	simm.s32 $0x2480  }
0x224: {  	[tilespmem:s20], [sflag:$0x1] =	stream.indirect.gather [hbm4b:s2+s19], $0x1, s4, s19, $0xb8;
	[tilespmem:$0x5C00] =	vst v63  }
0x225: {  	s24 =	simm.s32 $0x2880  }
0x226: {  	[tilespmem:s24], [sflag:$0x1] =	stream.indirect.gather [hbm4b:s3+s19], $0x1, s4, s19, $0xb8;
	[tilespmem:$0x5C00] =	vst v63  }
0x227: {  	s14 =	simm.s32 $0x2C80  }
0x228: {  	[tilespmem:s14], [sflag:$0x1] =	stream.indirect.gather [hbm4b:s5+s19], $0x1, s4, s19, $0xb8;
	[tilespmem:$0x5C00] =	vst v63  }
0x229: {  	s20 =	simm.s32 $0x3080  }
0x22a: {  	[tilespmem:s20], [sflag:$0x1] =	stream.indirect.gather [hbm4b:s6+s19], $0x1, s4, s19, $0xb8;
	[tilespmem:$0x5C00] =	vst v63  }
0x22b: {  	s24 =	simm.s32 $0x3480  }
0x22c: {  	[tilespmem:s24], [sflag:$0x1] =	stream.indirect.gather [hbm4b:s8+s19], $0x1, s4, s19, $0xb8;
	[tilespmem:$0x5C00] =	vst v63  }
0x22d: {  	s14 =	simm.s32 $0x2100;
	s4 =	simm.s32 $0x1900  }
0x22e: {  	[tilespmem:s14], [sflag:$0x1] =	stream.indirect.gather [hbm4b:s1+s19], $0x1, s4, s19, $0xb8;
	[tilespmem:$0x5C00] =	vst v63  }
0x22f: {  	s20 =	simm.s32 $0x2500  }
0x230: {  	[tilespmem:s20], [sflag:$0x1] =	stream.indirect.gather [hbm4b:s2+s19], $0x1, s4, s19, $0xb8;
	[tilespmem:$0x5C00] =	vst v63  }
0x231: {  	s24 =	simm.s32 $0x2900  }
0x232: {  	[tilespmem:s24], [sflag:$0x1] =	stream.indirect.gather [hbm4b:s3+s19], $0x1, s4, s19, $0xb8;
	[tilespmem:$0x5C00] =	vst v63  }
0x233: {  	s14 =	simm.s32 $0x2D00  }
0x234: {  	[tilespmem:s14], [sflag:$0x1] =	stream.indirect.gather [hbm4b:s5+s19], $0x1, s4, s19, $0xb8;
	[tilespmem:$0x5C00] =	vst v63  }
0x235: {  	s20 =	simm.s32 $0x3100  }
0x236: {  	[tilespmem:s20], [sflag:$0x1] =	stream.indirect.gather [hbm4b:s6+s19], $0x1, s4, s19, $0xb8;
	[tilespmem:$0x5C00] =	vst v63  }
0x237: {  	s24 =	simm.s32 $0x3500  }
0x238: {  	[tilespmem:s24], [sflag:$0x1] =	stream.indirect.gather [hbm4b:s8+s19], $0x1, s4, s19, $0xb8;
	[tilespmem:$0x5C00] =	vst v63  }
0x239: {  	s14 =	simm.s32 $0x2180;
	s4 =	simm.s32 $0x1980  }
0x23a: {  	[tilespmem:s14], [sflag:$0x1] =	stream.indirect.gather [hbm4b:s1+s19], $0x1, s4, s19, $0xb8;
	[tilespmem:$0x5C00] =	vst v63  }
0x23b: {  	s20 =	simm.s32 $0x2580  }
0x23c: {  	[tilespmem:s20], [sflag:$0x1] =	stream.indirect.gather [hbm4b:s2+s19], $0x1, s4, s19, $0xb8;
	[tilespmem:$0x5C00] =	vst v63  }
0x23d: {  	s24 =	simm.s32 $0x2980  }
0x23e: {  	[tilespmem:s24], [sflag:$0x1] =	stream.indirect.gather [hbm4b:s3+s19], $0x1, s4, s19, $0xb8;
	[tilespmem:$0x5C00] =	vst v63  }
0x23f: {  	s14 =	simm.s32 $0x2D80  }
0x240: {  	[tilespmem:s14], [sflag:$0x1] =	stream.indirect.gather [hbm4b:s5+s19], $0x1, s4, s19, $0xb8;
	[tilespmem:$0x5C00] =	vst v63  }
0x241: {  	s20 =	simm.s32 $0x3180  }
0x242: {  	[tilespmem:s20], [sflag:$0x1] =	stream.indirect.gather [hbm4b:s6+s19], $0x1, s4, s19, $0xb8;
	[tilespmem:$0x5C00] =	vst v63  }
0x243: {  	s24 =	simm.s32 $0x3580  }
0x244: {  	[tilespmem:s24], [sflag:$0x1] =	stream.indirect.gather [hbm4b:s8+s19], $0x1, s4, s19, $0xb8;
	[tilespmem:$0x5C00] =	vst v63  }
0x245: {  	s14 =	simm.s32 $0x2200;
	s4 =	simm.s32 $0x1A00  }
0x246: {  	[tilespmem:s14], [sflag:$0x1] =	stream.indirect.gather [hbm4b:s1+s19], $0x1, s4, s19, $0xb8;
	[tilespmem:$0x5C00] =	vst v63  }
0x247: {  	s20 =	simm.s32 $0x2600  }
0x248: {  	[tilespmem:s20], [sflag:$0x1] =	stream.indirect.gather [hbm4b:s2+s19], $0x1, s4, s19, $0xb8;
	[tilespmem:$0x5C00] =	vst v63  }
0x249: {  	s24 =	simm.s32 $0x2A00  }
0x24a: {  	[tilespmem:s24], [sflag:$0x1] =	stream.indirect.gather [hbm4b:s3+s19], $0x1, s4, s19, $0xb8;
	[tilespmem:$0x5C00] =	vst v63  }
0x24b: {  	s14 =	simm.s32 $0x2E00  }
0x24c: {  	[tilespmem:s14], [sflag:$0x1] =	stream.indirect.gather [hbm4b:s5+s19], $0x1, s4, s19, $0xb8;
	[tilespmem:$0x5C00] =	vst v63  }
0x24d: {  	s20 =	simm.s32 $0x3200  }
0x24e: {  	[tilespmem:s20], [sflag:$0x1] =	stream.indirect.gather [hbm4b:s6+s19], $0x1, s4, s19, $0xb8;
	[tilespmem:$0x5C00] =	vst v63  }
0x24f: {  	s24 =	simm.s32 $0x3600  }
0x250: {  	[tilespmem:s24], [sflag:$0x1] =	stream.indirect.gather [hbm4b:s8+s19], $0x1, s4, s19, $0xb8;
	[tilespmem:$0x5C00] =	vst v63  }
0x251: {  	s12 =	simm.s32 $0x2280  }
0x252: {  	[tilespmem:s12], [sflag:$0x1] =	stream.indirect.gather [hbm4b:s1+s19], $0x1, s23, s19, $0xb8;
	[tilespmem:$0x5C00] =	vst v63  }
0x253: {  	s14 =	simm.s32 $0x2680  }
0x254: {  	[tilespmem:s14], [sflag:$0x1] =	stream.indirect.gather [hbm4b:s2+s19], $0x1, s23, s19, $0xb8;
	[tilespmem:$0x5C00] =	vst v63  }
0x255: {  	s20 =	simm.s32 $0x2A80  }
0x256: {  	[tilespmem:s20], [sflag:$0x1] =	stream.indirect.gather [hbm4b:s3+s19], $0x1, s23, s19, $0xb8;
	[tilespmem:$0x5C00] =	vst v63  }
0x257: {  	s24 =	simm.s32 $0x2E80  }
0x258: {  	[tilespmem:s24], [sflag:$0x1] =	stream.indirect.gather [hbm4b:s5+s19], $0x1, s23, s19, $0xb8;
	[tilespmem:$0x5C00] =	vst v63  }
0x259: {  	s12 =	simm.s32 $0x3280  }
0x25a: {  	[tilespmem:s12], [sflag:$0x1] =	stream.indirect.gather [hbm4b:s6+s19], $0x1, s23, s19, $0xb8;
	[tilespmem:$0x5C00] =	vst v63  }
0x25b: {  	s14 =	simm.s32 $0x3680  }
0x25c: {  	[tilespmem:s14], [sflag:$0x1] =	stream.indirect.gather [hbm4b:s8+s19], $0x1, s23, s19, $0xb8;
	[tilespmem:$0x5C00] =	vst v63  }
0x25d: {  	s20 =	simm.s32 $0x2300  }
0x25e: {  	[tilespmem:s20], [sflag:$0x1] =	stream.indirect.gather [hbm4b:s1+s19], $0x1, s11, s19, $0xb8;
	[tilespmem:$0x5C00] =	vst v63  }
0x25f: {  	s24 =	simm.s32 $0x2700  }
0x260: {  	[tilespmem:s24], [sflag:$0x1] =	stream.indirect.gather [hbm4b:s2+s19], $0x1, s11, s19, $0xb8;
	[tilespmem:$0x5C00] =	vst v63  }
0x261: {  	s12 =	simm.s32 $0x2B00  }
0x262: {  	[tilespmem:s12], [sflag:$0x1] =	stream.indirect.gather [hbm4b:s3+s19], $0x1, s11, s19, $0xb8;
	[tilespmem:$0x5C00] =	vst v63  }
0x263: {  	s14 =	simm.s32 $0x2F00  }
0x264: {  	[tilespmem:s14], [sflag:$0x1] =	stream.indirect.gather [hbm4b:s5+s19], $0x1, s11, s19, $0xb8;
	[tilespmem:$0x5C00] =	vst v63  }
0x265: {  	s20 =	simm.s32 $0x3300  }
0x266: {  	[tilespmem:s20], [sflag:$0x1] =	stream.indirect.gather [hbm4b:s6+s19], $0x1, s11, s19, $0xb8;
	[tilespmem:$0x5C00] =	vst v63  }
0x267: {  	s24 =	simm.s32 $0x3700  }
0x268: {  	[tilespmem:s24], [sflag:$0x1] =	stream.indirect.gather [hbm4b:s8+s19], $0x1, s11, s19, $0xb8;
	[tilespmem:$0x5C00] =	vst v63  }
0x269: {  	s12 =	simm.s32 $0x2380  }
0x26a: {  	[tilespmem:s12], [sflag:$0x1] =	stream.indirect.gather [hbm4b:s1+s19], $0x1, s26, s19, $0xb8;
	[tilespmem:$0x5C00] =	vst v63  }
0x26b: {  	s14 =	simm.s32 $0x2780  }
0x26c: {  	[tilespmem:s14], [sflag:$0x1] =	stream.indirect.gather [hbm4b:s2+s19], $0x1, s26, s19, $0xb8;
	[tilespmem:$0x5C00] =	vst v63  }
0x26d: {  	s20 =	simm.s32 $0x2B80  }
0x26e: {  	[tilespmem:s20], [sflag:$0x1] =	stream.indirect.gather [hbm4b:s3+s19], $0x1, s26, s19, $0xb8;
	[tilespmem:$0x5C00] =	vst v63  }
0x26f: {  	s24 =	simm.s32 $0x2F80;
	s14 =	simm.s32 $0x0  }
0x270: {  	[tilespmem:s24], [sflag:$0x1] =	stream.indirect.gather [hbm4b:s5+s19], $0x1, s26, s19, $0xb8;
	[tilespmem:$0x5C00] =	vst v63  }
0x271: {  	s12 =	simm.s32 $0x3380;
	v6 =	vadd.s32 s14, v0  }
0x272: {  	v6 =	vand.u32 $0x1FF8, v6;
	[tilespmem:s12], [sflag:$0x1] =	stream.indirect.gather [hbm4b:s6+s19], $0x1, s26, s19, $0xb8;
	[tilespmem:$0x5C00] =	vst v63  }
0x273: {  	s20 =	simm.s32 $0x3780;
	v6 =	vor.u32 v1, v6;
	s24 =	simm.s32 $0x2  }
0x274: {  	[tilespmem:s20], [sflag:$0x1] =	stream.indirect.gather [hbm4b:s8+s19], $0x1, s26, s19, $0xb8;
	[tilespmem:$0x5C00] =	vst v63  }
0x275: {  	_ =	swait.ge [sflag:s24], $0x1800  }
0x276: {  	[sflag:s24] =	ssyncset.done $0x0  }
0x277: {  	[sflag:s24] =	ssyncadd.s32 $0xFFFFE800  }
0x278: {  	s12 =	simm.s32 $0x4400;
	v7 =	vld.idx.msk [tilespmem:v6+s17+$0x0], $0xffff  }
0x279: {  	v8 =	vld [tilespmem:s12+$0xFFFFF400];
	_ =	sdelay $0x1  }
0x27a: {  	v9 =	vld [tilespmem:s12+$0x0];
	_ =	sdelay $0x2  }
0x27b: {  	v7 =	vmul.f32 v8, v7;
	_ =	sdelay $0x1  }
0x27c: {  	v7 =	vadd.f32 v9, v7;
	_ =	sdelay $0x1  }
0x27d: {  	v7 =	vadd.f32 v7, v7;
	_ =	sdelay $0x1  }
0x27e: {  	v7 =	vmul.f32 $1.442695020e+00, v7;
	_ =	sdelay $0x1  }
0x27f: {  	(erf) = vpow2.f32 v7;
	_ =	sdelay $0x8  }
0x280: {  	v7 =	vpop (erf)  }
0x281: {  	v7 =	vadd.f32 $1.000000000e+00, v7;
	_ =	sdelay $0x1  }
0x282: {  	(erf) = vrcp.f32 v7;
	_ =	sdelay $0x7  }
0x283: {  	v7 =	vadd.s32 s14, v2  }
0x284: {  	v7 =	vand.u32 $0x1FF8, v7;
	v8 =	vpop (erf)  }
0x285: {  	v9 =	vor.u32 v3, v7;
	v8 =	vadd.f32 v8, v8;
	_ =	sdelay $0x1  }
0x286: {  	v7 =	vsub.f32 $1.000000000e+00, v8;
	_ =	sdelay $0x1  }
0x287: {  	[tilespmem:v6+s0+$0x0] =	vst.idx.msk $0xffff, v7  }
0x288: {  	v6 =	vld.idx.msk [tilespmem:v9+s17+$0x0], $0xffff  }
0x289: {  	v7 =	vld [tilespmem:s12+$0xFFFFF800];
	_ =	sdelay $0x1  }
0x28a: {  	v8 =	vld [tilespmem:s12+$0x400];
	_ =	sdelay $0x2  }
0x28b: {  	v6 =	vmul.f32 v7, v6;
	_ =	sdelay $0x1  }
0x28c: {  	v6 =	vadd.f32 v8, v6;
	_ =	sdelay $0x1  }
0x28d: {  	v6 =	vadd.f32 v6, v6;
	_ =	sdelay $0x1  }
0x28e: {  	v6 =	vmul.f32 $1.442695020e+00, v6;
	_ =	sdelay $0x1  }
0x28f: {  	(erf) = vpow2.f32 v6;
	_ =	sdelay $0x8  }
0x290: {  	v6 =	vpop (erf)  }
0x291: {  	v6 =	vadd.f32 $1.000000000e+00, v6;
	_ =	sdelay $0x1  }
0x292: {  	(erf) = vrcp.f32 v6;
	_ =	sdelay $0x7  }
0x293: {  	v6 =	vadd.s32 s14, v4  }
0x294: {  	v6 =	vand.u32 $0x1FF8, v6;
	v7 =	vpop (erf)  }
0x295: {  	v8 =	vadd.f32 v7, v7;
	v7 =	vor.u32 v5, v6;
	_ =	sdelay $0x1  }
0x296: {  	v6 =	vsub.f32 $1.000000000e+00, v8;
	_ =	sdelay $0x1  }
0x297: {  	[tilespmem:v9+s0+$0x0] =	vst.idx.msk $0xffff, v6  }
0x298: {  	v6 =	vld.idx.msk [tilespmem:v7+s17+$0x0], $0xffff  }
0x299: {  	v8 =	vld [tilespmem:s12+$0xFFFFFC00];
	_ =	sdelay $0x1  }
0x29a: {  	v9 =	vld [tilespmem:s12+$0x800];
	_ =	sdelay $0x2  }
0x29b: {  	v6 =	vmul.f32 v8, v6;
	_ =	sdelay $0x1  }
0x29c: {  	v6 =	vadd.f32 v9, v6;
	_ =	sdelay $0x1  }
0x29d: {  	v6 =	vadd.f32 v6, v6;
	_ =	sdelay $0x1  }
0x29e: {  	v6 =	vmul.f32 $1.442695020e+00, v6;
	_ =	sdelay $0x1  }
0x29f: {  	(erf) = vpow2.f32 v6;
	_ =	sdelay $0x8  }
0x2a0: {  	v6 =	vpop (erf)  }
0x2a1: {  	v6 =	vadd.f32 $1.000000000e+00, v6;
	_ =	sdelay $0x1  }
0x2a2: {  	(erf) = vrcp.f32 v6;
	_ =	sdelay $0x7  }
0x2a3: {  	s20 =	simm.s32 $0x30  }
0x2a4: {  	v8 =	vadd.s32 s20, v0;
	v6 =	vpop (erf)  }
0x2a5: {  	v9 =	vadd.f32 v6, v6;
	v6 =	vand.u32 $0x1FF8, v8  }
0x2a6: {  	v6 =	vor.u32 v1, v6;
	_ =	sdelay $0x1  }
0x2a7: {  	s14 =	simm.s32 $0x60;
	v8 =	vsub.f32 $1.000000000e+00, v9  }
.LBB2_11:
0x2a8: {  	p0 =	sne.s32 s14, $0xBD0  }
0x2a9: {  	s12 =	sadd.s32 $0x10, s12;
	s24 =	smov.u32 s14;
	s14 =	sadd.s32 $0x30, s14;
	[tilespmem:v7+s0+$0x0] =	vst.idx.msk $0xffff, v8  }
0x2aa: {  	v7 =	vld.idx.msk [tilespmem:v6+s17+$0x0], $0xffff  }
0x2ab: {  	v8 =	vld [tilespmem:s12+$0xFFFFF400];
	_ =	sdelay $0x1  }
0x2ac: {  	v9 =	vld [tilespmem:s12+$0x0];
	_ =	sdelay $0x2  }
0x2ad: {  	v7 =	vmul.f32 v8, v7;
	_ =	sdelay $0x1  }
0x2ae: {  	v7 =	vadd.f32 v9, v7;
	_ =	sdelay $0x1  }
0x2af: {  	v7 =	vadd.f32 v7, v7;
	_ =	sdelay $0x1  }
0x2b0: {  	v7 =	vmul.f32 $1.442695020e+00, v7;
	_ =	sdelay $0x1  }
0x2b1: {  	(erf) = vpow2.f32 v7;
	_ =	sdelay $0x8  }
0x2b2: {  	v7 =	vpop (erf)  }
0x2b3: {  	v7 =	vadd.f32 $1.000000000e+00, v7;
	_ =	sdelay $0x1  }
0x2b4: {  	(erf) = vrcp.f32 v7;
	_ =	sdelay $0x7  }
0x2b5: {  	v7 =	vadd.s32 s20, v2  }
0x2b6: {  	v7 =	vand.u32 $0x1FF8, v7;
	v8 =	vpop (erf)  }
0x2b7: {  	v9 =	vor.u32 v3, v7;
	v8 =	vadd.f32 v8, v8;
	_ =	sdelay $0x1  }
0x2b8: {  	v7 =	vsub.f32 $1.000000000e+00, v8;
	_ =	sdelay $0x1  }
0x2b9: {  	[tilespmem:v6+s0+$0x0] =	vst.idx.msk $0xffff, v7  }
0x2ba: {  	v6 =	vld.idx.msk [tilespmem:v9+s17+$0x0], $0xffff  }
0x2bb: {  	v7 =	vld [tilespmem:s12+$0xFFFFF800];
	_ =	sdelay $0x1  }
0x2bc: {  	v8 =	vld [tilespmem:s12+$0x400];
	_ =	sdelay $0x2  }
0x2bd: {  	v6 =	vmul.f32 v7, v6;
	_ =	sdelay $0x1  }
0x2be: {  	v6 =	vadd.f32 v8, v6;
	_ =	sdelay $0x1  }
0x2bf: {  	v6 =	vadd.f32 v6, v6;
	_ =	sdelay $0x1  }
0x2c0: {  	v6 =	vmul.f32 $1.442695020e+00, v6;
	_ =	sdelay $0x1  }
0x2c1: {  	(erf) = vpow2.f32 v6;
	_ =	sdelay $0x8  }
0x2c2: {  	v6 =	vpop (erf)  }
0x2c3: {  	v6 =	vadd.f32 $1.000000000e+00, v6;
	_ =	sdelay $0x1  }
0x2c4: {  	(erf) = vrcp.f32 v6;
	_ =	sdelay $0x7  }
0x2c5: {  	v6 =	vadd.s32 s20, v4;
	s20 =	smov.u32 s24  }
0x2c6: {  	v6 =	vand.u32 $0x1FF8, v6;
	v7 =	vpop (erf)  }
0x2c7: {  	v8 =	vadd.f32 v7, v7;
	v7 =	vor.u32 v5, v6;
	_ =	sdelay $0x1  }
0x2c8: {  	v6 =	vsub.f32 $1.000000000e+00, v8;
	_ =	sdelay $0x1  }
0x2c9: {  	[tilespmem:v9+s0+$0x0] =	vst.idx.msk $0xffff, v6  }
0x2ca: {  	v6 =	vld.idx.msk [tilespmem:v7+s17+$0x0], $0xffff  }
0x2cb: {  	v8 =	vld [tilespmem:s12+$0xFFFFFC00];
	_ =	sdelay $0x1  }
0x2cc: {  	v9 =	vld [tilespmem:s12+$0x800];
	_ =	sdelay $0x2  }
0x2cd: {  	v6 =	vmul.f32 v8, v6;
	_ =	sdelay $0x1  }
0x2ce: {  	v6 =	vadd.f32 v9, v6;
	_ =	sdelay $0x1  }
0x2cf: {  	v6 =	vadd.f32 v6, v6;
	_ =	sdelay $0x1  }
0x2d0: {  	v6 =	vmul.f32 $1.442695020e+00, v6;
	_ =	sdelay $0x1  }
0x2d1: {  	(erf) = vpow2.f32 v6;
	_ =	sdelay $0x8  }
0x2d2: {  	v6 =	vpop (erf)  }
0x2d3: {  	v6 =	vadd.f32 $1.000000000e+00, v6;
	_ =	sdelay $0x1  }
0x2d4: {  	(erf) = vrcp.f32 v6;
	_ =	sdelay $0x7  }
.Ltmp4:
0x2d5: {  	v6 =	vadd.s32 s20, v0;
	(pc) =	sbr.rel @p0 .LBB2_11-.Ltmp4, $3  }
0x2d6: {  	v6 =	vand.u32 $0x1FF8, v6;
	v8 =	vpop (erf)  }
0x2d7: {  	v6 =	vor.u32 v1, v6;
	v8 =	vadd.f32 v8, v8;
	_ =	sdelay $0x1  }
0x2d8: {  	v8 =	vsub.f32 $1.000000000e+00, v8  }
0x2d9: {  	_ =	sdelay $0x3  }
0x2da: {  	[tilespmem:v7+s0+$0x0] =	vst.idx.msk $0xffff, v8  }
0x2db: {  	s12 =	sadd.s32 $0x10, s12;
	v7 =	vld.idx.msk [tilespmem:v6+s17+$0x0], $0xffff  }
0x2dc: {  	v8 =	vld [tilespmem:s12+$0xFFFFF400];
	_ =	sdelay $0x1  }
0x2dd: {  	v9 =	vld [tilespmem:s12+$0x0];
	_ =	sdelay $0x2  }
0x2de: {  	v7 =	vmul.f32 v8, v7;
	_ =	sdelay $0x1  }
0x2df: {  	v7 =	vadd.f32 v9, v7;
	_ =	sdelay $0x1  }
0x2e0: {  	v7 =	vadd.f32 v7, v7;
	_ =	sdelay $0x1  }
0x2e1: {  	v7 =	vmul.f32 $1.442695020e+00, v7;
	_ =	sdelay $0x1  }
0x2e2: {  	(erf) = vpow2.f32 v7;
	_ =	sdelay $0x8  }
0x2e3: {  	v7 =	vpop (erf)  }
0x2e4: {  	v7 =	vadd.f32 $1.000000000e+00, v7;
	_ =	sdelay $0x1  }
0x2e5: {  	(erf) = vrcp.f32 v7;
	_ =	sdelay $0x7  }
0x2e6: {  	v7 =	vadd.s32 s20, v2  }
0x2e7: {  	v7 =	vand.u32 $0x1FF8, v7;
	v60 =	vpop (erf)  }
0x2e8: {  	v7 =	vor.u32 v3, v7;
	v8 =	vadd.f32 v60, v60;
	_ =	sdelay $0x1  }
0x2e9: {  	v8 =	vsub.f32 $1.000000000e+00, v8;
	_ =	sdelay $0x1  }
0x2ea: {  	[tilespmem:v6+s0+$0x0] =	vst.idx.msk $0xffff, v8  }
0x2eb: {  	v6 =	vld.idx.msk [tilespmem:v7+s17+$0x0], $0xffff  }
0x2ec: {  	v8 =	vld [tilespmem:s12+$0xFFFFF800];
	_ =	sdelay $0x1  }
0x2ed: {  	v61 =	vld [tilespmem:s12+$0x400];
	_ =	sdelay $0x2  }
0x2ee: {  	v6 =	vmul.f32 v8, v6;
	_ =	sdelay $0x1  }
0x2ef: {  	v6 =	vadd.f32 v61, v6;
	_ =	sdelay $0x1  }
0x2f0: {  	v6 =	vadd.f32 v6, v6;
	_ =	sdelay $0x1  }
0x2f1: {  	v6 =	vmul.f32 $1.442695020e+00, v6;
	_ =	sdelay $0x1  }
0x2f2: {  	(erf) = vpow2.f32 v6;
	_ =	sdelay $0x8  }
0x2f3: {  	v6 =	vpop (erf)  }
0x2f4: {  	v6 =	vadd.f32 $1.000000000e+00, v6;
	_ =	sdelay $0x1  }
0x2f5: {  	(erf) = vrcp.f32 v6;
	_ =	sdelay $0x7  }
0x2f6: {  	v6 =	vadd.s32 s20, v4  }
0x2f7: {  	v6 =	vand.u32 $0x1FF8, v6;
	v62 =	vpop (erf)  }
0x2f8: {  	v6 =	vor.u32 v5, v6;
	v8 =	vadd.f32 v62, v62;
	_ =	sdelay $0x1  }
0x2f9: {  	v8 =	vsub.f32 $1.000000000e+00, v8;
	_ =	sdelay $0x1  }
0x2fa: {  	[tilespmem:v7+s0+$0x0] =	vst.idx.msk $0xffff, v8  }
0x2fb: {  	v7 =	vld.idx.msk [tilespmem:v6+s17+$0x0], $0xffff  }
0x2fc: {  	v8 =	vld [tilespmem:s12+$0xFFFFFC00];
	_ =	sdelay $0x1  }
0x2fd: {  	v63 =	vld [tilespmem:s12+$0x800];
	_ =	sdelay $0x2  }
0x2fe: {  	v7 =	vmul.f32 v8, v7;
	_ =	sdelay $0x1  }
0x2ff: {  	v7 =	vadd.f32 v63, v7;
	_ =	sdelay $0x1  }
0x300: {  	v7 =	vadd.f32 v7, v7;
	_ =	sdelay $0x1  }
0x301: {  	v7 =	vmul.f32 $1.442695020e+00, v7;
	_ =	sdelay $0x1  }
0x302: {  	(erf) = vpow2.f32 v7;
	_ =	sdelay $0x8  }
0x303: {  	v7 =	vpop (erf)  }
0x304: {  	v7 =	vadd.f32 $1.000000000e+00, v7;
	_ =	sdelay $0x1  }
0x305: {  	(erf) = vrcp.f32 v7;
	_ =	sdelay $0x8  }
0x306: {  	v7 =	vpop (erf)  }
0x307: {  	v7 =	vadd.f32 v7, v7;
	_ =	sdelay $0x1  }
0x308: {  	s30 =	sadd.s32 $0x1, s30;
	v7 =	vsub.f32 $1.000000000e+00, v7  }
0x309: {  	s4 =	rddreg [dreg:$0x7];
	p0 =	sne.s32 s30, $0xF  }
.Ltmp5:
0x30a: {  	s9 =	sadd.s32 s4, s9;
	[tilespmem:v6+s0+$0x0] =	vst.idx.msk $0xffff, v7;
	(pc) =	sbr.rel @p0 .LBB2_4-.Ltmp5, $4  }
0x30b: {  	[hbm4b:s9+s10] =	stream.linear.scatter [tilespmem:s0], [sflag:$0x3], $0xC00, $0x38;
	[tilespmem:$0x5C00] =	vst v63  }
0x30c: {  	_ =	swait.ge [sflag:s18], $0xC00  }
0x30d: {  	[sflag:s18] =	ssyncset.done $0x0  }
0x30e: {  	[sflag:s18] =	ssyncadd.s32 $0xFFFFF400  }
0x30f: {  	s9 =	simm.s32 $0x0  }
0x310: {  	v6 =	vadd.s32 s9, v0  }
0x311: {  	v7 =	vadd.s32 s9, v2;
	v6 =	vand.u32 $0x1FF8, v6  }
0x312: {  	s4 =	rddreg [dreg:$0xc];
	v7 =	vand.u32 $0x1FF8, v7;
	v6 =	vor.u32 v1, v6  }
0x313: {  	[tilespmem:s17], [sflag:$0x3] =	stream.linear.gather [hbm4b:s4+s9], $0xC00, $0x38;
	v7 =	vor.u32 v3, v7;
	[tilespmem:$0x5C00] =	vst v63  }
0x314: {  	_ =	swait.ge [sflag:s18], $0xC00  }
0x315: {  	v8 =	vadd.s32 s9, v4;
	[sflag:s18] =	ssyncset.done $0x0  }
0x316: {  	v8 =	vand.u32 $0x1FF8, v8;
	[sflag:s18] =	ssyncadd.s32 $0xFFFFF400  }
0x317: {  	v8 =	vor.u32 v5, v8;
	v6 =	vld.idx.msk [tilespmem:v6+s17+$0x0], $0xffff  }
0x318: {  	v7 =	vld.idx.msk [tilespmem:v7+s17+$0x0], $0xffff;
	_ =	sdelay $0x3  }
0x319: {  	v8 =	vld.idx.msk [tilespmem:v8+s17+$0x0], $0xffff  }
0x31a: {  	v6 =	vmul.f32 $6.553600000e+04, v6;
	v7 =	vmul.f32 $2.560000000e+02, v7;
	_ =	sdelay $0x1  }
0x31b: {  	s12 =	simm.s32 $0x30;
	v6 =	vadd.f32 v7, v6  }
0x31c: {  	v7 =	vadd.s32 s12, v0  }
0x31d: {  	v9 =	vadd.s32 s12, v2;
	v7 =	vand.u32 $0x1FF8, v7;
	v6 =	vadd.f32 v6, v8  }
0x31e: {  	v7 =	vor.u32 v1, v7;
	v8 =	vand.u32 $0x1FF8, v9  }
0x31f: {  	v8 =	vor.u32 v3, v8;
	v6 =	vtrunc.f32 v6  }
0x320: {  	v6 =	vcvt.f32.s32 v6  }
0x321: {  	s9 =	simm.s32 $0x1C00;
	v9 =	vadd.s32 s12, v4  }
0x322: {  	v9 =	vand.u32 $0x1FF8, v9;
	[tilespmem:s9+$0x0] =	vst v6  }
0x323: {  	v6 =	vld.idx.msk [tilespmem:v7+s17+$0x0], $0xffff;
	v7 =	vor.u32 v5, v9  }
0x324: {  	v8 =	vld.idx.msk [tilespmem:v8+s17+$0x0], $0xffff;
	_ =	sdelay $0x3  }
0x325: {  	v9 =	vld.idx.msk [tilespmem:v7+s17+$0x0], $0xffff  }
0x326: {  	v6 =	vmul.f32 $6.553600000e+04, v6;
	v7 =	vmul.f32 $2.560000000e+02, v8;
	_ =	sdelay $0x1  }
0x327: {  	s12 =	simm.s32 $0x60;
	v6 =	vadd.f32 v7, v6  }
0x328: {  	v7 =	vadd.s32 s12, v0  }
0x329: {  	s13 =	simm.s32 $0x90;
	v8 =	vadd.s32 s12, v2;
	v7 =	vand.u32 $0x1FF8, v7;
	v6 =	vadd.f32 v6, v9  }
.LBB2_14:
0x32a: {  	p0 =	sne.s32 s13, $0xBD0;
	v7 =	vor.u32 v1, v7;
	v8 =	vand.u32 $0x1FF8, v8  }
0x32b: {  	v8 =	vor.u32 v3, v8;
	v6 =	vtrunc.f32 v6  }
0x32c: {  	v6 =	vcvt.f32.s32 v6  }
0x32d: {  	v9 =	vadd.s32 s12, v4;
	s9 =	sadd.s32 $0x10, s9;
	s12 =	smov.u32 s13  }
0x32e: {  	v9 =	vand.u32 $0x1FF8, v9;
	[tilespmem:s9+$0x0] =	vst v6  }
0x32f: {  	v6 =	vld.idx.msk [tilespmem:v7+s17+$0x0], $0xffff;
	v7 =	vor.u32 v5, v9  }
0x330: {  	v8 =	vld.idx.msk [tilespmem:v8+s17+$0x0], $0xffff;
	_ =	sdelay $0x3  }
0x331: {  	v9 =	vld.idx.msk [tilespmem:v7+s17+$0x0], $0xffff;
	_ =	sdelay $0x1  }
.Ltmp6:
0x332: {  	v6 =	vmul.f32 $6.553600000e+04, v6;
	v7 =	vmul.f32 $2.560000000e+02, v8;
	(pc) =	sbr.rel @p0 .LBB2_14-.Ltmp6, $4  }
0x333: {  	_ = 	snop  }
0x334: {  	v6 =	vadd.f32 v7, v6  }
0x335: {  	v7 =	vadd.s32 s13, v0  }
0x336: {  	v8 =	vadd.s32 s12, v2;
	s13 =	sadd.s32 $0x30, s13;
	v7 =	vand.u32 $0x1FF8, v7;
	v6 =	vadd.f32 v6, v9  }
0x337: {  	v7 =	vor.u32 v1, v7;
	v8 =	vand.u32 $0x1FF8, v8  }
0x338: {  	v8 =	vor.u32 v3, v8;
	v6 =	vtrunc.f32 v6  }
0x339: {  	v6 =	vcvt.f32.s32 v6  }
0x33a: {  	v9 =	vadd.s32 s12, v4;
	s9 =	sadd.s32 $0x10, s9  }
0x33b: {  	v9 =	vand.u32 $0x1FF8, v9;
	[tilespmem:s9+$0x0] =	vst v6  }
0x33c: {  	v6 =	vld.idx.msk [tilespmem:v7+s17+$0x0], $0xffff;
	v7 =	vor.u32 v5, v9  }
0x33d: {  	v8 =	vld.idx.msk [tilespmem:v8+s17+$0x0], $0xffff;
	_ =	sdelay $0x3  }
0x33e: {  	v7 =	vld.idx.msk [tilespmem:v7+s17+$0x0], $0xffff  }
0x33f: {  	v6 =	vmul.f32 $6.553600000e+04, v6;
	v8 =	vmul.f32 $2.560000000e+02, v8;
	_ =	sdelay $0x1  }
0x340: {  	v6 =	vadd.f32 v8, v6;
	_ =	sdelay $0x1  }
0x341: {  	v6 =	vadd.f32 v6, v7;
	_ =	sdelay $0x1  }
0x342: {  	v6 =	vtrunc.f32 v6  }
0x343: {  	v6 =	vcvt.f32.s32 v6  }
0x344: {  	s9 =	sadd.s32 $0x10, s9  }
0x345: {  	s4 =	simm.s32 $0x3800;
	[tilespmem:s9+$0x0] =	vst v6  }
0x346: {  	[tilespmem:s4], [sflag:$0x2] =	stream.indirect.gather [hbm4b:s1+s19], $0x1, s21, s19, $0xb8;
	[tilespmem:$0x5C00] =	vst v63  }
0x347: {  	s9 =	simm.s32 $0x3C00  }
0x348: {  	[tilespmem:s9], [sflag:$0x2] =	stream.indirect.gather [hbm4b:s2+s19], $0x1, s21, s19, $0xb8;
	[tilespmem:$0x5C00] =	vst v63  }
0x349: {  	s12 =	simm.s32 $0x4000  }
0x34a: {  	[tilespmem:s12], [sflag:$0x2] =	stream.indirect.gather [hbm4b:s3+s19], $0x1, s21, s19, $0xb8;
	[tilespmem:$0x5C00] =	vst v63  }
0x34b: {  	s13 =	simm.s32 $0x4400  }
0x34c: {  	[tilespmem:s13], [sflag:$0x2] =	stream.indirect.gather [hbm4b:s5+s19], $0x1, s21, s19, $0xb8;
	[tilespmem:$0x5C00] =	vst v63  }
0x34d: {  	s14 =	simm.s32 $0x4800  }
0x34e: {  	[tilespmem:s14], [sflag:$0x2] =	stream.indirect.gather [hbm4b:s6+s19], $0x1, s21, s19, $0xb8;
	[tilespmem:$0x5C00] =	vst v63  }
0x34f: {  	s20 =	simm.s32 $0x4C00  }
0x350: {  	[tilespmem:s20], [sflag:$0x2] =	stream.indirect.gather [hbm4b:s8+s19], $0x1, s21, s19, $0xb8;
	[tilespmem:$0x5C00] =	vst v63  }
0x351: {  	s24 =	simm.s32 $0x3880  }
0x352: {  	[tilespmem:s24], [sflag:$0x2] =	stream.indirect.gather [hbm4b:s1+s19], $0x1, s15, s19, $0xb8;
	[tilespmem:$0x5C00] =	vst v63  }
0x353: {  	s30 =	simm.s32 $0x3C80  }
0x354: {  	[tilespmem:s30], [sflag:$0x2] =	stream.indirect.gather [hbm4b:s2+s19], $0x1, s15, s19, $0xb8;
	[tilespmem:$0x5C00] =	vst v63  }
0x355: {  	s9 =	simm.s32 $0x4080  }
0x356: {  	[tilespmem:s9], [sflag:$0x2] =	stream.indirect.gather [hbm4b:s3+s19], $0x1, s15, s19, $0xb8;
	[tilespmem:$0x5C00] =	vst v63  }
0x357: {  	s12 =	simm.s32 $0x4480  }
0x358: {  	[tilespmem:s12], [sflag:$0x2] =	stream.indirect.gather [hbm4b:s5+s19], $0x1, s15, s19, $0xb8;
	[tilespmem:$0x5C00] =	vst v63  }
0x359: {  	s13 =	simm.s32 $0x4880  }
0x35a: {  	[tilespmem:s13], [sflag:$0x2] =	stream.indirect.gather [hbm4b:s6+s19], $0x1, s15, s19, $0xb8;
	[tilespmem:$0x5C00] =	vst v63  }
0x35b: {  	s14 =	simm.s32 $0x4C80  }
0x35c: {  	[tilespmem:s14], [sflag:$0x2] =	stream.indirect.gather [hbm4b:s8+s19], $0x1, s15, s19, $0xb8;
	[tilespmem:$0x5C00] =	vst v63  }
0x35d: {  	s20 =	simm.s32 $0x3900  }
0x35e: {  	[tilespmem:s20], [sflag:$0x2] =	stream.indirect.gather [hbm4b:s1+s19], $0x1, s7, s19, $0xb8;
	[tilespmem:$0x5C00] =	vst v63  }
0x35f: {  	s24 =	simm.s32 $0x3D00  }
0x360: {  	[tilespmem:s24], [sflag:$0x2] =	stream.indirect.gather [hbm4b:s2+s19], $0x1, s7, s19, $0xb8;
	[tilespmem:$0x5C00] =	vst v63  }
0x361: {  	s30 =	simm.s32 $0x4100  }
0x362: {  	[tilespmem:s30], [sflag:$0x2] =	stream.indirect.gather [hbm4b:s3+s19], $0x1, s7, s19, $0xb8;
	[tilespmem:$0x5C00] =	vst v63  }
0x363: {  	s9 =	simm.s32 $0x4500  }
0x364: {  	[tilespmem:s9], [sflag:$0x2] =	stream.indirect.gather [hbm4b:s5+s19], $0x1, s7, s19, $0xb8;
	[tilespmem:$0x5C00] =	vst v63  }
0x365: {  	s12 =	simm.s32 $0x4900  }
0x366: {  	[tilespmem:s12], [sflag:$0x2] =	stream.indirect.gather [hbm4b:s6+s19], $0x1, s7, s19, $0xb8;
	[tilespmem:$0x5C00] =	vst v63  }
0x367: {  	s13 =	simm.s32 $0x4D00  }
0x368: {  	[tilespmem:s13], [sflag:$0x2] =	stream.indirect.gather [hbm4b:s8+s19], $0x1, s7, s19, $0xb8;
	[tilespmem:$0x5C00] =	vst v63  }
0x369: {  	s14 =	simm.s32 $0x3980  }
0x36a: {  	[tilespmem:s14], [sflag:$0x2] =	stream.indirect.gather [hbm4b:s1+s19], $0x1, s16, s19, $0xb8;
	[tilespmem:$0x5C00] =	vst v63  }
0x36b: {  	s20 =	simm.s32 $0x3D80  }
0x36c: {  	[tilespmem:s20], [sflag:$0x2] =	stream.indirect.gather [hbm4b:s2+s19], $0x1, s16, s19, $0xb8;
	[tilespmem:$0x5C00] =	vst v63  }
0x36d: {  	s24 =	simm.s32 $0x4180  }
0x36e: {  	[tilespmem:s24], [sflag:$0x2] =	stream.indirect.gather [hbm4b:s3+s19], $0x1, s16, s19, $0xb8;
	[tilespmem:$0x5C00] =	vst v63  }
0x36f: {  	s30 =	simm.s32 $0x4580  }
0x370: {  	[tilespmem:s30], [sflag:$0x2] =	stream.indirect.gather [hbm4b:s5+s19], $0x1, s16, s19, $0xb8;
	[tilespmem:$0x5C00] =	vst v63  }
0x371: {  	s9 =	simm.s32 $0x4980  }
0x372: {  	[tilespmem:s9], [sflag:$0x2] =	stream.indirect.gather [hbm4b:s6+s19], $0x1, s16, s19, $0xb8;
	[tilespmem:$0x5C00] =	vst v63  }
0x373: {  	s12 =	simm.s32 $0x4D80  }
0x374: {  	[tilespmem:s12], [sflag:$0x2] =	stream.indirect.gather [hbm4b:s8+s19], $0x1, s16, s19, $0xb8;
	[tilespmem:$0x5C00] =	vst v63  }
0x375: {  	s13 =	simm.s32 $0x3A00  }
0x376: {  	[tilespmem:s13], [sflag:$0x2] =	stream.indirect.gather [hbm4b:s1+s19], $0x1, s25, s19, $0xb8;
	[tilespmem:$0x5C00] =	vst v63  }
0x377: {  	s14 =	simm.s32 $0x3E00  }
0x378: {  	[tilespmem:s14], [sflag:$0x2] =	stream.indirect.gather [hbm4b:s2+s19], $0x1, s25, s19, $0xb8;
	[tilespmem:$0x5C00] =	vst v63  }
0x379: {  	s20 =	simm.s32 $0x4200  }
0x37a: {  	[tilespmem:s20], [sflag:$0x2] =	stream.indirect.gather [hbm4b:s3+s19], $0x1, s25, s19, $0xb8;
	[tilespmem:$0x5C00] =	vst v63  }
0x37b: {  	s24 =	simm.s32 $0x4600  }
0x37c: {  	[tilespmem:s24], [sflag:$0x2] =	stream.indirect.gather [hbm4b:s5+s19], $0x1, s25, s19, $0xb8;
	[tilespmem:$0x5C00] =	vst v63  }
0x37d: {  	s30 =	simm.s32 $0x4A00  }
0x37e: {  	[tilespmem:s30], [sflag:$0x2] =	stream.indirect.gather [hbm4b:s6+s19], $0x1, s25, s19, $0xb8;
	[tilespmem:$0x5C00] =	vst v63  }
0x37f: {  	s9 =	simm.s32 $0x4E00  }
0x380: {  	[tilespmem:s9], [sflag:$0x2] =	stream.indirect.gather [hbm4b:s8+s19], $0x1, s25, s19, $0xb8;
	[tilespmem:$0x5C00] =	vst v63  }
0x381: {  	s12 =	simm.s32 $0x3A80  }
0x382: {  	[tilespmem:s12], [sflag:$0x2] =	stream.indirect.gather [hbm4b:s1+s19], $0x1, s31, s19, $0xb8;
	[tilespmem:$0x5C00] =	vst v63  }
0x383: {  	s13 =	simm.s32 $0x3E80  }
0x384: {  	[tilespmem:s13], [sflag:$0x2] =	stream.indirect.gather [hbm4b:s2+s19], $0x1, s31, s19, $0xb8;
	[tilespmem:$0x5C00] =	vst v63  }
0x385: {  	s14 =	simm.s32 $0x4280  }
0x386: {  	[tilespmem:s14], [sflag:$0x2] =	stream.indirect.gather [hbm4b:s3+s19], $0x1, s31, s19, $0xb8;
	[tilespmem:$0x5C00] =	vst v63  }
0x387: {  	s20 =	simm.s32 $0x4680  }
0x388: {  	[tilespmem:s20], [sflag:$0x2] =	stream.indirect.gather [hbm4b:s5+s19], $0x1, s31, s19, $0xb8;
	[tilespmem:$0x5C00] =	vst v63  }
0x389: {  	s24 =	simm.s32 $0x4A80  }
0x38a: {  	[tilespmem:s24], [sflag:$0x2] =	stream.indirect.gather [hbm4b:s6+s19], $0x1, s31, s19, $0xb8;
	[tilespmem:$0x5C00] =	vst v63  }
0x38b: {  	s30 =	simm.s32 $0x4E80  }
0x38c: {  	[tilespmem:s30], [sflag:$0x2] =	stream.indirect.gather [hbm4b:s8+s19], $0x1, s31, s19, $0xb8;
	[tilespmem:$0x5C00] =	vst v63  }
0x38d: {  	s9 =	simm.s32 $0x3B00  }
0x38e: {  	[tilespmem:s9], [sflag:$0x2] =	stream.indirect.gather [hbm4b:s1+s19], $0x1, s22, s19, $0xb8;
	[tilespmem:$0x5C00] =	vst v63  }
0x38f: {  	s12 =	simm.s32 $0x3F00  }
0x390: {  	[tilespmem:s12], [sflag:$0x2] =	stream.indirect.gather [hbm4b:s2+s19], $0x1, s22, s19, $0xb8;
	[tilespmem:$0x5C00] =	vst v63  }
0x391: {  	s13 =	simm.s32 $0x4300  }
0x392: {  	[tilespmem:s13], [sflag:$0x2] =	stream.indirect.gather [hbm4b:s3+s19], $0x1, s22, s19, $0xb8;
	[tilespmem:$0x5C00] =	vst v63  }
0x393: {  	s14 =	simm.s32 $0x4700  }
0x394: {  	[tilespmem:s14], [sflag:$0x2] =	stream.indirect.gather [hbm4b:s5+s19], $0x1, s22, s19, $0xb8;
	[tilespmem:$0x5C00] =	vst v63  }
0x395: {  	s20 =	simm.s32 $0x4B00  }
0x396: {  	[tilespmem:s20], [sflag:$0x2] =	stream.indirect.gather [hbm4b:s6+s19], $0x1, s22, s19, $0xb8;
	[tilespmem:$0x5C00] =	vst v63  }
0x397: {  	s24 =	simm.s32 $0x4F00  }
0x398: {  	[tilespmem:s24], [sflag:$0x2] =	stream.indirect.gather [hbm4b:s8+s19], $0x1, s22, s19, $0xb8;
	[tilespmem:$0x5C00] =	vst v63  }
0x399: {  	s30 =	simm.s32 $0x3B80  }
0x39a: {  	[tilespmem:s30], [sflag:$0x2] =	stream.indirect.gather [hbm4b:s1+s19], $0x1, s29, s19, $0xb8;
	[tilespmem:$0x5C00] =	vst v63  }
0x39b: {  	s9 =	simm.s32 $0x3F80  }
0x39c: {  	[tilespmem:s9], [sflag:$0x2] =	stream.indirect.gather [hbm4b:s2+s19], $0x1, s29, s19, $0xb8;
	[tilespmem:$0x5C00] =	vst v63  }
0x39d: {  	s12 =	simm.s32 $0x4380  }
0x39e: {  	[tilespmem:s12], [sflag:$0x2] =	stream.indirect.gather [hbm4b:s3+s19], $0x1, s29, s19, $0xb8;
	[tilespmem:$0x5C00] =	vst v63  }
0x39f: {  	s13 =	simm.s32 $0x4780;
	s14 =	simm.s32 $0x0  }
0x3a0: {  	[tilespmem:s13], [sflag:$0x2] =	stream.indirect.gather [hbm4b:s5+s19], $0x1, s29, s19, $0xb8;
	[tilespmem:$0x5C00] =	vst v63  }
0x3a1: {  	v6 =	vadd.s32 s14, v0;
	s20 =	simm.s32 $0x4B80  }
0x3a2: {  	v6 =	vand.u32 $0x1FF8, v6;
	[tilespmem:s20], [sflag:$0x2] =	stream.indirect.gather [hbm4b:s6+s19], $0x1, s29, s19, $0xb8;
	[tilespmem:$0x5C00] =	vst v63  }
0x3a3: {  	v6 =	vor.u32 v1, v6;
	s24 =	simm.s32 $0x4F80;
	s30 =	simm.s32 $0x1  }
0x3a4: {  	[tilespmem:s24], [sflag:$0x2] =	stream.indirect.gather [hbm4b:s8+s19], $0x1, s29, s19, $0xb8;
	[tilespmem:$0x5C00] =	vst v63  }
0x3a5: {  	_ =	swait.ge [sflag:s30], $0x1800  }
0x3a6: {  	[sflag:s30] =	ssyncset.done $0x0  }
0x3a7: {  	[sflag:s30] =	ssyncadd.s32 $0xFFFFE800  }
0x3a8: {  	s9 =	simm.s32 $0x2C00;
	v7 =	vld.idx.msk [tilespmem:v6+s10+$0x0], $0xffff  }
0x3a9: {  	v8 =	vld [tilespmem:s9+$0xFFFFF400];
	_ =	sdelay $0x1  }
0x3aa: {  	v9 =	vld [tilespmem:s9+$0x0];
	_ =	sdelay $0x2  }
0x3ab: {  	v7 =	vmul.f32 v8, v7;
	_ =	sdelay $0x1  }
0x3ac: {  	v7 =	vadd.f32 v9, v7;
	_ =	sdelay $0x1  }
0x3ad: {  	v7 =	vadd.f32 v7, v7;
	_ =	sdelay $0x1  }
0x3ae: {  	v7 =	vmul.f32 $1.442695020e+00, v7;
	_ =	sdelay $0x1  }
0x3af: {  	(erf) = vpow2.f32 v7;
	_ =	sdelay $0x8  }
0x3b0: {  	v7 =	vpop (erf)  }
0x3b1: {  	v7 =	vadd.f32 $1.000000000e+00, v7;
	_ =	sdelay $0x1  }
0x3b2: {  	(erf) = vrcp.f32 v7;
	_ =	sdelay $0x7  }
0x3b3: {  	v7 =	vadd.s32 s14, v2  }
0x3b4: {  	v7 =	vand.u32 $0x1FF8, v7;
	v8 =	vpop (erf)  }
0x3b5: {  	v9 =	vor.u32 v3, v7;
	v8 =	vadd.f32 v8, v8;
	_ =	sdelay $0x1  }
0x3b6: {  	v7 =	vsub.f32 $1.000000000e+00, v8;
	_ =	sdelay $0x1  }
0x3b7: {  	[tilespmem:v6+s0+$0x0] =	vst.idx.msk $0xffff, v7  }
0x3b8: {  	v6 =	vld.idx.msk [tilespmem:v9+s10+$0x0], $0xffff  }
0x3b9: {  	v7 =	vld [tilespmem:s9+$0xFFFFF800];
	_ =	sdelay $0x1  }
0x3ba: {  	v8 =	vld [tilespmem:s9+$0x400];
	_ =	sdelay $0x2  }
0x3bb: {  	v6 =	vmul.f32 v7, v6;
	_ =	sdelay $0x1  }
0x3bc: {  	v6 =	vadd.f32 v8, v6;
	_ =	sdelay $0x1  }
0x3bd: {  	v6 =	vadd.f32 v6, v6;
	_ =	sdelay $0x1  }
0x3be: {  	v6 =	vmul.f32 $1.442695020e+00, v6;
	_ =	sdelay $0x1  }
0x3bf: {  	(erf) = vpow2.f32 v6;
	_ =	sdelay $0x8  }
0x3c0: {  	v6 =	vpop (erf)  }
0x3c1: {  	v6 =	vadd.f32 $1.000000000e+00, v6;
	_ =	sdelay $0x1  }
0x3c2: {  	(erf) = vrcp.f32 v6;
	_ =	sdelay $0x7  }
0x3c3: {  	v6 =	vadd.s32 s14, v4  }
0x3c4: {  	v6 =	vand.u32 $0x1FF8, v6;
	v7 =	vpop (erf)  }
0x3c5: {  	v8 =	vadd.f32 v7, v7;
	v7 =	vor.u32 v5, v6;
	_ =	sdelay $0x1  }
0x3c6: {  	v6 =	vsub.f32 $1.000000000e+00, v8;
	_ =	sdelay $0x1  }
0x3c7: {  	[tilespmem:v9+s0+$0x0] =	vst.idx.msk $0xffff, v6  }
0x3c8: {  	v6 =	vld.idx.msk [tilespmem:v7+s10+$0x0], $0xffff  }
0x3c9: {  	v8 =	vld [tilespmem:s9+$0xFFFFFC00];
	_ =	sdelay $0x1  }
0x3ca: {  	v9 =	vld [tilespmem:s9+$0x800];
	_ =	sdelay $0x2  }
0x3cb: {  	v6 =	vmul.f32 v8, v6;
	_ =	sdelay $0x1  }
0x3cc: {  	v6 =	vadd.f32 v9, v6;
	_ =	sdelay $0x1  }
0x3cd: {  	v6 =	vadd.f32 v6, v6;
	_ =	sdelay $0x1  }
0x3ce: {  	v6 =	vmul.f32 $1.442695020e+00, v6;
	_ =	sdelay $0x1  }
0x3cf: {  	(erf) = vpow2.f32 v6;
	_ =	sdelay $0x8  }
0x3d0: {  	v6 =	vpop (erf)  }
0x3d1: {  	v6 =	vadd.f32 $1.000000000e+00, v6;
	_ =	sdelay $0x1  }
0x3d2: {  	(erf) = vrcp.f32 v6;
	_ =	sdelay $0x7  }
0x3d3: {  	s12 =	simm.s32 $0x30  }
0x3d4: {  	v8 =	vadd.s32 s12, v0;
	v6 =	vpop (erf)  }
0x3d5: {  	v9 =	vadd.f32 v6, v6;
	v6 =	vand.u32 $0x1FF8, v8  }
0x3d6: {  	v6 =	vor.u32 v1, v6;
	_ =	sdelay $0x1  }
0x3d7: {  	s13 =	simm.s32 $0x60;
	v8 =	vsub.f32 $1.000000000e+00, v9  }
.LBB2_16:
0x3d8: {  	p0 =	sne.s32 s13, $0xBD0  }
0x3d9: {  	s9 =	sadd.s32 $0x10, s9;
	s14 =	smov.u32 s13;
	s13 =	sadd.s32 $0x30, s13;
	[tilespmem:v7+s0+$0x0] =	vst.idx.msk $0xffff, v8  }
0x3da: {  	v7 =	vld.idx.msk [tilespmem:v6+s10+$0x0], $0xffff  }
0x3db: {  	v8 =	vld [tilespmem:s9+$0xFFFFF400];
	_ =	sdelay $0x1  }
0x3dc: {  	v9 =	vld [tilespmem:s9+$0x0];
	_ =	sdelay $0x2  }
0x3dd: {  	v7 =	vmul.f32 v8, v7;
	_ =	sdelay $0x1  }
0x3de: {  	v7 =	vadd.f32 v9, v7;
	_ =	sdelay $0x1  }
0x3df: {  	v7 =	vadd.f32 v7, v7;
	_ =	sdelay $0x1  }
0x3e0: {  	v7 =	vmul.f32 $1.442695020e+00, v7;
	_ =	sdelay $0x1  }
0x3e1: {  	(erf) = vpow2.f32 v7;
	_ =	sdelay $0x8  }
0x3e2: {  	v7 =	vpop (erf)  }
0x3e3: {  	v7 =	vadd.f32 $1.000000000e+00, v7;
	_ =	sdelay $0x1  }
0x3e4: {  	(erf) = vrcp.f32 v7;
	_ =	sdelay $0x7  }
0x3e5: {  	v7 =	vadd.s32 s12, v2  }
0x3e6: {  	v7 =	vand.u32 $0x1FF8, v7;
	v8 =	vpop (erf)  }
0x3e7: {  	v9 =	vor.u32 v3, v7;
	v8 =	vadd.f32 v8, v8;
	_ =	sdelay $0x1  }
0x3e8: {  	v7 =	vsub.f32 $1.000000000e+00, v8;
	_ =	sdelay $0x1  }
0x3e9: {  	[tilespmem:v6+s0+$0x0] =	vst.idx.msk $0xffff, v7  }
0x3ea: {  	v6 =	vld.idx.msk [tilespmem:v9+s10+$0x0], $0xffff  }
0x3eb: {  	v7 =	vld [tilespmem:s9+$0xFFFFF800];
	_ =	sdelay $0x1  }
0x3ec: {  	v8 =	vld [tilespmem:s9+$0x400];
	_ =	sdelay $0x2  }
0x3ed: {  	v6 =	vmul.f32 v7, v6;
	_ =	sdelay $0x1  }
0x3ee: {  	v6 =	vadd.f32 v8, v6;
	_ =	sdelay $0x1  }
0x3ef: {  	v6 =	vadd.f32 v6, v6;
	_ =	sdelay $0x1  }
0x3f0: {  	v6 =	vmul.f32 $1.442695020e+00, v6;
	_ =	sdelay $0x1  }
0x3f1: {  	(erf) = vpow2.f32 v6;
	_ =	sdelay $0x8  }
0x3f2: {  	v6 =	vpop (erf)  }
0x3f3: {  	v6 =	vadd.f32 $1.000000000e+00, v6;
	_ =	sdelay $0x1  }
0x3f4: {  	(erf) = vrcp.f32 v6;
	_ =	sdelay $0x7  }
0x3f5: {  	v6 =	vadd.s32 s12, v4;
	s12 =	smov.u32 s14  }
0x3f6: {  	v6 =	vand.u32 $0x1FF8, v6;
	v7 =	vpop (erf)  }
0x3f7: {  	v8 =	vadd.f32 v7, v7;
	v7 =	vor.u32 v5, v6;
	_ =	sdelay $0x1  }
0x3f8: {  	v6 =	vsub.f32 $1.000000000e+00, v8;
	_ =	sdelay $0x1  }
0x3f9: {  	[tilespmem:v9+s0+$0x0] =	vst.idx.msk $0xffff, v6  }
0x3fa: {  	v6 =	vld.idx.msk [tilespmem:v7+s10+$0x0], $0xffff  }
0x3fb: {  	v8 =	vld [tilespmem:s9+$0xFFFFFC00];
	_ =	sdelay $0x1  }
0x3fc: {  	v9 =	vld [tilespmem:s9+$0x800];
	_ =	sdelay $0x2  }
0x3fd: {  	v6 =	vmul.f32 v8, v6;
	_ =	sdelay $0x1  }
0x3fe: {  	v6 =	vadd.f32 v9, v6;
	_ =	sdelay $0x1  }
0x3ff: {  	v6 =	vadd.f32 v6, v6;
	_ =	sdelay $0x1  }
0x400: {  	v6 =	vmul.f32 $1.442695020e+00, v6;
	_ =	sdelay $0x1  }
0x401: {  	(erf) = vpow2.f32 v6;
	_ =	sdelay $0x8  }
0x402: {  	v6 =	vpop (erf)  }
0x403: {  	v6 =	vadd.f32 $1.000000000e+00, v6;
	_ =	sdelay $0x1  }
0x404: {  	(erf) = vrcp.f32 v6;
	_ =	sdelay $0x7  }
.Ltmp7:
0x405: {  	v6 =	vadd.s32 s12, v0;
	(pc) =	sbr.rel @p0 .LBB2_16-.Ltmp7, $3  }
0x406: {  	v6 =	vand.u32 $0x1FF8, v6;
	v8 =	vpop (erf)  }
0x407: {  	v6 =	vor.u32 v1, v6;
	v8 =	vadd.f32 v8, v8;
	_ =	sdelay $0x1  }
0x408: {  	v8 =	vsub.f32 $1.000000000e+00, v8  }
0x409: {  	_ =	sdelay $0x3  }
0x40a: {  	[tilespmem:v7+s0+$0x0] =	vst.idx.msk $0xffff, v8  }
0x40b: {  	s9 =	sadd.s32 $0x10, s9;
	v7 =	vld.idx.msk [tilespmem:v6+s10+$0x0], $0xffff  }
0x40c: {  	v8 =	vld [tilespmem:s9+$0xFFFFF400];
	_ =	sdelay $0x1  }
0x40d: {  	v9 =	vld [tilespmem:s9+$0x0];
	_ =	sdelay $0x2  }
0x40e: {  	v7 =	vmul.f32 v8, v7;
	_ =	sdelay $0x1  }
0x40f: {  	v7 =	vadd.f32 v9, v7;
	_ =	sdelay $0x1  }
0x410: {  	v7 =	vadd.f32 v7, v7;
	_ =	sdelay $0x1  }
0x411: {  	v7 =	vmul.f32 $1.442695020e+00, v7;
	_ =	sdelay $0x1  }
0x412: {  	(erf) = vpow2.f32 v7;
	_ =	sdelay $0x8  }
0x413: {  	v7 =	vpop (erf)  }
0x414: {  	v7 =	vadd.f32 $1.000000000e+00, v7;
	_ =	sdelay $0x1  }
0x415: {  	(erf) = vrcp.f32 v7;
	_ =	sdelay $0x7  }
0x416: {  	v7 =	vadd.s32 s12, v2  }
0x417: {  	v7 =	vand.u32 $0x1FF8, v7;
	v8 =	vpop (erf)  }
0x418: {  	v7 =	vor.u32 v3, v7;
	v8 =	vadd.f32 v8, v8;
	_ =	sdelay $0x1  }
0x419: {  	v8 =	vsub.f32 $1.000000000e+00, v8;
	_ =	sdelay $0x1  }
0x41a: {  	[tilespmem:v6+s0+$0x0] =	vst.idx.msk $0xffff, v8  }
0x41b: {  	v6 =	vld.idx.msk [tilespmem:v7+s10+$0x0], $0xffff  }
0x41c: {  	v8 =	vld [tilespmem:s9+$0xFFFFF800];
	_ =	sdelay $0x1  }
0x41d: {  	v9 =	vld [tilespmem:s9+$0x400];
	_ =	sdelay $0x2  }
0x41e: {  	v6 =	vmul.f32 v8, v6;
	_ =	sdelay $0x1  }
0x41f: {  	v6 =	vadd.f32 v9, v6;
	_ =	sdelay $0x1  }
0x420: {  	v6 =	vadd.f32 v6, v6;
	_ =	sdelay $0x1  }
0x421: {  	v6 =	vmul.f32 $1.442695020e+00, v6;
	_ =	sdelay $0x1  }
0x422: {  	(erf) = vpow2.f32 v6;
	_ =	sdelay $0x8  }
0x423: {  	v6 =	vpop (erf)  }
0x424: {  	v6 =	vadd.f32 $1.000000000e+00, v6;
	_ =	sdelay $0x1  }
0x425: {  	(erf) = vrcp.f32 v6;
	_ =	sdelay $0x7  }
0x426: {  	v6 =	vadd.s32 s12, v4  }
0x427: {  	v6 =	vand.u32 $0x1FF8, v6;
	v8 =	vpop (erf)  }
0x428: {  	v6 =	vor.u32 v5, v6;
	v8 =	vadd.f32 v8, v8;
	_ =	sdelay $0x1  }
0x429: {  	v8 =	vsub.f32 $1.000000000e+00, v8;
	_ =	sdelay $0x1  }
0x42a: {  	[tilespmem:v7+s0+$0x0] =	vst.idx.msk $0xffff, v8  }
0x42b: {  	v7 =	vld.idx.msk [tilespmem:v6+s10+$0x0], $0xffff  }
0x42c: {  	v8 =	vld [tilespmem:s9+$0xFFFFFC00];
	_ =	sdelay $0x1  }
0x42d: {  	v9 =	vld [tilespmem:s9+$0x800];
	_ =	sdelay $0x2  }
0x42e: {  	v7 =	vmul.f32 v8, v7;
	_ =	sdelay $0x1  }
0x42f: {  	v7 =	vadd.f32 v9, v7;
	_ =	sdelay $0x1  }
0x430: {  	v7 =	vadd.f32 v7, v7;
	_ =	sdelay $0x1  }
0x431: {  	v7 =	vmul.f32 $1.442695020e+00, v7;
	_ =	sdelay $0x1  }
0x432: {  	(erf) = vpow2.f32 v7;
	_ =	sdelay $0x8  }
0x433: {  	v7 =	vpop (erf)  }
0x434: {  	v7 =	vadd.f32 $1.000000000e+00, v7;
	_ =	sdelay $0x1  }
0x435: {  	(erf) = vrcp.f32 v7;
	_ =	sdelay $0x8  }
0x436: {  	v7 =	vpop (erf)  }
0x437: {  	v7 =	vadd.f32 v7, v7;
	_ =	sdelay $0x1  }
0x438: {  	v7 =	vsub.f32 $1.000000000e+00, v7;
	_ =	sdelay $0x1  }
0x439: {  	s24 =	simm.s32 $0x0;
	s4 =	rddreg [dreg:$0xd];
	[tilespmem:v6+s0+$0x0] =	vst.idx.msk $0xffff, v7  }
0x43a: {  	v6 =	vadd.s32 s24, v0;
	[hbm4b:s4+s24] =	stream.linear.scatter [tilespmem:s0], [sflag:$0x3], $0xC00, $0x38;
	[tilespmem:$0x5C00] =	vst v63  }
0x43b: {  	v6 =	vand.u32 $0x1FF8, v6;
	_ =	swait.ge [sflag:s18], $0xC00  }
0x43c: {  	v6 =	vor.u32 v1, v6;
	[sflag:s18] =	ssyncset.done $0x0  }
0x43d: {  	s30 =	simm.s32 $0x2;
	[sflag:s18] =	ssyncadd.s32 $0xFFFFF400  }
0x43e: {  	_ =	swait.ge [sflag:s30], $0x1800  }
0x43f: {  	[sflag:s30] =	ssyncset.done $0x0  }
0x440: {  	[sflag:s30] =	ssyncadd.s32 $0xFFFFE800  }
0x441: {  	s9 =	simm.s32 $0x4400;
	v7 =	vld.idx.msk [tilespmem:v6+s17+$0x0], $0xffff  }
0x442: {  	v8 =	vld [tilespmem:s9+$0xFFFFF400];
	_ =	sdelay $0x1  }
0x443: {  	v9 =	vld [tilespmem:s9+$0x0];
	_ =	sdelay $0x2  }
0x444: {  	v7 =	vmul.f32 v8, v7;
	_ =	sdelay $0x1  }
0x445: {  	v7 =	vadd.f32 v9, v7;
	_ =	sdelay $0x1  }
0x446: {  	v7 =	vadd.f32 v7, v7;
	_ =	sdelay $0x1  }
0x447: {  	v7 =	vmul.f32 $1.442695020e+00, v7;
	_ =	sdelay $0x1  }
0x448: {  	(erf) = vpow2.f32 v7;
	_ =	sdelay $0x8  }
0x449: {  	v7 =	vpop (erf)  }
0x44a: {  	v7 =	vadd.f32 $1.000000000e+00, v7;
	_ =	sdelay $0x1  }
0x44b: {  	(erf) = vrcp.f32 v7;
	_ =	sdelay $0x7  }
0x44c: {  	v7 =	vadd.s32 s24, v2  }
0x44d: {  	v7 =	vand.u32 $0x1FF8, v7;
	v8 =	vpop (erf)  }
0x44e: {  	v9 =	vor.u32 v3, v7;
	v8 =	vadd.f32 v8, v8;
	_ =	sdelay $0x1  }
0x44f: {  	v7 =	vsub.f32 $1.000000000e+00, v8;
	_ =	sdelay $0x1  }
0x450: {  	[tilespmem:v6+s0+$0x0] =	vst.idx.msk $0xffff, v7  }
0x451: {  	v6 =	vld.idx.msk [tilespmem:v9+s17+$0x0], $0xffff  }
0x452: {  	v7 =	vld [tilespmem:s9+$0xFFFFF800];
	_ =	sdelay $0x1  }
0x453: {  	v8 =	vld [tilespmem:s9+$0x400];
	_ =	sdelay $0x2  }
0x454: {  	v6 =	vmul.f32 v7, v6;
	_ =	sdelay $0x1  }
0x455: {  	v6 =	vadd.f32 v8, v6;
	_ =	sdelay $0x1  }
0x456: {  	v6 =	vadd.f32 v6, v6;
	_ =	sdelay $0x1  }
0x457: {  	v6 =	vmul.f32 $1.442695020e+00, v6;
	_ =	sdelay $0x1  }
0x458: {  	(erf) = vpow2.f32 v6;
	_ =	sdelay $0x8  }
0x459: {  	v6 =	vpop (erf)  }
0x45a: {  	v6 =	vadd.f32 $1.000000000e+00, v6;
	_ =	sdelay $0x1  }
0x45b: {  	(erf) = vrcp.f32 v6;
	_ =	sdelay $0x7  }
0x45c: {  	v6 =	vadd.s32 s24, v4  }
0x45d: {  	v6 =	vand.u32 $0x1FF8, v6;
	v7 =	vpop (erf)  }
0x45e: {  	v8 =	vadd.f32 v7, v7;
	v7 =	vor.u32 v5, v6;
	_ =	sdelay $0x1  }
0x45f: {  	v6 =	vsub.f32 $1.000000000e+00, v8;
	_ =	sdelay $0x1  }
0x460: {  	[tilespmem:v9+s0+$0x0] =	vst.idx.msk $0xffff, v6  }
0x461: {  	v6 =	vld.idx.msk [tilespmem:v7+s17+$0x0], $0xffff  }
0x462: {  	v8 =	vld [tilespmem:s9+$0xFFFFFC00];
	_ =	sdelay $0x1  }
0x463: {  	v9 =	vld [tilespmem:s9+$0x800];
	_ =	sdelay $0x2  }
0x464: {  	v6 =	vmul.f32 v8, v6;
	_ =	sdelay $0x1  }
0x465: {  	v6 =	vadd.f32 v9, v6;
	_ =	sdelay $0x1  }
0x466: {  	v6 =	vadd.f32 v6, v6;
	_ =	sdelay $0x1  }
0x467: {  	v6 =	vmul.f32 $1.442695020e+00, v6;
	_ =	sdelay $0x1  }
0x468: {  	(erf) = vpow2.f32 v6;
	_ =	sdelay $0x8  }
0x469: {  	v6 =	vpop (erf)  }
0x46a: {  	v6 =	vadd.f32 $1.000000000e+00, v6;
	_ =	sdelay $0x1  }
0x46b: {  	(erf) = vrcp.f32 v6;
	_ =	sdelay $0x7  }
0x46c: {  	s12 =	simm.s32 $0x30  }
0x46d: {  	v8 =	vadd.s32 s12, v0;
	v6 =	vpop (erf)  }
0x46e: {  	v9 =	vadd.f32 v6, v6;
	v6 =	vand.u32 $0x1FF8, v8  }
0x46f: {  	v6 =	vor.u32 v1, v6;
	_ =	sdelay $0x1  }
0x470: {  	s13 =	simm.s32 $0x60;
	v8 =	vsub.f32 $1.000000000e+00, v9  }
.LBB2_18:
0x471: {  	p0 =	sne.s32 s13, $0xBD0  }
0x472: {  	s9 =	sadd.s32 $0x10, s9;
	s14 =	smov.u32 s13;
	s13 =	sadd.s32 $0x30, s13;
	[tilespmem:v7+s0+$0x0] =	vst.idx.msk $0xffff, v8  }
0x473: {  	v7 =	vld.idx.msk [tilespmem:v6+s17+$0x0], $0xffff  }
0x474: {  	v8 =	vld [tilespmem:s9+$0xFFFFF400];
	_ =	sdelay $0x1  }
0x475: {  	v9 =	vld [tilespmem:s9+$0x0];
	_ =	sdelay $0x2  }
0x476: {  	v7 =	vmul.f32 v8, v7;
	_ =	sdelay $0x1  }
0x477: {  	v7 =	vadd.f32 v9, v7;
	_ =	sdelay $0x1  }
0x478: {  	v7 =	vadd.f32 v7, v7;
	_ =	sdelay $0x1  }
0x479: {  	v7 =	vmul.f32 $1.442695020e+00, v7;
	_ =	sdelay $0x1  }
0x47a: {  	(erf) = vpow2.f32 v7;
	_ =	sdelay $0x8  }
0x47b: {  	v7 =	vpop (erf)  }
0x47c: {  	v7 =	vadd.f32 $1.000000000e+00, v7;
	_ =	sdelay $0x1  }
0x47d: {  	(erf) = vrcp.f32 v7;
	_ =	sdelay $0x7  }
0x47e: {  	v7 =	vadd.s32 s12, v2  }
0x47f: {  	v7 =	vand.u32 $0x1FF8, v7;
	v8 =	vpop (erf)  }
0x480: {  	v9 =	vor.u32 v3, v7;
	v8 =	vadd.f32 v8, v8;
	_ =	sdelay $0x1  }
0x481: {  	v7 =	vsub.f32 $1.000000000e+00, v8;
	_ =	sdelay $0x1  }
0x482: {  	[tilespmem:v6+s0+$0x0] =	vst.idx.msk $0xffff, v7  }
0x483: {  	v6 =	vld.idx.msk [tilespmem:v9+s17+$0x0], $0xffff  }
0x484: {  	v7 =	vld [tilespmem:s9+$0xFFFFF800];
	_ =	sdelay $0x1  }
0x485: {  	v8 =	vld [tilespmem:s9+$0x400];
	_ =	sdelay $0x2  }
0x486: {  	v6 =	vmul.f32 v7, v6;
	_ =	sdelay $0x1  }
0x487: {  	v6 =	vadd.f32 v8, v6;
	_ =	sdelay $0x1  }
0x488: {  	v6 =	vadd.f32 v6, v6;
	_ =	sdelay $0x1  }
0x489: {  	v6 =	vmul.f32 $1.442695020e+00, v6;
	_ =	sdelay $0x1  }
0x48a: {  	(erf) = vpow2.f32 v6;
	_ =	sdelay $0x8  }
0x48b: {  	v6 =	vpop (erf)  }
0x48c: {  	v6 =	vadd.f32 $1.000000000e+00, v6;
	_ =	sdelay $0x1  }
0x48d: {  	(erf) = vrcp.f32 v6;
	_ =	sdelay $0x7  }
0x48e: {  	v6 =	vadd.s32 s12, v4;
	s12 =	smov.u32 s14  }
0x48f: {  	v6 =	vand.u32 $0x1FF8, v6;
	v7 =	vpop (erf)  }
0x490: {  	v8 =	vadd.f32 v7, v7;
	v7 =	vor.u32 v5, v6;
	_ =	sdelay $0x1  }
0x491: {  	v6 =	vsub.f32 $1.000000000e+00, v8;
	_ =	sdelay $0x1  }
0x492: {  	[tilespmem:v9+s0+$0x0] =	vst.idx.msk $0xffff, v6  }
0x493: {  	v6 =	vld.idx.msk [tilespmem:v7+s17+$0x0], $0xffff  }
0x494: {  	v8 =	vld [tilespmem:s9+$0xFFFFFC00];
	_ =	sdelay $0x1  }
0x495: {  	v9 =	vld [tilespmem:s9+$0x800];
	_ =	sdelay $0x2  }
0x496: {  	v6 =	vmul.f32 v8, v6;
	_ =	sdelay $0x1  }
0x497: {  	v6 =	vadd.f32 v9, v6;
	_ =	sdelay $0x1  }
0x498: {  	v6 =	vadd.f32 v6, v6;
	_ =	sdelay $0x1  }
0x499: {  	v6 =	vmul.f32 $1.442695020e+00, v6;
	_ =	sdelay $0x1  }
0x49a: {  	(erf) = vpow2.f32 v6;
	_ =	sdelay $0x8  }
0x49b: {  	v6 =	vpop (erf)  }
0x49c: {  	v6 =	vadd.f32 $1.000000000e+00, v6;
	_ =	sdelay $0x1  }
0x49d: {  	(erf) = vrcp.f32 v6;
	_ =	sdelay $0x7  }
.Ltmp8:
0x49e: {  	v6 =	vadd.s32 s12, v0;
	(pc) =	sbr.rel @p0 .LBB2_18-.Ltmp8, $3  }
0x49f: {  	v6 =	vand.u32 $0x1FF8, v6;
	v8 =	vpop (erf)  }
0x4a0: {  	v6 =	vor.u32 v1, v6;
	v8 =	vadd.f32 v8, v8;
	_ =	sdelay $0x1  }
0x4a1: {  	v8 =	vsub.f32 $1.000000000e+00, v8  }
0x4a2: {  	_ =	sdelay $0x3  }
0x4a3: {  	[tilespmem:v7+s0+$0x0] =	vst.idx.msk $0xffff, v8  }
0x4a4: {  	s9 =	sadd.s32 $0x10, s9;
	v7 =	vld.idx.msk [tilespmem:v6+s17+$0x0], $0xffff  }
0x4a5: {  	v8 =	vld [tilespmem:s9+$0xFFFFF400];
	_ =	sdelay $0x1  }
0x4a6: {  	v9 =	vld [tilespmem:s9+$0x0];
	_ =	sdelay $0x2  }
0x4a7: {  	v7 =	vmul.f32 v8, v7;
	_ =	sdelay $0x1  }
0x4a8: {  	v7 =	vadd.f32 v9, v7;
	_ =	sdelay $0x1  }
0x4a9: {  	v7 =	vadd.f32 v7, v7;
	_ =	sdelay $0x1  }
0x4aa: {  	v7 =	vmul.f32 $1.442695020e+00, v7;
	_ =	sdelay $0x1  }
0x4ab: {  	(erf) = vpow2.f32 v7;
	_ =	sdelay $0x8  }
0x4ac: {  	v7 =	vpop (erf)  }
0x4ad: {  	v7 =	vadd.f32 $1.000000000e+00, v7;
	_ =	sdelay $0x1  }
0x4ae: {  	(erf) = vrcp.f32 v7;
	_ =	sdelay $0x7  }
0x4af: {  	v7 =	vadd.s32 s12, v2  }
0x4b0: {  	v7 =	vand.u32 $0x1FF8, v7;
	v60 =	vpop (erf)  }
0x4b1: {  	v7 =	vor.u32 v3, v7;
	v8 =	vadd.f32 v60, v60;
	_ =	sdelay $0x1  }
0x4b2: {  	v8 =	vsub.f32 $1.000000000e+00, v8;
	_ =	sdelay $0x1  }
0x4b3: {  	[tilespmem:v6+s0+$0x0] =	vst.idx.msk $0xffff, v8  }
0x4b4: {  	v6 =	vld.idx.msk [tilespmem:v7+s17+$0x0], $0xffff  }
0x4b5: {  	v8 =	vld [tilespmem:s9+$0xFFFFF800];
	_ =	sdelay $0x1  }
0x4b6: {  	v61 =	vld [tilespmem:s9+$0x400];
	_ =	sdelay $0x2  }
0x4b7: {  	v6 =	vmul.f32 v8, v6;
	_ =	sdelay $0x1  }
0x4b8: {  	v6 =	vadd.f32 v61, v6;
	_ =	sdelay $0x1  }
0x4b9: {  	v6 =	vadd.f32 v6, v6;
	_ =	sdelay $0x1  }
0x4ba: {  	v6 =	vmul.f32 $1.442695020e+00, v6;
	_ =	sdelay $0x1  }
0x4bb: {  	(erf) = vpow2.f32 v6;
	_ =	sdelay $0x8  }
0x4bc: {  	v6 =	vpop (erf)  }
0x4bd: {  	v6 =	vadd.f32 $1.000000000e+00, v6;
	_ =	sdelay $0x1  }
0x4be: {  	(erf) = vrcp.f32 v6;
	_ =	sdelay $0x7  }
0x4bf: {  	v6 =	vadd.s32 s12, v4  }
0x4c0: {  	v6 =	vand.u32 $0x1FF8, v6;
	v62 =	vpop (erf)  }
0x4c1: {  	v6 =	vor.u32 v5, v6;
	v8 =	vadd.f32 v62, v62;
	_ =	sdelay $0x1  }
0x4c2: {  	v8 =	vsub.f32 $1.000000000e+00, v8;
	_ =	sdelay $0x1  }
0x4c3: {  	[tilespmem:v7+s0+$0x0] =	vst.idx.msk $0xffff, v8  }
0x4c4: {  	v7 =	vld.idx.msk [tilespmem:v6+s17+$0x0], $0xffff  }
0x4c5: {  	v8 =	vld [tilespmem:s9+$0xFFFFFC00];
	_ =	sdelay $0x1  }
0x4c6: {  	v63 =	vld [tilespmem:s9+$0x800];
	_ =	sdelay $0x2  }
0x4c7: {  	v7 =	vmul.f32 v8, v7;
	_ =	sdelay $0x1  }
0x4c8: {  	v7 =	vadd.f32 v63, v7;
	_ =	sdelay $0x1  }
0x4c9: {  	v7 =	vadd.f32 v7, v7;
	_ =	sdelay $0x1  }
0x4ca: {  	v7 =	vmul.f32 $1.442695020e+00, v7;
	_ =	sdelay $0x1  }
0x4cb: {  	(erf) = vpow2.f32 v7;
	_ =	sdelay $0x8  }
0x4cc: {  	v7 =	vpop (erf)  }
0x4cd: {  	v7 =	vadd.f32 $1.000000000e+00, v7;
	_ =	sdelay $0x1  }
0x4ce: {  	(erf) = vrcp.f32 v7;
	_ =	sdelay $0x8  }
0x4cf: {  	v7 =	vpop (erf)  }
0x4d0: {  	v7 =	vadd.f32 v7, v7;
	_ =	sdelay $0x1  }
0x4d1: {  	v7 =	vsub.f32 $1.000000000e+00, v7;
	_ =	sdelay $0x1  }
0x4d2: {  	s4 =	rddreg [dreg:$0xe];
	[tilespmem:v6+s0+$0x0] =	vst.idx.msk $0xffff, v7  }
0x4d3: {  	[hbm4b:s4+s10] =	stream.linear.scatter [tilespmem:s0], [sflag:$0x3], $0xC00, $0x38;
	[tilespmem:$0x5C00] =	vst v63  }
0x4d4: {  	_ =	swait.ge [sflag:s18], $0xC00  }
0x4d5: {  	s24 =	rddreg [dreg:$0x10]  }
0x4d6: {  	s30 =	rddreg [dreg:$0xf];
	s9 =	sadd.s32 $0x1, s24  }
0x4d7: {  	p0 =	sne.s32 s9, s30  }
.Ltmp9:
0x4d8: {  	_ = 	snop;
	(pc) =	sbr.rel @p0 .LBB2_1-.Ltmp9, $3  }
0x4d9: {  	_ =	sdelay $0x1  }
0x4da: {  	[sflag:s18] =	ssyncset.done $0x0  }
0x4db: {  	[sflag:s18] =	ssyncadd.s32 $0xFFFFF400  }
0x4dc: {  	_ =	sfence.sel $0x180000  }
0x4dd: {  	[bflag:$0x0] =	sbarrier.arrive $0xFFFF  }
0x4de: {  	_ =	strace $0x90000047  }
0x4df: {  	s0 =	stileid.u32;
	[bflag:$0x2] =	sbarrier.arrive $0xFFFF  }
0x4e0: {  	p0 =	sne.s32 s0, $0x0;
	s0 =	rddreg [dreg:$0x8]  }
0x4e1: {  	s0 =	sadd.s32 @!p0 $0x100000, s0  }
0x4e2: {  	[sflag:s0] =	ssyncadd.tile.s32 @!p0 $0x1;
	_ =	shalt  }
.Lfunc_end2:
_tile_overlayer_lowered:
.L_overlay_start_2:
0x4e3: {  	(tag) =	ssettag $0x2  }
0x4e4: {  	s0 =	rddreg [dreg:$0x0];
	s2 =	stileid.u32  }
0x4e5: {  	s1 =	rddreg [dreg:$0x1];
	p0 =	sne.s32 s2, $0x0  }
0x4e6: {  	s3 =	rddreg [dreg:$0x2];
	[bflag:$0x3] =	sbarrier.arrive $0xFFFF;
	s2 =	simm.s32 @!p0 $0x1C03  }
0x4e7: {  	[timem:s3], [sflag:s2] =	dma.local @!p0 [hbm:s0], s1  }
0x4e8: {  	s0 =	simm.s32 @!p0 $0x3  }
0x4e9: {  	_ =	swait.ge @!p0 [sflag:s0], s1  }
0x4ea: {  	s1 =	ssub.s32 @!p0 $0x0, s1;
	[sflag:s0] =	ssyncset.done @!p0 $0x0  }
0x4eb: {  	[sflag:s0] =	ssyncadd.s32 @!p0 s1  }
0x4ec: {  	[bflag:$0x3] =	sbarrier.arrive $0xFFFF  }
0x4ed: {  	_ =	shalt  }

</sc_bundles>
